<compile_context>
chip_gen: v7x
topology: tpu7x:2x2x1
jax: 0.10.2.dev20260603
libtpu: 0.0.44.dev20260713+nightly
codegen_flags: <defaults>
</compile_context>

<pallas_src>
import functools

import jax
import jax.numpy as jnp
from jax import lax
from jax.experimental import pallas as pl
from jax.experimental.pallas import tpu as pltpu
from jax.experimental.pallas import tpu_sc as plsc

NC = 2
NS = 16
NW = NC * NS
LANES = 16
CHUNK = 80


@functools.lru_cache(maxsize=None)
def _make_sc_agg(n_nodes, n_pad, d, n_chunks, with_deg):
    rows_per_tile = n_pad // NS
    assert rows_per_tile % CHUNK == 0
    nz = rows_per_tile // CHUNK

    mesh = plsc.VectorSubcoreMesh(core_axis_name="c", subcore_axis_name="s")

    out_type = [jax.ShapeDtypeStruct((NC, n_pad, d), jnp.float32)]
    if with_deg:
        out_type.append(jax.ShapeDtypeStruct((NC, n_pad), jnp.float32))

    assert n_chunks >= 5 and (n_chunks - 5) % 3 == 0

    scratch = [
        pltpu.VMEM((n_chunks, CHUNK), jnp.int32),
        [pltpu.VMEM((CHUNK,), jnp.int32)] * 3,
        [pltpu.VMEM((CHUNK,), jnp.int32)] * 3,
        [pltpu.VMEM((CHUNK, d), jnp.float32)] * 3,
        pltpu.VMEM((CHUNK,), jnp.float32),
        pltpu.VMEM((CHUNK,), jnp.float32),
        pltpu.VMEM_SHARED((n_pad, d), jnp.float32),
        pltpu.VMEM_SHARED((n_pad,), jnp.float32),
        [pltpu.SemaphoreType.DMA] * 3,
        [pltpu.SemaphoreType.DMA] * 3,
        pltpu.SemaphoreType.DMA,
    ]

    def body(table_hbm, pk_hbm, *refs):
        if with_deg:
            out_hbm, deg_hbm = refs[0], refs[1]
            rest = refs[2:]
        else:
            out_hbm = refs[0]
            rest = refs[1:]
        (pk_v, src_b, dst_b, rows_b, ones_v, zer_v,
         acc_sh, deg_sh, gsem, ssem, dsem) = rest

        cid = lax.axis_index("c")
        sid = lax.axis_index("s")
        wid = sid * NC + cid

        pltpu.sync_copy(pk_hbm.at[wid], pk_v)

        def unpack(c, j):
            for k in range(CHUNK // LANES):
                v = pk_v[c, pl.ds(k * LANES, LANES)]
                src_b[j][pl.ds(k * LANES, LANES)] = lax.shift_right_logical(v, 14)
                dst_b[j][pl.ds(k * LANES, LANES)] = lax.bitwise_and(v, 16383)

        def start_gather(j):
            pltpu.async_copy(table_hbm.at[src_b[j]], rows_b[j], gsem[j])

        def wait_gather(j):
            pltpu.make_async_copy(table_hbm.at[src_b[j]], rows_b[j], gsem[j]).wait()

        def start_scatter(j):
            pltpu.async_copy(rows_b[j], acc_sh.at[dst_b[j]], ssem[j], add=True)
            if with_deg:
                pltpu.async_copy(ones_v, deg_sh.at[dst_b[j]], dsem, add=True)

        def wait_scatter(j):
            pltpu.make_async_copy(rows_b[j], acc_sh.at[dst_b[j]], ssem[j]).wait()
            if with_deg:
                pltpu.make_async_copy(ones_v, deg_sh.at[dst_b[j]], dsem).wait()

        def step(c, j, wait_prev=True, issue_next=True):
            jp = (j + 2) % 3
            wait_gather(j)
            start_scatter(j)
            if wait_prev:
                wait_scatter(jp)
            if issue_next:
                unpack(c + 2, jp)
                start_gather(jp)

        unpack(0, 0)
        start_gather(0)
        unpack(1, 1)
        start_gather(1)

        zero16 = jnp.zeros((LANES,), jnp.float32)
        one16 = jnp.ones((LANES,), jnp.float32)
        for k in range(CHUNK // LANES):
            ones_v[pl.ds(k * LANES, LANES)] = one16

        @pl.loop(0, CHUNK)
        def _(i):
            for k in range(d // LANES):
                rows_b[2][i, pl.ds(k * LANES, LANES)] = zero16

        for k in range(CHUNK // LANES):
            zer_v[pl.ds(k * LANES, LANES)] = zero16

        base = sid * rows_per_tile
        for k in range(nz):
            pltpu.sync_copy(rows_b[2], acc_sh.at[pl.ds(base + k * CHUNK, CHUNK)])
        if with_deg:
            for k in range(nz):
                pltpu.sync_copy(zer_v, deg_sh.at[pl.ds(base + k * CHUNK, CHUNK)])
        plsc.subcore_barrier()

        step(0, 0, wait_prev=False)
        step(1, 1)
        step(2, 2)

        @pl.loop(0, (n_chunks - 5) // 3)
        def _(p):
            c0 = 3 * p + 3
            step(c0, 0)
            step(c0 + 1, 1)
            step(c0 + 2, 2)

        step(n_chunks - 2, 0, issue_next=False)
        step(n_chunks - 1, 1, issue_next=False)
        wait_scatter(1)

        plsc.subcore_barrier()

        pltpu.sync_copy(acc_sh.at[pl.ds(base, rows_per_tile)],
                        out_hbm.at[cid, pl.ds(base, rows_per_tile)])
        if with_deg:
            pltpu.sync_copy(deg_sh.at[pl.ds(base, rows_per_tile)],
                            deg_hbm.at[cid, pl.ds(base, rows_per_tile)])

    params = None
    if d % 128 != 0:
        params = pltpu.CompilerParams(use_tc_tiling_on_sc=False)
    return pl.kernel(body, out_type=out_type, mesh=mesh, scratch_types=scratch,
                     compiler_params=params)


def _tc_layer0_body(xb, ab, db, ws0, wn0, b0b, ws1, wn1, os1, on1, orb):
    rdeg = 1.0 / jnp.maximum(db[:, 0:1] + db[:, 1:2], 1.0)
    orb[...] = rdeg
    hn = (ab[0] + ab[1]) * rdeg
    h = xb[...] @ ws0[...] + hn @ wn0[...] + b0b[...]
    h = jnp.maximum(h, 0.0)
    os1[...] = h @ ws1[...]
    on1[...] = h @ wn1[...]


def _tc_final_body(sb, gb, rb, b1b, ob):
    ob[...] = sb[...] + (gb[0] + gb[1]) * rb[...] + b1b[...]


def kernel(x, edge_index, W_self0, W_neigh0, b0, W_self1, W_neigh1, b1):
    n, d_in = x.shape
    e = edge_index.shape[1]
    d_hid = W_self0.shape[1]
    d_out = W_self1.shape[1]
    assert e % NW == 0
    epw = e // NW
    n_chunks = -(-epw // CHUNK)
    if n_chunks % 2 == 0:
        n_chunks += 1
    epw_pad = n_chunks * CHUNK
    n_pad = ((n + NS * CHUNK - 1) // (NS * CHUNK)) * (NS * CHUNK)

    assert n <= (1 << 14)
    pk2 = jnp.bitwise_or(
        jnp.left_shift(edge_index[0], 14), edge_index[1]
    ).reshape(NW, epw)
    if epw_pad != epw:
        pk2 = jnp.pad(pk2, ((0, 0), (0, epw_pad - epw)), constant_values=n)
    pk3 = pk2.reshape(NW, n_chunks, CHUNK)

    agg0_fn = _make_sc_agg(n, n_pad, d_in, n_chunks, True)
    acc0, degp = agg0_fn(x, pk3)
    degt = degp.T

    bm = 2000
    grid = (n // bm,)
    hs1, hn1, rdeg = pl.pallas_call(
        _tc_layer0_body,
        grid=grid,
        in_specs=[
            pl.BlockSpec((bm, d_in), lambda i: (i, 0)),
            pl.BlockSpec((NC, bm, d_in), lambda i: (0, i, 0)),
            pl.BlockSpec((bm, NC), lambda i: (i, 0)),
            pl.BlockSpec((d_in, d_hid), lambda i: (0, 0)),
            pl.BlockSpec((d_in, d_hid), lambda i: (0, 0)),
            pl.BlockSpec((1, d_hid), lambda i: (0, 0)),
            pl.BlockSpec((d_hid, d_out), lambda i: (0, 0)),
            pl.BlockSpec((d_hid, d_out), lambda i: (0, 0)),
        ],
        out_specs=[
            pl.BlockSpec((bm, d_out), lambda i: (i, 0)),
            pl.BlockSpec((bm, d_out), lambda i: (i, 0)),
            pl.BlockSpec((bm, 1), lambda i: (i, 0)),
        ],
        out_shape=[
            jax.ShapeDtypeStruct((n, d_out), jnp.float32),
            jax.ShapeDtypeStruct((n, d_out), jnp.float32),
            jax.ShapeDtypeStruct((n, 1), jnp.float32),
        ],
    )(x, acc0, degt, W_self0, W_neigh0,
      b0.reshape(1, d_hid), W_self1, W_neigh1)

    agg1_fn = _make_sc_agg(n, n_pad, d_out, n_chunks, False)
    (acc1,) = agg1_fn(hn1, pk3)

    out = pl.pallas_call(
        _tc_final_body,
        grid=grid,
        in_specs=[
            pl.BlockSpec((bm, d_out), lambda i: (i, 0)),
            pl.BlockSpec((NC, bm, d_out), lambda i: (0, i, 0)),
            pl.BlockSpec((bm, 1), lambda i: (i, 0)),
            pl.BlockSpec((1, d_out), lambda i: (0, 0)),
        ],
        out_specs=pl.BlockSpec((bm, d_out), lambda i: (i, 0)),
        out_shape=jax.ShapeDtypeStruct((n, d_out), jnp.float32),
    )(hs1, acc1, rdeg, b1.reshape(1, d_out))

    return out

# --- scband reference (transcript-rebuilt; emitter-appended) ---
"""Pipeline reference for scband-sage-7000796692731 (READ-ONLY COPY).

The authoritative reference and input builder live on the scoring server;
editing this copy changes nothing except your own understanding.
"""

import jax, jax.numpy as jnp
import numpy as np

N = 10000
E = 320000
D_IN = 128
D_HID = 128
D_OUT = 64


def setup_inputs(seed: int = 0):
    key = jax.random.key(seed)
    ks = jax.random.split(key, 9)
    x = jax.random.normal(ks[0], (N, D_IN), dtype=jnp.float32)
    edge_index = jax.random.randint(ks[1], (2, E), 0, N, dtype=jnp.int32)
    s0 = 1.0 / np.sqrt(D_IN)
    s1 = 1.0 / np.sqrt(D_HID)
    W_self0 = jax.random.normal(ks[2], (D_IN, D_HID), dtype=jnp.float32) * s0
    W_neigh0 = jax.random.normal(ks[3], (D_IN, D_HID), dtype=jnp.float32) * s0
    b0 = jnp.zeros((D_HID,), dtype=jnp.float32)
    W_self1 = jax.random.normal(ks[4], (D_HID, D_OUT), dtype=jnp.float32) * s1
    W_neigh1 = jax.random.normal(ks[5], (D_HID, D_OUT), dtype=jnp.float32) * s1
    b1 = jnp.zeros((D_OUT,), dtype=jnp.float32)
    return {"x": x, "edge_index": edge_index, "W_self0": W_self0, "W_neigh0": W_neigh0, "b0": b0, "W_self1": W_self1, "W_neigh1": W_neigh1, "b1": b1}


def reference(x, edge_index, W_self0, W_neigh0, b0, W_self1, W_neigh1, b1):
    # 2-layer GraphSAGE with 'mean' aggregator (DGL SAGEConv semantics):
    # h' = fc_self(h_dst) + fc_neigh(mean_{src in N(dst)} h_src) + bias
    # Blocks are modeled as the full graph reused at each layer (dst = all nodes).
    src = edge_index[0]
    dst = edge_index[1]
    deg = jax.ops.segment_sum(jnp.ones((src.shape[0],), jnp.float32), dst, num_segments=N)
    deg = jnp.maximum(deg, 1.0)[:, None]

    def sage_layer(h, Ws, Wn, b):
        msg = jnp.take(h, src, axis=0)
        agg = jax.ops.segment_sum(msg, dst, num_segments=N)
        h_neigh = agg / deg
        return h @ Ws + h_neigh @ Wn + b

    h = sage_layer(x, W_self0, W_neigh0, b0)
    h = jax.nn.relu(h)  # activation between layers; dropout=0.0 is identity
    h = sage_layer(h, W_self1, W_neigh1, b1)
    return h

if __name__ == "__main__":
    import jax
    _d = setup_inputs()
    print(jax.jit(kernel)(*tuple(_d.values())))

</pallas_src>

<mosaic_0001>
#map = affine_map<(d0, d1) -> (0, 0)>
#map1 = affine_map<(d0, d1) -> (0, 0, 0)>
module attributes {stable_mosaic.version = 14 : i64} {
  func.func @body(%arg0: i32, %arg1: i32, %arg2: memref<10000x128xf32, #tpu.memory_space<hbm>>, %arg3: memref<32x125x80xi32, #tpu.memory_space<hbm>>, %arg4: memref<2x10240x128xf32, #tpu.memory_space<hbm>>, %arg5: memref<2x10240xf32, #tpu.memory_space<hbm>>, %arg6: memref<125x80xi32, #tpu.memory_space<vmem>>, %arg7: memref<80xi32, #tpu.memory_space<vmem>>, %arg8: memref<80xi32, #tpu.memory_space<vmem>>, %arg9: memref<80xi32, #tpu.memory_space<vmem>>, %arg10: memref<80xi32, #tpu.memory_space<vmem>>, %arg11: memref<80xi32, #tpu.memory_space<vmem>>, %arg12: memref<80xi32, #tpu.memory_space<vmem>>, %arg13: memref<80x128xf32, #tpu.memory_space<vmem>>, %arg14: memref<80x128xf32, #tpu.memory_space<vmem>>, %arg15: memref<80x128xf32, #tpu.memory_space<vmem>>, %arg16: memref<80xf32, #tpu.memory_space<vmem>>, %arg17: memref<80xf32, #tpu.memory_space<vmem>>, %arg18: memref<10240x128xf32, #tpu.memory_space<vmem_shared>>, %arg19: memref<10240xf32, #tpu.memory_space<vmem_shared>>, %arg20: memref<!tpu.dma_semaphore, #tpu.memory_space<semaphore_mem>>, %arg21: memref<!tpu.dma_semaphore, #tpu.memory_space<semaphore_mem>>, %arg22: memref<!tpu.dma_semaphore, #tpu.memory_space<semaphore_mem>>, %arg23: memref<!tpu.dma_semaphore, #tpu.memory_space<semaphore_mem>>, %arg24: memref<!tpu.dma_semaphore, #tpu.memory_space<semaphore_mem>>, %arg25: memref<!tpu.dma_semaphore, #tpu.memory_space<semaphore_mem>>, %arg26: memref<!tpu.dma_semaphore, #tpu.memory_space<semaphore_mem>>) attributes {dimension_semantics = [#tpu.dimension_semantics<core_parallel>, #tpu.dimension_semantics<subcore_parallel>], iteration_bounds = array<i64: 2, 16>, scalar_prefetch = 0 : i64, scratch_operands = 21 : i64, tpu.core_type = #tpu.core_type<sc_vector_subcore>, window_params = [{transform_indices = #map}, {transform_indices = #map1}, {transform_indices = #map1}, {transform_indices = #map}]} {
    %mul3A = arith.constant 2 : i32
    %mul3A_0 = arith.muli %arg1, %mul3A : i32
    %add3A = arith.addi %mul3A_0, %arg0 : i32
    "tpu.region"() ({
      %run_scoped3A = tpu.sem_alloc : memref<!tpu.dma_semaphore, #tpu.memory_space<semaphore_mem>>
      %dma_start3A_637 = arith.constant 0 : i32
      %dma_start3A_638 = arith.constant 0 : i32
      %dma_start3A_639 = tpu.memref_slice %arg3[%add3A, %dma_start3A_637, %dma_start3A_638] : memref<32x125x80xi32, #tpu.memory_space<hbm>> -> memref<1x125x80xi32, #tpu.memory_space<hbm>>
      %dma_start3A_640 = tpu.memref_squeeze %dma_start3A_639 : memref<1x125x80xi32, #tpu.memory_space<hbm>> -> memref<125x80xi32, #tpu.memory_space<hbm>>
      %dma_start3A_641 = arith.constant 0 : i32
      %dma_start3A_642 = arith.constant 0 : i32
      %dma_start3A_643 = tpu.memref_slice %arg3[%add3A, %dma_start3A_641, %dma_start3A_642] : memref<32x125x80xi32, #tpu.memory_space<hbm>> -> memref<1x125x80xi32, #tpu.memory_space<hbm>>
      %dma_start3A_644 = tpu.memref_squeeze %dma_start3A_643 : memref<1x125x80xi32, #tpu.memory_space<hbm>> -> memref<125x80xi32, #tpu.memory_space<hbm>>
      tpu.enqueue_dma source(%dma_start3A_644 : memref<125x80xi32, #tpu.memory_space<hbm>>) target(%arg6 : memref<125x80xi32, #tpu.memory_space<vmem>>) target_semaphore(%run_scoped3A : memref<!tpu.dma_semaphore, #tpu.memory_space<semaphore_mem>>)
      %dma_wait3A_645 = arith.constant 0 : i32
      %dma_wait3A_646 = arith.constant 0 : i32
      %dma_wait3A_647 = tpu.memref_slice %arg3[%add3A, %dma_wait3A_645, %dma_wait3A_646] : memref<32x125x80xi32, #tpu.memory_space<hbm>> -> memref<1x125x80xi32, #tpu.memory_space<hbm>>
      %dma_wait3A_648 = tpu.memref_squeeze %dma_wait3A_647 : memref<1x125x80xi32, #tpu.memory_space<hbm>> -> memref<125x80xi32, #tpu.memory_space<hbm>>
      %dma_wait3A_649 = arith.constant 0 : i32
      %dma_wait3A_650 = arith.constant 0 : i32
      %dma_wait3A_651 = tpu.memref_slice %arg3[%add3A, %dma_wait3A_649, %dma_wait3A_650] : memref<32x125x80xi32, #tpu.memory_space<hbm>> -> memref<1x125x80xi32, #tpu.memory_space<hbm>>
      %dma_wait3A_652 = tpu.memref_squeeze %dma_wait3A_651 : memref<1x125x80xi32, #tpu.memory_space<hbm>> -> memref<125x80xi32, #tpu.memory_space<hbm>>
      tpu.wait_dma2 semaphore(%run_scoped3A : memref<!tpu.dma_semaphore, #tpu.memory_space<semaphore_mem>>) src(%dma_wait3A_652 : memref<125x80xi32, #tpu.memory_space<hbm>>) dst(%arg6 : memref<125x80xi32, #tpu.memory_space<vmem>>)
      tpu.yield
    }) : () -> ()
    %get3A = arith.constant 0 : i32
    %get3A_1 = arith.index_cast %get3A : i32 to index
    %get3A_2 = arith.constant 0 : index
    %get3A_3 = tpu.vector_load %arg6[%get3A_1, %get3A_2] {strides = array<i32>} : memref<125x80xi32, #tpu.memory_space<vmem>>, vector<1x16xi32>,
    %get3A_4 = vector.shape_cast %get3A_3 : vector<1x16xi32> to vector<16xi32>
    %shift_right_logical3A = arith.constant 14 : i32
    %shift_right_logical3A_5 = vector.broadcast %shift_right_logical3A : i32 to vector<16xi32>
    %shift_right_logical3A_6 = arith.shrui %get3A_4, %shift_right_logical3A_5 : vector<16xi32>
    %swap3A = arith.constant 0 : index
    %swap3A_7 = tpu.vector_load %arg7[%swap3A] {strides = array<i32>} : memref<80xi32, #tpu.memory_space<vmem>>, vector<16xi32>,
    %swap3A_8 = vector.shape_cast %swap3A_7 : vector<16xi32> to vector<16xi32>
    %swap3A_9 = vector.shape_cast %shift_right_logical3A_6 : vector<16xi32> to vector<16xi32>
    tpu.vector_store %arg7[%swap3A], %swap3A_9 {strides = array<i32>} : memref<80xi32, #tpu.memory_space<vmem>>, vector<16xi32>,
    %and3A = arith.constant 16383 : i32
    %and3A_10 = vector.broadcast %and3A : i32 to vector<16xi32>
    %and3A_11 = arith.andi %get3A_4, %and3A_10 : vector<16xi32>
    %swap3A_12 = arith.constant 0 : index
    %swap3A_13 = tpu.vector_load %arg10[%swap3A_12] {strides = array<i32>} : memref<80xi32, #tpu.memory_space<vmem>>, vector<16xi32>,
    %swap3A_14 = vector.shape_cast %swap3A_13 : vector<16xi32> to vector<16xi32>
    %swap3A_15 = vector.shape_cast %and3A_11 : vector<16xi32> to vector<16xi32>
    tpu.vector_store %arg10[%swap3A_12], %swap3A_15 {strides = array<i32>} : memref<80xi32, #tpu.memory_space<vmem>>, vector<16xi32>,
    %get3A_16 = arith.constant 0 : i32
    %get3A_17 = arith.index_cast %get3A_16 : i32 to index
    %get3A_18 = arith.constant 16 : index
    %get3A_19 = tpu.vector_load %arg6[%get3A_17, %get3A_18] {strides = array<i32>} : memref<125x80xi32, #tpu.memory_space<vmem>>, vector<1x16xi32>,
    %get3A_20 = vector.shape_cast %get3A_19 : vector<1x16xi32> to vector<16xi32>
    %shift_right_logical3A_21 = arith.constant 14 : i32
    %shift_right_logical3A_22 = vector.broadcast %shift_right_logical3A_21 : i32 to vector<16xi32>
    %shift_right_logical3A_23 = arith.shrui %get3A_20, %shift_right_logical3A_22 : vector<16xi32>
    %swap3A_24 = arith.constant 16 : index
    %swap3A_25 = tpu.vector_load %arg7[%swap3A_24] {strides = array<i32>} : memref<80xi32, #tpu.memory_space<vmem>>, vector<16xi32>,
    %swap3A_26 = vector.shape_cast %swap3A_25 : vector<16xi32> to vector<16xi32>
    %swap3A_27 = vector.shape_cast %shift_right_logical3A_23 : vector<16xi32> to vector<16xi32>
    tpu.vector_store %arg7[%swap3A_24], %swap3A_27 {strides = array<i32>} : memref<80xi32, #tpu.memory_space<vmem>>, vector<16xi32>,
    %and3A_28 = arith.constant 16383 : i32
    %and3A_29 = vector.broadcast %and3A_28 : i32 to vector<16xi32>
    %and3A_30 = arith.andi %get3A_20, %and3A_29 : vector<16xi32>
    %swap3A_31 = arith.constant 16 : index
    %swap3A_32 = tpu.vector_load %arg10[%swap3A_31] {strides = array<i32>} : memref<80xi32, #tpu.memory_space<vmem>>, vector<16xi32>,
    %swap3A_33 = vector.shape_cast %swap3A_32 : vector<16xi32> to vector<16xi32>
    %swap3A_34 = vector.shape_cast %and3A_30 : vector<16xi32> to vector<16xi32>
    tpu.vector_store %arg10[%swap3A_31], %swap3A_34 {strides = array<i32>} : memref<80xi32, #tpu.memory_space<vmem>>, vector<16xi32>,
    %get3A_35 = arith.constant 0 : i32
    %get3A_36 = arith.index_cast %get3A_35 : i32 to index
    %get3A_37 = arith.constant 32 : index
    %get3A_38 = tpu.vector_load %arg6[%get3A_36, %get3A_37] {strides = array<i32>} : memref<125x80xi32, #tpu.memory_space<vmem>>, vector<1x16xi32>,
    %get3A_39 = vector.shape_cast %get3A_38 : vector<1x16xi32> to vector<16xi32>
    %shift_right_logical3A_40 = arith.constant 14 : i32
    %shift_right_logical3A_41 = vector.broadcast %shift_right_logical3A_40 : i32 to vector<16xi32>
    %shift_right_logical3A_42 = arith.shrui %get3A_39, %shift_right_logical3A_41 : vector<16xi32>
    %swap3A_43 = arith.constant 32 : index
    %swap3A_44 = tpu.vector_load %arg7[%swap3A_43] {strides = array<i32>} : memref<80xi32, #tpu.memory_space<vmem>>, vector<16xi32>,
    %swap3A_45 = vector.shape_cast %swap3A_44 : vector<16xi32> to vector<16xi32>
    %swap3A_46 = vector.shape_cast %shift_right_logical3A_42 : vector<16xi32> to vector<16xi32>
    tpu.vector_store %arg7[%swap3A_43], %swap3A_46 {strides = array<i32>} : memref<80xi32, #tpu.memory_space<vmem>>, vector<16xi32>,
    %and3A_47 = arith.constant 16383 : i32
    %and3A_48 = vector.broadcast %and3A_47 : i32 to vector<16xi32>
    %and3A_49 = arith.andi %get3A_39, %and3A_48 : vector<16xi32>
    %swap3A_50 = arith.constant 32 : index
    %swap3A_51 = tpu.vector_load %arg10[%swap3A_50] {strides = array<i32>} : memref<80xi32, #tpu.memory_space<vmem>>, vector<16xi32>,
    %swap3A_52 = vector.shape_cast %swap3A_51 : vector<16xi32> to vector<16xi32>
    %swap3A_53 = vector.shape_cast %and3A_49 : vector<16xi32> to vector<16xi32>
    tpu.vector_store %arg10[%swap3A_50], %swap3A_53 {strides = array<i32>} : memref<80xi32, #tpu.memory_space<vmem>>, vector<16xi32>,
    %get3A_54 = arith.constant 0 : i32
    %get3A_55 = arith.index_cast %get3A_54 : i32 to index
    %get3A_56 = arith.constant 48 : index
    %get3A_57 = tpu.vector_load %arg6[%get3A_55, %get3A_56] {strides = array<i32>} : memref<125x80xi32, #tpu.memory_space<vmem>>, vector<1x16xi32>,
    %get3A_58 = vector.shape_cast %get3A_57 : vector<1x16xi32> to vector<16xi32>
    %shift_right_logical3A_59 = arith.constant 14 : i32
    %shift_right_logical3A_60 = vector.broadcast %shift_right_logical3A_59 : i32 to vector<16xi32>
    %shift_right_logical3A_61 = arith.shrui %get3A_58, %shift_right_logical3A_60 : vector<16xi32>
    %swap3A_62 = arith.constant 48 : index
    %swap3A_63 = tpu.vector_load %arg7[%swap3A_62] {strides = array<i32>} : memref<80xi32, #tpu.memory_space<vmem>>, vector<16xi32>,
    %swap3A_64 = vector.shape_cast %swap3A_63 : vector<16xi32> to vector<16xi32>
    %swap3A_65 = vector.shape_cast %shift_right_logical3A_61 : vector<16xi32> to vector<16xi32>
    tpu.vector_store %arg7[%swap3A_62], %swap3A_65 {strides = array<i32>} : memref<80xi32, #tpu.memory_space<vmem>>, vector<16xi32>,
    %and3A_66 = arith.constant 16383 : i32
    %and3A_67 = vector.broadcast %and3A_66 : i32 to vector<16xi32>
    %and3A_68 = arith.andi %get3A_58, %and3A_67 : vector<16xi32>
    %swap3A_69 = arith.constant 48 : index
    %swap3A_70 = tpu.vector_load %arg10[%swap3A_69] {strides = array<i32>} : memref<80xi32, #tpu.memory_space<vmem>>, vector<16xi32>,
    %swap3A_71 = vector.shape_cast %swap3A_70 : vector<16xi32> to vector<16xi32>
    %swap3A_72 = vector.shape_cast %and3A_68 : vector<16xi32> to vector<16xi32>
    tpu.vector_store %arg10[%swap3A_69], %swap3A_72 {strides = array<i32>} : memref<80xi32, #tpu.memory_space<vmem>>, vector<16xi32>,
    %get3A_73 = arith.constant 0 : i32
    %get3A_74 = arith.index_cast %get3A_73 : i32 to index
    %get3A_75 = arith.constant 64 : index
    %get3A_76 = tpu.vector_load %arg6[%get3A_74, %get3A_75] {strides = array<i32>} : memref<125x80xi32, #tpu.memory_space<vmem>>, vector<1x16xi32>,
    %get3A_77 = vector.shape_cast %get3A_76 : vector<1x16xi32> to vector<16xi32>
    %shift_right_logical3A_78 = arith.constant 14 : i32
    %shift_right_logical3A_79 = vector.broadcast %shift_right_logical3A_78 : i32 to vector<16xi32>
    %shift_right_logical3A_80 = arith.shrui %get3A_77, %shift_right_logical3A_79 : vector<16xi32>
    %swap3A_81 = arith.constant 64 : index
    %swap3A_82 = tpu.vector_load %arg7[%swap3A_81] {strides = array<i32>} : memref<80xi32, #tpu.memory_space<vmem>>, vector<16xi32>,
    %swap3A_83 = vector.shape_cast %swap3A_82 : vector<16xi32> to vector<16xi32>
    %swap3A_84 = vector.shape_cast %shift_right_logical3A_80 : vector<16xi32> to vector<16xi32>
    tpu.vector_store %arg7[%swap3A_81], %swap3A_84 {strides = array<i32>} : memref<80xi32, #tpu.memory_space<vmem>>, vector<16xi32>,
    %and3A_85 = arith.constant 16383 : i32
    %and3A_86 = vector.broadcast %and3A_85 : i32 to vector<16xi32>
    %and3A_87 = arith.andi %get3A_77, %and3A_86 : vector<16xi32>
    %swap3A_88 = arith.constant 64 : index
    %swap3A_89 = tpu.vector_load %arg10[%swap3A_88] {strides = array<i32>} : memref<80xi32, #tpu.memory_space<vmem>>, vector<16xi32>,
    %swap3A_90 = vector.shape_cast %swap3A_89 : vector<16xi32> to vector<16xi32>
    %swap3A_91 = vector.shape_cast %and3A_87 : vector<16xi32> to vector<16xi32>
    tpu.vector_store %arg10[%swap3A_88], %swap3A_91 {strides = array<i32>} : memref<80xi32, #tpu.memory_space<vmem>>, vector<16xi32>,
    %dma_start3A = arith.constant 0 : i32
    %dma_start3A_92 = arith.constant 0 : i32
    %dma_start3A_93 = tpu.memref_slice %arg2[%dma_start3A, %dma_start3A_92] : memref<10000x128xf32, #tpu.memory_space<hbm>> -> memref<10000x128xf32, #tpu.memory_space<hbm>>
    tpu.enqueue_indirect_dma source(%dma_start3A_93 : memref<10000x128xf32, #tpu.memory_space<hbm>>) target(%arg13 : memref<80x128xf32, #tpu.memory_space<vmem>>) offsets(%arg7 : memref<80xi32, #tpu.memory_space<vmem>>) semaphore(%arg20 : memref<!tpu.dma_semaphore, #tpu.memory_space<semaphore_mem>>)
    %get3A_94 = arith.constant 1 : i32
    %get3A_95 = arith.index_cast %get3A_94 : i32 to index
    %get3A_96 = arith.constant 0 : index
    %get3A_97 = tpu.vector_load %arg6[%get3A_95, %get3A_96] {strides = array<i32>} : memref<125x80xi32, #tpu.memory_space<vmem>>, vector<1x16xi32>,
    %get3A_98 = vector.shape_cast %get3A_97 : vector<1x16xi32> to vector<16xi32>
    %shift_right_logical3A_99 = arith.constant 14 : i32
    %shift_right_logical3A_100 = vector.broadcast %shift_right_logical3A_99 : i32 to vector<16xi32>
    %shift_right_logical3A_101 = arith.shrui %get3A_98, %shift_right_logical3A_100 : vector<16xi32>
    %swap3A_102 = arith.constant 0 : index
    %swap3A_103 = tpu.vector_load %arg8[%swap3A_102] {strides = array<i32>} : memref<80xi32, #tpu.memory_space<vmem>>, vector<16xi32>,
    %swap3A_104 = vector.shape_cast %swap3A_103 : vector<16xi32> to vector<16xi32>
    %swap3A_105 = vector.shape_cast %shift_right_logical3A_101 : vector<16xi32> to vector<16xi32>
    tpu.vector_store %arg8[%swap3A_102], %swap3A_105 {strides = array<i32>} : memref<80xi32, #tpu.memory_space<vmem>>, vector<16xi32>,
    %and3A_106 = arith.constant 16383 : i32
    %and3A_107 = vector.broadcast %and3A_106 : i32 to vector<16xi32>
    %and3A_108 = arith.andi %get3A_98, %and3A_107 : vector<16xi32>
    %swap3A_109 = arith.constant 0 : index
    %swap3A_110 = tpu.vector_load %arg11[%swap3A_109] {strides = array<i32>} : memref<80xi32, #tpu.memory_space<vmem>>, vector<16xi32>,
    %swap3A_111 = vector.shape_cast %swap3A_110 : vector<16xi32> to vector<16xi32>
    %swap3A_112 = vector.shape_cast %and3A_108 : vector<16xi32> to vector<16xi32>
    tpu.vector_store %arg11[%swap3A_109], %swap3A_112 {strides = array<i32>} : memref<80xi32, #tpu.memory_space<vmem>>, vector<16xi32>,
    %get3A_113 = arith.constant 1 : i32
    %get3A_114 = arith.index_cast %get3A_113 : i32 to index
    %get3A_115 = arith.constant 16 : index
    %get3A_116 = tpu.vector_load %arg6[%get3A_114, %get3A_115] {strides = array<i32>} : memref<125x80xi32, #tpu.memory_space<vmem>>, vector<1x16xi32>,
    %get3A_117 = vector.shape_cast %get3A_116 : vector<1x16xi32> to vector<16xi32>
    %shift_right_logical3A_118 = arith.constant 14 : i32
    %shift_right_logical3A_119 = vector.broadcast %shift_right_logical3A_118 : i32 to vector<16xi32>
    %shift_right_logical3A_120 = arith.shrui %get3A_117, %shift_right_logical3A_119 : vector<16xi32>
    %swap3A_121 = arith.constant 16 : index
    %swap3A_122 = tpu.vector_load %arg8[%swap3A_121] {strides = array<i32>} : memref<80xi32, #tpu.memory_space<vmem>>, vector<16xi32>,
    %swap3A_123 = vector.shape_cast %swap3A_122 : vector<16xi32> to vector<16xi32>
    %swap3A_124 = vector.shape_cast %shift_right_logical3A_120 : vector<16xi32> to vector<16xi32>
    tpu.vector_store %arg8[%swap3A_121], %swap3A_124 {strides = array<i32>} : memref<80xi32, #tpu.memory_space<vmem>>, vector<16xi32>,
    %and3A_125 = arith.constant 16383 : i32
    %and3A_126 = vector.broadcast %and3A_125 : i32 to vector<16xi32>
    %and3A_127 = arith.andi %get3A_117, %and3A_126 : vector<16xi32>
    %swap3A_128 = arith.constant 16 : index
    %swap3A_129 = tpu.vector_load %arg11[%swap3A_128] {strides = array<i32>} : memref<80xi32, #tpu.memory_space<vmem>>, vector<16xi32>,
    %swap3A_130 = vector.shape_cast %swap3A_129 : vector<16xi32> to vector<16xi32>
    %swap3A_131 = vector.shape_cast %and3A_127 : vector<16xi32> to vector<16xi32>
    tpu.vector_store %arg11[%swap3A_128], %swap3A_131 {strides = array<i32>} : memref<80xi32, #tpu.memory_space<vmem>>, vector<16xi32>,
    %get3A_132 = arith.constant 1 : i32
    %get3A_133 = arith.index_cast %get3A_132 : i32 to index
    %get3A_134 = arith.constant 32 : index
    %get3A_135 = tpu.vector_load %arg6[%get3A_133, %get3A_134] {strides = array<i32>} : memref<125x80xi32, #tpu.memory_space<vmem>>, vector<1x16xi32>,
    %get3A_136 = vector.shape_cast %get3A_135 : vector<1x16xi32> to vector<16xi32>
    %shift_right_logical3A_137 = arith.constant 14 : i32
    %shift_right_logical3A_138 = vector.broadcast %shift_right_logical3A_137 : i32 to vector<16xi32>
    %shift_right_logical3A_139 = arith.shrui %get3A_136, %shift_right_logical3A_138 : vector<16xi32>
    %swap3A_140 = arith.constant 32 : index
    %swap3A_141 = tpu.vector_load %arg8[%swap3A_140] {strides = array<i32>} : memref<80xi32, #tpu.memory_space<vmem>>, vector<16xi32>,
    %swap3A_142 = vector.shape_cast %swap3A_141 : vector<16xi32> to vector<16xi32>
    %swap3A_143 = vector.shape_cast %shift_right_logical3A_139 : vector<16xi32> to vector<16xi32>
    tpu.vector_store %arg8[%swap3A_140], %swap3A_143 {strides = array<i32>} : memref<80xi32, #tpu.memory_space<vmem>>, vector<16xi32>,
    %and3A_144 = arith.constant 16383 : i32
    %and3A_145 = vector.broadcast %and3A_144 : i32 to vector<16xi32>
    %and3A_146 = arith.andi %get3A_136, %and3A_145 : vector<16xi32>
    %swap3A_147 = arith.constant 32 : index
    %swap3A_148 = tpu.vector_load %arg11[%swap3A_147] {strides = array<i32>} : memref<80xi32, #tpu.memory_space<vmem>>, vector<16xi32>,
    %swap3A_149 = vector.shape_cast %swap3A_148 : vector<16xi32> to vector<16xi32>
    %swap3A_150 = vector.shape_cast %and3A_146 : vector<16xi32> to vector<16xi32>
    tpu.vector_store %arg11[%swap3A_147], %swap3A_150 {strides = array<i32>} : memref<80xi32, #tpu.memory_space<vmem>>, vector<16xi32>,
    %get3A_151 = arith.constant 1 : i32
    %get3A_152 = arith.index_cast %get3A_151 : i32 to index
    %get3A_153 = arith.constant 48 : index
    %get3A_154 = tpu.vector_load %arg6[%get3A_152, %get3A_153] {strides = array<i32>} : memref<125x80xi32, #tpu.memory_space<vmem>>, vector<1x16xi32>,
    %get3A_155 = vector.shape_cast %get3A_154 : vector<1x16xi32> to vector<16xi32>
    %shift_right_logical3A_156 = arith.constant 14 : i32
    %shift_right_logical3A_157 = vector.broadcast %shift_right_logical3A_156 : i32 to vector<16xi32>
    %shift_right_logical3A_158 = arith.shrui %get3A_155, %shift_right_logical3A_157 : vector<16xi32>
    %swap3A_159 = arith.constant 48 : index
    %swap3A_160 = tpu.vector_load %arg8[%swap3A_159] {strides = array<i32>} : memref<80xi32, #tpu.memory_space<vmem>>, vector<16xi32>,
    %swap3A_161 = vector.shape_cast %swap3A_160 : vector<16xi32> to vector<16xi32>
    %swap3A_162 = vector.shape_cast %shift_right_logical3A_158 : vector<16xi32> to vector<16xi32>
    tpu.vector_store %arg8[%swap3A_159], %swap3A_162 {strides = array<i32>} : memref<80xi32, #tpu.memory_space<vmem>>, vector<16xi32>,
    %and3A_163 = arith.constant 16383 : i32
    %and3A_164 = vector.broadcast %and3A_163 : i32 to vector<16xi32>
    %and3A_165 = arith.andi %get3A_155, %and3A_164 : vector<16xi32>
    %swap3A_166 = arith.constant 48 : index
    %swap3A_167 = tpu.vector_load %arg11[%swap3A_166] {strides = array<i32>} : memref<80xi32, #tpu.memory_space<vmem>>, vector<16xi32>,
    %swap3A_168 = vector.shape_cast %swap3A_167 : vector<16xi32> to vector<16xi32>
    %swap3A_169 = vector.shape_cast %and3A_165 : vector<16xi32> to vector<16xi32>
    tpu.vector_store %arg11[%swap3A_166], %swap3A_169 {strides = array<i32>} : memref<80xi32, #tpu.memory_space<vmem>>, vector<16xi32>,
    %get3A_170 = arith.constant 1 : i32
    %get3A_171 = arith.index_cast %get3A_170 : i32 to index
    %get3A_172 = arith.constant 64 : index
    %get3A_173 = tpu.vector_load %arg6[%get3A_171, %get3A_172] {strides = array<i32>} : memref<125x80xi32, #tpu.memory_space<vmem>>, vector<1x16xi32>,
    %get3A_174 = vector.shape_cast %get3A_173 : vector<1x16xi32> to vector<16xi32>
    %shift_right_logical3A_175 = arith.constant 14 : i32
    %shift_right_logical3A_176 = vector.broadcast %shift_right_logical3A_175 : i32 to vector<16xi32>
    %shift_right_logical3A_177 = arith.shrui %get3A_174, %shift_right_logical3A_176 : vector<16xi32>
    %swap3A_178 = arith.constant 64 : index
    %swap3A_179 = tpu.vector_load %arg8[%swap3A_178] {strides = array<i32>} : memref<80xi32, #tpu.memory_space<vmem>>, vector<16xi32>,
    %swap3A_180 = vector.shape_cast %swap3A_179 : vector<16xi32> to vector<16xi32>
    %swap3A_181 = vector.shape_cast %shift_right_logical3A_177 : vector<16xi32> to vector<16xi32>
    tpu.vector_store %arg8[%swap3A_178], %swap3A_181 {strides = array<i32>} : memref<80xi32, #tpu.memory_space<vmem>>, vector<16xi32>,
    %and3A_182 = arith.constant 16383 : i32
    %and3A_183 = vector.broadcast %and3A_182 : i32 to vector<16xi32>
    %and3A_184 = arith.andi %get3A_174, %and3A_183 : vector<16xi32>
    %swap3A_185 = arith.constant 64 : index
    %swap3A_186 = tpu.vector_load %arg11[%swap3A_185] {strides = array<i32>} : memref<80xi32, #tpu.memory_space<vmem>>, vector<16xi32>,
    %swap3A_187 = vector.shape_cast %swap3A_186 : vector<16xi32> to vector<16xi32>
    %swap3A_188 = vector.shape_cast %and3A_184 : vector<16xi32> to vector<16xi32>
    tpu.vector_store %arg11[%swap3A_185], %swap3A_188 {strides = array<i32>} : memref<80xi32, #tpu.memory_space<vmem>>, vector<16xi32>,
    %dma_start3A_189 = arith.constant 0 : i32
    %dma_start3A_190 = arith.constant 0 : i32
    %dma_start3A_191 = tpu.memref_slice %arg2[%dma_start3A_189, %dma_start3A_190] : memref<10000x128xf32, #tpu.memory_space<hbm>> -> memref<10000x128xf32, #tpu.memory_space<hbm>>
    tpu.enqueue_indirect_dma source(%dma_start3A_191 : memref<10000x128xf32, #tpu.memory_space<hbm>>) target(%arg14 : memref<80x128xf32, #tpu.memory_space<vmem>>) offsets(%arg8 : memref<80xi32, #tpu.memory_space<vmem>>) semaphore(%arg21 : memref<!tpu.dma_semaphore, #tpu.memory_space<semaphore_mem>>)
    %broadcast_in_dim3A = arith.constant 0.000000e+00 : f32
    %broadcast_in_dim3A_192 = vector.broadcast %broadcast_in_dim3A : f32 to vector<16xf32>
    %broadcast_in_dim3A_193 = arith.constant 1.000000e+00 : f32
    %broadcast_in_dim3A_194 = vector.broadcast %broadcast_in_dim3A_193 : f32 to vector<16xf32>
    %swap3A_195 = arith.constant 0 : index
    %swap3A_196 = tpu.vector_load %arg16[%swap3A_195] {strides = array<i32>} : memref<80xf32, #tpu.memory_space<vmem>>, vector<16xf32>,
    %swap3A_197 = vector.shape_cast %swap3A_196 : vector<16xf32> to vector<16xf32>
    %swap3A_198 = vector.shape_cast %broadcast_in_dim3A_194 : vector<16xf32> to vector<16xf32>
    tpu.vector_store %arg16[%swap3A_195], %swap3A_198 {strides = array<i32>} : memref<80xf32, #tpu.memory_space<vmem>>, vector<16xf32>,
    %swap3A_199 = arith.constant 16 : index
    %swap3A_200 = tpu.vector_load %arg16[%swap3A_199] {strides = array<i32>} : memref<80xf32, #tpu.memory_space<vmem>>, vector<16xf32>,
    %swap3A_201 = vector.shape_cast %swap3A_200 : vector<16xf32> to vector<16xf32>
    %swap3A_202 = vector.shape_cast %broadcast_in_dim3A_194 : vector<16xf32> to vector<16xf32>
    tpu.vector_store %arg16[%swap3A_199], %swap3A_202 {strides = array<i32>} : memref<80xf32, #tpu.memory_space<vmem>>, vector<16xf32>,
    %swap3A_203 = arith.constant 32 : index
    %swap3A_204 = tpu.vector_load %arg16[%swap3A_203] {strides = array<i32>} : memref<80xf32, #tpu.memory_space<vmem>>, vector<16xf32>,
    %swap3A_205 = vector.shape_cast %swap3A_204 : vector<16xf32> to vector<16xf32>
    %swap3A_206 = vector.shape_cast %broadcast_in_dim3A_194 : vector<16xf32> to vector<16xf32>
    tpu.vector_store %arg16[%swap3A_203], %swap3A_206 {strides = array<i32>} : memref<80xf32, #tpu.memory_space<vmem>>, vector<16xf32>,
    %swap3A_207 = arith.constant 48 : index
    %swap3A_208 = tpu.vector_load %arg16[%swap3A_207] {strides = array<i32>} : memref<80xf32, #tpu.memory_space<vmem>>, vector<16xf32>,
    %swap3A_209 = vector.shape_cast %swap3A_208 : vector<16xf32> to vector<16xf32>
    %swap3A_210 = vector.shape_cast %broadcast_in_dim3A_194 : vector<16xf32> to vector<16xf32>
    tpu.vector_store %arg16[%swap3A_207], %swap3A_210 {strides = array<i32>} : memref<80xf32, #tpu.memory_space<vmem>>, vector<16xf32>,
    %swap3A_211 = arith.constant 64 : index
    %swap3A_212 = tpu.vector_load %arg16[%swap3A_211] {strides = array<i32>} : memref<80xf32, #tpu.memory_space<vmem>>, vector<16xf32>,
    %swap3A_213 = vector.shape_cast %swap3A_212 : vector<16xf32> to vector<16xf32>
    %swap3A_214 = vector.shape_cast %broadcast_in_dim3A_194 : vector<16xf32> to vector<16xf32>
    tpu.vector_store %arg16[%swap3A_211], %swap3A_214 {strides = array<i32>} : memref<80xf32, #tpu.memory_space<vmem>>, vector<16xf32>,
    %scan3A = arith.constant 0 : i32
    %scan3A_215 = arith.constant 80 : i32
    %scan3A_216 = arith.addi %scan3A, %scan3A_215 : i32
    %scan3A_217 = arith.constant 1 : i32
    scf.for %scan3A_637 = %scan3A to %scan3A_216 step %scan3A_217  : i32 {
      %mul3A_638 = arith.constant 1 : i32
      %mul3A_639 = arith.muli %scan3A_637, %mul3A_638 : i32
      %add3A_640 = arith.constant 0 : i32
      %add3A_641 = arith.addi %add3A_640, %mul3A_639 : i32
      %swap3A_642 = arith.index_cast %add3A_641 : i32 to index
      %swap3A_643 = arith.constant 0 : index
      %swap3A_644 = tpu.vector_load %arg15[%swap3A_642, %swap3A_643] {strides = array<i32>} : memref<80x128xf32, #tpu.memory_space<vmem>>, vector<1x16xf32>,
      %swap3A_645 = vector.shape_cast %swap3A_644 : vector<1x16xf32> to vector<16xf32>
      %swap3A_646 = vector.shape_cast %broadcast_in_dim3A_192 : vector<16xf32> to vector<1x16xf32>
      tpu.vector_store %arg15[%swap3A_642, %swap3A_643], %swap3A_646 {strides = array<i32>} : memref<80x128xf32, #tpu.memory_space<vmem>>, vector<1x16xf32>,
      %swap3A_647 = arith.index_cast %add3A_641 : i32 to index
      %swap3A_648 = arith.constant 16 : index
      %swap3A_649 = tpu.vector_load %arg15[%swap3A_647, %swap3A_648] {strides = array<i32>} : memref<80x128xf32, #tpu.memory_space<vmem>>, vector<1x16xf32>,
      %swap3A_650 = vector.shape_cast %swap3A_649 : vector<1x16xf32> to vector<16xf32>
      %swap3A_651 = vector.shape_cast %broadcast_in_dim3A_192 : vector<16xf32> to vector<1x16xf32>
      tpu.vector_store %arg15[%swap3A_647, %swap3A_648], %swap3A_651 {strides = array<i32>} : memref<80x128xf32, #tpu.memory_space<vmem>>, vector<1x16xf32>,
      %swap3A_652 = arith.index_cast %add3A_641 : i32 to index
      %swap3A_653 = arith.constant 32 : index
      %swap3A_654 = tpu.vector_load %arg15[%swap3A_652, %swap3A_653] {strides = array<i32>} : memref<80x128xf32, #tpu.memory_space<vmem>>, vector<1x16xf32>,
      %swap3A_655 = vector.shape_cast %swap3A_654 : vector<1x16xf32> to vector<16xf32>
      %swap3A_656 = vector.shape_cast %broadcast_in_dim3A_192 : vector<16xf32> to vector<1x16xf32>
      tpu.vector_store %arg15[%swap3A_652, %swap3A_653], %swap3A_656 {strides = array<i32>} : memref<80x128xf32, #tpu.memory_space<vmem>>, vector<1x16xf32>,
      %swap3A_657 = arith.index_cast %add3A_641 : i32 to index
      %swap3A_658 = arith.constant 48 : index
      %swap3A_659 = tpu.vector_load %arg15[%swap3A_657, %swap3A_658] {strides = array<i32>} : memref<80x128xf32, #tpu.memory_space<vmem>>, vector<1x16xf32>,
      %swap3A_660 = vector.shape_cast %swap3A_659 : vector<1x16xf32> to vector<16xf32>
      %swap3A_661 = vector.shape_cast %broadcast_in_dim3A_192 : vector<16xf32> to vector<1x16xf32>
      tpu.vector_store %arg15[%swap3A_657, %swap3A_658], %swap3A_661 {strides = array<i32>} : memref<80x128xf32, #tpu.memory_space<vmem>>, vector<1x16xf32>,
      %swap3A_662 = arith.index_cast %add3A_641 : i32 to index
      %swap3A_663 = arith.constant 64 : index
      %swap3A_664 = tpu.vector_load %arg15[%swap3A_662, %swap3A_663] {strides = array<i32>} : memref<80x128xf32, #tpu.memory_space<vmem>>, vector<1x16xf32>,
      %swap3A_665 = vector.shape_cast %swap3A_664 : vector<1x16xf32> to vector<16xf32>
      %swap3A_666 = vector.shape_cast %broadcast_in_dim3A_192 : vector<16xf32> to vector<1x16xf32>
      tpu.vector_store %arg15[%swap3A_662, %swap3A_663], %swap3A_666 {strides = array<i32>} : memref<80x128xf32, #tpu.memory_space<vmem>>, vector<1x16xf32>,
      %swap3A_667 = arith.index_cast %add3A_641 : i32 to index
      %swap3A_668 = arith.constant 80 : index
      %swap3A_669 = tpu.vector_load %arg15[%swap3A_667, %swap3A_668] {strides = array<i32>} : memref<80x128xf32, #tpu.memory_space<vmem>>, vector<1x16xf32>,
      %swap3A_670 = vector.shape_cast %swap3A_669 : vector<1x16xf32> to vector<16xf32>
      %swap3A_671 = vector.shape_cast %broadcast_in_dim3A_192 : vector<16xf32> to vector<1x16xf32>
      tpu.vector_store %arg15[%swap3A_667, %swap3A_668], %swap3A_671 {strides = array<i32>} : memref<80x128xf32, #tpu.memory_space<vmem>>, vector<1x16xf32>,
      %swap3A_672 = arith.index_cast %add3A_641 : i32 to index
      %swap3A_673 = arith.constant 96 : index
      %swap3A_674 = tpu.vector_load %arg15[%swap3A_672, %swap3A_673] {strides = array<i32>} : memref<80x128xf32, #tpu.memory_space<vmem>>, vector<1x16xf32>,
      %swap3A_675 = vector.shape_cast %swap3A_674 : vector<1x16xf32> to vector<16xf32>
      %swap3A_676 = vector.shape_cast %broadcast_in_dim3A_192 : vector<16xf32> to vector<1x16xf32>
      tpu.vector_store %arg15[%swap3A_672, %swap3A_673], %swap3A_676 {strides = array<i32>} : memref<80x128xf32, #tpu.memory_space<vmem>>, vector<1x16xf32>,
      %swap3A_677 = arith.index_cast %add3A_641 : i32 to index
      %swap3A_678 = arith.constant 112 : index
      %swap3A_679 = tpu.vector_load %arg15[%swap3A_677, %swap3A_678] {strides = array<i32>} : memref<80x128xf32, #tpu.memory_space<vmem>>, vector<1x16xf32>,
      %swap3A_680 = vector.shape_cast %swap3A_679 : vector<1x16xf32> to vector<16xf32>
      %swap3A_681 = vector.shape_cast %broadcast_in_dim3A_192 : vector<16xf32> to vector<1x16xf32>
      tpu.vector_store %arg15[%swap3A_677, %swap3A_678], %swap3A_681 {strides = array<i32>} : memref<80x128xf32, #tpu.memory_space<vmem>>, vector<1x16xf32>,
    }
    %scan3A_218 = arith.constant 80 : i32
    %swap3A_219 = arith.constant 0 : index
    %swap3A_220 = tpu.vector_load %arg17[%swap3A_219] {strides = array<i32>} : memref<80xf32, #tpu.memory_space<vmem>>, vector<16xf32>,
    %swap3A_221 = vector.shape_cast %swap3A_220 : vector<16xf32> to vector<16xf32>
    %swap3A_222 = vector.shape_cast %broadcast_in_dim3A_192 : vector<16xf32> to vector<16xf32>
    tpu.vector_store %arg17[%swap3A_219], %swap3A_222 {strides = array<i32>} : memref<80xf32, #tpu.memory_space<vmem>>, vector<16xf32>,
    %swap3A_223 = arith.constant 16 : index
    %swap3A_224 = tpu.vector_load %arg17[%swap3A_223] {strides = array<i32>} : memref<80xf32, #tpu.memory_space<vmem>>, vector<16xf32>,
    %swap3A_225 = vector.shape_cast %swap3A_224 : vector<16xf32> to vector<16xf32>
    %swap3A_226 = vector.shape_cast %broadcast_in_dim3A_192 : vector<16xf32> to vector<16xf32>
    tpu.vector_store %arg17[%swap3A_223], %swap3A_226 {strides = array<i32>} : memref<80xf32, #tpu.memory_space<vmem>>, vector<16xf32>,
    %swap3A_227 = arith.constant 32 : index
    %swap3A_228 = tpu.vector_load %arg17[%swap3A_227] {strides = array<i32>} : memref<80xf32, #tpu.memory_space<vmem>>, vector<16xf32>,
    %swap3A_229 = vector.shape_cast %swap3A_228 : vector<16xf32> to vector<16xf32>
    %swap3A_230 = vector.shape_cast %broadcast_in_dim3A_192 : vector<16xf32> to vector<16xf32>
    tpu.vector_store %arg17[%swap3A_227], %swap3A_230 {strides = array<i32>} : memref<80xf32, #tpu.memory_space<vmem>>, vector<16xf32>,
    %swap3A_231 = arith.constant 48 : index
    %swap3A_232 = tpu.vector_load %arg17[%swap3A_231] {strides = array<i32>} : memref<80xf32, #tpu.memory_space<vmem>>, vector<16xf32>,
    %swap3A_233 = vector.shape_cast %swap3A_232 : vector<16xf32> to vector<16xf32>
    %swap3A_234 = vector.shape_cast %broadcast_in_dim3A_192 : vector<16xf32> to vector<16xf32>
    tpu.vector_store %arg17[%swap3A_231], %swap3A_234 {strides = array<i32>} : memref<80xf32, #tpu.memory_space<vmem>>, vector<16xf32>,
    %swap3A_235 = arith.constant 64 : index
    %swap3A_236 = tpu.vector_load %arg17[%swap3A_235] {strides = array<i32>} : memref<80xf32, #tpu.memory_space<vmem>>, vector<16xf32>,
    %swap3A_237 = vector.shape_cast %swap3A_236 : vector<16xf32> to vector<16xf32>
    %swap3A_238 = vector.shape_cast %broadcast_in_dim3A_192 : vector<16xf32> to vector<16xf32>
    tpu.vector_store %arg17[%swap3A_235], %swap3A_238 {strides = array<i32>} : memref<80xf32, #tpu.memory_space<vmem>>, vector<16xf32>,
    %mul3A_239 = arith.constant 640 : i32
    %mul3A_240 = arith.muli %arg1, %mul3A_239 : i32
    %add3A_241 = arith.constant 0 : i32
    %add3A_242 = arith.addi %mul3A_240, %add3A_241 : i32
    "tpu.region"() ({
      %run_scoped3A = tpu.sem_alloc : memref<!tpu.dma_semaphore, #tpu.memory_space<semaphore_mem>>
      %dma_start3A_637 = arith.constant 0 : i32
      %dma_start3A_638 = tpu.memref_slice %arg18[%add3A_242, %dma_start3A_637] : memref<10240x128xf32, #tpu.memory_space<vmem_shared>> -> memref<80x128xf32, #tpu.memory_space<vmem_shared>>
      %dma_start3A_639 = arith.constant 0 : i32
      %dma_start3A_640 = tpu.memref_slice %arg18[%add3A_242, %dma_start3A_639] : memref<10240x128xf32, #tpu.memory_space<vmem_shared>> -> memref<80x128xf32, #tpu.memory_space<vmem_shared>>
      tpu.enqueue_dma source(%arg15 : memref<80x128xf32, #tpu.memory_space<vmem>>) target(%dma_start3A_640 : memref<80x128xf32, #tpu.memory_space<vmem_shared>>) target_semaphore(%run_scoped3A : memref<!tpu.dma_semaphore, #tpu.memory_space<semaphore_mem>>)
      %dma_wait3A_641 = arith.constant 0 : i32
      %dma_wait3A_642 = tpu.memref_slice %arg18[%add3A_242, %dma_wait3A_641] : memref<10240x128xf32, #tpu.memory_space<vmem_shared>> -> memref<80x128xf32, #tpu.memory_space<vmem_shared>>
      %dma_wait3A_643 = arith.constant 0 : i32
      %dma_wait3A_644 = tpu.memref_slice %arg18[%add3A_242, %dma_wait3A_643] : memref<10240x128xf32, #tpu.memory_space<vmem_shared>> -> memref<80x128xf32, #tpu.memory_space<vmem_shared>>
      tpu.wait_dma2 semaphore(%run_scoped3A : memref<!tpu.dma_semaphore, #tpu.memory_space<semaphore_mem>>) src(%arg15 : memref<80x128xf32, #tpu.memory_space<vmem>>) dst(%dma_wait3A_644 : memref<80x128xf32, #tpu.memory_space<vmem_shared>>)
      tpu.yield
    }) : () -> ()
    %add3A_243 = arith.constant 80 : i32
    %add3A_244 = arith.addi %mul3A_240, %add3A_243 : i32
    "tpu.region"() ({
      %run_scoped3A = tpu.sem_alloc : memref<!tpu.dma_semaphore, #tpu.memory_space<semaphore_mem>>
      %dma_start3A_637 = arith.constant 0 : i32
      %dma_start3A_638 = tpu.memref_slice %arg18[%add3A_244, %dma_start3A_637] : memref<10240x128xf32, #tpu.memory_space<vmem_shared>> -> memref<80x128xf32, #tpu.memory_space<vmem_shared>>
      %dma_start3A_639 = arith.constant 0 : i32
      %dma_start3A_640 = tpu.memref_slice %arg18[%add3A_244, %dma_start3A_639] : memref<10240x128xf32, #tpu.memory_space<vmem_shared>> -> memref<80x128xf32, #tpu.memory_space<vmem_shared>>
      tpu.enqueue_dma source(%arg15 : memref<80x128xf32, #tpu.memory_space<vmem>>) target(%dma_start3A_640 : memref<80x128xf32, #tpu.memory_space<vmem_shared>>) target_semaphore(%run_scoped3A : memref<!tpu.dma_semaphore, #tpu.memory_space<semaphore_mem>>)
      %dma_wait3A_641 = arith.constant 0 : i32
      %dma_wait3A_642 = tpu.memref_slice %arg18[%add3A_244, %dma_wait3A_641] : memref<10240x128xf32, #tpu.memory_space<vmem_shared>> -> memref<80x128xf32, #tpu.memory_space<vmem_shared>>
      %dma_wait3A_643 = arith.constant 0 : i32
      %dma_wait3A_644 = tpu.memref_slice %arg18[%add3A_244, %dma_wait3A_643] : memref<10240x128xf32, #tpu.memory_space<vmem_shared>> -> memref<80x128xf32, #tpu.memory_space<vmem_shared>>
      tpu.wait_dma2 semaphore(%run_scoped3A : memref<!tpu.dma_semaphore, #tpu.memory_space<semaphore_mem>>) src(%arg15 : memref<80x128xf32, #tpu.memory_space<vmem>>) dst(%dma_wait3A_644 : memref<80x128xf32, #tpu.memory_space<vmem_shared>>)
      tpu.yield
    }) : () -> ()
    %add3A_245 = arith.constant 160 : i32
    %add3A_246 = arith.addi %mul3A_240, %add3A_245 : i32
    "tpu.region"() ({
      %run_scoped3A = tpu.sem_alloc : memref<!tpu.dma_semaphore, #tpu.memory_space<semaphore_mem>>
      %dma_start3A_637 = arith.constant 0 : i32
      %dma_start3A_638 = tpu.memref_slice %arg18[%add3A_246, %dma_start3A_637] : memref<10240x128xf32, #tpu.memory_space<vmem_shared>> -> memref<80x128xf32, #tpu.memory_space<vmem_shared>>
      %dma_start3A_639 = arith.constant 0 : i32
      %dma_start3A_640 = tpu.memref_slice %arg18[%add3A_246, %dma_start3A_639] : memref<10240x128xf32, #tpu.memory_space<vmem_shared>> -> memref<80x128xf32, #tpu.memory_space<vmem_shared>>
      tpu.enqueue_dma source(%arg15 : memref<80x128xf32, #tpu.memory_space<vmem>>) target(%dma_start3A_640 : memref<80x128xf32, #tpu.memory_space<vmem_shared>>) target_semaphore(%run_scoped3A : memref<!tpu.dma_semaphore, #tpu.memory_space<semaphore_mem>>)
      %dma_wait3A_641 = arith.constant 0 : i32
      %dma_wait3A_642 = tpu.memref_slice %arg18[%add3A_246, %dma_wait3A_641] : memref<10240x128xf32, #tpu.memory_space<vmem_shared>> -> memref<80x128xf32, #tpu.memory_space<vmem_shared>>
      %dma_wait3A_643 = arith.constant 0 : i32
      %dma_wait3A_644 = tpu.memref_slice %arg18[%add3A_246, %dma_wait3A_643] : memref<10240x128xf32, #tpu.memory_space<vmem_shared>> -> memref<80x128xf32, #tpu.memory_space<vmem_shared>>
      tpu.wait_dma2 semaphore(%run_scoped3A : memref<!tpu.dma_semaphore, #tpu.memory_space<semaphore_mem>>) src(%arg15 : memref<80x128xf32, #tpu.memory_space<vmem>>) dst(%dma_wait3A_644 : memref<80x128xf32, #tpu.memory_space<vmem_shared>>)
      tpu.yield
    }) : () -> ()
    %add3A_247 = arith.constant 240 : i32
    %add3A_248 = arith.addi %mul3A_240, %add3A_247 : i32
    "tpu.region"() ({
      %run_scoped3A = tpu.sem_alloc : memref<!tpu.dma_semaphore, #tpu.memory_space<semaphore_mem>>
      %dma_start3A_637 = arith.constant 0 : i32
      %dma_start3A_638 = tpu.memref_slice %arg18[%add3A_248, %dma_start3A_637] : memref<10240x128xf32, #tpu.memory_space<vmem_shared>> -> memref<80x128xf32, #tpu.memory_space<vmem_shared>>
      %dma_start3A_639 = arith.constant 0 : i32
      %dma_start3A_640 = tpu.memref_slice %arg18[%add3A_248, %dma_start3A_639] : memref<10240x128xf32, #tpu.memory_space<vmem_shared>> -> memref<80x128xf32, #tpu.memory_space<vmem_shared>>
      tpu.enqueue_dma source(%arg15 : memref<80x128xf32, #tpu.memory_space<vmem>>) target(%dma_start3A_640 : memref<80x128xf32, #tpu.memory_space<vmem_shared>>) target_semaphore(%run_scoped3A : memref<!tpu.dma_semaphore, #tpu.memory_space<semaphore_mem>>)
      %dma_wait3A_641 = arith.constant 0 : i32
      %dma_wait3A_642 = tpu.memref_slice %arg18[%add3A_248, %dma_wait3A_641] : memref<10240x128xf32, #tpu.memory_space<vmem_shared>> -> memref<80x128xf32, #tpu.memory_space<vmem_shared>>
      %dma_wait3A_643 = arith.constant 0 : i32
      %dma_wait3A_644 = tpu.memref_slice %arg18[%add3A_248, %dma_wait3A_643] : memref<10240x128xf32, #tpu.memory_space<vmem_shared>> -> memref<80x128xf32, #tpu.memory_space<vmem_shared>>
      tpu.wait_dma2 semaphore(%run_scoped3A : memref<!tpu.dma_semaphore, #tpu.memory_space<semaphore_mem>>) src(%arg15 : memref<80x128xf32, #tpu.memory_space<vmem>>) dst(%dma_wait3A_644 : memref<80x128xf32, #tpu.memory_space<vmem_shared>>)
      tpu.yield
    }) : () -> ()
    %add3A_249 = arith.constant 320 : i32
    %add3A_250 = arith.addi %mul3A_240, %add3A_249 : i32
    "tpu.region"() ({
      %run_scoped3A = tpu.sem_alloc : memref<!tpu.dma_semaphore, #tpu.memory_space<semaphore_mem>>
      %dma_start3A_637 = arith.constant 0 : i32
      %dma_start3A_638 = tpu.memref_slice %arg18[%add3A_250, %dma_start3A_637] : memref<10240x128xf32, #tpu.memory_space<vmem_shared>> -> memref<80x128xf32, #tpu.memory_space<vmem_shared>>
      %dma_start3A_639 = arith.constant 0 : i32
      %dma_start3A_640 = tpu.memref_slice %arg18[%add3A_250, %dma_start3A_639] : memref<10240x128xf32, #tpu.memory_space<vmem_shared>> -> memref<80x128xf32, #tpu.memory_space<vmem_shared>>
      tpu.enqueue_dma source(%arg15 : memref<80x128xf32, #tpu.memory_space<vmem>>) target(%dma_start3A_640 : memref<80x128xf32, #tpu.memory_space<vmem_shared>>) target_semaphore(%run_scoped3A : memref<!tpu.dma_semaphore, #tpu.memory_space<semaphore_mem>>)
      %dma_wait3A_641 = arith.constant 0 : i32
      %dma_wait3A_642 = tpu.memref_slice %arg18[%add3A_250, %dma_wait3A_641] : memref<10240x128xf32, #tpu.memory_space<vmem_shared>> -> memref<80x128xf32, #tpu.memory_space<vmem_shared>>
      %dma_wait3A_643 = arith.constant 0 : i32
      %dma_wait3A_644 = tpu.memref_slice %arg18[%add3A_250, %dma_wait3A_643] : memref<10240x128xf32, #tpu.memory_space<vmem_shared>> -> memref<80x128xf32, #tpu.memory_space<vmem_shared>>
      tpu.wait_dma2 semaphore(%run_scoped3A : memref<!tpu.dma_semaphore, #tpu.memory_space<semaphore_mem>>) src(%arg15 : memref<80x128xf32, #tpu.memory_space<vmem>>) dst(%dma_wait3A_644 : memref<80x128xf32, #tpu.memory_space<vmem_shared>>)
      tpu.yield
    }) : () -> ()
    %add3A_251 = arith.constant 400 : i32
    %add3A_252 = arith.addi %mul3A_240, %add3A_251 : i32
    "tpu.region"() ({
      %run_scoped3A = tpu.sem_alloc : memref<!tpu.dma_semaphore, #tpu.memory_space<semaphore_mem>>
      %dma_start3A_637 = arith.constant 0 : i32
      %dma_start3A_638 = tpu.memref_slice %arg18[%add3A_252, %dma_start3A_637] : memref<10240x128xf32, #tpu.memory_space<vmem_shared>> -> memref<80x128xf32, #tpu.memory_space<vmem_shared>>
      %dma_start3A_639 = arith.constant 0 : i32
      %dma_start3A_640 = tpu.memref_slice %arg18[%add3A_252, %dma_start3A_639] : memref<10240x128xf32, #tpu.memory_space<vmem_shared>> -> memref<80x128xf32, #tpu.memory_space<vmem_shared>>
      tpu.enqueue_dma source(%arg15 : memref<80x128xf32, #tpu.memory_space<vmem>>) target(%dma_start3A_640 : memref<80x128xf32, #tpu.memory_space<vmem_shared>>) target_semaphore(%run_scoped3A : memref<!tpu.dma_semaphore, #tpu.memory_space<semaphore_mem>>)
      %dma_wait3A_641 = arith.constant 0 : i32
      %dma_wait3A_642 = tpu.memref_slice %arg18[%add3A_252, %dma_wait3A_641] : memref<10240x128xf32, #tpu.memory_space<vmem_shared>> -> memref<80x128xf32, #tpu.memory_space<vmem_shared>>
      %dma_wait3A_643 = arith.constant 0 : i32
      %dma_wait3A_644 = tpu.memref_slice %arg18[%add3A_252, %dma_wait3A_643] : memref<10240x128xf32, #tpu.memory_space<vmem_shared>> -> memref<80x128xf32, #tpu.memory_space<vmem_shared>>
      tpu.wait_dma2 semaphore(%run_scoped3A : memref<!tpu.dma_semaphore, #tpu.memory_space<semaphore_mem>>) src(%arg15 : memref<80x128xf32, #tpu.memory_space<vmem>>) dst(%dma_wait3A_644 : memref<80x128xf32, #tpu.memory_space<vmem_shared>>)
      tpu.yield
    }) : () -> ()
    %add3A_253 = arith.constant 480 : i32
    %add3A_254 = arith.addi %mul3A_240, %add3A_253 : i32
    "tpu.region"() ({
      %run_scoped3A = tpu.sem_alloc : memref<!tpu.dma_semaphore, #tpu.memory_space<semaphore_mem>>
      %dma_start3A_637 = arith.constant 0 : i32
      %dma_start3A_638 = tpu.memref_slice %arg18[%add3A_254, %dma_start3A_637] : memref<10240x128xf32, #tpu.memory_space<vmem_shared>> -> memref<80x128xf32, #tpu.memory_space<vmem_shared>>
      %dma_start3A_639 = arith.constant 0 : i32
      %dma_start3A_640 = tpu.memref_slice %arg18[%add3A_254, %dma_start3A_639] : memref<10240x128xf32, #tpu.memory_space<vmem_shared>> -> memref<80x128xf32, #tpu.memory_space<vmem_shared>>
      tpu.enqueue_dma source(%arg15 : memref<80x128xf32, #tpu.memory_space<vmem>>) target(%dma_start3A_640 : memref<80x128xf32, #tpu.memory_space<vmem_shared>>) target_semaphore(%run_scoped3A : memref<!tpu.dma_semaphore, #tpu.memory_space<semaphore_mem>>)
      %dma_wait3A_641 = arith.constant 0 : i32
      %dma_wait3A_642 = tpu.memref_slice %arg18[%add3A_254, %dma_wait3A_641] : memref<10240x128xf32, #tpu.memory_space<vmem_shared>> -> memref<80x128xf32, #tpu.memory_space<vmem_shared>>
      %dma_wait3A_643 = arith.constant 0 : i32
      %dma_wait3A_644 = tpu.memref_slice %arg18[%add3A_254, %dma_wait3A_643] : memref<10240x128xf32, #tpu.memory_space<vmem_shared>> -> memref<80x128xf32, #tpu.memory_space<vmem_shared>>
      tpu.wait_dma2 semaphore(%run_scoped3A : memref<!tpu.dma_semaphore, #tpu.memory_space<semaphore_mem>>) src(%arg15 : memref<80x128xf32, #tpu.memory_space<vmem>>) dst(%dma_wait3A_644 : memref<80x128xf32, #tpu.memory_space<vmem_shared>>)
      tpu.yield
    }) : () -> ()
    %add3A_255 = arith.constant 560 : i32
    %add3A_256 = arith.addi %mul3A_240, %add3A_255 : i32
    "tpu.region"() ({
      %run_scoped3A = tpu.sem_alloc : memref<!tpu.dma_semaphore, #tpu.memory_space<semaphore_mem>>
      %dma_start3A_637 = arith.constant 0 : i32
      %dma_start3A_638 = tpu.memref_slice %arg18[%add3A_256, %dma_start3A_637] : memref<10240x128xf32, #tpu.memory_space<vmem_shared>> -> memref<80x128xf32, #tpu.memory_space<vmem_shared>>
      %dma_start3A_639 = arith.constant 0 : i32
      %dma_start3A_640 = tpu.memref_slice %arg18[%add3A_256, %dma_start3A_639] : memref<10240x128xf32, #tpu.memory_space<vmem_shared>> -> memref<80x128xf32, #tpu.memory_space<vmem_shared>>
      tpu.enqueue_dma source(%arg15 : memref<80x128xf32, #tpu.memory_space<vmem>>) target(%dma_start3A_640 : memref<80x128xf32, #tpu.memory_space<vmem_shared>>) target_semaphore(%run_scoped3A : memref<!tpu.dma_semaphore, #tpu.memory_space<semaphore_mem>>)
      %dma_wait3A_641 = arith.constant 0 : i32
      %dma_wait3A_642 = tpu.memref_slice %arg18[%add3A_256, %dma_wait3A_641] : memref<10240x128xf32, #tpu.memory_space<vmem_shared>> -> memref<80x128xf32, #tpu.memory_space<vmem_shared>>
      %dma_wait3A_643 = arith.constant 0 : i32
      %dma_wait3A_644 = tpu.memref_slice %arg18[%add3A_256, %dma_wait3A_643] : memref<10240x128xf32, #tpu.memory_space<vmem_shared>> -> memref<80x128xf32, #tpu.memory_space<vmem_shared>>
      tpu.wait_dma2 semaphore(%run_scoped3A : memref<!tpu.dma_semaphore, #tpu.memory_space<semaphore_mem>>) src(%arg15 : memref<80x128xf32, #tpu.memory_space<vmem>>) dst(%dma_wait3A_644 : memref<80x128xf32, #tpu.memory_space<vmem_shared>>)
      tpu.yield
    }) : () -> ()
    %add3A_257 = arith.constant 0 : i32
    %add3A_258 = arith.addi %mul3A_240, %add3A_257 : i32
    "tpu.region"() ({
      %run_scoped3A = tpu.sem_alloc : memref<!tpu.dma_semaphore, #tpu.memory_space<semaphore_mem>>
      %dma_start3A_637 = tpu.memref_slice %arg19[%add3A_258] : memref<10240xf32, #tpu.memory_space<vmem_shared>> -> memref<80xf32, #tpu.memory_space<vmem_shared>>
      %dma_start3A_638 = tpu.memref_slice %arg19[%add3A_258] : memref<10240xf32, #tpu.memory_space<vmem_shared>> -> memref<80xf32, #tpu.memory_space<vmem_shared>>
      tpu.enqueue_dma source(%arg17 : memref<80xf32, #tpu.memory_space<vmem>>) target(%dma_start3A_638 : memref<80xf32, #tpu.memory_space<vmem_shared>>) target_semaphore(%run_scoped3A : memref<!tpu.dma_semaphore, #tpu.memory_space<semaphore_mem>>)
      %dma_wait3A_639 = tpu.memref_slice %arg19[%add3A_258] : memref<10240xf32, #tpu.memory_space<vmem_shared>> -> memref<80xf32, #tpu.memory_space<vmem_shared>>
      %dma_wait3A_640 = tpu.memref_slice %arg19[%add3A_258] : memref<10240xf32, #tpu.memory_space<vmem_shared>> -> memref<80xf32, #tpu.memory_space<vmem_shared>>
      tpu.wait_dma2 semaphore(%run_scoped3A : memref<!tpu.dma_semaphore, #tpu.memory_space<semaphore_mem>>) src(%arg17 : memref<80xf32, #tpu.memory_space<vmem>>) dst(%dma_wait3A_640 : memref<80xf32, #tpu.memory_space<vmem_shared>>)
      tpu.yield
    }) : () -> ()
    %add3A_259 = arith.constant 80 : i32
    %add3A_260 = arith.addi %mul3A_240, %add3A_259 : i32
    "tpu.region"() ({
      %run_scoped3A = tpu.sem_alloc : memref<!tpu.dma_semaphore, #tpu.memory_space<semaphore_mem>>
      %dma_start3A_637 = tpu.memref_slice %arg19[%add3A_260] : memref<10240xf32, #tpu.memory_space<vmem_shared>> -> memref<80xf32, #tpu.memory_space<vmem_shared>>
      %dma_start3A_638 = tpu.memref_slice %arg19[%add3A_260] : memref<10240xf32, #tpu.memory_space<vmem_shared>> -> memref<80xf32, #tpu.memory_space<vmem_shared>>
      tpu.enqueue_dma source(%arg17 : memref<80xf32, #tpu.memory_space<vmem>>) target(%dma_start3A_638 : memref<80xf32, #tpu.memory_space<vmem_shared>>) target_semaphore(%run_scoped3A : memref<!tpu.dma_semaphore, #tpu.memory_space<semaphore_mem>>)
      %dma_wait3A_639 = tpu.memref_slice %arg19[%add3A_260] : memref<10240xf32, #tpu.memory_space<vmem_shared>> -> memref<80xf32, #tpu.memory_space<vmem_shared>>
      %dma_wait3A_640 = tpu.memref_slice %arg19[%add3A_260] : memref<10240xf32, #tpu.memory_space<vmem_shared>> -> memref<80xf32, #tpu.memory_space<vmem_shared>>
      tpu.wait_dma2 semaphore(%run_scoped3A : memref<!tpu.dma_semaphore, #tpu.memory_space<semaphore_mem>>) src(%arg17 : memref<80xf32, #tpu.memory_space<vmem>>) dst(%dma_wait3A_640 : memref<80xf32, #tpu.memory_space<vmem_shared>>)
      tpu.yield
    }) : () -> ()
    %add3A_261 = arith.constant 160 : i32
    %add3A_262 = arith.addi %mul3A_240, %add3A_261 : i32
    "tpu.region"() ({
      %run_scoped3A = tpu.sem_alloc : memref<!tpu.dma_semaphore, #tpu.memory_space<semaphore_mem>>
      %dma_start3A_637 = tpu.memref_slice %arg19[%add3A_262] : memref<10240xf32, #tpu.memory_space<vmem_shared>> -> memref<80xf32, #tpu.memory_space<vmem_shared>>
      %dma_start3A_638 = tpu.memref_slice %arg19[%add3A_262] : memref<10240xf32, #tpu.memory_space<vmem_shared>> -> memref<80xf32, #tpu.memory_space<vmem_shared>>
      tpu.enqueue_dma source(%arg17 : memref<80xf32, #tpu.memory_space<vmem>>) target(%dma_start3A_638 : memref<80xf32, #tpu.memory_space<vmem_shared>>) target_semaphore(%run_scoped3A : memref<!tpu.dma_semaphore, #tpu.memory_space<semaphore_mem>>)
      %dma_wait3A_639 = tpu.memref_slice %arg19[%add3A_262] : memref<10240xf32, #tpu.memory_space<vmem_shared>> -> memref<80xf32, #tpu.memory_space<vmem_shared>>
      %dma_wait3A_640 = tpu.memref_slice %arg19[%add3A_262] : memref<10240xf32, #tpu.memory_space<vmem_shared>> -> memref<80xf32, #tpu.memory_space<vmem_shared>>
      tpu.wait_dma2 semaphore(%run_scoped3A : memref<!tpu.dma_semaphore, #tpu.memory_space<semaphore_mem>>) src(%arg17 : memref<80xf32, #tpu.memory_space<vmem>>) dst(%dma_wait3A_640 : memref<80xf32, #tpu.memory_space<vmem_shared>>)
      tpu.yield
    }) : () -> ()
    %add3A_263 = arith.constant 240 : i32
    %add3A_264 = arith.addi %mul3A_240, %add3A_263 : i32
    "tpu.region"() ({
      %run_scoped3A = tpu.sem_alloc : memref<!tpu.dma_semaphore, #tpu.memory_space<semaphore_mem>>
      %dma_start3A_637 = tpu.memref_slice %arg19[%add3A_264] : memref<10240xf32, #tpu.memory_space<vmem_shared>> -> memref<80xf32, #tpu.memory_space<vmem_shared>>
      %dma_start3A_638 = tpu.memref_slice %arg19[%add3A_264] : memref<10240xf32, #tpu.memory_space<vmem_shared>> -> memref<80xf32, #tpu.memory_space<vmem_shared>>
      tpu.enqueue_dma source(%arg17 : memref<80xf32, #tpu.memory_space<vmem>>) target(%dma_start3A_638 : memref<80xf32, #tpu.memory_space<vmem_shared>>) target_semaphore(%run_scoped3A : memref<!tpu.dma_semaphore, #tpu.memory_space<semaphore_mem>>)
      %dma_wait3A_639 = tpu.memref_slice %arg19[%add3A_264] : memref<10240xf32, #tpu.memory_space<vmem_shared>> -> memref<80xf32, #tpu.memory_space<vmem_shared>>
      %dma_wait3A_640 = tpu.memref_slice %arg19[%add3A_264] : memref<10240xf32, #tpu.memory_space<vmem_shared>> -> memref<80xf32, #tpu.memory_space<vmem_shared>>
      tpu.wait_dma2 semaphore(%run_scoped3A : memref<!tpu.dma_semaphore, #tpu.memory_space<semaphore_mem>>) src(%arg17 : memref<80xf32, #tpu.memory_space<vmem>>) dst(%dma_wait3A_640 : memref<80xf32, #tpu.memory_space<vmem_shared>>)
      tpu.yield
    }) : () -> ()
    %add3A_265 = arith.constant 320 : i32
    %add3A_266 = arith.addi %mul3A_240, %add3A_265 : i32
    "tpu.region"() ({
      %run_scoped3A = tpu.sem_alloc : memref<!tpu.dma_semaphore, #tpu.memory_space<semaphore_mem>>
      %dma_start3A_637 = tpu.memref_slice %arg19[%add3A_266] : memref<10240xf32, #tpu.memory_space<vmem_shared>> -> memref<80xf32, #tpu.memory_space<vmem_shared>>
      %dma_start3A_638 = tpu.memref_slice %arg19[%add3A_266] : memref<10240xf32, #tpu.memory_space<vmem_shared>> -> memref<80xf32, #tpu.memory_space<vmem_shared>>
      tpu.enqueue_dma source(%arg17 : memref<80xf32, #tpu.memory_space<vmem>>) target(%dma_start3A_638 : memref<80xf32, #tpu.memory_space<vmem_shared>>) target_semaphore(%run_scoped3A : memref<!tpu.dma_semaphore, #tpu.memory_space<semaphore_mem>>)
      %dma_wait3A_639 = tpu.memref_slice %arg19[%add3A_266] : memref<10240xf32, #tpu.memory_space<vmem_shared>> -> memref<80xf32, #tpu.memory_space<vmem_shared>>
      %dma_wait3A_640 = tpu.memref_slice %arg19[%add3A_266] : memref<10240xf32, #tpu.memory_space<vmem_shared>> -> memref<80xf32, #tpu.memory_space<vmem_shared>>
      tpu.wait_dma2 semaphore(%run_scoped3A : memref<!tpu.dma_semaphore, #tpu.memory_space<semaphore_mem>>) src(%arg17 : memref<80xf32, #tpu.memory_space<vmem>>) dst(%dma_wait3A_640 : memref<80xf32, #tpu.memory_space<vmem_shared>>)
      tpu.yield
    }) : () -> ()
    %add3A_267 = arith.constant 400 : i32
    %add3A_268 = arith.addi %mul3A_240, %add3A_267 : i32
    "tpu.region"() ({
      %run_scoped3A = tpu.sem_alloc : memref<!tpu.dma_semaphore, #tpu.memory_space<semaphore_mem>>
      %dma_start3A_637 = tpu.memref_slice %arg19[%add3A_268] : memref<10240xf32, #tpu.memory_space<vmem_shared>> -> memref<80xf32, #tpu.memory_space<vmem_shared>>
      %dma_start3A_638 = tpu.memref_slice %arg19[%add3A_268] : memref<10240xf32, #tpu.memory_space<vmem_shared>> -> memref<80xf32, #tpu.memory_space<vmem_shared>>
      tpu.enqueue_dma source(%arg17 : memref<80xf32, #tpu.memory_space<vmem>>) target(%dma_start3A_638 : memref<80xf32, #tpu.memory_space<vmem_shared>>) target_semaphore(%run_scoped3A : memref<!tpu.dma_semaphore, #tpu.memory_space<semaphore_mem>>)
      %dma_wait3A_639 = tpu.memref_slice %arg19[%add3A_268] : memref<10240xf32, #tpu.memory_space<vmem_shared>> -> memref<80xf32, #tpu.memory_space<vmem_shared>>
      %dma_wait3A_640 = tpu.memref_slice %arg19[%add3A_268] : memref<10240xf32, #tpu.memory_space<vmem_shared>> -> memref<80xf32, #tpu.memory_space<vmem_shared>>
      tpu.wait_dma2 semaphore(%run_scoped3A : memref<!tpu.dma_semaphore, #tpu.memory_space<semaphore_mem>>) src(%arg17 : memref<80xf32, #tpu.memory_space<vmem>>) dst(%dma_wait3A_640 : memref<80xf32, #tpu.memory_space<vmem_shared>>)
      tpu.yield
    }) : () -> ()
    %add3A_269 = arith.constant 480 : i32
    %add3A_270 = arith.addi %mul3A_240, %add3A_269 : i32
    "tpu.region"() ({
      %run_scoped3A = tpu.sem_alloc : memref<!tpu.dma_semaphore, #tpu.memory_space<semaphore_mem>>
      %dma_start3A_637 = tpu.memref_slice %arg19[%add3A_270] : memref<10240xf32, #tpu.memory_space<vmem_shared>> -> memref<80xf32, #tpu.memory_space<vmem_shared>>
      %dma_start3A_638 = tpu.memref_slice %arg19[%add3A_270] : memref<10240xf32, #tpu.memory_space<vmem_shared>> -> memref<80xf32, #tpu.memory_space<vmem_shared>>
      tpu.enqueue_dma source(%arg17 : memref<80xf32, #tpu.memory_space<vmem>>) target(%dma_start3A_638 : memref<80xf32, #tpu.memory_space<vmem_shared>>) target_semaphore(%run_scoped3A : memref<!tpu.dma_semaphore, #tpu.memory_space<semaphore_mem>>)
      %dma_wait3A_639 = tpu.memref_slice %arg19[%add3A_270] : memref<10240xf32, #tpu.memory_space<vmem_shared>> -> memref<80xf32, #tpu.memory_space<vmem_shared>>
      %dma_wait3A_640 = tpu.memref_slice %arg19[%add3A_270] : memref<10240xf32, #tpu.memory_space<vmem_shared>> -> memref<80xf32, #tpu.memory_space<vmem_shared>>
      tpu.wait_dma2 semaphore(%run_scoped3A : memref<!tpu.dma_semaphore, #tpu.memory_space<semaphore_mem>>) src(%arg17 : memref<80xf32, #tpu.memory_space<vmem>>) dst(%dma_wait3A_640 : memref<80xf32, #tpu.memory_space<vmem_shared>>)
      tpu.yield
    }) : () -> ()
    %add3A_271 = arith.constant 560 : i32
    %add3A_272 = arith.addi %mul3A_240, %add3A_271 : i32
    "tpu.region"() ({
      %run_scoped3A = tpu.sem_alloc : memref<!tpu.dma_semaphore, #tpu.memory_space<semaphore_mem>>
      %dma_start3A_637 = tpu.memref_slice %arg19[%add3A_272] : memref<10240xf32, #tpu.memory_space<vmem_shared>> -> memref<80xf32, #tpu.memory_space<vmem_shared>>
      %dma_start3A_638 = tpu.memref_slice %arg19[%add3A_272] : memref<10240xf32, #tpu.memory_space<vmem_shared>> -> memref<80xf32, #tpu.memory_space<vmem_shared>>
      tpu.enqueue_dma source(%arg17 : memref<80xf32, #tpu.memory_space<vmem>>) target(%dma_start3A_638 : memref<80xf32, #tpu.memory_space<vmem_shared>>) target_semaphore(%run_scoped3A : memref<!tpu.dma_semaphore, #tpu.memory_space<semaphore_mem>>)
      %dma_wait3A_639 = tpu.memref_slice %arg19[%add3A_272] : memref<10240xf32, #tpu.memory_space<vmem_shared>> -> memref<80xf32, #tpu.memory_space<vmem_shared>>
      %dma_wait3A_640 = tpu.memref_slice %arg19[%add3A_272] : memref<10240xf32, #tpu.memory_space<vmem_shared>> -> memref<80xf32, #tpu.memory_space<vmem_shared>>
      tpu.wait_dma2 semaphore(%run_scoped3A : memref<!tpu.dma_semaphore, #tpu.memory_space<semaphore_mem>>) src(%arg17 : memref<80xf32, #tpu.memory_space<vmem>>) dst(%dma_wait3A_640 : memref<80xf32, #tpu.memory_space<vmem_shared>>)
      tpu.yield
    }) : () -> ()
    %barrier3A = arith.constant 0 : index
    tpu.barrier barrier_id(%barrier3A)
    %dma_wait3A = arith.constant 0 : i32
    %dma_wait3A_273 = arith.constant 0 : i32
    %dma_wait3A_274 = tpu.memref_slice %arg2[%dma_wait3A, %dma_wait3A_273] : memref<10000x128xf32, #tpu.memory_space<hbm>> -> memref<10000x128xf32, #tpu.memory_space<hbm>>
    tpu.wait_indirect_dma semaphore(%arg20 : memref<!tpu.dma_semaphore, #tpu.memory_space<semaphore_mem>>) src(%dma_wait3A_274 : memref<10000x128xf32, #tpu.memory_space<hbm>>) dst(%arg13 : memref<80x128xf32, #tpu.memory_space<vmem>>)
    %dma_start3A_275 = arith.constant 0 : i32
    %dma_start3A_276 = arith.constant 0 : i32
    %dma_start3A_277 = tpu.memref_slice %arg18[%dma_start3A_275, %dma_start3A_276] : memref<10240x128xf32, #tpu.memory_space<vmem_shared>> -> memref<10240x128xf32, #tpu.memory_space<vmem_shared>>
    tpu.enqueue_indirect_dma source(%arg13 : memref<80x128xf32, #tpu.memory_space<vmem>>) target(%dma_start3A_277 : memref<10240x128xf32, #tpu.memory_space<vmem_shared>>) offsets(%arg10 : memref<80xi32, #tpu.memory_space<vmem>>) semaphore(%arg23 : memref<!tpu.dma_semaphore, #tpu.memory_space<semaphore_mem>>) {add = true}
    %dma_start3A_278 = arith.constant 0 : i32
    %dma_start3A_279 = tpu.memref_slice %arg19[%dma_start3A_278] : memref<10240xf32, #tpu.memory_space<vmem_shared>> -> memref<10240xf32, #tpu.memory_space<vmem_shared>>
    tpu.enqueue_indirect_dma source(%arg16 : memref<80xf32, #tpu.memory_space<vmem>>) target(%dma_start3A_279 : memref<10240xf32, #tpu.memory_space<vmem_shared>>) offsets(%arg10 : memref<80xi32, #tpu.memory_space<vmem>>) semaphore(%arg26 : memref<!tpu.dma_semaphore, #tpu.memory_space<semaphore_mem>>) {add = true}
    %get3A_280 = arith.constant 2 : i32
    %get3A_281 = arith.index_cast %get3A_280 : i32 to index
    %get3A_282 = arith.constant 0 : index
    %get3A_283 = tpu.vector_load %arg6[%get3A_281, %get3A_282] {strides = array<i32>} : memref<125x80xi32, #tpu.memory_space<vmem>>, vector<1x16xi32>,
    %get3A_284 = vector.shape_cast %get3A_283 : vector<1x16xi32> to vector<16xi32>
    %shift_right_logical3A_285 = arith.constant 14 : i32
    %shift_right_logical3A_286 = vector.broadcast %shift_right_logical3A_285 : i32 to vector<16xi32>
    %shift_right_logical3A_287 = arith.shrui %get3A_284, %shift_right_logical3A_286 : vector<16xi32>
    %swap3A_288 = arith.constant 0 : index
    %swap3A_289 = tpu.vector_load %arg9[%swap3A_288] {strides = array<i32>} : memref<80xi32, #tpu.memory_space<vmem>>, vector<16xi32>,
    %swap3A_290 = vector.shape_cast %swap3A_289 : vector<16xi32> to vector<16xi32>
    %swap3A_291 = vector.shape_cast %shift_right_logical3A_287 : vector<16xi32> to vector<16xi32>
    tpu.vector_store %arg9[%swap3A_288], %swap3A_291 {strides = array<i32>} : memref<80xi32, #tpu.memory_space<vmem>>, vector<16xi32>,
    %and3A_292 = arith.constant 16383 : i32
    %and3A_293 = vector.broadcast %and3A_292 : i32 to vector<16xi32>
    %and3A_294 = arith.andi %get3A_284, %and3A_293 : vector<16xi32>
    %swap3A_295 = arith.constant 0 : index
    %swap3A_296 = tpu.vector_load %arg12[%swap3A_295] {strides = array<i32>} : memref<80xi32, #tpu.memory_space<vmem>>, vector<16xi32>,
    %swap3A_297 = vector.shape_cast %swap3A_296 : vector<16xi32> to vector<16xi32>
    %swap3A_298 = vector.shape_cast %and3A_294 : vector<16xi32> to vector<16xi32>
    tpu.vector_store %arg12[%swap3A_295], %swap3A_298 {strides = array<i32>} : memref<80xi32, #tpu.memory_space<vmem>>, vector<16xi32>,
    %get3A_299 = arith.constant 2 : i32
    %get3A_300 = arith.index_cast %get3A_299 : i32 to index
    %get3A_301 = arith.constant 16 : index
    %get3A_302 = tpu.vector_load %arg6[%get3A_300, %get3A_301] {strides = array<i32>} : memref<125x80xi32, #tpu.memory_space<vmem>>, vector<1x16xi32>,
    %get3A_303 = vector.shape_cast %get3A_302 : vector<1x16xi32> to vector<16xi32>
    %shift_right_logical3A_304 = arith.constant 14 : i32
    %shift_right_logical3A_305 = vector.broadcast %shift_right_logical3A_304 : i32 to vector<16xi32>
    %shift_right_logical3A_306 = arith.shrui %get3A_303, %shift_right_logical3A_305 : vector<16xi32>
    %swap3A_307 = arith.constant 16 : index
    %swap3A_308 = tpu.vector_load %arg9[%swap3A_307] {strides = array<i32>} : memref<80xi32, #tpu.memory_space<vmem>>, vector<16xi32>,
    %swap3A_309 = vector.shape_cast %swap3A_308 : vector<16xi32> to vector<16xi32>
    %swap3A_310 = vector.shape_cast %shift_right_logical3A_306 : vector<16xi32> to vector<16xi32>
    tpu.vector_store %arg9[%swap3A_307], %swap3A_310 {strides = array<i32>} : memref<80xi32, #tpu.memory_space<vmem>>, vector<16xi32>,
    %and3A_311 = arith.constant 16383 : i32
    %and3A_312 = vector.broadcast %and3A_311 : i32 to vector<16xi32>
    %and3A_313 = arith.andi %get3A_303, %and3A_312 : vector<16xi32>
    %swap3A_314 = arith.constant 16 : index
    %swap3A_315 = tpu.vector_load %arg12[%swap3A_314] {strides = array<i32>} : memref<80xi32, #tpu.memory_space<vmem>>, vector<16xi32>,
    %swap3A_316 = vector.shape_cast %swap3A_315 : vector<16xi32> to vector<16xi32>
    %swap3A_317 = vector.shape_cast %and3A_313 : vector<16xi32> to vector<16xi32>
    tpu.vector_store %arg12[%swap3A_314], %swap3A_317 {strides = array<i32>} : memref<80xi32, #tpu.memory_space<vmem>>, vector<16xi32>,
    %get3A_318 = arith.constant 2 : i32
    %get3A_319 = arith.index_cast %get3A_318 : i32 to index
    %get3A_320 = arith.constant 32 : index
    %get3A_321 = tpu.vector_load %arg6[%get3A_319, %get3A_320] {strides = array<i32>} : memref<125x80xi32, #tpu.memory_space<vmem>>, vector<1x16xi32>,
    %get3A_322 = vector.shape_cast %get3A_321 : vector<1x16xi32> to vector<16xi32>
    %shift_right_logical3A_323 = arith.constant 14 : i32
    %shift_right_logical3A_324 = vector.broadcast %shift_right_logical3A_323 : i32 to vector<16xi32>
    %shift_right_logical3A_325 = arith.shrui %get3A_322, %shift_right_logical3A_324 : vector<16xi32>
    %swap3A_326 = arith.constant 32 : index
    %swap3A_327 = tpu.vector_load %arg9[%swap3A_326] {strides = array<i32>} : memref<80xi32, #tpu.memory_space<vmem>>, vector<16xi32>,
    %swap3A_328 = vector.shape_cast %swap3A_327 : vector<16xi32> to vector<16xi32>
    %swap3A_329 = vector.shape_cast %shift_right_logical3A_325 : vector<16xi32> to vector<16xi32>
    tpu.vector_store %arg9[%swap3A_326], %swap3A_329 {strides = array<i32>} : memref<80xi32, #tpu.memory_space<vmem>>, vector<16xi32>,
    %and3A_330 = arith.constant 16383 : i32
    %and3A_331 = vector.broadcast %and3A_330 : i32 to vector<16xi32>
    %and3A_332 = arith.andi %get3A_322, %and3A_331 : vector<16xi32>
    %swap3A_333 = arith.constant 32 : index
    %swap3A_334 = tpu.vector_load %arg12[%swap3A_333] {strides = array<i32>} : memref<80xi32, #tpu.memory_space<vmem>>, vector<16xi32>,
    %swap3A_335 = vector.shape_cast %swap3A_334 : vector<16xi32> to vector<16xi32>
    %swap3A_336 = vector.shape_cast %and3A_332 : vector<16xi32> to vector<16xi32>
    tpu.vector_store %arg12[%swap3A_333], %swap3A_336 {strides = array<i32>} : memref<80xi32, #tpu.memory_space<vmem>>, vector<16xi32>,
    %get3A_337 = arith.constant 2 : i32
    %get3A_338 = arith.index_cast %get3A_337 : i32 to index
    %get3A_339 = arith.constant 48 : index
    %get3A_340 = tpu.vector_load %arg6[%get3A_338, %get3A_339] {strides = array<i32>} : memref<125x80xi32, #tpu.memory_space<vmem>>, vector<1x16xi32>,
    %get3A_341 = vector.shape_cast %get3A_340 : vector<1x16xi32> to vector<16xi32>
    %shift_right_logical3A_342 = arith.constant 14 : i32
    %shift_right_logical3A_343 = vector.broadcast %shift_right_logical3A_342 : i32 to vector<16xi32>
    %shift_right_logical3A_344 = arith.shrui %get3A_341, %shift_right_logical3A_343 : vector<16xi32>
    %swap3A_345 = arith.constant 48 : index
    %swap3A_346 = tpu.vector_load %arg9[%swap3A_345] {strides = array<i32>} : memref<80xi32, #tpu.memory_space<vmem>>, vector<16xi32>,
    %swap3A_347 = vector.shape_cast %swap3A_346 : vector<16xi32> to vector<16xi32>
    %swap3A_348 = vector.shape_cast %shift_right_logical3A_344 : vector<16xi32> to vector<16xi32>
    tpu.vector_store %arg9[%swap3A_345], %swap3A_348 {strides = array<i32>} : memref<80xi32, #tpu.memory_space<vmem>>, vector<16xi32>,
    %and3A_349 = arith.constant 16383 : i32
    %and3A_350 = vector.broadcast %and3A_349 : i32 to vector<16xi32>
    %and3A_351 = arith.andi %get3A_341, %and3A_350 : vector<16xi32>
    %swap3A_352 = arith.constant 48 : index
    %swap3A_353 = tpu.vector_load %arg12[%swap3A_352] {strides = array<i32>} : memref<80xi32, #tpu.memory_space<vmem>>, vector<16xi32>,
    %swap3A_354 = vector.shape_cast %swap3A_353 : vector<16xi32> to vector<16xi32>
    %swap3A_355 = vector.shape_cast %and3A_351 : vector<16xi32> to vector<16xi32>
    tpu.vector_store %arg12[%swap3A_352], %swap3A_355 {strides = array<i32>} : memref<80xi32, #tpu.memory_space<vmem>>, vector<16xi32>,
    %get3A_356 = arith.constant 2 : i32
    %get3A_357 = arith.index_cast %get3A_356 : i32 to index
    %get3A_358 = arith.constant 64 : index
    %get3A_359 = tpu.vector_load %arg6[%get3A_357, %get3A_358] {strides = array<i32>} : memref<125x80xi32, #tpu.memory_space<vmem>>, vector<1x16xi32>,
    %get3A_360 = vector.shape_cast %get3A_359 : vector<1x16xi32> to vector<16xi32>
    %shift_right_logical3A_361 = arith.constant 14 : i32
    %shift_right_logical3A_362 = vector.broadcast %shift_right_logical3A_361 : i32 to vector<16xi32>
    %shift_right_logical3A_363 = arith.shrui %get3A_360, %shift_right_logical3A_362 : vector<16xi32>
    %swap3A_364 = arith.constant 64 : index
    %swap3A_365 = tpu.vector_load %arg9[%swap3A_364] {strides = array<i32>} : memref<80xi32, #tpu.memory_space<vmem>>, vector<16xi32>,
    %swap3A_366 = vector.shape_cast %swap3A_365 : vector<16xi32> to vector<16xi32>
    %swap3A_367 = vector.shape_cast %shift_right_logical3A_363 : vector<16xi32> to vector<16xi32>
    tpu.vector_store %arg9[%swap3A_364], %swap3A_367 {strides = array<i32>} : memref<80xi32, #tpu.memory_space<vmem>>, vector<16xi32>,
    %and3A_368 = arith.constant 16383 : i32
    %and3A_369 = vector.broadcast %and3A_368 : i32 to vector<16xi32>
    %and3A_370 = arith.andi %get3A_360, %and3A_369 : vector<16xi32>
    %swap3A_371 = arith.constant 64 : index
    %swap3A_372 = tpu.vector_load %arg12[%swap3A_371] {strides = array<i32>} : memref<80xi32, #tpu.memory_space<vmem>>, vector<16xi32>,
    %swap3A_373 = vector.shape_cast %swap3A_372 : vector<16xi32> to vector<16xi32>
    %swap3A_374 = vector.shape_cast %and3A_370 : vector<16xi32> to vector<16xi32>
    tpu.vector_store %arg12[%swap3A_371], %swap3A_374 {strides = array<i32>} : memref<80xi32, #tpu.memory_space<vmem>>, vector<16xi32>,
    %dma_start3A_375 = arith.constant 0 : i32
    %dma_start3A_376 = arith.constant 0 : i32
    %dma_start3A_377 = tpu.memref_slice %arg2[%dma_start3A_375, %dma_start3A_376] : memref<10000x128xf32, #tpu.memory_space<hbm>> -> memref<10000x128xf32, #tpu.memory_space<hbm>>
    tpu.enqueue_indirect_dma source(%dma_start3A_377 : memref<10000x128xf32, #tpu.memory_space<hbm>>) target(%arg15 : memref<80x128xf32, #tpu.memory_space<vmem>>) offsets(%arg9 : memref<80xi32, #tpu.memory_space<vmem>>) semaphore(%arg22 : memref<!tpu.dma_semaphore, #tpu.memory_space<semaphore_mem>>)
    %dma_wait3A_378 = arith.constant 0 : i32
    %dma_wait3A_379 = arith.constant 0 : i32
    %dma_wait3A_380 = tpu.memref_slice %arg2[%dma_wait3A_378, %dma_wait3A_379] : memref<10000x128xf32, #tpu.memory_space<hbm>> -> memref<10000x128xf32, #tpu.memory_space<hbm>>
    tpu.wait_indirect_dma semaphore(%arg21 : memref<!tpu.dma_semaphore, #tpu.memory_space<semaphore_mem>>) src(%dma_wait3A_380 : memref<10000x128xf32, #tpu.memory_space<hbm>>) dst(%arg14 : memref<80x128xf32, #tpu.memory_space<vmem>>)
    %dma_start3A_381 = arith.constant 0 : i32
    %dma_start3A_382 = arith.constant 0 : i32
    %dma_start3A_383 = tpu.memref_slice %arg18[%dma_start3A_381, %dma_start3A_382] : memref<10240x128xf32, #tpu.memory_space<vmem_shared>> -> memref<10240x128xf32, #tpu.memory_space<vmem_shared>>
    tpu.enqueue_indirect_dma source(%arg14 : memref<80x128xf32, #tpu.memory_space<vmem>>) target(%dma_start3A_383 : memref<10240x128xf32, #tpu.memory_space<vmem_shared>>) offsets(%arg11 : memref<80xi32, #tpu.memory_space<vmem>>) semaphore(%arg24 : memref<!tpu.dma_semaphore, #tpu.memory_space<semaphore_mem>>) {add = true}
    %dma_start3A_384 = arith.constant 0 : i32
    %dma_start3A_385 = tpu.memref_slice %arg19[%dma_start3A_384] : memref<10240xf32, #tpu.memory_space<vmem_shared>> -> memref<10240xf32, #tpu.memory_space<vmem_shared>>
    tpu.enqueue_indirect_dma source(%arg16 : memref<80xf32, #tpu.memory_space<vmem>>) target(%dma_start3A_385 : memref<10240xf32, #tpu.memory_space<vmem_shared>>) offsets(%arg11 : memref<80xi32, #tpu.memory_space<vmem>>) semaphore(%arg26 : memref<!tpu.dma_semaphore, #tpu.memory_space<semaphore_mem>>) {add = true}
    %dma_wait3A_386 = arith.constant 0 : i32
    %dma_wait3A_387 = arith.constant 0 : i32
    %dma_wait3A_388 = tpu.memref_slice %arg18[%dma_wait3A_386, %dma_wait3A_387] : memref<10240x128xf32, #tpu.memory_space<vmem_shared>> -> memref<10240x128xf32, #tpu.memory_space<vmem_shared>>
    tpu.wait_indirect_dma semaphore(%arg23 : memref<!tpu.dma_semaphore, #tpu.memory_space<semaphore_mem>>) src(%arg13 : memref<80x128xf32, #tpu.memory_space<vmem>>) dst(%dma_wait3A_388 : memref<10240x128xf32, #tpu.memory_space<vmem_shared>>)
    %dma_wait3A_389 = arith.constant 0 : i32
    %dma_wait3A_390 = tpu.memref_slice %arg19[%dma_wait3A_389] : memref<10240xf32, #tpu.memory_space<vmem_shared>> -> memref<10240xf32, #tpu.memory_space<vmem_shared>>
    tpu.wait_indirect_dma semaphore(%arg26 : memref<!tpu.dma_semaphore, #tpu.memory_space<semaphore_mem>>) src(%arg16 : memref<80xf32, #tpu.memory_space<vmem>>) dst(%dma_wait3A_390 : memref<10240xf32, #tpu.memory_space<vmem_shared>>)
    %get3A_391 = arith.constant 3 : i32
    %get3A_392 = arith.index_cast %get3A_391 : i32 to index
    %get3A_393 = arith.constant 0 : index
    %get3A_394 = tpu.vector_load %arg6[%get3A_392, %get3A_393] {strides = array<i32>} : memref<125x80xi32, #tpu.memory_space<vmem>>, vector<1x16xi32>,
    %get3A_395 = vector.shape_cast %get3A_394 : vector<1x16xi32> to vector<16xi32>
    %shift_right_logical3A_396 = arith.constant 14 : i32
    %shift_right_logical3A_397 = vector.broadcast %shift_right_logical3A_396 : i32 to vector<16xi32>
    %shift_right_logical3A_398 = arith.shrui %get3A_395, %shift_right_logical3A_397 : vector<16xi32>
    %swap3A_399 = arith.constant 0 : index
    %swap3A_400 = tpu.vector_load %arg7[%swap3A_399] {strides = array<i32>} : memref<80xi32, #tpu.memory_space<vmem>>, vector<16xi32>,
    %swap3A_401 = vector.shape_cast %swap3A_400 : vector<16xi32> to vector<16xi32>
    %swap3A_402 = vector.shape_cast %shift_right_logical3A_398 : vector<16xi32> to vector<16xi32>
    tpu.vector_store %arg7[%swap3A_399], %swap3A_402 {strides = array<i32>} : memref<80xi32, #tpu.memory_space<vmem>>, vector<16xi32>,
    %and3A_403 = arith.constant 16383 : i32
    %and3A_404 = vector.broadcast %and3A_403 : i32 to vector<16xi32>
    %and3A_405 = arith.andi %get3A_395, %and3A_404 : vector<16xi32>
    %swap3A_406 = arith.constant 0 : index
    %swap3A_407 = tpu.vector_load %arg10[%swap3A_406] {strides = array<i32>} : memref<80xi32, #tpu.memory_space<vmem>>, vector<16xi32>,
    %swap3A_408 = vector.shape_cast %swap3A_407 : vector<16xi32> to vector<16xi32>
    %swap3A_409 = vector.shape_cast %and3A_405 : vector<16xi32> to vector<16xi32>
    tpu.vector_store %arg10[%swap3A_406], %swap3A_409 {strides = array<i32>} : memref<80xi32, #tpu.memory_space<vmem>>, vector<16xi32>,
    %get3A_410 = arith.constant 3 : i32
    %get3A_411 = arith.index_cast %get3A_410 : i32 to index
    %get3A_412 = arith.constant 16 : index
    %get3A_413 = tpu.vector_load %arg6[%get3A_411, %get3A_412] {strides = array<i32>} : memref<125x80xi32, #tpu.memory_space<vmem>>, vector<1x16xi32>,
    %get3A_414 = vector.shape_cast %get3A_413 : vector<1x16xi32> to vector<16xi32>
    %shift_right_logical3A_415 = arith.constant 14 : i32
    %shift_right_logical3A_416 = vector.broadcast %shift_right_logical3A_415 : i32 to vector<16xi32>
    %shift_right_logical3A_417 = arith.shrui %get3A_414, %shift_right_logical3A_416 : vector<16xi32>
    %swap3A_418 = arith.constant 16 : index
    %swap3A_419 = tpu.vector_load %arg7[%swap3A_418] {strides = array<i32>} : memref<80xi32, #tpu.memory_space<vmem>>, vector<16xi32>,
    %swap3A_420 = vector.shape_cast %swap3A_419 : vector<16xi32> to vector<16xi32>
    %swap3A_421 = vector.shape_cast %shift_right_logical3A_417 : vector<16xi32> to vector<16xi32>
    tpu.vector_store %arg7[%swap3A_418], %swap3A_421 {strides = array<i32>} : memref<80xi32, #tpu.memory_space<vmem>>, vector<16xi32>,
    %and3A_422 = arith.constant 16383 : i32
    %and3A_423 = vector.broadcast %and3A_422 : i32 to vector<16xi32>
    %and3A_424 = arith.andi %get3A_414, %and3A_423 : vector<16xi32>
    %swap3A_425 = arith.constant 16 : index
    %swap3A_426 = tpu.vector_load %arg10[%swap3A_425] {strides = array<i32>} : memref<80xi32, #tpu.memory_space<vmem>>, vector<16xi32>,
    %swap3A_427 = vector.shape_cast %swap3A_426 : vector<16xi32> to vector<16xi32>
    %swap3A_428 = vector.shape_cast %and3A_424 : vector<16xi32> to vector<16xi32>
    tpu.vector_store %arg10[%swap3A_425], %swap3A_428 {strides = array<i32>} : memref<80xi32, #tpu.memory_space<vmem>>, vector<16xi32>,
    %get3A_429 = arith.constant 3 : i32
    %get3A_430 = arith.index_cast %get3A_429 : i32 to index
    %get3A_431 = arith.constant 32 : index
    %get3A_432 = tpu.vector_load %arg6[%get3A_430, %get3A_431] {strides = array<i32>} : memref<125x80xi32, #tpu.memory_space<vmem>>, vector<1x16xi32>,
    %get3A_433 = vector.shape_cast %get3A_432 : vector<1x16xi32> to vector<16xi32>
    %shift_right_logical3A_434 = arith.constant 14 : i32
    %shift_right_logical3A_435 = vector.broadcast %shift_right_logical3A_434 : i32 to vector<16xi32>
    %shift_right_logical3A_436 = arith.shrui %get3A_433, %shift_right_logical3A_435 : vector<16xi32>
    %swap3A_437 = arith.constant 32 : index
    %swap3A_438 = tpu.vector_load %arg7[%swap3A_437] {strides = array<i32>} : memref<80xi32, #tpu.memory_space<vmem>>, vector<16xi32>,
    %swap3A_439 = vector.shape_cast %swap3A_438 : vector<16xi32> to vector<16xi32>
    %swap3A_440 = vector.shape_cast %shift_right_logical3A_436 : vector<16xi32> to vector<16xi32>
    tpu.vector_store %arg7[%swap3A_437], %swap3A_440 {strides = array<i32>} : memref<80xi32, #tpu.memory_space<vmem>>, vector<16xi32>,
    %and3A_441 = arith.constant 16383 : i32
    %and3A_442 = vector.broadcast %and3A_441 : i32 to vector<16xi32>
    %and3A_443 = arith.andi %get3A_433, %and3A_442 : vector<16xi32>
    %swap3A_444 = arith.constant 32 : index
    %swap3A_445 = tpu.vector_load %arg10[%swap3A_444] {strides = array<i32>} : memref<80xi32, #tpu.memory_space<vmem>>, vector<16xi32>,
    %swap3A_446 = vector.shape_cast %swap3A_445 : vector<16xi32> to vector<16xi32>
    %swap3A_447 = vector.shape_cast %and3A_443 : vector<16xi32> to vector<16xi32>
    tpu.vector_store %arg10[%swap3A_444], %swap3A_447 {strides = array<i32>} : memref<80xi32, #tpu.memory_space<vmem>>, vector<16xi32>,
    %get3A_448 = arith.constant 3 : i32
    %get3A_449 = arith.index_cast %get3A_448 : i32 to index
    %get3A_450 = arith.constant 48 : index
    %get3A_451 = tpu.vector_load %arg6[%get3A_449, %get3A_450] {strides = array<i32>} : memref<125x80xi32, #tpu.memory_space<vmem>>, vector<1x16xi32>,
    %get3A_452 = vector.shape_cast %get3A_451 : vector<1x16xi32> to vector<16xi32>
    %shift_right_logical3A_453 = arith.constant 14 : i32
    %shift_right_logical3A_454 = vector.broadcast %shift_right_logical3A_453 : i32 to vector<16xi32>
    %shift_right_logical3A_455 = arith.shrui %get3A_452, %shift_right_logical3A_454 : vector<16xi32>
    %swap3A_456 = arith.constant 48 : index
    %swap3A_457 = tpu.vector_load %arg7[%swap3A_456] {strides = array<i32>} : memref<80xi32, #tpu.memory_space<vmem>>, vector<16xi32>,
    %swap3A_458 = vector.shape_cast %swap3A_457 : vector<16xi32> to vector<16xi32>
    %swap3A_459 = vector.shape_cast %shift_right_logical3A_455 : vector<16xi32> to vector<16xi32>
    tpu.vector_store %arg7[%swap3A_456], %swap3A_459 {strides = array<i32>} : memref<80xi32, #tpu.memory_space<vmem>>, vector<16xi32>,
    %and3A_460 = arith.constant 16383 : i32
    %and3A_461 = vector.broadcast %and3A_460 : i32 to vector<16xi32>
    %and3A_462 = arith.andi %get3A_452, %and3A_461 : vector<16xi32>
    %swap3A_463 = arith.constant 48 : index
    %swap3A_464 = tpu.vector_load %arg10[%swap3A_463] {strides = array<i32>} : memref<80xi32, #tpu.memory_space<vmem>>, vector<16xi32>,
    %swap3A_465 = vector.shape_cast %swap3A_464 : vector<16xi32> to vector<16xi32>
    %swap3A_466 = vector.shape_cast %and3A_462 : vector<16xi32> to vector<16xi32>
    tpu.vector_store %arg10[%swap3A_463], %swap3A_466 {strides = array<i32>} : memref<80xi32, #tpu.memory_space<vmem>>, vector<16xi32>,
    %get3A_467 = arith.constant 3 : i32
    %get3A_468 = arith.index_cast %get3A_467 : i32 to index
    %get3A_469 = arith.constant 64 : index
    %get3A_470 = tpu.vector_load %arg6[%get3A_468, %get3A_469] {strides = array<i32>} : memref<125x80xi32, #tpu.memory_space<vmem>>, vector<1x16xi32>,
    %get3A_471 = vector.shape_cast %get3A_470 : vector<1x16xi32> to vector<16xi32>
    %shift_right_logical3A_472 = arith.constant 14 : i32
    %shift_right_logical3A_473 = vector.broadcast %shift_right_logical3A_472 : i32 to vector<16xi32>
    %shift_right_logical3A_474 = arith.shrui %get3A_471, %shift_right_logical3A_473 : vector<16xi32>
    %swap3A_475 = arith.constant 64 : index
    %swap3A_476 = tpu.vector_load %arg7[%swap3A_475] {strides = array<i32>} : memref<80xi32, #tpu.memory_space<vmem>>, vector<16xi32>,
    %swap3A_477 = vector.shape_cast %swap3A_476 : vector<16xi32> to vector<16xi32>
    %swap3A_478 = vector.shape_cast %shift_right_logical3A_474 : vector<16xi32> to vector<16xi32>
    tpu.vector_store %arg7[%swap3A_475], %swap3A_478 {strides = array<i32>} : memref<80xi32, #tpu.memory_space<vmem>>, vector<16xi32>,
    %and3A_479 = arith.constant 16383 : i32
    %and3A_480 = vector.broadcast %and3A_479 : i32 to vector<16xi32>
    %and3A_481 = arith.andi %get3A_471, %and3A_480 : vector<16xi32>
    %swap3A_482 = arith.constant 64 : index
    %swap3A_483 = tpu.vector_load %arg10[%swap3A_482] {strides = array<i32>} : memref<80xi32, #tpu.memory_space<vmem>>, vector<16xi32>,
    %swap3A_484 = vector.shape_cast %swap3A_483 : vector<16xi32> to vector<16xi32>
    %swap3A_485 = vector.shape_cast %and3A_481 : vector<16xi32> to vector<16xi32>
    tpu.vector_store %arg10[%swap3A_482], %swap3A_485 {strides = array<i32>} : memref<80xi32, #tpu.memory_space<vmem>>, vector<16xi32>,
    %dma_start3A_486 = arith.constant 0 : i32
    %dma_start3A_487 = arith.constant 0 : i32
    %dma_start3A_488 = tpu.memref_slice %arg2[%dma_start3A_486, %dma_start3A_487] : memref<10000x128xf32, #tpu.memory_space<hbm>> -> memref<10000x128xf32, #tpu.memory_space<hbm>>
    tpu.enqueue_indirect_dma source(%dma_start3A_488 : memref<10000x128xf32, #tpu.memory_space<hbm>>) target(%arg13 : memref<80x128xf32, #tpu.memory_space<vmem>>) offsets(%arg7 : memref<80xi32, #tpu.memory_space<vmem>>) semaphore(%arg20 : memref<!tpu.dma_semaphore, #tpu.memory_space<semaphore_mem>>)
    %dma_wait3A_489 = arith.constant 0 : i32
    %dma_wait3A_490 = arith.constant 0 : i32
    %dma_wait3A_491 = tpu.memref_slice %arg2[%dma_wait3A_489, %dma_wait3A_490] : memref<10000x128xf32, #tpu.memory_space<hbm>> -> memref<10000x128xf32, #tpu.memory_space<hbm>>
    tpu.wait_indirect_dma semaphore(%arg22 : memref<!tpu.dma_semaphore, #tpu.memory_space<semaphore_mem>>) src(%dma_wait3A_491 : memref<10000x128xf32, #tpu.memory_space<hbm>>) dst(%arg15 : memref<80x128xf32, #tpu.memory_space<vmem>>)
    %dma_start3A_492 = arith.constant 0 : i32
    %dma_start3A_493 = arith.constant 0 : i32
    %dma_start3A_494 = tpu.memref_slice %arg18[%dma_start3A_492, %dma_start3A_493] : memref<10240x128xf32, #tpu.memory_space<vmem_shared>> -> memref<10240x128xf32, #tpu.memory_space<vmem_shared>>
    tpu.enqueue_indirect_dma source(%arg15 : memref<80x128xf32, #tpu.memory_space<vmem>>) target(%dma_start3A_494 : memref<10240x128xf32, #tpu.memory_space<vmem_shared>>) offsets(%arg12 : memref<80xi32, #tpu.memory_space<vmem>>) semaphore(%arg25 : memref<!tpu.dma_semaphore, #tpu.memory_space<semaphore_mem>>) {add = true}
    %dma_start3A_495 = arith.constant 0 : i32
    %dma_start3A_496 = tpu.memref_slice %arg19[%dma_start3A_495] : memref<10240xf32, #tpu.memory_space<vmem_shared>> -> memref<10240xf32, #tpu.memory_space<vmem_shared>>
    tpu.enqueue_indirect_dma source(%arg16 : memref<80xf32, #tpu.memory_space<vmem>>) target(%dma_start3A_496 : memref<10240xf32, #tpu.memory_space<vmem_shared>>) offsets(%arg12 : memref<80xi32, #tpu.memory_space<vmem>>) semaphore(%arg26 : memref<!tpu.dma_semaphore, #tpu.memory_space<semaphore_mem>>) {add = true}
    %dma_wait3A_497 = arith.constant 0 : i32
    %dma_wait3A_498 = arith.constant 0 : i32
    %dma_wait3A_499 = tpu.memref_slice %arg18[%dma_wait3A_497, %dma_wait3A_498] : memref<10240x128xf32, #tpu.memory_space<vmem_shared>> -> memref<10240x128xf32, #tpu.memory_space<vmem_shared>>
    tpu.wait_indirect_dma semaphore(%arg24 : memref<!tpu.dma_semaphore, #tpu.memory_space<semaphore_mem>>) src(%arg14 : memref<80x128xf32, #tpu.memory_space<vmem>>) dst(%dma_wait3A_499 : memref<10240x128xf32, #tpu.memory_space<vmem_shared>>)
    %dma_wait3A_500 = arith.constant 0 : i32
    %dma_wait3A_501 = tpu.memref_slice %arg19[%dma_wait3A_500] : memref<10240xf32, #tpu.memory_space<vmem_shared>> -> memref<10240xf32, #tpu.memory_space<vmem_shared>>
    tpu.wait_indirect_dma semaphore(%arg26 : memref<!tpu.dma_semaphore, #tpu.memory_space<semaphore_mem>>) src(%arg16 : memref<80xf32, #tpu.memory_space<vmem>>) dst(%dma_wait3A_501 : memref<10240xf32, #tpu.memory_space<vmem_shared>>)
    %get3A_502 = arith.constant 4 : i32
    %get3A_503 = arith.index_cast %get3A_502 : i32 to index
    %get3A_504 = arith.constant 0 : index
    %get3A_505 = tpu.vector_load %arg6[%get3A_503, %get3A_504] {strides = array<i32>} : memref<125x80xi32, #tpu.memory_space<vmem>>, vector<1x16xi32>,
    %get3A_506 = vector.shape_cast %get3A_505 : vector<1x16xi32> to vector<16xi32>
    %shift_right_logical3A_507 = arith.constant 14 : i32
    %shift_right_logical3A_508 = vector.broadcast %shift_right_logical3A_507 : i32 to vector<16xi32>
    %shift_right_logical3A_509 = arith.shrui %get3A_506, %shift_right_logical3A_508 : vector<16xi32>
    %swap3A_510 = arith.constant 0 : index
    %swap3A_511 = tpu.vector_load %arg8[%swap3A_510] {strides = array<i32>} : memref<80xi32, #tpu.memory_space<vmem>>, vector<16xi32>,
    %swap3A_512 = vector.shape_cast %swap3A_511 : vector<16xi32> to vector<16xi32>
    %swap3A_513 = vector.shape_cast %shift_right_logical3A_509 : vector<16xi32> to vector<16xi32>
    tpu.vector_store %arg8[%swap3A_510], %swap3A_513 {strides = array<i32>} : memref<80xi32, #tpu.memory_space<vmem>>, vector<16xi32>,
    %and3A_514 = arith.constant 16383 : i32
    %and3A_515 = vector.broadcast %and3A_514 : i32 to vector<16xi32>
    %and3A_516 = arith.andi %get3A_506, %and3A_515 : vector<16xi32>
    %swap3A_517 = arith.constant 0 : index
    %swap3A_518 = tpu.vector_load %arg11[%swap3A_517] {strides = array<i32>} : memref<80xi32, #tpu.memory_space<vmem>>, vector<16xi32>,
    %swap3A_519 = vector.shape_cast %swap3A_518 : vector<16xi32> to vector<16xi32>
    %swap3A_520 = vector.shape_cast %and3A_516 : vector<16xi32> to vector<16xi32>
    tpu.vector_store %arg11[%swap3A_517], %swap3A_520 {strides = array<i32>} : memref<80xi32, #tpu.memory_space<vmem>>, vector<16xi32>,
    %get3A_521 = arith.constant 4 : i32
    %get3A_522 = arith.index_cast %get3A_521 : i32 to index
    %get3A_523 = arith.constant 16 : index
    %get3A_524 = tpu.vector_load %arg6[%get3A_522, %get3A_523] {strides = array<i32>} : memref<125x80xi32, #tpu.memory_space<vmem>>, vector<1x16xi32>,
    %get3A_525 = vector.shape_cast %get3A_524 : vector<1x16xi32> to vector<16xi32>
    %shift_right_logical3A_526 = arith.constant 14 : i32
    %shift_right_logical3A_527 = vector.broadcast %shift_right_logical3A_526 : i32 to vector<16xi32>
    %shift_right_logical3A_528 = arith.shrui %get3A_525, %shift_right_logical3A_527 : vector<16xi32>
    %swap3A_529 = arith.constant 16 : index
    %swap3A_530 = tpu.vector_load %arg8[%swap3A_529] {strides = array<i32>} : memref<80xi32, #tpu.memory_space<vmem>>, vector<16xi32>,
    %swap3A_531 = vector.shape_cast %swap3A_530 : vector<16xi32> to vector<16xi32>
    %swap3A_532 = vector.shape_cast %shift_right_logical3A_528 : vector<16xi32> to vector<16xi32>
    tpu.vector_store %arg8[%swap3A_529], %swap3A_532 {strides = array<i32>} : memref<80xi32, #tpu.memory_space<vmem>>, vector<16xi32>,
    %and3A_533 = arith.constant 16383 : i32
    %and3A_534 = vector.broadcast %and3A_533 : i32 to vector<16xi32>
    %and3A_535 = arith.andi %get3A_525, %and3A_534 : vector<16xi32>
    %swap3A_536 = arith.constant 16 : index
    %swap3A_537 = tpu.vector_load %arg11[%swap3A_536] {strides = array<i32>} : memref<80xi32, #tpu.memory_space<vmem>>, vector<16xi32>,
    %swap3A_538 = vector.shape_cast %swap3A_537 : vector<16xi32> to vector<16xi32>
    %swap3A_539 = vector.shape_cast %and3A_535 : vector<16xi32> to vector<16xi32>
    tpu.vector_store %arg11[%swap3A_536], %swap3A_539 {strides = array<i32>} : memref<80xi32, #tpu.memory_space<vmem>>, vector<16xi32>,
    %get3A_540 = arith.constant 4 : i32
    %get3A_541 = arith.index_cast %get3A_540 : i32 to index
    %get3A_542 = arith.constant 32 : index
    %get3A_543 = tpu.vector_load %arg6[%get3A_541, %get3A_542] {strides = array<i32>} : memref<125x80xi32, #tpu.memory_space<vmem>>, vector<1x16xi32>,
    %get3A_544 = vector.shape_cast %get3A_543 : vector<1x16xi32> to vector<16xi32>
    %shift_right_logical3A_545 = arith.constant 14 : i32
    %shift_right_logical3A_546 = vector.broadcast %shift_right_logical3A_545 : i32 to vector<16xi32>
    %shift_right_logical3A_547 = arith.shrui %get3A_544, %shift_right_logical3A_546 : vector<16xi32>
    %swap3A_548 = arith.constant 32 : index
    %swap3A_549 = tpu.vector_load %arg8[%swap3A_548] {strides = array<i32>} : memref<80xi32, #tpu.memory_space<vmem>>, vector<16xi32>,
    %swap3A_550 = vector.shape_cast %swap3A_549 : vector<16xi32> to vector<16xi32>
    %swap3A_551 = vector.shape_cast %shift_right_logical3A_547 : vector<16xi32> to vector<16xi32>
    tpu.vector_store %arg8[%swap3A_548], %swap3A_551 {strides = array<i32>} : memref<80xi32, #tpu.memory_space<vmem>>, vector<16xi32>,
    %and3A_552 = arith.constant 16383 : i32
    %and3A_553 = vector.broadcast %and3A_552 : i32 to vector<16xi32>
    %and3A_554 = arith.andi %get3A_544, %and3A_553 : vector<16xi32>
    %swap3A_555 = arith.constant 32 : index
    %swap3A_556 = tpu.vector_load %arg11[%swap3A_555] {strides = array<i32>} : memref<80xi32, #tpu.memory_space<vmem>>, vector<16xi32>,
    %swap3A_557 = vector.shape_cast %swap3A_556 : vector<16xi32> to vector<16xi32>
    %swap3A_558 = vector.shape_cast %and3A_554 : vector<16xi32> to vector<16xi32>
    tpu.vector_store %arg11[%swap3A_555], %swap3A_558 {strides = array<i32>} : memref<80xi32, #tpu.memory_space<vmem>>, vector<16xi32>,
    %get3A_559 = arith.constant 4 : i32
    %get3A_560 = arith.index_cast %get3A_559 : i32 to index
    %get3A_561 = arith.constant 48 : index
    %get3A_562 = tpu.vector_load %arg6[%get3A_560, %get3A_561] {strides = array<i32>} : memref<125x80xi32, #tpu.memory_space<vmem>>, vector<1x16xi32>,
    %get3A_563 = vector.shape_cast %get3A_562 : vector<1x16xi32> to vector<16xi32>
    %shift_right_logical3A_564 = arith.constant 14 : i32
    %shift_right_logical3A_565 = vector.broadcast %shift_right_logical3A_564 : i32 to vector<16xi32>
    %shift_right_logical3A_566 = arith.shrui %get3A_563, %shift_right_logical3A_565 : vector<16xi32>
    %swap3A_567 = arith.constant 48 : index
    %swap3A_568 = tpu.vector_load %arg8[%swap3A_567] {strides = array<i32>} : memref<80xi32, #tpu.memory_space<vmem>>, vector<16xi32>,
    %swap3A_569 = vector.shape_cast %swap3A_568 : vector<16xi32> to vector<16xi32>
    %swap3A_570 = vector.shape_cast %shift_right_logical3A_566 : vector<16xi32> to vector<16xi32>
    tpu.vector_store %arg8[%swap3A_567], %swap3A_570 {strides = array<i32>} : memref<80xi32, #tpu.memory_space<vmem>>, vector<16xi32>,
    %and3A_571 = arith.constant 16383 : i32
    %and3A_572 = vector.broadcast %and3A_571 : i32 to vector<16xi32>
    %and3A_573 = arith.andi %get3A_563, %and3A_572 : vector<16xi32>
    %swap3A_574 = arith.constant 48 : index
    %swap3A_575 = tpu.vector_load %arg11[%swap3A_574] {strides = array<i32>} : memref<80xi32, #tpu.memory_space<vmem>>, vector<16xi32>,
    %swap3A_576 = vector.shape_cast %swap3A_575 : vector<16xi32> to vector<16xi32>
    %swap3A_577 = vector.shape_cast %and3A_573 : vector<16xi32> to vector<16xi32>
    tpu.vector_store %arg11[%swap3A_574], %swap3A_577 {strides = array<i32>} : memref<80xi32, #tpu.memory_space<vmem>>, vector<16xi32>,
    %get3A_578 = arith.constant 4 : i32
    %get3A_579 = arith.index_cast %get3A_578 : i32 to index
    %get3A_580 = arith.constant 64 : index
    %get3A_581 = tpu.vector_load %arg6[%get3A_579, %get3A_580] {strides = array<i32>} : memref<125x80xi32, #tpu.memory_space<vmem>>, vector<1x16xi32>,
    %get3A_582 = vector.shape_cast %get3A_581 : vector<1x16xi32> to vector<16xi32>
    %shift_right_logical3A_583 = arith.constant 14 : i32
    %shift_right_logical3A_584 = vector.broadcast %shift_right_logical3A_583 : i32 to vector<16xi32>
    %shift_right_logical3A_585 = arith.shrui %get3A_582, %shift_right_logical3A_584 : vector<16xi32>
    %swap3A_586 = arith.constant 64 : index
    %swap3A_587 = tpu.vector_load %arg8[%swap3A_586] {strides = array<i32>} : memref<80xi32, #tpu.memory_space<vmem>>, vector<16xi32>,
    %swap3A_588 = vector.shape_cast %swap3A_587 : vector<16xi32> to vector<16xi32>
    %swap3A_589 = vector.shape_cast %shift_right_logical3A_585 : vector<16xi32> to vector<16xi32>
    tpu.vector_store %arg8[%swap3A_586], %swap3A_589 {strides = array<i32>} : memref<80xi32, #tpu.memory_space<vmem>>, vector<16xi32>,
    %and3A_590 = arith.constant 16383 : i32
    %and3A_591 = vector.broadcast %and3A_590 : i32 to vector<16xi32>
    %and3A_592 = arith.andi %get3A_582, %and3A_591 : vector<16xi32>
    %swap3A_593 = arith.constant 64 : index
    %swap3A_594 = tpu.vector_load %arg11[%swap3A_593] {strides = array<i32>} : memref<80xi32, #tpu.memory_space<vmem>>, vector<16xi32>,
    %swap3A_595 = vector.shape_cast %swap3A_594 : vector<16xi32> to vector<16xi32>
    %swap3A_596 = vector.shape_cast %and3A_592 : vector<16xi32> to vector<16xi32>
    tpu.vector_store %arg11[%swap3A_593], %swap3A_596 {strides = array<i32>} : memref<80xi32, #tpu.memory_space<vmem>>, vector<16xi32>,
    %dma_start3A_597 = arith.constant 0 : i32
    %dma_start3A_598 = arith.constant 0 : i32
    %dma_start3A_599 = tpu.memref_slice %arg2[%dma_start3A_597, %dma_start3A_598] : memref<10000x128xf32, #tpu.memory_space<hbm>> -> memref<10000x128xf32, #tpu.memory_space<hbm>>
    tpu.enqueue_indirect_dma source(%dma_start3A_599 : memref<10000x128xf32, #tpu.memory_space<hbm>>) target(%arg14 : memref<80x128xf32, #tpu.memory_space<vmem>>) offsets(%arg8 : memref<80xi32, #tpu.memory_space<vmem>>) semaphore(%arg21 : memref<!tpu.dma_semaphore, #tpu.memory_space<semaphore_mem>>)
    %scan3A_600 = arith.constant 0 : i32
    %scan3A_601 = arith.constant 40 : i32
    %scan3A_602 = arith.addi %scan3A_600, %scan3A_601 : i32
    %scan3A_603 = arith.constant 1 : i32
    scf.for %scan3A_637 = %scan3A_600 to %scan3A_602 step %scan3A_603  : i32 {
      %mul3A_638 = arith.constant 1 : i32
      %mul3A_639 = arith.muli %scan3A_637, %mul3A_638 : i32
      %add3A_640 = arith.constant 0 : i32
      %add3A_641 = arith.addi %add3A_640, %mul3A_639 : i32
      %mul3A_642 = arith.constant 3 : i32
      %mul3A_643 = arith.muli %mul3A_642, %add3A_641 : i32
      %add3A_644 = arith.constant 3 : i32
      %add3A_645 = arith.addi %mul3A_643, %add3A_644 : i32
      %dma_wait3A_646 = arith.constant 0 : i32
      %dma_wait3A_647 = arith.constant 0 : i32
      %dma_wait3A_648 = tpu.memref_slice %arg2[%dma_wait3A_646, %dma_wait3A_647] : memref<10000x128xf32, #tpu.memory_space<hbm>> -> memref<10000x128xf32, #tpu.memory_space<hbm>>
      tpu.wait_indirect_dma semaphore(%arg20 : memref<!tpu.dma_semaphore, #tpu.memory_space<semaphore_mem>>) src(%dma_wait3A_648 : memref<10000x128xf32, #tpu.memory_space<hbm>>) dst(%arg13 : memref<80x128xf32, #tpu.memory_space<vmem>>)
      %dma_start3A_649 = arith.constant 0 : i32
      %dma_start3A_650 = arith.constant 0 : i32
      %dma_start3A_651 = tpu.memref_slice %arg18[%dma_start3A_649, %dma_start3A_650] : memref<10240x128xf32, #tpu.memory_space<vmem_shared>> -> memref<10240x128xf32, #tpu.memory_space<vmem_shared>>
      tpu.enqueue_indirect_dma source(%arg13 : memref<80x128xf32, #tpu.memory_space<vmem>>) target(%dma_start3A_651 : memref<10240x128xf32, #tpu.memory_space<vmem_shared>>) offsets(%arg10 : memref<80xi32, #tpu.memory_space<vmem>>) semaphore(%arg23 : memref<!tpu.dma_semaphore, #tpu.memory_space<semaphore_mem>>) {add = true}
      %dma_start3A_652 = arith.constant 0 : i32
      %dma_start3A_653 = tpu.memref_slice %arg19[%dma_start3A_652] : memref<10240xf32, #tpu.memory_space<vmem_shared>> -> memref<10240xf32, #tpu.memory_space<vmem_shared>>
      tpu.enqueue_indirect_dma source(%arg16 : memref<80xf32, #tpu.memory_space<vmem>>) target(%dma_start3A_653 : memref<10240xf32, #tpu.memory_space<vmem_shared>>) offsets(%arg10 : memref<80xi32, #tpu.memory_space<vmem>>) semaphore(%arg26 : memref<!tpu.dma_semaphore, #tpu.memory_space<semaphore_mem>>) {add = true}
      %dma_wait3A_654 = arith.constant 0 : i32
      %dma_wait3A_655 = arith.constant 0 : i32
      %dma_wait3A_656 = tpu.memref_slice %arg18[%dma_wait3A_654, %dma_wait3A_655] : memref<10240x128xf32, #tpu.memory_space<vmem_shared>> -> memref<10240x128xf32, #tpu.memory_space<vmem_shared>>
      tpu.wait_indirect_dma semaphore(%arg25 : memref<!tpu.dma_semaphore, #tpu.memory_space<semaphore_mem>>) src(%arg15 : memref<80x128xf32, #tpu.memory_space<vmem>>) dst(%dma_wait3A_656 : memref<10240x128xf32, #tpu.memory_space<vmem_shared>>)
      %dma_wait3A_657 = arith.constant 0 : i32
      %dma_wait3A_658 = tpu.memref_slice %arg19[%dma_wait3A_657] : memref<10240xf32, #tpu.memory_space<vmem_shared>> -> memref<10240xf32, #tpu.memory_space<vmem_shared>>
      tpu.wait_indirect_dma semaphore(%arg26 : memref<!tpu.dma_semaphore, #tpu.memory_space<semaphore_mem>>) src(%arg16 : memref<80xf32, #tpu.memory_space<vmem>>) dst(%dma_wait3A_658 : memref<10240xf32, #tpu.memory_space<vmem_shared>>)
      %add3A_659 = arith.constant 2 : i32
      %add3A_660 = arith.addi %add3A_645, %add3A_659 : i32
      %get3A_661 = arith.index_cast %add3A_660 : i32 to index
      %get3A_662 = arith.constant 0 : index
      %get3A_663 = tpu.vector_load %arg6[%get3A_661, %get3A_662] {strides = array<i32>} : memref<125x80xi32, #tpu.memory_space<vmem>>, vector<1x16xi32>,
      %get3A_664 = vector.shape_cast %get3A_663 : vector<1x16xi32> to vector<16xi32>
      %shift_right_logical3A_665 = arith.constant 14 : i32
      %shift_right_logical3A_666 = vector.broadcast %shift_right_logical3A_665 : i32 to vector<16xi32>
      %shift_right_logical3A_667 = arith.shrui %get3A_664, %shift_right_logical3A_666 : vector<16xi32>
      %swap3A_668 = arith.constant 0 : index
      %swap3A_669 = tpu.vector_load %arg9[%swap3A_668] {strides = array<i32>} : memref<80xi32, #tpu.memory_space<vmem>>, vector<16xi32>,
      %swap3A_670 = vector.shape_cast %swap3A_669 : vector<16xi32> to vector<16xi32>
      %swap3A_671 = vector.shape_cast %shift_right_logical3A_667 : vector<16xi32> to vector<16xi32>
      tpu.vector_store %arg9[%swap3A_668], %swap3A_671 {strides = array<i32>} : memref<80xi32, #tpu.memory_space<vmem>>, vector<16xi32>,
      %and3A_672 = arith.constant 16383 : i32
      %and3A_673 = vector.broadcast %and3A_672 : i32 to vector<16xi32>
      %and3A_674 = arith.andi %get3A_664, %and3A_673 : vector<16xi32>
      %swap3A_675 = arith.constant 0 : index
      %swap3A_676 = tpu.vector_load %arg12[%swap3A_675] {strides = array<i32>} : memref<80xi32, #tpu.memory_space<vmem>>, vector<16xi32>,
      %swap3A_677 = vector.shape_cast %swap3A_676 : vector<16xi32> to vector<16xi32>
      %swap3A_678 = vector.shape_cast %and3A_674 : vector<16xi32> to vector<16xi32>
      tpu.vector_store %arg12[%swap3A_675], %swap3A_678 {strides = array<i32>} : memref<80xi32, #tpu.memory_space<vmem>>, vector<16xi32>,
      %get3A_679 = arith.index_cast %add3A_660 : i32 to index
      %get3A_680 = arith.constant 16 : index
      %get3A_681 = tpu.vector_load %arg6[%get3A_679, %get3A_680] {strides = array<i32>} : memref<125x80xi32, #tpu.memory_space<vmem>>, vector<1x16xi32>,
      %get3A_682 = vector.shape_cast %get3A_681 : vector<1x16xi32> to vector<16xi32>
      %shift_right_logical3A_683 = arith.constant 14 : i32
      %shift_right_logical3A_684 = vector.broadcast %shift_right_logical3A_683 : i32 to vector<16xi32>
      %shift_right_logical3A_685 = arith.shrui %get3A_682, %shift_right_logical3A_684 : vector<16xi32>
      %swap3A_686 = arith.constant 16 : index
      %swap3A_687 = tpu.vector_load %arg9[%swap3A_686] {strides = array<i32>} : memref<80xi32, #tpu.memory_space<vmem>>, vector<16xi32>,
      %swap3A_688 = vector.shape_cast %swap3A_687 : vector<16xi32> to vector<16xi32>
      %swap3A_689 = vector.shape_cast %shift_right_logical3A_685 : vector<16xi32> to vector<16xi32>
      tpu.vector_store %arg9[%swap3A_686], %swap3A_689 {strides = array<i32>} : memref<80xi32, #tpu.memory_space<vmem>>, vector<16xi32>,
      %and3A_690 = arith.constant 16383 : i32
      %and3A_691 = vector.broadcast %and3A_690 : i32 to vector<16xi32>
      %and3A_692 = arith.andi %get3A_682, %and3A_691 : vector<16xi32>
      %swap3A_693 = arith.constant 16 : index
      %swap3A_694 = tpu.vector_load %arg12[%swap3A_693] {strides = array<i32>} : memref<80xi32, #tpu.memory_space<vmem>>, vector<16xi32>,
      %swap3A_695 = vector.shape_cast %swap3A_694 : vector<16xi32> to vector<16xi32>
      %swap3A_696 = vector.shape_cast %and3A_692 : vector<16xi32> to vector<16xi32>
      tpu.vector_store %arg12[%swap3A_693], %swap3A_696 {strides = array<i32>} : memref<80xi32, #tpu.memory_space<vmem>>, vector<16xi32>,
      %get3A_697 = arith.index_cast %add3A_660 : i32 to index
      %get3A_698 = arith.constant 32 : index
      %get3A_699 = tpu.vector_load %arg6[%get3A_697, %get3A_698] {strides = array<i32>} : memref<125x80xi32, #tpu.memory_space<vmem>>, vector<1x16xi32>,
      %get3A_700 = vector.shape_cast %get3A_699 : vector<1x16xi32> to vector<16xi32>
      %shift_right_logical3A_701 = arith.constant 14 : i32
      %shift_right_logical3A_702 = vector.broadcast %shift_right_logical3A_701 : i32 to vector<16xi32>
      %shift_right_logical3A_703 = arith.shrui %get3A_700, %shift_right_logical3A_702 : vector<16xi32>
      %swap3A_704 = arith.constant 32 : index
      %swap3A_705 = tpu.vector_load %arg9[%swap3A_704] {strides = array<i32>} : memref<80xi32, #tpu.memory_space<vmem>>, vector<16xi32>,
      %swap3A_706 = vector.shape_cast %swap3A_705 : vector<16xi32> to vector<16xi32>
      %swap3A_707 = vector.shape_cast %shift_right_logical3A_703 : vector<16xi32> to vector<16xi32>
      tpu.vector_store %arg9[%swap3A_704], %swap3A_707 {strides = array<i32>} : memref<80xi32, #tpu.memory_space<vmem>>, vector<16xi32>,
      %and3A_708 = arith.constant 16383 : i32
      %and3A_709 = vector.broadcast %and3A_708 : i32 to vector<16xi32>
      %and3A_710 = arith.andi %get3A_700, %and3A_709 : vector<16xi32>
      %swap3A_711 = arith.constant 32 : index
      %swap3A_712 = tpu.vector_load %arg12[%swap3A_711] {strides = array<i32>} : memref<80xi32, #tpu.memory_space<vmem>>, vector<16xi32>,
      %swap3A_713 = vector.shape_cast %swap3A_712 : vector<16xi32> to vector<16xi32>
      %swap3A_714 = vector.shape_cast %and3A_710 : vector<16xi32> to vector<16xi32>
      tpu.vector_store %arg12[%swap3A_711], %swap3A_714 {strides = array<i32>} : memref<80xi32, #tpu.memory_space<vmem>>, vector<16xi32>,
      %get3A_715 = arith.index_cast %add3A_660 : i32 to index
      %get3A_716 = arith.constant 48 : index
      %get3A_717 = tpu.vector_load %arg6[%get3A_715, %get3A_716] {strides = array<i32>} : memref<125x80xi32, #tpu.memory_space<vmem>>, vector<1x16xi32>,
      %get3A_718 = vector.shape_cast %get3A_717 : vector<1x16xi32> to vector<16xi32>
      %shift_right_logical3A_719 = arith.constant 14 : i32
      %shift_right_logical3A_720 = vector.broadcast %shift_right_logical3A_719 : i32 to vector<16xi32>
      %shift_right_logical3A_721 = arith.shrui %get3A_718, %shift_right_logical3A_720 : vector<16xi32>
      %swap3A_722 = arith.constant 48 : index
      %swap3A_723 = tpu.vector_load %arg9[%swap3A_722] {strides = array<i32>} : memref<80xi32, #tpu.memory_space<vmem>>, vector<16xi32>,
      %swap3A_724 = vector.shape_cast %swap3A_723 : vector<16xi32> to vector<16xi32>
      %swap3A_725 = vector.shape_cast %shift_right_logical3A_721 : vector<16xi32> to vector<16xi32>
      tpu.vector_store %arg9[%swap3A_722], %swap3A_725 {strides = array<i32>} : memref<80xi32, #tpu.memory_space<vmem>>, vector<16xi32>,
      %and3A_726 = arith.constant 16383 : i32
      %and3A_727 = vector.broadcast %and3A_726 : i32 to vector<16xi32>
      %and3A_728 = arith.andi %get3A_718, %and3A_727 : vector<16xi32>
      %swap3A_729 = arith.constant 48 : index
      %swap3A_730 = tpu.vector_load %arg12[%swap3A_729] {strides = array<i32>} : memref<80xi32, #tpu.memory_space<vmem>>, vector<16xi32>,
      %swap3A_731 = vector.shape_cast %swap3A_730 : vector<16xi32> to vector<16xi32>
      %swap3A_732 = vector.shape_cast %and3A_728 : vector<16xi32> to vector<16xi32>
      tpu.vector_store %arg12[%swap3A_729], %swap3A_732 {strides = array<i32>} : memref<80xi32, #tpu.memory_space<vmem>>, vector<16xi32>,
      %get3A_733 = arith.index_cast %add3A_660 : i32 to index
      %get3A_734 = arith.constant 64 : index
      %get3A_735 = tpu.vector_load %arg6[%get3A_733, %get3A_734] {strides = array<i32>} : memref<125x80xi32, #tpu.memory_space<vmem>>, vector<1x16xi32>,
      %get3A_736 = vector.shape_cast %get3A_735 : vector<1x16xi32> to vector<16xi32>
      %shift_right_logical3A_737 = arith.constant 14 : i32
      %shift_right_logical3A_738 = vector.broadcast %shift_right_logical3A_737 : i32 to vector<16xi32>
      %shift_right_logical3A_739 = arith.shrui %get3A_736, %shift_right_logical3A_738 : vector<16xi32>
      %swap3A_740 = arith.constant 64 : index
      %swap3A_741 = tpu.vector_load %arg9[%swap3A_740] {strides = array<i32>} : memref<80xi32, #tpu.memory_space<vmem>>, vector<16xi32>,
      %swap3A_742 = vector.shape_cast %swap3A_741 : vector<16xi32> to vector<16xi32>
      %swap3A_743 = vector.shape_cast %shift_right_logical3A_739 : vector<16xi32> to vector<16xi32>
      tpu.vector_store %arg9[%swap3A_740], %swap3A_743 {strides = array<i32>} : memref<80xi32, #tpu.memory_space<vmem>>, vector<16xi32>,
      %and3A_744 = arith.constant 16383 : i32
      %and3A_745 = vector.broadcast %and3A_744 : i32 to vector<16xi32>
      %and3A_746 = arith.andi %get3A_736, %and3A_745 : vector<16xi32>
      %swap3A_747 = arith.constant 64 : index
      %swap3A_748 = tpu.vector_load %arg12[%swap3A_747] {strides = array<i32>} : memref<80xi32, #tpu.memory_space<vmem>>, vector<16xi32>,
      %swap3A_749 = vector.shape_cast %swap3A_748 : vector<16xi32> to vector<16xi32>
      %swap3A_750 = vector.shape_cast %and3A_746 : vector<16xi32> to vector<16xi32>
      tpu.vector_store %arg12[%swap3A_747], %swap3A_750 {strides = array<i32>} : memref<80xi32, #tpu.memory_space<vmem>>, vector<16xi32>,
      %dma_start3A_751 = arith.constant 0 : i32
      %dma_start3A_752 = arith.constant 0 : i32
      %dma_start3A_753 = tpu.memref_slice %arg2[%dma_start3A_751, %dma_start3A_752] : memref<10000x128xf32, #tpu.memory_space<hbm>> -> memref<10000x128xf32, #tpu.memory_space<hbm>>
      tpu.enqueue_indirect_dma source(%dma_start3A_753 : memref<10000x128xf32, #tpu.memory_space<hbm>>) target(%arg15 : memref<80x128xf32, #tpu.memory_space<vmem>>) offsets(%arg9 : memref<80xi32, #tpu.memory_space<vmem>>) semaphore(%arg22 : memref<!tpu.dma_semaphore, #tpu.memory_space<semaphore_mem>>)
      %add3A_754 = arith.constant 1 : i32
      %add3A_755 = arith.addi %add3A_645, %add3A_754 : i32
      %dma_wait3A_756 = arith.constant 0 : i32
      %dma_wait3A_757 = arith.constant 0 : i32
      %dma_wait3A_758 = tpu.memref_slice %arg2[%dma_wait3A_756, %dma_wait3A_757] : memref<10000x128xf32, #tpu.memory_space<hbm>> -> memref<10000x128xf32, #tpu.memory_space<hbm>>
      tpu.wait_indirect_dma semaphore(%arg21 : memref<!tpu.dma_semaphore, #tpu.memory_space<semaphore_mem>>) src(%dma_wait3A_758 : memref<10000x128xf32, #tpu.memory_space<hbm>>) dst(%arg14 : memref<80x128xf32, #tpu.memory_space<vmem>>)
      %dma_start3A_759 = arith.constant 0 : i32
      %dma_start3A_760 = arith.constant 0 : i32
      %dma_start3A_761 = tpu.memref_slice %arg18[%dma_start3A_759, %dma_start3A_760] : memref<10240x128xf32, #tpu.memory_space<vmem_shared>> -> memref<10240x128xf32, #tpu.memory_space<vmem_shared>>
      tpu.enqueue_indirect_dma source(%arg14 : memref<80x128xf32, #tpu.memory_space<vmem>>) target(%dma_start3A_761 : memref<10240x128xf32, #tpu.memory_space<vmem_shared>>) offsets(%arg11 : memref<80xi32, #tpu.memory_space<vmem>>) semaphore(%arg24 : memref<!tpu.dma_semaphore, #tpu.memory_space<semaphore_mem>>) {add = true}
      %dma_start3A_762 = arith.constant 0 : i32
      %dma_start3A_763 = tpu.memref_slice %arg19[%dma_start3A_762] : memref<10240xf32, #tpu.memory_space<vmem_shared>> -> memref<10240xf32, #tpu.memory_space<vmem_shared>>
      tpu.enqueue_indirect_dma source(%arg16 : memref<80xf32, #tpu.memory_space<vmem>>) target(%dma_start3A_763 : memref<10240xf32, #tpu.memory_space<vmem_shared>>) offsets(%arg11 : memref<80xi32, #tpu.memory_space<vmem>>) semaphore(%arg26 : memref<!tpu.dma_semaphore, #tpu.memory_space<semaphore_mem>>) {add = true}
      %dma_wait3A_764 = arith.constant 0 : i32
      %dma_wait3A_765 = arith.constant 0 : i32
      %dma_wait3A_766 = tpu.memref_slice %arg18[%dma_wait3A_764, %dma_wait3A_765] : memref<10240x128xf32, #tpu.memory_space<vmem_shared>> -> memref<10240x128xf32, #tpu.memory_space<vmem_shared>>
      tpu.wait_indirect_dma semaphore(%arg23 : memref<!tpu.dma_semaphore, #tpu.memory_space<semaphore_mem>>) src(%arg13 : memref<80x128xf32, #tpu.memory_space<vmem>>) dst(%dma_wait3A_766 : memref<10240x128xf32, #tpu.memory_space<vmem_shared>>)
      %dma_wait3A_767 = arith.constant 0 : i32
      %dma_wait3A_768 = tpu.memref_slice %arg19[%dma_wait3A_767] : memref<10240xf32, #tpu.memory_space<vmem_shared>> -> memref<10240xf32, #tpu.memory_space<vmem_shared>>
      tpu.wait_indirect_dma semaphore(%arg26 : memref<!tpu.dma_semaphore, #tpu.memory_space<semaphore_mem>>) src(%arg16 : memref<80xf32, #tpu.memory_space<vmem>>) dst(%dma_wait3A_768 : memref<10240xf32, #tpu.memory_space<vmem_shared>>)
      %add3A_769 = arith.constant 2 : i32
      %add3A_770 = arith.addi %add3A_755, %add3A_769 : i32
      %get3A_771 = arith.index_cast %add3A_770 : i32 to index
      %get3A_772 = arith.constant 0 : index
      %get3A_773 = tpu.vector_load %arg6[%get3A_771, %get3A_772] {strides = array<i32>} : memref<125x80xi32, #tpu.memory_space<vmem>>, vector<1x16xi32>,
      %get3A_774 = vector.shape_cast %get3A_773 : vector<1x16xi32> to vector<16xi32>
      %shift_right_logical3A_775 = arith.constant 14 : i32
      %shift_right_logical3A_776 = vector.broadcast %shift_right_logical3A_775 : i32 to vector<16xi32>
      %shift_right_logical3A_777 = arith.shrui %get3A_774, %shift_right_logical3A_776 : vector<16xi32>
      %swap3A_778 = arith.constant 0 : index
      %swap3A_779 = tpu.vector_load %arg7[%swap3A_778] {strides = array<i32>} : memref<80xi32, #tpu.memory_space<vmem>>, vector<16xi32>,
      %swap3A_780 = vector.shape_cast %swap3A_779 : vector<16xi32> to vector<16xi32>
      %swap3A_781 = vector.shape_cast %shift_right_logical3A_777 : vector<16xi32> to vector<16xi32>
      tpu.vector_store %arg7[%swap3A_778], %swap3A_781 {strides = array<i32>} : memref<80xi32, #tpu.memory_space<vmem>>, vector<16xi32>,
      %and3A_782 = arith.constant 16383 : i32
      %and3A_783 = vector.broadcast %and3A_782 : i32 to vector<16xi32>
      %and3A_784 = arith.andi %get3A_774, %and3A_783 : vector<16xi32>
      %swap3A_785 = arith.constant 0 : index
      %swap3A_786 = tpu.vector_load %arg10[%swap3A_785] {strides = array<i32>} : memref<80xi32, #tpu.memory_space<vmem>>, vector<16xi32>,
      %swap3A_787 = vector.shape_cast %swap3A_786 : vector<16xi32> to vector<16xi32>
      %swap3A_788 = vector.shape_cast %and3A_784 : vector<16xi32> to vector<16xi32>
      tpu.vector_store %arg10[%swap3A_785], %swap3A_788 {strides = array<i32>} : memref<80xi32, #tpu.memory_space<vmem>>, vector<16xi32>,
      %get3A_789 = arith.index_cast %add3A_770 : i32 to index
      %get3A_790 = arith.constant 16 : index
      %get3A_791 = tpu.vector_load %arg6[%get3A_789, %get3A_790] {strides = array<i32>} : memref<125x80xi32, #tpu.memory_space<vmem>>, vector<1x16xi32>,
      %get3A_792 = vector.shape_cast %get3A_791 : vector<1x16xi32> to vector<16xi32>
      %shift_right_logical3A_793 = arith.constant 14 : i32
      %shift_right_logical3A_794 = vector.broadcast %shift_right_logical3A_793 : i32 to vector<16xi32>
      %shift_right_logical3A_795 = arith.shrui %get3A_792, %shift_right_logical3A_794 : vector<16xi32>
      %swap3A_796 = arith.constant 16 : index
      %swap3A_797 = tpu.vector_load %arg7[%swap3A_796] {strides = array<i32>} : memref<80xi32, #tpu.memory_space<vmem>>, vector<16xi32>,
      %swap3A_798 = vector.shape_cast %swap3A_797 : vector<16xi32> to vector<16xi32>
      %swap3A_799 = vector.shape_cast %shift_right_logical3A_795 : vector<16xi32> to vector<16xi32>
      tpu.vector_store %arg7[%swap3A_796], %swap3A_799 {strides = array<i32>} : memref<80xi32, #tpu.memory_space<vmem>>, vector<16xi32>,
      %and3A_800 = arith.constant 16383 : i32
      %and3A_801 = vector.broadcast %and3A_800 : i32 to vector<16xi32>
      %and3A_802 = arith.andi %get3A_792, %and3A_801 : vector<16xi32>
      %swap3A_803 = arith.constant 16 : index
      %swap3A_804 = tpu.vector_load %arg10[%swap3A_803] {strides = array<i32>} : memref<80xi32, #tpu.memory_space<vmem>>, vector<16xi32>,
      %swap3A_805 = vector.shape_cast %swap3A_804 : vector<16xi32> to vector<16xi32>
      %swap3A_806 = vector.shape_cast %and3A_802 : vector<16xi32> to vector<16xi32>
      tpu.vector_store %arg10[%swap3A_803], %swap3A_806 {strides = array<i32>} : memref<80xi32, #tpu.memory_space<vmem>>, vector<16xi32>,
      %get3A_807 = arith.index_cast %add3A_770 : i32 to index
      %get3A_808 = arith.constant 32 : index
      %get3A_809 = tpu.vector_load %arg6[%get3A_807, %get3A_808] {strides = array<i32>} : memref<125x80xi32, #tpu.memory_space<vmem>>, vector<1x16xi32>,
      %get3A_810 = vector.shape_cast %get3A_809 : vector<1x16xi32> to vector<16xi32>
      %shift_right_logical3A_811 = arith.constant 14 : i32
      %shift_right_logical3A_812 = vector.broadcast %shift_right_logical3A_811 : i32 to vector<16xi32>
      %shift_right_logical3A_813 = arith.shrui %get3A_810, %shift_right_logical3A_812 : vector<16xi32>
      %swap3A_814 = arith.constant 32 : index
      %swap3A_815 = tpu.vector_load %arg7[%swap3A_814] {strides = array<i32>} : memref<80xi32, #tpu.memory_space<vmem>>, vector<16xi32>,
      %swap3A_816 = vector.shape_cast %swap3A_815 : vector<16xi32> to vector<16xi32>
      %swap3A_817 = vector.shape_cast %shift_right_logical3A_813 : vector<16xi32> to vector<16xi32>
      tpu.vector_store %arg7[%swap3A_814], %swap3A_817 {strides = array<i32>} : memref<80xi32, #tpu.memory_space<vmem>>, vector<16xi32>,
      %and3A_818 = arith.constant 16383 : i32
      %and3A_819 = vector.broadcast %and3A_818 : i32 to vector<16xi32>
      %and3A_820 = arith.andi %get3A_810, %and3A_819 : vector<16xi32>
      %swap3A_821 = arith.constant 32 : index
      %swap3A_822 = tpu.vector_load %arg10[%swap3A_821] {strides = array<i32>} : memref<80xi32, #tpu.memory_space<vmem>>, vector<16xi32>,
      %swap3A_823 = vector.shape_cast %swap3A_822 : vector<16xi32> to vector<16xi32>
      %swap3A_824 = vector.shape_cast %and3A_820 : vector<16xi32> to vector<16xi32>
      tpu.vector_store %arg10[%swap3A_821], %swap3A_824 {strides = array<i32>} : memref<80xi32, #tpu.memory_space<vmem>>, vector<16xi32>,
      %get3A_825 = arith.index_cast %add3A_770 : i32 to index
      %get3A_826 = arith.constant 48 : index
      %get3A_827 = tpu.vector_load %arg6[%get3A_825, %get3A_826] {strides = array<i32>} : memref<125x80xi32, #tpu.memory_space<vmem>>, vector<1x16xi32>,
      %get3A_828 = vector.shape_cast %get3A_827 : vector<1x16xi32> to vector<16xi32>
      %shift_right_logical3A_829 = arith.constant 14 : i32
      %shift_right_logical3A_830 = vector.broadcast %shift_right_logical3A_829 : i32 to vector<16xi32>
      %shift_right_logical3A_831 = arith.shrui %get3A_828, %shift_right_logical3A_830 : vector<16xi32>
      %swap3A_832 = arith.constant 48 : index
      %swap3A_833 = tpu.vector_load %arg7[%swap3A_832] {strides = array<i32>} : memref<80xi32, #tpu.memory_space<vmem>>, vector<16xi32>,
      %swap3A_834 = vector.shape_cast %swap3A_833 : vector<16xi32> to vector<16xi32>
      %swap3A_835 = vector.shape_cast %shift_right_logical3A_831 : vector<16xi32> to vector<16xi32>
      tpu.vector_store %arg7[%swap3A_832], %swap3A_835 {strides = array<i32>} : memref<80xi32, #tpu.memory_space<vmem>>, vector<16xi32>,
      %and3A_836 = arith.constant 16383 : i32
      %and3A_837 = vector.broadcast %and3A_836 : i32 to vector<16xi32>
      %and3A_838 = arith.andi %get3A_828, %and3A_837 : vector<16xi32>
      %swap3A_839 = arith.constant 48 : index
      %swap3A_840 = tpu.vector_load %arg10[%swap3A_839] {strides = array<i32>} : memref<80xi32, #tpu.memory_space<vmem>>, vector<16xi32>,
      %swap3A_841 = vector.shape_cast %swap3A_840 : vector<16xi32> to vector<16xi32>
      %swap3A_842 = vector.shape_cast %and3A_838 : vector<16xi32> to vector<16xi32>
      tpu.vector_store %arg10[%swap3A_839], %swap3A_842 {strides = array<i32>} : memref<80xi32, #tpu.memory_space<vmem>>, vector<16xi32>,
      %get3A_843 = arith.index_cast %add3A_770 : i32 to index
      %get3A_844 = arith.constant 64 : index
      %get3A_845 = tpu.vector_load %arg6[%get3A_843, %get3A_844] {strides = array<i32>} : memref<125x80xi32, #tpu.memory_space<vmem>>, vector<1x16xi32>,
      %get3A_846 = vector.shape_cast %get3A_845 : vector<1x16xi32> to vector<16xi32>
      %shift_right_logical3A_847 = arith.constant 14 : i32
      %shift_right_logical3A_848 = vector.broadcast %shift_right_logical3A_847 : i32 to vector<16xi32>
      %shift_right_logical3A_849 = arith.shrui %get3A_846, %shift_right_logical3A_848 : vector<16xi32>
      %swap3A_850 = arith.constant 64 : index
      %swap3A_851 = tpu.vector_load %arg7[%swap3A_850] {strides = array<i32>} : memref<80xi32, #tpu.memory_space<vmem>>, vector<16xi32>,
      %swap3A_852 = vector.shape_cast %swap3A_851 : vector<16xi32> to vector<16xi32>
      %swap3A_853 = vector.shape_cast %shift_right_logical3A_849 : vector<16xi32> to vector<16xi32>
      tpu.vector_store %arg7[%swap3A_850], %swap3A_853 {strides = array<i32>} : memref<80xi32, #tpu.memory_space<vmem>>, vector<16xi32>,
      %and3A_854 = arith.constant 16383 : i32
      %and3A_855 = vector.broadcast %and3A_854 : i32 to vector<16xi32>
      %and3A_856 = arith.andi %get3A_846, %and3A_855 : vector<16xi32>
      %swap3A_857 = arith.constant 64 : index
      %swap3A_858 = tpu.vector_load %arg10[%swap3A_857] {strides = array<i32>} : memref<80xi32, #tpu.memory_space<vmem>>, vector<16xi32>,
      %swap3A_859 = vector.shape_cast %swap3A_858 : vector<16xi32> to vector<16xi32>
      %swap3A_860 = vector.shape_cast %and3A_856 : vector<16xi32> to vector<16xi32>
      tpu.vector_store %arg10[%swap3A_857], %swap3A_860 {strides = array<i32>} : memref<80xi32, #tpu.memory_space<vmem>>, vector<16xi32>,
      %dma_start3A_861 = arith.constant 0 : i32
      %dma_start3A_862 = arith.constant 0 : i32
      %dma_start3A_863 = tpu.memref_slice %arg2[%dma_start3A_861, %dma_start3A_862] : memref<10000x128xf32, #tpu.memory_space<hbm>> -> memref<10000x128xf32, #tpu.memory_space<hbm>>
      tpu.enqueue_indirect_dma source(%dma_start3A_863 : memref<10000x128xf32, #tpu.memory_space<hbm>>) target(%arg13 : memref<80x128xf32, #tpu.memory_space<vmem>>) offsets(%arg7 : memref<80xi32, #tpu.memory_space<vmem>>) semaphore(%arg20 : memref<!tpu.dma_semaphore, #tpu.memory_space<semaphore_mem>>)
      %add3A_864 = arith.constant 2 : i32
      %add3A_865 = arith.addi %add3A_645, %add3A_864 : i32
      %dma_wait3A_866 = arith.constant 0 : i32
      %dma_wait3A_867 = arith.constant 0 : i32
      %dma_wait3A_868 = tpu.memref_slice %arg2[%dma_wait3A_866, %dma_wait3A_867] : memref<10000x128xf32, #tpu.memory_space<hbm>> -> memref<10000x128xf32, #tpu.memory_space<hbm>>
      tpu.wait_indirect_dma semaphore(%arg22 : memref<!tpu.dma_semaphore, #tpu.memory_space<semaphore_mem>>) src(%dma_wait3A_868 : memref<10000x128xf32, #tpu.memory_space<hbm>>) dst(%arg15 : memref<80x128xf32, #tpu.memory_space<vmem>>)
      %dma_start3A_869 = arith.constant 0 : i32
      %dma_start3A_870 = arith.constant 0 : i32
      %dma_start3A_871 = tpu.memref_slice %arg18[%dma_start3A_869, %dma_start3A_870] : memref<10240x128xf32, #tpu.memory_space<vmem_shared>> -> memref<10240x128xf32, #tpu.memory_space<vmem_shared>>
      tpu.enqueue_indirect_dma source(%arg15 : memref<80x128xf32, #tpu.memory_space<vmem>>) target(%dma_start3A_871 : memref<10240x128xf32, #tpu.memory_space<vmem_shared>>) offsets(%arg12 : memref<80xi32, #tpu.memory_space<vmem>>) semaphore(%arg25 : memref<!tpu.dma_semaphore, #tpu.memory_space<semaphore_mem>>) {add = true}
      %dma_start3A_872 = arith.constant 0 : i32
      %dma_start3A_873 = tpu.memref_slice %arg19[%dma_start3A_872] : memref<10240xf32, #tpu.memory_space<vmem_shared>> -> memref<10240xf32, #tpu.memory_space<vmem_shared>>
      tpu.enqueue_indirect_dma source(%arg16 : memref<80xf32, #tpu.memory_space<vmem>>) target(%dma_start3A_873 : memref<10240xf32, #tpu.memory_space<vmem_shared>>) offsets(%arg12 : memref<80xi32, #tpu.memory_space<vmem>>) semaphore(%arg26 : memref<!tpu.dma_semaphore, #tpu.memory_space<semaphore_mem>>) {add = true}
      %dma_wait3A_874 = arith.constant 0 : i32
      %dma_wait3A_875 = arith.constant 0 : i32
      %dma_wait3A_876 = tpu.memref_slice %arg18[%dma_wait3A_874, %dma_wait3A_875] : memref<10240x128xf32, #tpu.memory_space<vmem_shared>> -> memref<10240x128xf32, #tpu.memory_space<vmem_shared>>
      tpu.wait_indirect_dma semaphore(%arg24 : memref<!tpu.dma_semaphore, #tpu.memory_space<semaphore_mem>>) src(%arg14 : memref<80x128xf32, #tpu.memory_space<vmem>>) dst(%dma_wait3A_876 : memref<10240x128xf32, #tpu.memory_space<vmem_shared>>)
      %dma_wait3A_877 = arith.constant 0 : i32
      %dma_wait3A_878 = tpu.memref_slice %arg19[%dma_wait3A_877] : memref<10240xf32, #tpu.memory_space<vmem_shared>> -> memref<10240xf32, #tpu.memory_space<vmem_shared>>
      tpu.wait_indirect_dma semaphore(%arg26 : memref<!tpu.dma_semaphore, #tpu.memory_space<semaphore_mem>>) src(%arg16 : memref<80xf32, #tpu.memory_space<vmem>>) dst(%dma_wait3A_878 : memref<10240xf32, #tpu.memory_space<vmem_shared>>)
      %add3A_879 = arith.constant 2 : i32
      %add3A_880 = arith.addi %add3A_865, %add3A_879 : i32
      %get3A_881 = arith.index_cast %add3A_880 : i32 to index
      %get3A_882 = arith.constant 0 : index
      %get3A_883 = tpu.vector_load %arg6[%get3A_881, %get3A_882] {strides = array<i32>} : memref<125x80xi32, #tpu.memory_space<vmem>>, vector<1x16xi32>,
      %get3A_884 = vector.shape_cast %get3A_883 : vector<1x16xi32> to vector<16xi32>
      %shift_right_logical3A_885 = arith.constant 14 : i32
      %shift_right_logical3A_886 = vector.broadcast %shift_right_logical3A_885 : i32 to vector<16xi32>
      %shift_right_logical3A_887 = arith.shrui %get3A_884, %shift_right_logical3A_886 : vector<16xi32>
      %swap3A_888 = arith.constant 0 : index
      %swap3A_889 = tpu.vector_load %arg8[%swap3A_888] {strides = array<i32>} : memref<80xi32, #tpu.memory_space<vmem>>, vector<16xi32>,
      %swap3A_890 = vector.shape_cast %swap3A_889 : vector<16xi32> to vector<16xi32>
      %swap3A_891 = vector.shape_cast %shift_right_logical3A_887 : vector<16xi32> to vector<16xi32>
      tpu.vector_store %arg8[%swap3A_888], %swap3A_891 {strides = array<i32>} : memref<80xi32, #tpu.memory_space<vmem>>, vector<16xi32>,
      %and3A_892 = arith.constant 16383 : i32
      %and3A_893 = vector.broadcast %and3A_892 : i32 to vector<16xi32>
      %and3A_894 = arith.andi %get3A_884, %and3A_893 : vector<16xi32>
      %swap3A_895 = arith.constant 0 : index
      %swap3A_896 = tpu.vector_load %arg11[%swap3A_895] {strides = array<i32>} : memref<80xi32, #tpu.memory_space<vmem>>, vector<16xi32>,
      %swap3A_897 = vector.shape_cast %swap3A_896 : vector<16xi32> to vector<16xi32>
      %swap3A_898 = vector.shape_cast %and3A_894 : vector<16xi32> to vector<16xi32>
      tpu.vector_store %arg11[%swap3A_895], %swap3A_898 {strides = array<i32>} : memref<80xi32, #tpu.memory_space<vmem>>, vector<16xi32>,
      %get3A_899 = arith.index_cast %add3A_880 : i32 to index
      %get3A_900 = arith.constant 16 : index
      %get3A_901 = tpu.vector_load %arg6[%get3A_899, %get3A_900] {strides = array<i32>} : memref<125x80xi32, #tpu.memory_space<vmem>>, vector<1x16xi32>,
      %get3A_902 = vector.shape_cast %get3A_901 : vector<1x16xi32> to vector<16xi32>
      %shift_right_logical3A_903 = arith.constant 14 : i32
      %shift_right_logical3A_904 = vector.broadcast %shift_right_logical3A_903 : i32 to vector<16xi32>
      %shift_right_logical3A_905 = arith.shrui %get3A_902, %shift_right_logical3A_904 : vector<16xi32>
      %swap3A_906 = arith.constant 16 : index
      %swap3A_907 = tpu.vector_load %arg8[%swap3A_906] {strides = array<i32>} : memref<80xi32, #tpu.memory_space<vmem>>, vector<16xi32>,
      %swap3A_908 = vector.shape_cast %swap3A_907 : vector<16xi32> to vector<16xi32>
      %swap3A_909 = vector.shape_cast %shift_right_logical3A_905 : vector<16xi32> to vector<16xi32>
      tpu.vector_store %arg8[%swap3A_906], %swap3A_909 {strides = array<i32>} : memref<80xi32, #tpu.memory_space<vmem>>, vector<16xi32>,
      %and3A_910 = arith.constant 16383 : i32
      %and3A_911 = vector.broadcast %and3A_910 : i32 to vector<16xi32>
      %and3A_912 = arith.andi %get3A_902, %and3A_911 : vector<16xi32>
      %swap3A_913 = arith.constant 16 : index
      %swap3A_914 = tpu.vector_load %arg11[%swap3A_913] {strides = array<i32>} : memref<80xi32, #tpu.memory_space<vmem>>, vector<16xi32>,
      %swap3A_915 = vector.shape_cast %swap3A_914 : vector<16xi32> to vector<16xi32>
      %swap3A_916 = vector.shape_cast %and3A_912 : vector<16xi32> to vector<16xi32>
      tpu.vector_store %arg11[%swap3A_913], %swap3A_916 {strides = array<i32>} : memref<80xi32, #tpu.memory_space<vmem>>, vector<16xi32>,
      %get3A_917 = arith.index_cast %add3A_880 : i32 to index
      %get3A_918 = arith.constant 32 : index
      %get3A_919 = tpu.vector_load %arg6[%get3A_917, %get3A_918] {strides = array<i32>} : memref<125x80xi32, #tpu.memory_space<vmem>>, vector<1x16xi32>,
      %get3A_920 = vector.shape_cast %get3A_919 : vector<1x16xi32> to vector<16xi32>
      %shift_right_logical3A_921 = arith.constant 14 : i32
      %shift_right_logical3A_922 = vector.broadcast %shift_right_logical3A_921 : i32 to vector<16xi32>
      %shift_right_logical3A_923 = arith.shrui %get3A_920, %shift_right_logical3A_922 : vector<16xi32>
      %swap3A_924 = arith.constant 32 : index
      %swap3A_925 = tpu.vector_load %arg8[%swap3A_924] {strides = array<i32>} : memref<80xi32, #tpu.memory_space<vmem>>, vector<16xi32>,
      %swap3A_926 = vector.shape_cast %swap3A_925 : vector<16xi32> to vector<16xi32>
      %swap3A_927 = vector.shape_cast %shift_right_logical3A_923 : vector<16xi32> to vector<16xi32>
      tpu.vector_store %arg8[%swap3A_924], %swap3A_927 {strides = array<i32>} : memref<80xi32, #tpu.memory_space<vmem>>, vector<16xi32>,
      %and3A_928 = arith.constant 16383 : i32
      %and3A_929 = vector.broadcast %and3A_928 : i32 to vector<16xi32>
      %and3A_930 = arith.andi %get3A_920, %and3A_929 : vector<16xi32>
      %swap3A_931 = arith.constant 32 : index
      %swap3A_932 = tpu.vector_load %arg11[%swap3A_931] {strides = array<i32>} : memref<80xi32, #tpu.memory_space<vmem>>, vector<16xi32>,
      %swap3A_933 = vector.shape_cast %swap3A_932 : vector<16xi32> to vector<16xi32>
      %swap3A_934 = vector.shape_cast %and3A_930 : vector<16xi32> to vector<16xi32>
      tpu.vector_store %arg11[%swap3A_931], %swap3A_934 {strides = array<i32>} : memref<80xi32, #tpu.memory_space<vmem>>, vector<16xi32>,
      %get3A_935 = arith.index_cast %add3A_880 : i32 to index
      %get3A_936 = arith.constant 48 : index
      %get3A_937 = tpu.vector_load %arg6[%get3A_935, %get3A_936] {strides = array<i32>} : memref<125x80xi32, #tpu.memory_space<vmem>>, vector<1x16xi32>,
      %get3A_938 = vector.shape_cast %get3A_937 : vector<1x16xi32> to vector<16xi32>
      %shift_right_logical3A_939 = arith.constant 14 : i32
      %shift_right_logical3A_940 = vector.broadcast %shift_right_logical3A_939 : i32 to vector<16xi32>
      %shift_right_logical3A_941 = arith.shrui %get3A_938, %shift_right_logical3A_940 : vector<16xi32>
      %swap3A_942 = arith.constant 48 : index
      %swap3A_943 = tpu.vector_load %arg8[%swap3A_942] {strides = array<i32>} : memref<80xi32, #tpu.memory_space<vmem>>, vector<16xi32>,
      %swap3A_944 = vector.shape_cast %swap3A_943 : vector<16xi32> to vector<16xi32>
      %swap3A_945 = vector.shape_cast %shift_right_logical3A_941 : vector<16xi32> to vector<16xi32>
      tpu.vector_store %arg8[%swap3A_942], %swap3A_945 {strides = array<i32>} : memref<80xi32, #tpu.memory_space<vmem>>, vector<16xi32>,
      %and3A_946 = arith.constant 16383 : i32
      %and3A_947 = vector.broadcast %and3A_946 : i32 to vector<16xi32>
      %and3A_948 = arith.andi %get3A_938, %and3A_947 : vector<16xi32>
      %swap3A_949 = arith.constant 48 : index
      %swap3A_950 = tpu.vector_load %arg11[%swap3A_949] {strides = array<i32>} : memref<80xi32, #tpu.memory_space<vmem>>, vector<16xi32>,
      %swap3A_951 = vector.shape_cast %swap3A_950 : vector<16xi32> to vector<16xi32>
      %swap3A_952 = vector.shape_cast %and3A_948 : vector<16xi32> to vector<16xi32>
      tpu.vector_store %arg11[%swap3A_949], %swap3A_952 {strides = array<i32>} : memref<80xi32, #tpu.memory_space<vmem>>, vector<16xi32>,
      %get3A_953 = arith.index_cast %add3A_880 : i32 to index
      %get3A_954 = arith.constant 64 : index
      %get3A_955 = tpu.vector_load %arg6[%get3A_953, %get3A_954] {strides = array<i32>} : memref<125x80xi32, #tpu.memory_space<vmem>>, vector<1x16xi32>,
      %get3A_956 = vector.shape_cast %get3A_955 : vector<1x16xi32> to vector<16xi32>
      %shift_right_logical3A_957 = arith.constant 14 : i32
      %shift_right_logical3A_958 = vector.broadcast %shift_right_logical3A_957 : i32 to vector<16xi32>
      %shift_right_logical3A_959 = arith.shrui %get3A_956, %shift_right_logical3A_958 : vector<16xi32>
      %swap3A_960 = arith.constant 64 : index
      %swap3A_961 = tpu.vector_load %arg8[%swap3A_960] {strides = array<i32>} : memref<80xi32, #tpu.memory_space<vmem>>, vector<16xi32>,
      %swap3A_962 = vector.shape_cast %swap3A_961 : vector<16xi32> to vector<16xi32>
      %swap3A_963 = vector.shape_cast %shift_right_logical3A_959 : vector<16xi32> to vector<16xi32>
      tpu.vector_store %arg8[%swap3A_960], %swap3A_963 {strides = array<i32>} : memref<80xi32, #tpu.memory_space<vmem>>, vector<16xi32>,
      %and3A_964 = arith.constant 16383 : i32
      %and3A_965 = vector.broadcast %and3A_964 : i32 to vector<16xi32>
      %and3A_966 = arith.andi %get3A_956, %and3A_965 : vector<16xi32>
      %swap3A_967 = arith.constant 64 : index
      %swap3A_968 = tpu.vector_load %arg11[%swap3A_967] {strides = array<i32>} : memref<80xi32, #tpu.memory_space<vmem>>, vector<16xi32>,
      %swap3A_969 = vector.shape_cast %swap3A_968 : vector<16xi32> to vector<16xi32>
      %swap3A_970 = vector.shape_cast %and3A_966 : vector<16xi32> to vector<16xi32>
      tpu.vector_store %arg11[%swap3A_967], %swap3A_970 {strides = array<i32>} : memref<80xi32, #tpu.memory_space<vmem>>, vector<16xi32>,
      %dma_start3A_971 = arith.constant 0 : i32
      %dma_start3A_972 = arith.constant 0 : i32
      %dma_start3A_973 = tpu.memref_slice %arg2[%dma_start3A_971, %dma_start3A_972] : memref<10000x128xf32, #tpu.memory_space<hbm>> -> memref<10000x128xf32, #tpu.memory_space<hbm>>
      tpu.enqueue_indirect_dma source(%dma_start3A_973 : memref<10000x128xf32, #tpu.memory_space<hbm>>) target(%arg14 : memref<80x128xf32, #tpu.memory_space<vmem>>) offsets(%arg8 : memref<80xi32, #tpu.memory_space<vmem>>) semaphore(%arg21 : memref<!tpu.dma_semaphore, #tpu.memory_space<semaphore_mem>>)
    }
    %scan3A_604 = arith.constant 40 : i32
    %dma_wait3A_605 = arith.constant 0 : i32
    %dma_wait3A_606 = arith.constant 0 : i32
    %dma_wait3A_607 = tpu.memref_slice %arg2[%dma_wait3A_605, %dma_wait3A_606] : memref<10000x128xf32, #tpu.memory_space<hbm>> -> memref<10000x128xf32, #tpu.memory_space<hbm>>
    tpu.wait_indirect_dma semaphore(%arg20 : memref<!tpu.dma_semaphore, #tpu.memory_space<semaphore_mem>>) src(%dma_wait3A_607 : memref<10000x128xf32, #tpu.memory_space<hbm>>) dst(%arg13 : memref<80x128xf32, #tpu.memory_space<vmem>>)
    %dma_start3A_608 = arith.constant 0 : i32
    %dma_start3A_609 = arith.constant 0 : i32
    %dma_start3A_610 = tpu.memref_slice %arg18[%dma_start3A_608, %dma_start3A_609] : memref<10240x128xf32, #tpu.memory_space<vmem_shared>> -> memref<10240x128xf32, #tpu.memory_space<vmem_shared>>
    tpu.enqueue_indirect_dma source(%arg13 : memref<80x128xf32, #tpu.memory_space<vmem>>) target(%dma_start3A_610 : memref<10240x128xf32, #tpu.memory_space<vmem_shared>>) offsets(%arg10 : memref<80xi32, #tpu.memory_space<vmem>>) semaphore(%arg23 : memref<!tpu.dma_semaphore, #tpu.memory_space<semaphore_mem>>) {add = true}
    %dma_start3A_611 = arith.constant 0 : i32
    %dma_start3A_612 = tpu.memref_slice %arg19[%dma_start3A_611] : memref<10240xf32, #tpu.memory_space<vmem_shared>> -> memref<10240xf32, #tpu.memory_space<vmem_shared>>
    tpu.enqueue_indirect_dma source(%arg16 : memref<80xf32, #tpu.memory_space<vmem>>) target(%dma_start3A_612 : memref<10240xf32, #tpu.memory_space<vmem_shared>>) offsets(%arg10 : memref<80xi32, #tpu.memory_space<vmem>>) semaphore(%arg26 : memref<!tpu.dma_semaphore, #tpu.memory_space<semaphore_mem>>) {add = true}
    %dma_wait3A_613 = arith.constant 0 : i32
    %dma_wait3A_614 = arith.constant 0 : i32
    %dma_wait3A_615 = tpu.memref_slice %arg18[%dma_wait3A_613, %dma_wait3A_614] : memref<10240x128xf32, #tpu.memory_space<vmem_shared>> -> memref<10240x128xf32, #tpu.memory_space<vmem_shared>>
    tpu.wait_indirect_dma semaphore(%arg25 : memref<!tpu.dma_semaphore, #tpu.memory_space<semaphore_mem>>) src(%arg15 : memref<80x128xf32, #tpu.memory_space<vmem>>) dst(%dma_wait3A_615 : memref<10240x128xf32, #tpu.memory_space<vmem_shared>>)
    %dma_wait3A_616 = arith.constant 0 : i32
    %dma_wait3A_617 = tpu.memref_slice %arg19[%dma_wait3A_616] : memref<10240xf32, #tpu.memory_space<vmem_shared>> -> memref<10240xf32, #tpu.memory_space<vmem_shared>>
    tpu.wait_indirect_dma semaphore(%arg26 : memref<!tpu.dma_semaphore, #tpu.memory_space<semaphore_mem>>) src(%arg16 : memref<80xf32, #tpu.memory_space<vmem>>) dst(%dma_wait3A_617 : memref<10240xf32, #tpu.memory_space<vmem_shared>>)
    %dma_wait3A_618 = arith.constant 0 : i32
    %dma_wait3A_619 = arith.constant 0 : i32
    %dma_wait3A_620 = tpu.memref_slice %arg2[%dma_wait3A_618, %dma_wait3A_619] : memref<10000x128xf32, #tpu.memory_space<hbm>> -> memref<10000x128xf32, #tpu.memory_space<hbm>>
    tpu.wait_indirect_dma semaphore(%arg21 : memref<!tpu.dma_semaphore, #tpu.memory_space<semaphore_mem>>) src(%dma_wait3A_620 : memref<10000x128xf32, #tpu.memory_space<hbm>>) dst(%arg14 : memref<80x128xf32, #tpu.memory_space<vmem>>)
    %dma_start3A_621 = arith.constant 0 : i32
    %dma_start3A_622 = arith.constant 0 : i32
    %dma_start3A_623 = tpu.memref_slice %arg18[%dma_start3A_621, %dma_start3A_622] : memref<10240x128xf32, #tpu.memory_space<vmem_shared>> -> memref<10240x128xf32, #tpu.memory_space<vmem_shared>>
    tpu.enqueue_indirect_dma source(%arg14 : memref<80x128xf32, #tpu.memory_space<vmem>>) target(%dma_start3A_623 : memref<10240x128xf32, #tpu.memory_space<vmem_shared>>) offsets(%arg11 : memref<80xi32, #tpu.memory_space<vmem>>) semaphore(%arg24 : memref<!tpu.dma_semaphore, #tpu.memory_space<semaphore_mem>>) {add = true}
    %dma_start3A_624 = arith.constant 0 : i32
    %dma_start3A_625 = tpu.memref_slice %arg19[%dma_start3A_624] : memref<10240xf32, #tpu.memory_space<vmem_shared>> -> memref<10240xf32, #tpu.memory_space<vmem_shared>>
    tpu.enqueue_indirect_dma source(%arg16 : memref<80xf32, #tpu.memory_space<vmem>>) target(%dma_start3A_625 : memref<10240xf32, #tpu.memory_space<vmem_shared>>) offsets(%arg11 : memref<80xi32, #tpu.memory_space<vmem>>) semaphore(%arg26 : memref<!tpu.dma_semaphore, #tpu.memory_space<semaphore_mem>>) {add = true}
    %dma_wait3A_626 = arith.constant 0 : i32
    %dma_wait3A_627 = arith.constant 0 : i32
    %dma_wait3A_628 = tpu.memref_slice %arg18[%dma_wait3A_626, %dma_wait3A_627] : memref<10240x128xf32, #tpu.memory_space<vmem_shared>> -> memref<10240x128xf32, #tpu.memory_space<vmem_shared>>
    tpu.wait_indirect_dma semaphore(%arg23 : memref<!tpu.dma_semaphore, #tpu.memory_space<semaphore_mem>>) src(%arg13 : memref<80x128xf32, #tpu.memory_space<vmem>>) dst(%dma_wait3A_628 : memref<10240x128xf32, #tpu.memory_space<vmem_shared>>)
    %dma_wait3A_629 = arith.constant 0 : i32
    %dma_wait3A_630 = tpu.memref_slice %arg19[%dma_wait3A_629] : memref<10240xf32, #tpu.memory_space<vmem_shared>> -> memref<10240xf32, #tpu.memory_space<vmem_shared>>
    tpu.wait_indirect_dma semaphore(%arg26 : memref<!tpu.dma_semaphore, #tpu.memory_space<semaphore_mem>>) src(%arg16 : memref<80xf32, #tpu.memory_space<vmem>>) dst(%dma_wait3A_630 : memref<10240xf32, #tpu.memory_space<vmem_shared>>)
    %dma_wait3A_631 = arith.constant 0 : i32
    %dma_wait3A_632 = arith.constant 0 : i32
    %dma_wait3A_633 = tpu.memref_slice %arg18[%dma_wait3A_631, %dma_wait3A_632] : memref<10240x128xf32, #tpu.memory_space<vmem_shared>> -> memref<10240x128xf32, #tpu.memory_space<vmem_shared>>
    tpu.wait_indirect_dma semaphore(%arg24 : memref<!tpu.dma_semaphore, #tpu.memory_space<semaphore_mem>>) src(%arg14 : memref<80x128xf32, #tpu.memory_space<vmem>>) dst(%dma_wait3A_633 : memref<10240x128xf32, #tpu.memory_space<vmem_shared>>)
    %dma_wait3A_634 = arith.constant 0 : i32
    %dma_wait3A_635 = tpu.memref_slice %arg19[%dma_wait3A_634] : memref<10240xf32, #tpu.memory_space<vmem_shared>> -> memref<10240xf32, #tpu.memory_space<vmem_shared>>
    tpu.wait_indirect_dma semaphore(%arg26 : memref<!tpu.dma_semaphore, #tpu.memory_space<semaphore_mem>>) src(%arg16 : memref<80xf32, #tpu.memory_space<vmem>>) dst(%dma_wait3A_635 : memref<10240xf32, #tpu.memory_space<vmem_shared>>)
    %barrier3A_636 = arith.constant 0 : index
    tpu.barrier barrier_id(%barrier3A_636)
    "tpu.region"() ({
      %run_scoped3A = tpu.sem_alloc : memref<!tpu.dma_semaphore, #tpu.memory_space<semaphore_mem>>
      %dma_start3A_637 = arith.constant 0 : i32
      %dma_start3A_638 = tpu.memref_slice %arg4[%arg0, %mul3A_240, %dma_start3A_637] : memref<2x10240x128xf32, #tpu.memory_space<hbm>> -> memref<1x640x128xf32, #tpu.memory_space<hbm>>
      %dma_start3A_639 = tpu.memref_squeeze %dma_start3A_638 : memref<1x640x128xf32, #tpu.memory_space<hbm>> -> memref<640x128xf32, #tpu.memory_space<hbm>>
      %dma_start3A_640 = arith.constant 0 : i32
      %dma_start3A_641 = tpu.memref_slice %arg18[%mul3A_240, %dma_start3A_640] : memref<10240x128xf32, #tpu.memory_space<vmem_shared>> -> memref<640x128xf32, #tpu.memory_space<vmem_shared>>
      tpu.enqueue_dma source(%dma_start3A_641 : memref<640x128xf32, #tpu.memory_space<vmem_shared>>) target(%dma_start3A_639 : memref<640x128xf32, #tpu.memory_space<hbm>>) target_semaphore(%run_scoped3A : memref<!tpu.dma_semaphore, #tpu.memory_space<semaphore_mem>>)
      %dma_wait3A_642 = arith.constant 0 : i32
      %dma_wait3A_643 = tpu.memref_slice %arg4[%arg0, %mul3A_240, %dma_wait3A_642] : memref<2x10240x128xf32, #tpu.memory_space<hbm>> -> memref<1x640x128xf32, #tpu.memory_space<hbm>>
      %dma_wait3A_644 = tpu.memref_squeeze %dma_wait3A_643 : memref<1x640x128xf32, #tpu.memory_space<hbm>> -> memref<640x128xf32, #tpu.memory_space<hbm>>
      %dma_wait3A_645 = arith.constant 0 : i32
      %dma_wait3A_646 = tpu.memref_slice %arg18[%mul3A_240, %dma_wait3A_645] : memref<10240x128xf32, #tpu.memory_space<vmem_shared>> -> memref<640x128xf32, #tpu.memory_space<vmem_shared>>
      tpu.wait_dma2 semaphore(%run_scoped3A : memref<!tpu.dma_semaphore, #tpu.memory_space<semaphore_mem>>) src(%dma_wait3A_646 : memref<640x128xf32, #tpu.memory_space<vmem_shared>>) dst(%dma_wait3A_644 : memref<640x128xf32, #tpu.memory_space<hbm>>)
      tpu.yield
    }) : () -> ()
    "tpu.region"() ({
      %run_scoped3A = tpu.sem_alloc : memref<!tpu.dma_semaphore, #tpu.memory_space<semaphore_mem>>
      %dma_start3A_637 = tpu.memref_slice %arg5[%arg0, %mul3A_240] : memref<2x10240xf32, #tpu.memory_space<hbm>> -> memref<1x640xf32, #tpu.memory_space<hbm>>
      %dma_start3A_638 = tpu.memref_squeeze %dma_start3A_637 : memref<1x640xf32, #tpu.memory_space<hbm>> -> memref<640xf32, #tpu.memory_space<hbm>>
      %dma_start3A_639 = tpu.memref_slice %arg19[%mul3A_240] : memref<10240xf32, #tpu.memory_space<vmem_shared>> -> memref<640xf32, #tpu.memory_space<vmem_shared>>
      tpu.enqueue_dma source(%dma_start3A_639 : memref<640xf32, #tpu.memory_space<vmem_shared>>) target(%dma_start3A_638 : memref<640xf32, #tpu.memory_space<hbm>>) target_semaphore(%run_scoped3A : memref<!tpu.dma_semaphore, #tpu.memory_space<semaphore_mem>>)
      %dma_wait3A_640 = tpu.memref_slice %arg5[%arg0, %mul3A_240] : memref<2x10240xf32, #tpu.memory_space<hbm>> -> memref<1x640xf32, #tpu.memory_space<hbm>>
      %dma_wait3A_641 = tpu.memref_squeeze %dma_wait3A_640 : memref<1x640xf32, #tpu.memory_space<hbm>> -> memref<640xf32, #tpu.memory_space<hbm>>
      %dma_wait3A_642 = tpu.memref_slice %arg19[%mul3A_240] : memref<10240xf32, #tpu.memory_space<vmem_shared>> -> memref<640xf32, #tpu.memory_space<vmem_shared>>
      tpu.wait_dma2 semaphore(%run_scoped3A : memref<!tpu.dma_semaphore, #tpu.memory_space<semaphore_mem>>) src(%dma_wait3A_642 : memref<640xf32, #tpu.memory_space<vmem_shared>>) dst(%dma_wait3A_641 : memref<640xf32, #tpu.memory_space<hbm>>)
      tpu.yield
    }) : () -> ()
    return
  }
}

#map = affine_map<(d0, d1) -> (0, 0)>
#map1 = affine_map<(d0, d1) -> (0, 0, 0)>
module attributes {stable_mosaic.version = 14 : i64} {
  func.func @body(%arg0: i32, %arg1: i32, %arg2: memref<10000x64xf32, #tpu.memory_space<hbm>>, %arg3: memref<32x125x80xi32, #tpu.memory_space<hbm>>, %arg4: memref<2x10240x64xf32, #tpu.memory_space<hbm>>, %arg5: memref<125x80xi32, #tpu.memory_space<vmem>>, %arg6: memref<80xi32, #tpu.memory_space<vmem>>, %arg7: memref<80xi32, #tpu.memory_space<vmem>>, %arg8: memref<80xi32, #tpu.memory_space<vmem>>, %arg9: memref<80xi32, #tpu.memory_space<vmem>>, %arg10: memref<80xi32, #tpu.memory_space<vmem>>, %arg11: memref<80xi32, #tpu.memory_space<vmem>>, %arg12: memref<80x64xf32, #tpu.memory_space<vmem>>, %arg13: memref<80x64xf32, #tpu.memory_space<vmem>>, %arg14: memref<80x64xf32, #tpu.memory_space<vmem>>, %arg15: memref<80xf32, #tpu.memory_space<vmem>>, %arg16: memref<80xf32, #tpu.memory_space<vmem>>, %arg17: memref<10240x64xf32, #tpu.memory_space<vmem_shared>>, %arg18: memref<10240xf32, #tpu.memory_space<vmem_shared>>, %arg19: memref<!tpu.dma_semaphore, #tpu.memory_space<semaphore_mem>>, %arg20: memref<!tpu.dma_semaphore, #tpu.memory_space<semaphore_mem>>, %arg21: memref<!tpu.dma_semaphore, #tpu.memory_space<semaphore_mem>>, %arg22: memref<!tpu.dma_semaphore, #tpu.memory_space<semaphore_mem>>, %arg23: memref<!tpu.dma_semaphore, #tpu.memory_space<semaphore_mem>>, %arg24: memref<!tpu.dma_semaphore, #tpu.memory_space<semaphore_mem>>, %arg25: memref<!tpu.dma_semaphore, #tpu.memory_space<semaphore_mem>>) attributes {dimension_semantics = [#tpu.dimension_semantics<core_parallel>, #tpu.dimension_semantics<subcore_parallel>], iteration_bounds = array<i64: 2, 16>, scalar_prefetch = 0 : i64, scratch_operands = 21 : i64, tpu.core_type = #tpu.core_type<sc_vector_subcore>, window_params = [{transform_indices = #map}, {transform_indices = #map1}, {transform_indices = #map1}]} {
    %mul3A = arith.constant 2 : i32
    %mul3A_0 = arith.muli %arg1, %mul3A : i32
    %add3A = arith.addi %mul3A_0, %arg0 : i32
    "tpu.region"() ({
      %run_scoped3A = tpu.sem_alloc : memref<!tpu.dma_semaphore, #tpu.memory_space<semaphore_mem>>
      %dma_start3A_601 = arith.constant 0 : i32
      %dma_start3A_602 = arith.constant 0 : i32
      %dma_start3A_603 = tpu.memref_slice %arg3[%add3A, %dma_start3A_601, %dma_start3A_602] : memref<32x125x80xi32, #tpu.memory_space<hbm>> -> memref<1x125x80xi32, #tpu.memory_space<hbm>>
      %dma_start3A_604 = tpu.memref_squeeze %dma_start3A_603 : memref<1x125x80xi32, #tpu.memory_space<hbm>> -> memref<125x80xi32, #tpu.memory_space<hbm>>
      %dma_start3A_605 = arith.constant 0 : i32
      %dma_start3A_606 = arith.constant 0 : i32
      %dma_start3A_607 = tpu.memref_slice %arg3[%add3A, %dma_start3A_605, %dma_start3A_606] : memref<32x125x80xi32, #tpu.memory_space<hbm>> -> memref<1x125x80xi32, #tpu.memory_space<hbm>>
      %dma_start3A_608 = tpu.memref_squeeze %dma_start3A_607 : memref<1x125x80xi32, #tpu.memory_space<hbm>> -> memref<125x80xi32, #tpu.memory_space<hbm>>
      tpu.enqueue_dma source(%dma_start3A_608 : memref<125x80xi32, #tpu.memory_space<hbm>>) target(%arg5 : memref<125x80xi32, #tpu.memory_space<vmem>>) target_semaphore(%run_scoped3A : memref<!tpu.dma_semaphore, #tpu.memory_space<semaphore_mem>>)
      %dma_wait3A_609 = arith.constant 0 : i32
      %dma_wait3A_610 = arith.constant 0 : i32
      %dma_wait3A_611 = tpu.memref_slice %arg3[%add3A, %dma_wait3A_609, %dma_wait3A_610] : memref<32x125x80xi32, #tpu.memory_space<hbm>> -> memref<1x125x80xi32, #tpu.memory_space<hbm>>
      %dma_wait3A_612 = tpu.memref_squeeze %dma_wait3A_611 : memref<1x125x80xi32, #tpu.memory_space<hbm>> -> memref<125x80xi32, #tpu.memory_space<hbm>>
      %dma_wait3A_613 = arith.constant 0 : i32
      %dma_wait3A_614 = arith.constant 0 : i32
      %dma_wait3A_615 = tpu.memref_slice %arg3[%add3A, %dma_wait3A_613, %dma_wait3A_614] : memref<32x125x80xi32, #tpu.memory_space<hbm>> -> memref<1x125x80xi32, #tpu.memory_space<hbm>>
      %dma_wait3A_616 = tpu.memref_squeeze %dma_wait3A_615 : memref<1x125x80xi32, #tpu.memory_space<hbm>> -> memref<125x80xi32, #tpu.memory_space<hbm>>
      tpu.wait_dma2 semaphore(%run_scoped3A : memref<!tpu.dma_semaphore, #tpu.memory_space<semaphore_mem>>) src(%dma_wait3A_616 : memref<125x80xi32, #tpu.memory_space<hbm>>) dst(%arg5 : memref<125x80xi32, #tpu.memory_space<vmem>>)
      tpu.yield
    }) : () -> ()
    %get3A = arith.constant 0 : i32
    %get3A_1 = arith.index_cast %get3A : i32 to index
    %get3A_2 = arith.constant 0 : index
    %get3A_3 = tpu.vector_load %arg5[%get3A_1, %get3A_2] {strides = array<i32>} : memref<125x80xi32, #tpu.memory_space<vmem>>, vector<1x16xi32>,
    %get3A_4 = vector.shape_cast %get3A_3 : vector<1x16xi32> to vector<16xi32>
    %shift_right_logical3A = arith.constant 14 : i32
    %shift_right_logical3A_5 = vector.broadcast %shift_right_logical3A : i32 to vector<16xi32>
    %shift_right_logical3A_6 = arith.shrui %get3A_4, %shift_right_logical3A_5 : vector<16xi32>
    %swap3A = arith.constant 0 : index
    %swap3A_7 = tpu.vector_load %arg6[%swap3A] {strides = array<i32>} : memref<80xi32, #tpu.memory_space<vmem>>, vector<16xi32>,
    %swap3A_8 = vector.shape_cast %swap3A_7 : vector<16xi32> to vector<16xi32>
    %swap3A_9 = vector.shape_cast %shift_right_logical3A_6 : vector<16xi32> to vector<16xi32>
    tpu.vector_store %arg6[%swap3A], %swap3A_9 {strides = array<i32>} : memref<80xi32, #tpu.memory_space<vmem>>, vector<16xi32>,
    %and3A = arith.constant 16383 : i32
    %and3A_10 = vector.broadcast %and3A : i32 to vector<16xi32>
    %and3A_11 = arith.andi %get3A_4, %and3A_10 : vector<16xi32>
    %swap3A_12 = arith.constant 0 : index
    %swap3A_13 = tpu.vector_load %arg9[%swap3A_12] {strides = array<i32>} : memref<80xi32, #tpu.memory_space<vmem>>, vector<16xi32>,
    %swap3A_14 = vector.shape_cast %swap3A_13 : vector<16xi32> to vector<16xi32>
    %swap3A_15 = vector.shape_cast %and3A_11 : vector<16xi32> to vector<16xi32>
    tpu.vector_store %arg9[%swap3A_12], %swap3A_15 {strides = array<i32>} : memref<80xi32, #tpu.memory_space<vmem>>, vector<16xi32>,
    %get3A_16 = arith.constant 0 : i32
    %get3A_17 = arith.index_cast %get3A_16 : i32 to index
    %get3A_18 = arith.constant 16 : index
    %get3A_19 = tpu.vector_load %arg5[%get3A_17, %get3A_18] {strides = array<i32>} : memref<125x80xi32, #tpu.memory_space<vmem>>, vector<1x16xi32>,
    %get3A_20 = vector.shape_cast %get3A_19 : vector<1x16xi32> to vector<16xi32>
    %shift_right_logical3A_21 = arith.constant 14 : i32
    %shift_right_logical3A_22 = vector.broadcast %shift_right_logical3A_21 : i32 to vector<16xi32>
    %shift_right_logical3A_23 = arith.shrui %get3A_20, %shift_right_logical3A_22 : vector<16xi32>
    %swap3A_24 = arith.constant 16 : index
    %swap3A_25 = tpu.vector_load %arg6[%swap3A_24] {strides = array<i32>} : memref<80xi32, #tpu.memory_space<vmem>>, vector<16xi32>,
    %swap3A_26 = vector.shape_cast %swap3A_25 : vector<16xi32> to vector<16xi32>
    %swap3A_27 = vector.shape_cast %shift_right_logical3A_23 : vector<16xi32> to vector<16xi32>
    tpu.vector_store %arg6[%swap3A_24], %swap3A_27 {strides = array<i32>} : memref<80xi32, #tpu.memory_space<vmem>>, vector<16xi32>,
    %and3A_28 = arith.constant 16383 : i32
    %and3A_29 = vector.broadcast %and3A_28 : i32 to vector<16xi32>
    %and3A_30 = arith.andi %get3A_20, %and3A_29 : vector<16xi32>
    %swap3A_31 = arith.constant 16 : index
    %swap3A_32 = tpu.vector_load %arg9[%swap3A_31] {strides = array<i32>} : memref<80xi32, #tpu.memory_space<vmem>>, vector<16xi32>,
    %swap3A_33 = vector.shape_cast %swap3A_32 : vector<16xi32> to vector<16xi32>
    %swap3A_34 = vector.shape_cast %and3A_30 : vector<16xi32> to vector<16xi32>
    tpu.vector_store %arg9[%swap3A_31], %swap3A_34 {strides = array<i32>} : memref<80xi32, #tpu.memory_space<vmem>>, vector<16xi32>,
    %get3A_35 = arith.constant 0 : i32
    %get3A_36 = arith.index_cast %get3A_35 : i32 to index
    %get3A_37 = arith.constant 32 : index
    %get3A_38 = tpu.vector_load %arg5[%get3A_36, %get3A_37] {strides = array<i32>} : memref<125x80xi32, #tpu.memory_space<vmem>>, vector<1x16xi32>,
    %get3A_39 = vector.shape_cast %get3A_38 : vector<1x16xi32> to vector<16xi32>
    %shift_right_logical3A_40 = arith.constant 14 : i32
    %shift_right_logical3A_41 = vector.broadcast %shift_right_logical3A_40 : i32 to vector<16xi32>
    %shift_right_logical3A_42 = arith.shrui %get3A_39, %shift_right_logical3A_41 : vector<16xi32>
    %swap3A_43 = arith.constant 32 : index
    %swap3A_44 = tpu.vector_load %arg6[%swap3A_43] {strides = array<i32>} : memref<80xi32, #tpu.memory_space<vmem>>, vector<16xi32>,
    %swap3A_45 = vector.shape_cast %swap3A_44 : vector<16xi32> to vector<16xi32>
    %swap3A_46 = vector.shape_cast %shift_right_logical3A_42 : vector<16xi32> to vector<16xi32>
    tpu.vector_store %arg6[%swap3A_43], %swap3A_46 {strides = array<i32>} : memref<80xi32, #tpu.memory_space<vmem>>, vector<16xi32>,
    %and3A_47 = arith.constant 16383 : i32
    %and3A_48 = vector.broadcast %and3A_47 : i32 to vector<16xi32>
    %and3A_49 = arith.andi %get3A_39, %and3A_48 : vector<16xi32>
    %swap3A_50 = arith.constant 32 : index
    %swap3A_51 = tpu.vector_load %arg9[%swap3A_50] {strides = array<i32>} : memref<80xi32, #tpu.memory_space<vmem>>, vector<16xi32>,
    %swap3A_52 = vector.shape_cast %swap3A_51 : vector<16xi32> to vector<16xi32>
    %swap3A_53 = vector.shape_cast %and3A_49 : vector<16xi32> to vector<16xi32>
    tpu.vector_store %arg9[%swap3A_50], %swap3A_53 {strides = array<i32>} : memref<80xi32, #tpu.memory_space<vmem>>, vector<16xi32>,
    %get3A_54 = arith.constant 0 : i32
    %get3A_55 = arith.index_cast %get3A_54 : i32 to index
    %get3A_56 = arith.constant 48 : index
    %get3A_57 = tpu.vector_load %arg5[%get3A_55, %get3A_56] {strides = array<i32>} : memref<125x80xi32, #tpu.memory_space<vmem>>, vector<1x16xi32>,
    %get3A_58 = vector.shape_cast %get3A_57 : vector<1x16xi32> to vector<16xi32>
    %shift_right_logical3A_59 = arith.constant 14 : i32
    %shift_right_logical3A_60 = vector.broadcast %shift_right_logical3A_59 : i32 to vector<16xi32>
    %shift_right_logical3A_61 = arith.shrui %get3A_58, %shift_right_logical3A_60 : vector<16xi32>
    %swap3A_62 = arith.constant 48 : index
    %swap3A_63 = tpu.vector_load %arg6[%swap3A_62] {strides = array<i32>} : memref<80xi32, #tpu.memory_space<vmem>>, vector<16xi32>,
    %swap3A_64 = vector.shape_cast %swap3A_63 : vector<16xi32> to vector<16xi32>
    %swap3A_65 = vector.shape_cast %shift_right_logical3A_61 : vector<16xi32> to vector<16xi32>
    tpu.vector_store %arg6[%swap3A_62], %swap3A_65 {strides = array<i32>} : memref<80xi32, #tpu.memory_space<vmem>>, vector<16xi32>,
    %and3A_66 = arith.constant 16383 : i32
    %and3A_67 = vector.broadcast %and3A_66 : i32 to vector<16xi32>
    %and3A_68 = arith.andi %get3A_58, %and3A_67 : vector<16xi32>
    %swap3A_69 = arith.constant 48 : index
    %swap3A_70 = tpu.vector_load %arg9[%swap3A_69] {strides = array<i32>} : memref<80xi32, #tpu.memory_space<vmem>>, vector<16xi32>,
    %swap3A_71 = vector.shape_cast %swap3A_70 : vector<16xi32> to vector<16xi32>
    %swap3A_72 = vector.shape_cast %and3A_68 : vector<16xi32> to vector<16xi32>
    tpu.vector_store %arg9[%swap3A_69], %swap3A_72 {strides = array<i32>} : memref<80xi32, #tpu.memory_space<vmem>>, vector<16xi32>,
    %get3A_73 = arith.constant 0 : i32
    %get3A_74 = arith.index_cast %get3A_73 : i32 to index
    %get3A_75 = arith.constant 64 : index
    %get3A_76 = tpu.vector_load %arg5[%get3A_74, %get3A_75] {strides = array<i32>} : memref<125x80xi32, #tpu.memory_space<vmem>>, vector<1x16xi32>,
    %get3A_77 = vector.shape_cast %get3A_76 : vector<1x16xi32> to vector<16xi32>
    %shift_right_logical3A_78 = arith.constant 14 : i32
    %shift_right_logical3A_79 = vector.broadcast %shift_right_logical3A_78 : i32 to vector<16xi32>
    %shift_right_logical3A_80 = arith.shrui %get3A_77, %shift_right_logical3A_79 : vector<16xi32>
    %swap3A_81 = arith.constant 64 : index
    %swap3A_82 = tpu.vector_load %arg6[%swap3A_81] {strides = array<i32>} : memref<80xi32, #tpu.memory_space<vmem>>, vector<16xi32>,
    %swap3A_83 = vector.shape_cast %swap3A_82 : vector<16xi32> to vector<16xi32>
    %swap3A_84 = vector.shape_cast %shift_right_logical3A_80 : vector<16xi32> to vector<16xi32>
    tpu.vector_store %arg6[%swap3A_81], %swap3A_84 {strides = array<i32>} : memref<80xi32, #tpu.memory_space<vmem>>, vector<16xi32>,
    %and3A_85 = arith.constant 16383 : i32
    %and3A_86 = vector.broadcast %and3A_85 : i32 to vector<16xi32>
    %and3A_87 = arith.andi %get3A_77, %and3A_86 : vector<16xi32>
    %swap3A_88 = arith.constant 64 : index
    %swap3A_89 = tpu.vector_load %arg9[%swap3A_88] {strides = array<i32>} : memref<80xi32, #tpu.memory_space<vmem>>, vector<16xi32>,
    %swap3A_90 = vector.shape_cast %swap3A_89 : vector<16xi32> to vector<16xi32>
    %swap3A_91 = vector.shape_cast %and3A_87 : vector<16xi32> to vector<16xi32>
    tpu.vector_store %arg9[%swap3A_88], %swap3A_91 {strides = array<i32>} : memref<80xi32, #tpu.memory_space<vmem>>, vector<16xi32>,
    %dma_start3A = arith.constant 0 : i32
    %dma_start3A_92 = arith.constant 0 : i32
    %dma_start3A_93 = tpu.memref_slice %arg2[%dma_start3A, %dma_start3A_92] : memref<10000x64xf32, #tpu.memory_space<hbm>> -> memref<10000x64xf32, #tpu.memory_space<hbm>>
    tpu.enqueue_indirect_dma source(%dma_start3A_93 : memref<10000x64xf32, #tpu.memory_space<hbm>>) target(%arg12 : memref<80x64xf32, #tpu.memory_space<vmem>>) offsets(%arg6 : memref<80xi32, #tpu.memory_space<vmem>>) semaphore(%arg19 : memref<!tpu.dma_semaphore, #tpu.memory_space<semaphore_mem>>)
    %get3A_94 = arith.constant 1 : i32
    %get3A_95 = arith.index_cast %get3A_94 : i32 to index
    %get3A_96 = arith.constant 0 : index
    %get3A_97 = tpu.vector_load %arg5[%get3A_95, %get3A_96] {strides = array<i32>} : memref<125x80xi32, #tpu.memory_space<vmem>>, vector<1x16xi32>,
    %get3A_98 = vector.shape_cast %get3A_97 : vector<1x16xi32> to vector<16xi32>
    %shift_right_logical3A_99 = arith.constant 14 : i32
    %shift_right_logical3A_100 = vector.broadcast %shift_right_logical3A_99 : i32 to vector<16xi32>
    %shift_right_logical3A_101 = arith.shrui %get3A_98, %shift_right_logical3A_100 : vector<16xi32>
    %swap3A_102 = arith.constant 0 : index
    %swap3A_103 = tpu.vector_load %arg7[%swap3A_102] {strides = array<i32>} : memref<80xi32, #tpu.memory_space<vmem>>, vector<16xi32>,
    %swap3A_104 = vector.shape_cast %swap3A_103 : vector<16xi32> to vector<16xi32>
    %swap3A_105 = vector.shape_cast %shift_right_logical3A_101 : vector<16xi32> to vector<16xi32>
    tpu.vector_store %arg7[%swap3A_102], %swap3A_105 {strides = array<i32>} : memref<80xi32, #tpu.memory_space<vmem>>, vector<16xi32>,
    %and3A_106 = arith.constant 16383 : i32
    %and3A_107 = vector.broadcast %and3A_106 : i32 to vector<16xi32>
    %and3A_108 = arith.andi %get3A_98, %and3A_107 : vector<16xi32>
    %swap3A_109 = arith.constant 0 : index
    %swap3A_110 = tpu.vector_load %arg10[%swap3A_109] {strides = array<i32>} : memref<80xi32, #tpu.memory_space<vmem>>, vector<16xi32>,
    %swap3A_111 = vector.shape_cast %swap3A_110 : vector<16xi32> to vector<16xi32>
    %swap3A_112 = vector.shape_cast %and3A_108 : vector<16xi32> to vector<16xi32>
    tpu.vector_store %arg10[%swap3A_109], %swap3A_112 {strides = array<i32>} : memref<80xi32, #tpu.memory_space<vmem>>, vector<16xi32>,
    %get3A_113 = arith.constant 1 : i32
    %get3A_114 = arith.index_cast %get3A_113 : i32 to index
    %get3A_115 = arith.constant 16 : index
    %get3A_116 = tpu.vector_load %arg5[%get3A_114, %get3A_115] {strides = array<i32>} : memref<125x80xi32, #tpu.memory_space<vmem>>, vector<1x16xi32>,
    %get3A_117 = vector.shape_cast %get3A_116 : vector<1x16xi32> to vector<16xi32>
    %shift_right_logical3A_118 = arith.constant 14 : i32
    %shift_right_logical3A_119 = vector.broadcast %shift_right_logical3A_118 : i32 to vector<16xi32>
    %shift_right_logical3A_120 = arith.shrui %get3A_117, %shift_right_logical3A_119 : vector<16xi32>
    %swap3A_121 = arith.constant 16 : index
    %swap3A_122 = tpu.vector_load %arg7[%swap3A_121] {strides = array<i32>} : memref<80xi32, #tpu.memory_space<vmem>>, vector<16xi32>,
    %swap3A_123 = vector.shape_cast %swap3A_122 : vector<16xi32> to vector<16xi32>
    %swap3A_124 = vector.shape_cast %shift_right_logical3A_120 : vector<16xi32> to vector<16xi32>
    tpu.vector_store %arg7[%swap3A_121], %swap3A_124 {strides = array<i32>} : memref<80xi32, #tpu.memory_space<vmem>>, vector<16xi32>,
    %and3A_125 = arith.constant 16383 : i32
    %and3A_126 = vector.broadcast %and3A_125 : i32 to vector<16xi32>
    %and3A_127 = arith.andi %get3A_117, %and3A_126 : vector<16xi32>
    %swap3A_128 = arith.constant 16 : index
    %swap3A_129 = tpu.vector_load %arg10[%swap3A_128] {strides = array<i32>} : memref<80xi32, #tpu.memory_space<vmem>>, vector<16xi32>,
    %swap3A_130 = vector.shape_cast %swap3A_129 : vector<16xi32> to vector<16xi32>
    %swap3A_131 = vector.shape_cast %and3A_127 : vector<16xi32> to vector<16xi32>
    tpu.vector_store %arg10[%swap3A_128], %swap3A_131 {strides = array<i32>} : memref<80xi32, #tpu.memory_space<vmem>>, vector<16xi32>,
    %get3A_132 = arith.constant 1 : i32
    %get3A_133 = arith.index_cast %get3A_132 : i32 to index
    %get3A_134 = arith.constant 32 : index
    %get3A_135 = tpu.vector_load %arg5[%get3A_133, %get3A_134] {strides = array<i32>} : memref<125x80xi32, #tpu.memory_space<vmem>>, vector<1x16xi32>,
    %get3A_136 = vector.shape_cast %get3A_135 : vector<1x16xi32> to vector<16xi32>
    %shift_right_logical3A_137 = arith.constant 14 : i32
    %shift_right_logical3A_138 = vector.broadcast %shift_right_logical3A_137 : i32 to vector<16xi32>
    %shift_right_logical3A_139 = arith.shrui %get3A_136, %shift_right_logical3A_138 : vector<16xi32>
    %swap3A_140 = arith.constant 32 : index
    %swap3A_141 = tpu.vector_load %arg7[%swap3A_140] {strides = array<i32>} : memref<80xi32, #tpu.memory_space<vmem>>, vector<16xi32>,
    %swap3A_142 = vector.shape_cast %swap3A_141 : vector<16xi32> to vector<16xi32>
    %swap3A_143 = vector.shape_cast %shift_right_logical3A_139 : vector<16xi32> to vector<16xi32>
    tpu.vector_store %arg7[%swap3A_140], %swap3A_143 {strides = array<i32>} : memref<80xi32, #tpu.memory_space<vmem>>, vector<16xi32>,
    %and3A_144 = arith.constant 16383 : i32
    %and3A_145 = vector.broadcast %and3A_144 : i32 to vector<16xi32>
    %and3A_146 = arith.andi %get3A_136, %and3A_145 : vector<16xi32>
    %swap3A_147 = arith.constant 32 : index
    %swap3A_148 = tpu.vector_load %arg10[%swap3A_147] {strides = array<i32>} : memref<80xi32, #tpu.memory_space<vmem>>, vector<16xi32>,
    %swap3A_149 = vector.shape_cast %swap3A_148 : vector<16xi32> to vector<16xi32>
    %swap3A_150 = vector.shape_cast %and3A_146 : vector<16xi32> to vector<16xi32>
    tpu.vector_store %arg10[%swap3A_147], %swap3A_150 {strides = array<i32>} : memref<80xi32, #tpu.memory_space<vmem>>, vector<16xi32>,
    %get3A_151 = arith.constant 1 : i32
    %get3A_152 = arith.index_cast %get3A_151 : i32 to index
    %get3A_153 = arith.constant 48 : index
    %get3A_154 = tpu.vector_load %arg5[%get3A_152, %get3A_153] {strides = array<i32>} : memref<125x80xi32, #tpu.memory_space<vmem>>, vector<1x16xi32>,
    %get3A_155 = vector.shape_cast %get3A_154 : vector<1x16xi32> to vector<16xi32>
    %shift_right_logical3A_156 = arith.constant 14 : i32
    %shift_right_logical3A_157 = vector.broadcast %shift_right_logical3A_156 : i32 to vector<16xi32>
    %shift_right_logical3A_158 = arith.shrui %get3A_155, %shift_right_logical3A_157 : vector<16xi32>
    %swap3A_159 = arith.constant 48 : index
    %swap3A_160 = tpu.vector_load %arg7[%swap3A_159] {strides = array<i32>} : memref<80xi32, #tpu.memory_space<vmem>>, vector<16xi32>,
    %swap3A_161 = vector.shape_cast %swap3A_160 : vector<16xi32> to vector<16xi32>
    %swap3A_162 = vector.shape_cast %shift_right_logical3A_158 : vector<16xi32> to vector<16xi32>
    tpu.vector_store %arg7[%swap3A_159], %swap3A_162 {strides = array<i32>} : memref<80xi32, #tpu.memory_space<vmem>>, vector<16xi32>,
    %and3A_163 = arith.constant 16383 : i32
    %and3A_164 = vector.broadcast %and3A_163 : i32 to vector<16xi32>
    %and3A_165 = arith.andi %get3A_155, %and3A_164 : vector<16xi32>
    %swap3A_166 = arith.constant 48 : index
    %swap3A_167 = tpu.vector_load %arg10[%swap3A_166] {strides = array<i32>} : memref<80xi32, #tpu.memory_space<vmem>>, vector<16xi32>,
    %swap3A_168 = vector.shape_cast %swap3A_167 : vector<16xi32> to vector<16xi32>
    %swap3A_169 = vector.shape_cast %and3A_165 : vector<16xi32> to vector<16xi32>
    tpu.vector_store %arg10[%swap3A_166], %swap3A_169 {strides = array<i32>} : memref<80xi32, #tpu.memory_space<vmem>>, vector<16xi32>,
    %get3A_170 = arith.constant 1 : i32
    %get3A_171 = arith.index_cast %get3A_170 : i32 to index
    %get3A_172 = arith.constant 64 : index
    %get3A_173 = tpu.vector_load %arg5[%get3A_171, %get3A_172] {strides = array<i32>} : memref<125x80xi32, #tpu.memory_space<vmem>>, vector<1x16xi32>,
    %get3A_174 = vector.shape_cast %get3A_173 : vector<1x16xi32> to vector<16xi32>
    %shift_right_logical3A_175 = arith.constant 14 : i32
    %shift_right_logical3A_176 = vector.broadcast %shift_right_logical3A_175 : i32 to vector<16xi32>
    %shift_right_logical3A_177 = arith.shrui %get3A_174, %shift_right_logical3A_176 : vector<16xi32>
    %swap3A_178 = arith.constant 64 : index
    %swap3A_179 = tpu.vector_load %arg7[%swap3A_178] {strides = array<i32>} : memref<80xi32, #tpu.memory_space<vmem>>, vector<16xi32>,
    %swap3A_180 = vector.shape_cast %swap3A_179 : vector<16xi32> to vector<16xi32>
    %swap3A_181 = vector.shape_cast %shift_right_logical3A_177 : vector<16xi32> to vector<16xi32>
    tpu.vector_store %arg7[%swap3A_178], %swap3A_181 {strides = array<i32>} : memref<80xi32, #tpu.memory_space<vmem>>, vector<16xi32>,
    %and3A_182 = arith.constant 16383 : i32
    %and3A_183 = vector.broadcast %and3A_182 : i32 to vector<16xi32>
    %and3A_184 = arith.andi %get3A_174, %and3A_183 : vector<16xi32>
    %swap3A_185 = arith.constant 64 : index
    %swap3A_186 = tpu.vector_load %arg10[%swap3A_185] {strides = array<i32>} : memref<80xi32, #tpu.memory_space<vmem>>, vector<16xi32>,
    %swap3A_187 = vector.shape_cast %swap3A_186 : vector<16xi32> to vector<16xi32>
    %swap3A_188 = vector.shape_cast %and3A_184 : vector<16xi32> to vector<16xi32>
    tpu.vector_store %arg10[%swap3A_185], %swap3A_188 {strides = array<i32>} : memref<80xi32, #tpu.memory_space<vmem>>, vector<16xi32>,
    %dma_start3A_189 = arith.constant 0 : i32
    %dma_start3A_190 = arith.constant 0 : i32
    %dma_start3A_191 = tpu.memref_slice %arg2[%dma_start3A_189, %dma_start3A_190] : memref<10000x64xf32, #tpu.memory_space<hbm>> -> memref<10000x64xf32, #tpu.memory_space<hbm>>
    tpu.enqueue_indirect_dma source(%dma_start3A_191 : memref<10000x64xf32, #tpu.memory_space<hbm>>) target(%arg13 : memref<80x64xf32, #tpu.memory_space<vmem>>) offsets(%arg7 : memref<80xi32, #tpu.memory_space<vmem>>) semaphore(%arg20 : memref<!tpu.dma_semaphore, #tpu.memory_space<semaphore_mem>>)
    %broadcast_in_dim3A = arith.constant 0.000000e+00 : f32
    %broadcast_in_dim3A_192 = vector.broadcast %broadcast_in_dim3A : f32 to vector<16xf32>
    %broadcast_in_dim3A_193 = arith.constant 1.000000e+00 : f32
    %broadcast_in_dim3A_194 = vector.broadcast %broadcast_in_dim3A_193 : f32 to vector<16xf32>
    %swap3A_195 = arith.constant 0 : index
    %swap3A_196 = tpu.vector_load %arg15[%swap3A_195] {strides = array<i32>} : memref<80xf32, #tpu.memory_space<vmem>>, vector<16xf32>,
    %swap3A_197 = vector.shape_cast %swap3A_196 : vector<16xf32> to vector<16xf32>
    %swap3A_198 = vector.shape_cast %broadcast_in_dim3A_194 : vector<16xf32> to vector<16xf32>
    tpu.vector_store %arg15[%swap3A_195], %swap3A_198 {strides = array<i32>} : memref<80xf32, #tpu.memory_space<vmem>>, vector<16xf32>,
    %swap3A_199 = arith.constant 16 : index
    %swap3A_200 = tpu.vector_load %arg15[%swap3A_199] {strides = array<i32>} : memref<80xf32, #tpu.memory_space<vmem>>, vector<16xf32>,
    %swap3A_201 = vector.shape_cast %swap3A_200 : vector<16xf32> to vector<16xf32>
    %swap3A_202 = vector.shape_cast %broadcast_in_dim3A_194 : vector<16xf32> to vector<16xf32>
    tpu.vector_store %arg15[%swap3A_199], %swap3A_202 {strides = array<i32>} : memref<80xf32, #tpu.memory_space<vmem>>, vector<16xf32>,
    %swap3A_203 = arith.constant 32 : index
    %swap3A_204 = tpu.vector_load %arg15[%swap3A_203] {strides = array<i32>} : memref<80xf32, #tpu.memory_space<vmem>>, vector<16xf32>,
    %swap3A_205 = vector.shape_cast %swap3A_204 : vector<16xf32> to vector<16xf32>
    %swap3A_206 = vector.shape_cast %broadcast_in_dim3A_194 : vector<16xf32> to vector<16xf32>
    tpu.vector_store %arg15[%swap3A_203], %swap3A_206 {strides = array<i32>} : memref<80xf32, #tpu.memory_space<vmem>>, vector<16xf32>,
    %swap3A_207 = arith.constant 48 : index
    %swap3A_208 = tpu.vector_load %arg15[%swap3A_207] {strides = array<i32>} : memref<80xf32, #tpu.memory_space<vmem>>, vector<16xf32>,
    %swap3A_209 = vector.shape_cast %swap3A_208 : vector<16xf32> to vector<16xf32>
    %swap3A_210 = vector.shape_cast %broadcast_in_dim3A_194 : vector<16xf32> to vector<16xf32>
    tpu.vector_store %arg15[%swap3A_207], %swap3A_210 {strides = array<i32>} : memref<80xf32, #tpu.memory_space<vmem>>, vector<16xf32>,
    %swap3A_211 = arith.constant 64 : index
    %swap3A_212 = tpu.vector_load %arg15[%swap3A_211] {strides = array<i32>} : memref<80xf32, #tpu.memory_space<vmem>>, vector<16xf32>,
    %swap3A_213 = vector.shape_cast %swap3A_212 : vector<16xf32> to vector<16xf32>
    %swap3A_214 = vector.shape_cast %broadcast_in_dim3A_194 : vector<16xf32> to vector<16xf32>
    tpu.vector_store %arg15[%swap3A_211], %swap3A_214 {strides = array<i32>} : memref<80xf32, #tpu.memory_space<vmem>>, vector<16xf32>,
    %scan3A = arith.constant 0 : i32
    %scan3A_215 = arith.constant 80 : i32
    %scan3A_216 = arith.addi %scan3A, %scan3A_215 : i32
    %scan3A_217 = arith.constant 1 : i32
    scf.for %scan3A_601 = %scan3A to %scan3A_216 step %scan3A_217  : i32 {
      %mul3A_602 = arith.constant 1 : i32
      %mul3A_603 = arith.muli %scan3A_601, %mul3A_602 : i32
      %add3A_604 = arith.constant 0 : i32
      %add3A_605 = arith.addi %add3A_604, %mul3A_603 : i32
      %swap3A_606 = arith.index_cast %add3A_605 : i32 to index
      %swap3A_607 = arith.constant 0 : index
      %swap3A_608 = tpu.vector_load %arg14[%swap3A_606, %swap3A_607] {strides = array<i32>} : memref<80x64xf32, #tpu.memory_space<vmem>>, vector<1x16xf32>,
      %swap3A_609 = vector.shape_cast %swap3A_608 : vector<1x16xf32> to vector<16xf32>
      %swap3A_610 = vector.shape_cast %broadcast_in_dim3A_192 : vector<16xf32> to vector<1x16xf32>
      tpu.vector_store %arg14[%swap3A_606, %swap3A_607], %swap3A_610 {strides = array<i32>} : memref<80x64xf32, #tpu.memory_space<vmem>>, vector<1x16xf32>,
      %swap3A_611 = arith.index_cast %add3A_605 : i32 to index
      %swap3A_612 = arith.constant 16 : index
      %swap3A_613 = tpu.vector_load %arg14[%swap3A_611, %swap3A_612] {strides = array<i32>} : memref<80x64xf32, #tpu.memory_space<vmem>>, vector<1x16xf32>,
      %swap3A_614 = vector.shape_cast %swap3A_613 : vector<1x16xf32> to vector<16xf32>
      %swap3A_615 = vector.shape_cast %broadcast_in_dim3A_192 : vector<16xf32> to vector<1x16xf32>
      tpu.vector_store %arg14[%swap3A_611, %swap3A_612], %swap3A_615 {strides = array<i32>} : memref<80x64xf32, #tpu.memory_space<vmem>>, vector<1x16xf32>,
      %swap3A_616 = arith.index_cast %add3A_605 : i32 to index
      %swap3A_617 = arith.constant 32 : index
      %swap3A_618 = tpu.vector_load %arg14[%swap3A_616, %swap3A_617] {strides = array<i32>} : memref<80x64xf32, #tpu.memory_space<vmem>>, vector<1x16xf32>,
      %swap3A_619 = vector.shape_cast %swap3A_618 : vector<1x16xf32> to vector<16xf32>
      %swap3A_620 = vector.shape_cast %broadcast_in_dim3A_192 : vector<16xf32> to vector<1x16xf32>
      tpu.vector_store %arg14[%swap3A_616, %swap3A_617], %swap3A_620 {strides = array<i32>} : memref<80x64xf32, #tpu.memory_space<vmem>>, vector<1x16xf32>,
      %swap3A_621 = arith.index_cast %add3A_605 : i32 to index
      %swap3A_622 = arith.constant 48 : index
      %swap3A_623 = tpu.vector_load %arg14[%swap3A_621, %swap3A_622] {strides = array<i32>} : memref<80x64xf32, #tpu.memory_space<vmem>>, vector<1x16xf32>,
      %swap3A_624 = vector.shape_cast %swap3A_623 : vector<1x16xf32> to vector<16xf32>
      %swap3A_625 = vector.shape_cast %broadcast_in_dim3A_192 : vector<16xf32> to vector<1x16xf32>
      tpu.vector_store %arg14[%swap3A_621, %swap3A_622], %swap3A_625 {strides = array<i32>} : memref<80x64xf32, #tpu.memory_space<vmem>>, vector<1x16xf32>,
    }
    %scan3A_218 = arith.constant 80 : i32
    %swap3A_219 = arith.constant 0 : index
    %swap3A_220 = tpu.vector_load %arg16[%swap3A_219] {strides = array<i32>} : memref<80xf32, #tpu.memory_space<vmem>>, vector<16xf32>,
    %swap3A_221 = vector.shape_cast %swap3A_220 : vector<16xf32> to vector<16xf32>
    %swap3A_222 = vector.shape_cast %broadcast_in_dim3A_192 : vector<16xf32> to vector<16xf32>
    tpu.vector_store %arg16[%swap3A_219], %swap3A_222 {strides = array<i32>} : memref<80xf32, #tpu.memory_space<vmem>>, vector<16xf32>,
    %swap3A_223 = arith.constant 16 : index
    %swap3A_224 = tpu.vector_load %arg16[%swap3A_223] {strides = array<i32>} : memref<80xf32, #tpu.memory_space<vmem>>, vector<16xf32>,
    %swap3A_225 = vector.shape_cast %swap3A_224 : vector<16xf32> to vector<16xf32>
    %swap3A_226 = vector.shape_cast %broadcast_in_dim3A_192 : vector<16xf32> to vector<16xf32>
    tpu.vector_store %arg16[%swap3A_223], %swap3A_226 {strides = array<i32>} : memref<80xf32, #tpu.memory_space<vmem>>, vector<16xf32>,
    %swap3A_227 = arith.constant 32 : index
    %swap3A_228 = tpu.vector_load %arg16[%swap3A_227] {strides = array<i32>} : memref<80xf32, #tpu.memory_space<vmem>>, vector<16xf32>,
    %swap3A_229 = vector.shape_cast %swap3A_228 : vector<16xf32> to vector<16xf32>
    %swap3A_230 = vector.shape_cast %broadcast_in_dim3A_192 : vector<16xf32> to vector<16xf32>
    tpu.vector_store %arg16[%swap3A_227], %swap3A_230 {strides = array<i32>} : memref<80xf32, #tpu.memory_space<vmem>>, vector<16xf32>,
    %swap3A_231 = arith.constant 48 : index
    %swap3A_232 = tpu.vector_load %arg16[%swap3A_231] {strides = array<i32>} : memref<80xf32, #tpu.memory_space<vmem>>, vector<16xf32>,
    %swap3A_233 = vector.shape_cast %swap3A_232 : vector<16xf32> to vector<16xf32>
    %swap3A_234 = vector.shape_cast %broadcast_in_dim3A_192 : vector<16xf32> to vector<16xf32>
    tpu.vector_store %arg16[%swap3A_231], %swap3A_234 {strides = array<i32>} : memref<80xf32, #tpu.memory_space<vmem>>, vector<16xf32>,
    %swap3A_235 = arith.constant 64 : index
    %swap3A_236 = tpu.vector_load %arg16[%swap3A_235] {strides = array<i32>} : memref<80xf32, #tpu.memory_space<vmem>>, vector<16xf32>,
    %swap3A_237 = vector.shape_cast %swap3A_236 : vector<16xf32> to vector<16xf32>
    %swap3A_238 = vector.shape_cast %broadcast_in_dim3A_192 : vector<16xf32> to vector<16xf32>
    tpu.vector_store %arg16[%swap3A_235], %swap3A_238 {strides = array<i32>} : memref<80xf32, #tpu.memory_space<vmem>>, vector<16xf32>,
    %mul3A_239 = arith.constant 640 : i32
    %mul3A_240 = arith.muli %arg1, %mul3A_239 : i32
    %add3A_241 = arith.constant 0 : i32
    %add3A_242 = arith.addi %mul3A_240, %add3A_241 : i32
    "tpu.region"() ({
      %run_scoped3A = tpu.sem_alloc : memref<!tpu.dma_semaphore, #tpu.memory_space<semaphore_mem>>
      %dma_start3A_601 = arith.constant 0 : i32
      %dma_start3A_602 = tpu.memref_slice %arg17[%add3A_242, %dma_start3A_601] : memref<10240x64xf32, #tpu.memory_space<vmem_shared>> -> memref<80x64xf32, #tpu.memory_space<vmem_shared>>
      %dma_start3A_603 = arith.constant 0 : i32
      %dma_start3A_604 = tpu.memref_slice %arg17[%add3A_242, %dma_start3A_603] : memref<10240x64xf32, #tpu.memory_space<vmem_shared>> -> memref<80x64xf32, #tpu.memory_space<vmem_shared>>
      tpu.enqueue_dma source(%arg14 : memref<80x64xf32, #tpu.memory_space<vmem>>) target(%dma_start3A_604 : memref<80x64xf32, #tpu.memory_space<vmem_shared>>) target_semaphore(%run_scoped3A : memref<!tpu.dma_semaphore, #tpu.memory_space<semaphore_mem>>)
      %dma_wait3A_605 = arith.constant 0 : i32
      %dma_wait3A_606 = tpu.memref_slice %arg17[%add3A_242, %dma_wait3A_605] : memref<10240x64xf32, #tpu.memory_space<vmem_shared>> -> memref<80x64xf32, #tpu.memory_space<vmem_shared>>
      %dma_wait3A_607 = arith.constant 0 : i32
      %dma_wait3A_608 = tpu.memref_slice %arg17[%add3A_242, %dma_wait3A_607] : memref<10240x64xf32, #tpu.memory_space<vmem_shared>> -> memref<80x64xf32, #tpu.memory_space<vmem_shared>>
      tpu.wait_dma2 semaphore(%run_scoped3A : memref<!tpu.dma_semaphore, #tpu.memory_space<semaphore_mem>>) src(%arg14 : memref<80x64xf32, #tpu.memory_space<vmem>>) dst(%dma_wait3A_608 : memref<80x64xf32, #tpu.memory_space<vmem_shared>>)
      tpu.yield
    }) : () -> ()
    %add3A_243 = arith.constant 80 : i32
    %add3A_244 = arith.addi %mul3A_240, %add3A_243 : i32
    "tpu.region"() ({
      %run_scoped3A = tpu.sem_alloc : memref<!tpu.dma_semaphore, #tpu.memory_space<semaphore_mem>>
      %dma_start3A_601 = arith.constant 0 : i32
      %dma_start3A_602 = tpu.memref_slice %arg17[%add3A_244, %dma_start3A_601] : memref<10240x64xf32, #tpu.memory_space<vmem_shared>> -> memref<80x64xf32, #tpu.memory_space<vmem_shared>>
      %dma_start3A_603 = arith.constant 0 : i32
      %dma_start3A_604 = tpu.memref_slice %arg17[%add3A_244, %dma_start3A_603] : memref<10240x64xf32, #tpu.memory_space<vmem_shared>> -> memref<80x64xf32, #tpu.memory_space<vmem_shared>>
      tpu.enqueue_dma source(%arg14 : memref<80x64xf32, #tpu.memory_space<vmem>>) target(%dma_start3A_604 : memref<80x64xf32, #tpu.memory_space<vmem_shared>>) target_semaphore(%run_scoped3A : memref<!tpu.dma_semaphore, #tpu.memory_space<semaphore_mem>>)
      %dma_wait3A_605 = arith.constant 0 : i32
      %dma_wait3A_606 = tpu.memref_slice %arg17[%add3A_244, %dma_wait3A_605] : memref<10240x64xf32, #tpu.memory_space<vmem_shared>> -> memref<80x64xf32, #tpu.memory_space<vmem_shared>>
      %dma_wait3A_607 = arith.constant 0 : i32
      %dma_wait3A_608 = tpu.memref_slice %arg17[%add3A_244, %dma_wait3A_607] : memref<10240x64xf32, #tpu.memory_space<vmem_shared>> -> memref<80x64xf32, #tpu.memory_space<vmem_shared>>
      tpu.wait_dma2 semaphore(%run_scoped3A : memref<!tpu.dma_semaphore, #tpu.memory_space<semaphore_mem>>) src(%arg14 : memref<80x64xf32, #tpu.memory_space<vmem>>) dst(%dma_wait3A_608 : memref<80x64xf32, #tpu.memory_space<vmem_shared>>)
      tpu.yield
    }) : () -> ()
    %add3A_245 = arith.constant 160 : i32
    %add3A_246 = arith.addi %mul3A_240, %add3A_245 : i32
    "tpu.region"() ({
      %run_scoped3A = tpu.sem_alloc : memref<!tpu.dma_semaphore, #tpu.memory_space<semaphore_mem>>
      %dma_start3A_601 = arith.constant 0 : i32
      %dma_start3A_602 = tpu.memref_slice %arg17[%add3A_246, %dma_start3A_601] : memref<10240x64xf32, #tpu.memory_space<vmem_shared>> -> memref<80x64xf32, #tpu.memory_space<vmem_shared>>
      %dma_start3A_603 = arith.constant 0 : i32
      %dma_start3A_604 = tpu.memref_slice %arg17[%add3A_246, %dma_start3A_603] : memref<10240x64xf32, #tpu.memory_space<vmem_shared>> -> memref<80x64xf32, #tpu.memory_space<vmem_shared>>
      tpu.enqueue_dma source(%arg14 : memref<80x64xf32, #tpu.memory_space<vmem>>) target(%dma_start3A_604 : memref<80x64xf32, #tpu.memory_space<vmem_shared>>) target_semaphore(%run_scoped3A : memref<!tpu.dma_semaphore, #tpu.memory_space<semaphore_mem>>)
      %dma_wait3A_605 = arith.constant 0 : i32
      %dma_wait3A_606 = tpu.memref_slice %arg17[%add3A_246, %dma_wait3A_605] : memref<10240x64xf32, #tpu.memory_space<vmem_shared>> -> memref<80x64xf32, #tpu.memory_space<vmem_shared>>
      %dma_wait3A_607 = arith.constant 0 : i32
      %dma_wait3A_608 = tpu.memref_slice %arg17[%add3A_246, %dma_wait3A_607] : memref<10240x64xf32, #tpu.memory_space<vmem_shared>> -> memref<80x64xf32, #tpu.memory_space<vmem_shared>>
      tpu.wait_dma2 semaphore(%run_scoped3A : memref<!tpu.dma_semaphore, #tpu.memory_space<semaphore_mem>>) src(%arg14 : memref<80x64xf32, #tpu.memory_space<vmem>>) dst(%dma_wait3A_608 : memref<80x64xf32, #tpu.memory_space<vmem_shared>>)
      tpu.yield
    }) : () -> ()
    %add3A_247 = arith.constant 240 : i32
    %add3A_248 = arith.addi %mul3A_240, %add3A_247 : i32
    "tpu.region"() ({
      %run_scoped3A = tpu.sem_alloc : memref<!tpu.dma_semaphore, #tpu.memory_space<semaphore_mem>>
      %dma_start3A_601 = arith.constant 0 : i32
      %dma_start3A_602 = tpu.memref_slice %arg17[%add3A_248, %dma_start3A_601] : memref<10240x64xf32, #tpu.memory_space<vmem_shared>> -> memref<80x64xf32, #tpu.memory_space<vmem_shared>>
      %dma_start3A_603 = arith.constant 0 : i32
      %dma_start3A_604 = tpu.memref_slice %arg17[%add3A_248, %dma_start3A_603] : memref<10240x64xf32, #tpu.memory_space<vmem_shared>> -> memref<80x64xf32, #tpu.memory_space<vmem_shared>>
      tpu.enqueue_dma source(%arg14 : memref<80x64xf32, #tpu.memory_space<vmem>>) target(%dma_start3A_604 : memref<80x64xf32, #tpu.memory_space<vmem_shared>>) target_semaphore(%run_scoped3A : memref<!tpu.dma_semaphore, #tpu.memory_space<semaphore_mem>>)
      %dma_wait3A_605 = arith.constant 0 : i32
      %dma_wait3A_606 = tpu.memref_slice %arg17[%add3A_248, %dma_wait3A_605] : memref<10240x64xf32, #tpu.memory_space<vmem_shared>> -> memref<80x64xf32, #tpu.memory_space<vmem_shared>>
      %dma_wait3A_607 = arith.constant 0 : i32
      %dma_wait3A_608 = tpu.memref_slice %arg17[%add3A_248, %dma_wait3A_607] : memref<10240x64xf32, #tpu.memory_space<vmem_shared>> -> memref<80x64xf32, #tpu.memory_space<vmem_shared>>
      tpu.wait_dma2 semaphore(%run_scoped3A : memref<!tpu.dma_semaphore, #tpu.memory_space<semaphore_mem>>) src(%arg14 : memref<80x64xf32, #tpu.memory_space<vmem>>) dst(%dma_wait3A_608 : memref<80x64xf32, #tpu.memory_space<vmem_shared>>)
      tpu.yield
    }) : () -> ()
    %add3A_249 = arith.constant 320 : i32
    %add3A_250 = arith.addi %mul3A_240, %add3A_249 : i32
    "tpu.region"() ({
      %run_scoped3A = tpu.sem_alloc : memref<!tpu.dma_semaphore, #tpu.memory_space<semaphore_mem>>
      %dma_start3A_601 = arith.constant 0 : i32
      %dma_start3A_602 = tpu.memref_slice %arg17[%add3A_250, %dma_start3A_601] : memref<10240x64xf32, #tpu.memory_space<vmem_shared>> -> memref<80x64xf32, #tpu.memory_space<vmem_shared>>
      %dma_start3A_603 = arith.constant 0 : i32
      %dma_start3A_604 = tpu.memref_slice %arg17[%add3A_250, %dma_start3A_603] : memref<10240x64xf32, #tpu.memory_space<vmem_shared>> -> memref<80x64xf32, #tpu.memory_space<vmem_shared>>
      tpu.enqueue_dma source(%arg14 : memref<80x64xf32, #tpu.memory_space<vmem>>) target(%dma_start3A_604 : memref<80x64xf32, #tpu.memory_space<vmem_shared>>) target_semaphore(%run_scoped3A : memref<!tpu.dma_semaphore, #tpu.memory_space<semaphore_mem>>)
      %dma_wait3A_605 = arith.constant 0 : i32
      %dma_wait3A_606 = tpu.memref_slice %arg17[%add3A_250, %dma_wait3A_605] : memref<10240x64xf32, #tpu.memory_space<vmem_shared>> -> memref<80x64xf32, #tpu.memory_space<vmem_shared>>
      %dma_wait3A_607 = arith.constant 0 : i32
      %dma_wait3A_608 = tpu.memref_slice %arg17[%add3A_250, %dma_wait3A_607] : memref<10240x64xf32, #tpu.memory_space<vmem_shared>> -> memref<80x64xf32, #tpu.memory_space<vmem_shared>>
      tpu.wait_dma2 semaphore(%run_scoped3A : memref<!tpu.dma_semaphore, #tpu.memory_space<semaphore_mem>>) src(%arg14 : memref<80x64xf32, #tpu.memory_space<vmem>>) dst(%dma_wait3A_608 : memref<80x64xf32, #tpu.memory_space<vmem_shared>>)
      tpu.yield
    }) : () -> ()
    %add3A_251 = arith.constant 400 : i32
    %add3A_252 = arith.addi %mul3A_240, %add3A_251 : i32
    "tpu.region"() ({
      %run_scoped3A = tpu.sem_alloc : memref<!tpu.dma_semaphore, #tpu.memory_space<semaphore_mem>>
      %dma_start3A_601 = arith.constant 0 : i32
      %dma_start3A_602 = tpu.memref_slice %arg17[%add3A_252, %dma_start3A_601] : memref<10240x64xf32, #tpu.memory_space<vmem_shared>> -> memref<80x64xf32, #tpu.memory_space<vmem_shared>>
      %dma_start3A_603 = arith.constant 0 : i32
      %dma_start3A_604 = tpu.memref_slice %arg17[%add3A_252, %dma_start3A_603] : memref<10240x64xf32, #tpu.memory_space<vmem_shared>> -> memref<80x64xf32, #tpu.memory_space<vmem_shared>>
      tpu.enqueue_dma source(%arg14 : memref<80x64xf32, #tpu.memory_space<vmem>>) target(%dma_start3A_604 : memref<80x64xf32, #tpu.memory_space<vmem_shared>>) target_semaphore(%run_scoped3A : memref<!tpu.dma_semaphore, #tpu.memory_space<semaphore_mem>>)
      %dma_wait3A_605 = arith.constant 0 : i32
      %dma_wait3A_606 = tpu.memref_slice %arg17[%add3A_252, %dma_wait3A_605] : memref<10240x64xf32, #tpu.memory_space<vmem_shared>> -> memref<80x64xf32, #tpu.memory_space<vmem_shared>>
      %dma_wait3A_607 = arith.constant 0 : i32
      %dma_wait3A_608 = tpu.memref_slice %arg17[%add3A_252, %dma_wait3A_607] : memref<10240x64xf32, #tpu.memory_space<vmem_shared>> -> memref<80x64xf32, #tpu.memory_space<vmem_shared>>
      tpu.wait_dma2 semaphore(%run_scoped3A : memref<!tpu.dma_semaphore, #tpu.memory_space<semaphore_mem>>) src(%arg14 : memref<80x64xf32, #tpu.memory_space<vmem>>) dst(%dma_wait3A_608 : memref<80x64xf32, #tpu.memory_space<vmem_shared>>)
      tpu.yield
    }) : () -> ()
    %add3A_253 = arith.constant 480 : i32
    %add3A_254 = arith.addi %mul3A_240, %add3A_253 : i32
    "tpu.region"() ({
      %run_scoped3A = tpu.sem_alloc : memref<!tpu.dma_semaphore, #tpu.memory_space<semaphore_mem>>
      %dma_start3A_601 = arith.constant 0 : i32
      %dma_start3A_602 = tpu.memref_slice %arg17[%add3A_254, %dma_start3A_601] : memref<10240x64xf32, #tpu.memory_space<vmem_shared>> -> memref<80x64xf32, #tpu.memory_space<vmem_shared>>
      %dma_start3A_603 = arith.constant 0 : i32
      %dma_start3A_604 = tpu.memref_slice %arg17[%add3A_254, %dma_start3A_603] : memref<10240x64xf32, #tpu.memory_space<vmem_shared>> -> memref<80x64xf32, #tpu.memory_space<vmem_shared>>
      tpu.enqueue_dma source(%arg14 : memref<80x64xf32, #tpu.memory_space<vmem>>) target(%dma_start3A_604 : memref<80x64xf32, #tpu.memory_space<vmem_shared>>) target_semaphore(%run_scoped3A : memref<!tpu.dma_semaphore, #tpu.memory_space<semaphore_mem>>)
      %dma_wait3A_605 = arith.constant 0 : i32
      %dma_wait3A_606 = tpu.memref_slice %arg17[%add3A_254, %dma_wait3A_605] : memref<10240x64xf32, #tpu.memory_space<vmem_shared>> -> memref<80x64xf32, #tpu.memory_space<vmem_shared>>
      %dma_wait3A_607 = arith.constant 0 : i32
      %dma_wait3A_608 = tpu.memref_slice %arg17[%add3A_254, %dma_wait3A_607] : memref<10240x64xf32, #tpu.memory_space<vmem_shared>> -> memref<80x64xf32, #tpu.memory_space<vmem_shared>>
      tpu.wait_dma2 semaphore(%run_scoped3A : memref<!tpu.dma_semaphore, #tpu.memory_space<semaphore_mem>>) src(%arg14 : memref<80x64xf32, #tpu.memory_space<vmem>>) dst(%dma_wait3A_608 : memref<80x64xf32, #tpu.memory_space<vmem_shared>>)
      tpu.yield
    }) : () -> ()
    %add3A_255 = arith.constant 560 : i32
    %add3A_256 = arith.addi %mul3A_240, %add3A_255 : i32
    "tpu.region"() ({
      %run_scoped3A = tpu.sem_alloc : memref<!tpu.dma_semaphore, #tpu.memory_space<semaphore_mem>>
      %dma_start3A_601 = arith.constant 0 : i32
      %dma_start3A_602 = tpu.memref_slice %arg17[%add3A_256, %dma_start3A_601] : memref<10240x64xf32, #tpu.memory_space<vmem_shared>> -> memref<80x64xf32, #tpu.memory_space<vmem_shared>>
      %dma_start3A_603 = arith.constant 0 : i32
      %dma_start3A_604 = tpu.memref_slice %arg17[%add3A_256, %dma_start3A_603] : memref<10240x64xf32, #tpu.memory_space<vmem_shared>> -> memref<80x64xf32, #tpu.memory_space<vmem_shared>>
      tpu.enqueue_dma source(%arg14 : memref<80x64xf32, #tpu.memory_space<vmem>>) target(%dma_start3A_604 : memref<80x64xf32, #tpu.memory_space<vmem_shared>>) target_semaphore(%run_scoped3A : memref<!tpu.dma_semaphore, #tpu.memory_space<semaphore_mem>>)
      %dma_wait3A_605 = arith.constant 0 : i32
      %dma_wait3A_606 = tpu.memref_slice %arg17[%add3A_256, %dma_wait3A_605] : memref<10240x64xf32, #tpu.memory_space<vmem_shared>> -> memref<80x64xf32, #tpu.memory_space<vmem_shared>>
      %dma_wait3A_607 = arith.constant 0 : i32
      %dma_wait3A_608 = tpu.memref_slice %arg17[%add3A_256, %dma_wait3A_607] : memref<10240x64xf32, #tpu.memory_space<vmem_shared>> -> memref<80x64xf32, #tpu.memory_space<vmem_shared>>
      tpu.wait_dma2 semaphore(%run_scoped3A : memref<!tpu.dma_semaphore, #tpu.memory_space<semaphore_mem>>) src(%arg14 : memref<80x64xf32, #tpu.memory_space<vmem>>) dst(%dma_wait3A_608 : memref<80x64xf32, #tpu.memory_space<vmem_shared>>)
      tpu.yield
    }) : () -> ()
    %barrier3A = arith.constant 0 : index
    tpu.barrier barrier_id(%barrier3A)
    %dma_wait3A = arith.constant 0 : i32
    %dma_wait3A_257 = arith.constant 0 : i32
    %dma_wait3A_258 = tpu.memref_slice %arg2[%dma_wait3A, %dma_wait3A_257] : memref<10000x64xf32, #tpu.memory_space<hbm>> -> memref<10000x64xf32, #tpu.memory_space<hbm>>
    tpu.wait_indirect_dma semaphore(%arg19 : memref<!tpu.dma_semaphore, #tpu.memory_space<semaphore_mem>>) src(%dma_wait3A_258 : memref<10000x64xf32, #tpu.memory_space<hbm>>) dst(%arg12 : memref<80x64xf32, #tpu.memory_space<vmem>>)
    %dma_start3A_259 = arith.constant 0 : i32
    %dma_start3A_260 = arith.constant 0 : i32
    %dma_start3A_261 = tpu.memref_slice %arg17[%dma_start3A_259, %dma_start3A_260] : memref<10240x64xf32, #tpu.memory_space<vmem_shared>> -> memref<10240x64xf32, #tpu.memory_space<vmem_shared>>
    tpu.enqueue_indirect_dma source(%arg12 : memref<80x64xf32, #tpu.memory_space<vmem>>) target(%dma_start3A_261 : memref<10240x64xf32, #tpu.memory_space<vmem_shared>>) offsets(%arg9 : memref<80xi32, #tpu.memory_space<vmem>>) semaphore(%arg22 : memref<!tpu.dma_semaphore, #tpu.memory_space<semaphore_mem>>) {add = true}
    %get3A_262 = arith.constant 2 : i32
    %get3A_263 = arith.index_cast %get3A_262 : i32 to index
    %get3A_264 = arith.constant 0 : index
    %get3A_265 = tpu.vector_load %arg5[%get3A_263, %get3A_264] {strides = array<i32>} : memref<125x80xi32, #tpu.memory_space<vmem>>, vector<1x16xi32>,
    %get3A_266 = vector.shape_cast %get3A_265 : vector<1x16xi32> to vector<16xi32>
    %shift_right_logical3A_267 = arith.constant 14 : i32
    %shift_right_logical3A_268 = vector.broadcast %shift_right_logical3A_267 : i32 to vector<16xi32>
    %shift_right_logical3A_269 = arith.shrui %get3A_266, %shift_right_logical3A_268 : vector<16xi32>
    %swap3A_270 = arith.constant 0 : index
    %swap3A_271 = tpu.vector_load %arg8[%swap3A_270] {strides = array<i32>} : memref<80xi32, #tpu.memory_space<vmem>>, vector<16xi32>,
    %swap3A_272 = vector.shape_cast %swap3A_271 : vector<16xi32> to vector<16xi32>
    %swap3A_273 = vector.shape_cast %shift_right_logical3A_269 : vector<16xi32> to vector<16xi32>
    tpu.vector_store %arg8[%swap3A_270], %swap3A_273 {strides = array<i32>} : memref<80xi32, #tpu.memory_space<vmem>>, vector<16xi32>,
    %and3A_274 = arith.constant 16383 : i32
    %and3A_275 = vector.broadcast %and3A_274 : i32 to vector<16xi32>
    %and3A_276 = arith.andi %get3A_266, %and3A_275 : vector<16xi32>
    %swap3A_277 = arith.constant 0 : index
    %swap3A_278 = tpu.vector_load %arg11[%swap3A_277] {strides = array<i32>} : memref<80xi32, #tpu.memory_space<vmem>>, vector<16xi32>,
    %swap3A_279 = vector.shape_cast %swap3A_278 : vector<16xi32> to vector<16xi32>
    %swap3A_280 = vector.shape_cast %and3A_276 : vector<16xi32> to vector<16xi32>
    tpu.vector_store %arg11[%swap3A_277], %swap3A_280 {strides = array<i32>} : memref<80xi32, #tpu.memory_space<vmem>>, vector<16xi32>,
    %get3A_281 = arith.constant 2 : i32
    %get3A_282 = arith.index_cast %get3A_281 : i32 to index
    %get3A_283 = arith.constant 16 : index
    %get3A_284 = tpu.vector_load %arg5[%get3A_282, %get3A_283] {strides = array<i32>} : memref<125x80xi32, #tpu.memory_space<vmem>>, vector<1x16xi32>,
    %get3A_285 = vector.shape_cast %get3A_284 : vector<1x16xi32> to vector<16xi32>
    %shift_right_logical3A_286 = arith.constant 14 : i32
    %shift_right_logical3A_287 = vector.broadcast %shift_right_logical3A_286 : i32 to vector<16xi32>
    %shift_right_logical3A_288 = arith.shrui %get3A_285, %shift_right_logical3A_287 : vector<16xi32>
    %swap3A_289 = arith.constant 16 : index
    %swap3A_290 = tpu.vector_load %arg8[%swap3A_289] {strides = array<i32>} : memref<80xi32, #tpu.memory_space<vmem>>, vector<16xi32>,
    %swap3A_291 = vector.shape_cast %swap3A_290 : vector<16xi32> to vector<16xi32>
    %swap3A_292 = vector.shape_cast %shift_right_logical3A_288 : vector<16xi32> to vector<16xi32>
    tpu.vector_store %arg8[%swap3A_289], %swap3A_292 {strides = array<i32>} : memref<80xi32, #tpu.memory_space<vmem>>, vector<16xi32>,
    %and3A_293 = arith.constant 16383 : i32
    %and3A_294 = vector.broadcast %and3A_293 : i32 to vector<16xi32>
    %and3A_295 = arith.andi %get3A_285, %and3A_294 : vector<16xi32>
    %swap3A_296 = arith.constant 16 : index
    %swap3A_297 = tpu.vector_load %arg11[%swap3A_296] {strides = array<i32>} : memref<80xi32, #tpu.memory_space<vmem>>, vector<16xi32>,
    %swap3A_298 = vector.shape_cast %swap3A_297 : vector<16xi32> to vector<16xi32>
    %swap3A_299 = vector.shape_cast %and3A_295 : vector<16xi32> to vector<16xi32>
    tpu.vector_store %arg11[%swap3A_296], %swap3A_299 {strides = array<i32>} : memref<80xi32, #tpu.memory_space<vmem>>, vector<16xi32>,
    %get3A_300 = arith.constant 2 : i32
    %get3A_301 = arith.index_cast %get3A_300 : i32 to index
    %get3A_302 = arith.constant 32 : index
    %get3A_303 = tpu.vector_load %arg5[%get3A_301, %get3A_302] {strides = array<i32>} : memref<125x80xi32, #tpu.memory_space<vmem>>, vector<1x16xi32>,
    %get3A_304 = vector.shape_cast %get3A_303 : vector<1x16xi32> to vector<16xi32>
    %shift_right_logical3A_305 = arith.constant 14 : i32
    %shift_right_logical3A_306 = vector.broadcast %shift_right_logical3A_305 : i32 to vector<16xi32>
    %shift_right_logical3A_307 = arith.shrui %get3A_304, %shift_right_logical3A_306 : vector<16xi32>
    %swap3A_308 = arith.constant 32 : index
    %swap3A_309 = tpu.vector_load %arg8[%swap3A_308] {strides = array<i32>} : memref<80xi32, #tpu.memory_space<vmem>>, vector<16xi32>,
    %swap3A_310 = vector.shape_cast %swap3A_309 : vector<16xi32> to vector<16xi32>
    %swap3A_311 = vector.shape_cast %shift_right_logical3A_307 : vector<16xi32> to vector<16xi32>
    tpu.vector_store %arg8[%swap3A_308], %swap3A_311 {strides = array<i32>} : memref<80xi32, #tpu.memory_space<vmem>>, vector<16xi32>,
    %and3A_312 = arith.constant 16383 : i32
    %and3A_313 = vector.broadcast %and3A_312 : i32 to vector<16xi32>
    %and3A_314 = arith.andi %get3A_304, %and3A_313 : vector<16xi32>
    %swap3A_315 = arith.constant 32 : index
    %swap3A_316 = tpu.vector_load %arg11[%swap3A_315] {strides = array<i32>} : memref<80xi32, #tpu.memory_space<vmem>>, vector<16xi32>,
    %swap3A_317 = vector.shape_cast %swap3A_316 : vector<16xi32> to vector<16xi32>
    %swap3A_318 = vector.shape_cast %and3A_314 : vector<16xi32> to vector<16xi32>
    tpu.vector_store %arg11[%swap3A_315], %swap3A_318 {strides = array<i32>} : memref<80xi32, #tpu.memory_space<vmem>>, vector<16xi32>,
    %get3A_319 = arith.constant 2 : i32
    %get3A_320 = arith.index_cast %get3A_319 : i32 to index
    %get3A_321 = arith.constant 48 : index
    %get3A_322 = tpu.vector_load %arg5[%get3A_320, %get3A_321] {strides = array<i32>} : memref<125x80xi32, #tpu.memory_space<vmem>>, vector<1x16xi32>,
    %get3A_323 = vector.shape_cast %get3A_322 : vector<1x16xi32> to vector<16xi32>
    %shift_right_logical3A_324 = arith.constant 14 : i32
    %shift_right_logical3A_325 = vector.broadcast %shift_right_logical3A_324 : i32 to vector<16xi32>
    %shift_right_logical3A_326 = arith.shrui %get3A_323, %shift_right_logical3A_325 : vector<16xi32>
    %swap3A_327 = arith.constant 48 : index
    %swap3A_328 = tpu.vector_load %arg8[%swap3A_327] {strides = array<i32>} : memref<80xi32, #tpu.memory_space<vmem>>, vector<16xi32>,
    %swap3A_329 = vector.shape_cast %swap3A_328 : vector<16xi32> to vector<16xi32>
    %swap3A_330 = vector.shape_cast %shift_right_logical3A_326 : vector<16xi32> to vector<16xi32>
    tpu.vector_store %arg8[%swap3A_327], %swap3A_330 {strides = array<i32>} : memref<80xi32, #tpu.memory_space<vmem>>, vector<16xi32>,
    %and3A_331 = arith.constant 16383 : i32
    %and3A_332 = vector.broadcast %and3A_331 : i32 to vector<16xi32>
    %and3A_333 = arith.andi %get3A_323, %and3A_332 : vector<16xi32>
    %swap3A_334 = arith.constant 48 : index
    %swap3A_335 = tpu.vector_load %arg11[%swap3A_334] {strides = array<i32>} : memref<80xi32, #tpu.memory_space<vmem>>, vector<16xi32>,
    %swap3A_336 = vector.shape_cast %swap3A_335 : vector<16xi32> to vector<16xi32>
    %swap3A_337 = vector.shape_cast %and3A_333 : vector<16xi32> to vector<16xi32>
    tpu.vector_store %arg11[%swap3A_334], %swap3A_337 {strides = array<i32>} : memref<80xi32, #tpu.memory_space<vmem>>, vector<16xi32>,
    %get3A_338 = arith.constant 2 : i32
    %get3A_339 = arith.index_cast %get3A_338 : i32 to index
    %get3A_340 = arith.constant 64 : index
    %get3A_341 = tpu.vector_load %arg5[%get3A_339, %get3A_340] {strides = array<i32>} : memref<125x80xi32, #tpu.memory_space<vmem>>, vector<1x16xi32>,
    %get3A_342 = vector.shape_cast %get3A_341 : vector<1x16xi32> to vector<16xi32>
    %shift_right_logical3A_343 = arith.constant 14 : i32
    %shift_right_logical3A_344 = vector.broadcast %shift_right_logical3A_343 : i32 to vector<16xi32>
    %shift_right_logical3A_345 = arith.shrui %get3A_342, %shift_right_logical3A_344 : vector<16xi32>
    %swap3A_346 = arith.constant 64 : index
    %swap3A_347 = tpu.vector_load %arg8[%swap3A_346] {strides = array<i32>} : memref<80xi32, #tpu.memory_space<vmem>>, vector<16xi32>,
    %swap3A_348 = vector.shape_cast %swap3A_347 : vector<16xi32> to vector<16xi32>
    %swap3A_349 = vector.shape_cast %shift_right_logical3A_345 : vector<16xi32> to vector<16xi32>
    tpu.vector_store %arg8[%swap3A_346], %swap3A_349 {strides = array<i32>} : memref<80xi32, #tpu.memory_space<vmem>>, vector<16xi32>,
    %and3A_350 = arith.constant 16383 : i32
    %and3A_351 = vector.broadcast %and3A_350 : i32 to vector<16xi32>
    %and3A_352 = arith.andi %get3A_342, %and3A_351 : vector<16xi32>
    %swap3A_353 = arith.constant 64 : index
    %swap3A_354 = tpu.vector_load %arg11[%swap3A_353] {strides = array<i32>} : memref<80xi32, #tpu.memory_space<vmem>>, vector<16xi32>,
    %swap3A_355 = vector.shape_cast %swap3A_354 : vector<16xi32> to vector<16xi32>
    %swap3A_356 = vector.shape_cast %and3A_352 : vector<16xi32> to vector<16xi32>
    tpu.vector_store %arg11[%swap3A_353], %swap3A_356 {strides = array<i32>} : memref<80xi32, #tpu.memory_space<vmem>>, vector<16xi32>,
    %dma_start3A_357 = arith.constant 0 : i32
    %dma_start3A_358 = arith.constant 0 : i32
    %dma_start3A_359 = tpu.memref_slice %arg2[%dma_start3A_357, %dma_start3A_358] : memref<10000x64xf32, #tpu.memory_space<hbm>> -> memref<10000x64xf32, #tpu.memory_space<hbm>>
    tpu.enqueue_indirect_dma source(%dma_start3A_359 : memref<10000x64xf32, #tpu.memory_space<hbm>>) target(%arg14 : memref<80x64xf32, #tpu.memory_space<vmem>>) offsets(%arg8 : memref<80xi32, #tpu.memory_space<vmem>>) semaphore(%arg21 : memref<!tpu.dma_semaphore, #tpu.memory_space<semaphore_mem>>)
    %dma_wait3A_360 = arith.constant 0 : i32
    %dma_wait3A_361 = arith.constant 0 : i32
    %dma_wait3A_362 = tpu.memref_slice %arg2[%dma_wait3A_360, %dma_wait3A_361] : memref<10000x64xf32, #tpu.memory_space<hbm>> -> memref<10000x64xf32, #tpu.memory_space<hbm>>
    tpu.wait_indirect_dma semaphore(%arg20 : memref<!tpu.dma_semaphore, #tpu.memory_space<semaphore_mem>>) src(%dma_wait3A_362 : memref<10000x64xf32, #tpu.memory_space<hbm>>) dst(%arg13 : memref<80x64xf32, #tpu.memory_space<vmem>>)
    %dma_start3A_363 = arith.constant 0 : i32
    %dma_start3A_364 = arith.constant 0 : i32
    %dma_start3A_365 = tpu.memref_slice %arg17[%dma_start3A_363, %dma_start3A_364] : memref<10240x64xf32, #tpu.memory_space<vmem_shared>> -> memref<10240x64xf32, #tpu.memory_space<vmem_shared>>
    tpu.enqueue_indirect_dma source(%arg13 : memref<80x64xf32, #tpu.memory_space<vmem>>) target(%dma_start3A_365 : memref<10240x64xf32, #tpu.memory_space<vmem_shared>>) offsets(%arg10 : memref<80xi32, #tpu.memory_space<vmem>>) semaphore(%arg23 : memref<!tpu.dma_semaphore, #tpu.memory_space<semaphore_mem>>) {add = true}
    %dma_wait3A_366 = arith.constant 0 : i32
    %dma_wait3A_367 = arith.constant 0 : i32
    %dma_wait3A_368 = tpu.memref_slice %arg17[%dma_wait3A_366, %dma_wait3A_367] : memref<10240x64xf32, #tpu.memory_space<vmem_shared>> -> memref<10240x64xf32, #tpu.memory_space<vmem_shared>>
    tpu.wait_indirect_dma semaphore(%arg22 : memref<!tpu.dma_semaphore, #tpu.memory_space<semaphore_mem>>) src(%arg12 : memref<80x64xf32, #tpu.memory_space<vmem>>) dst(%dma_wait3A_368 : memref<10240x64xf32, #tpu.memory_space<vmem_shared>>)
    %get3A_369 = arith.constant 3 : i32
    %get3A_370 = arith.index_cast %get3A_369 : i32 to index
    %get3A_371 = arith.constant 0 : index
    %get3A_372 = tpu.vector_load %arg5[%get3A_370, %get3A_371] {strides = array<i32>} : memref<125x80xi32, #tpu.memory_space<vmem>>, vector<1x16xi32>,
    %get3A_373 = vector.shape_cast %get3A_372 : vector<1x16xi32> to vector<16xi32>
    %shift_right_logical3A_374 = arith.constant 14 : i32
    %shift_right_logical3A_375 = vector.broadcast %shift_right_logical3A_374 : i32 to vector<16xi32>
    %shift_right_logical3A_376 = arith.shrui %get3A_373, %shift_right_logical3A_375 : vector<16xi32>
    %swap3A_377 = arith.constant 0 : index
    %swap3A_378 = tpu.vector_load %arg6[%swap3A_377] {strides = array<i32>} : memref<80xi32, #tpu.memory_space<vmem>>, vector<16xi32>,
    %swap3A_379 = vector.shape_cast %swap3A_378 : vector<16xi32> to vector<16xi32>
    %swap3A_380 = vector.shape_cast %shift_right_logical3A_376 : vector<16xi32> to vector<16xi32>
    tpu.vector_store %arg6[%swap3A_377], %swap3A_380 {strides = array<i32>} : memref<80xi32, #tpu.memory_space<vmem>>, vector<16xi32>,
    %and3A_381 = arith.constant 16383 : i32
    %and3A_382 = vector.broadcast %and3A_381 : i32 to vector<16xi32>
    %and3A_383 = arith.andi %get3A_373, %and3A_382 : vector<16xi32>
    %swap3A_384 = arith.constant 0 : index
    %swap3A_385 = tpu.vector_load %arg9[%swap3A_384] {strides = array<i32>} : memref<80xi32, #tpu.memory_space<vmem>>, vector<16xi32>,
    %swap3A_386 = vector.shape_cast %swap3A_385 : vector<16xi32> to vector<16xi32>
    %swap3A_387 = vector.shape_cast %and3A_383 : vector<16xi32> to vector<16xi32>
    tpu.vector_store %arg9[%swap3A_384], %swap3A_387 {strides = array<i32>} : memref<80xi32, #tpu.memory_space<vmem>>, vector<16xi32>,
    %get3A_388 = arith.constant 3 : i32
    %get3A_389 = arith.index_cast %get3A_388 : i32 to index
    %get3A_390 = arith.constant 16 : index
    %get3A_391 = tpu.vector_load %arg5[%get3A_389, %get3A_390] {strides = array<i32>} : memref<125x80xi32, #tpu.memory_space<vmem>>, vector<1x16xi32>,
    %get3A_392 = vector.shape_cast %get3A_391 : vector<1x16xi32> to vector<16xi32>
    %shift_right_logical3A_393 = arith.constant 14 : i32
    %shift_right_logical3A_394 = vector.broadcast %shift_right_logical3A_393 : i32 to vector<16xi32>
    %shift_right_logical3A_395 = arith.shrui %get3A_392, %shift_right_logical3A_394 : vector<16xi32>
    %swap3A_396 = arith.constant 16 : index
    %swap3A_397 = tpu.vector_load %arg6[%swap3A_396] {strides = array<i32>} : memref<80xi32, #tpu.memory_space<vmem>>, vector<16xi32>,
    %swap3A_398 = vector.shape_cast %swap3A_397 : vector<16xi32> to vector<16xi32>
    %swap3A_399 = vector.shape_cast %shift_right_logical3A_395 : vector<16xi32> to vector<16xi32>
    tpu.vector_store %arg6[%swap3A_396], %swap3A_399 {strides = array<i32>} : memref<80xi32, #tpu.memory_space<vmem>>, vector<16xi32>,
    %and3A_400 = arith.constant 16383 : i32
    %and3A_401 = vector.broadcast %and3A_400 : i32 to vector<16xi32>
    %and3A_402 = arith.andi %get3A_392, %and3A_401 : vector<16xi32>
    %swap3A_403 = arith.constant 16 : index
    %swap3A_404 = tpu.vector_load %arg9[%swap3A_403] {strides = array<i32>} : memref<80xi32, #tpu.memory_space<vmem>>, vector<16xi32>,
    %swap3A_405 = vector.shape_cast %swap3A_404 : vector<16xi32> to vector<16xi32>
    %swap3A_406 = vector.shape_cast %and3A_402 : vector<16xi32> to vector<16xi32>
    tpu.vector_store %arg9[%swap3A_403], %swap3A_406 {strides = array<i32>} : memref<80xi32, #tpu.memory_space<vmem>>, vector<16xi32>,
    %get3A_407 = arith.constant 3 : i32
    %get3A_408 = arith.index_cast %get3A_407 : i32 to index
    %get3A_409 = arith.constant 32 : index
    %get3A_410 = tpu.vector_load %arg5[%get3A_408, %get3A_409] {strides = array<i32>} : memref<125x80xi32, #tpu.memory_space<vmem>>, vector<1x16xi32>,
    %get3A_411 = vector.shape_cast %get3A_410 : vector<1x16xi32> to vector<16xi32>
    %shift_right_logical3A_412 = arith.constant 14 : i32
    %shift_right_logical3A_413 = vector.broadcast %shift_right_logical3A_412 : i32 to vector<16xi32>
    %shift_right_logical3A_414 = arith.shrui %get3A_411, %shift_right_logical3A_413 : vector<16xi32>
    %swap3A_415 = arith.constant 32 : index
    %swap3A_416 = tpu.vector_load %arg6[%swap3A_415] {strides = array<i32>} : memref<80xi32, #tpu.memory_space<vmem>>, vector<16xi32>,
    %swap3A_417 = vector.shape_cast %swap3A_416 : vector<16xi32> to vector<16xi32>
    %swap3A_418 = vector.shape_cast %shift_right_logical3A_414 : vector<16xi32> to vector<16xi32>
    tpu.vector_store %arg6[%swap3A_415], %swap3A_418 {strides = array<i32>} : memref<80xi32, #tpu.memory_space<vmem>>, vector<16xi32>,
    %and3A_419 = arith.constant 16383 : i32
    %and3A_420 = vector.broadcast %and3A_419 : i32 to vector<16xi32>
    %and3A_421 = arith.andi %get3A_411, %and3A_420 : vector<16xi32>
    %swap3A_422 = arith.constant 32 : index
    %swap3A_423 = tpu.vector_load %arg9[%swap3A_422] {strides = array<i32>} : memref<80xi32, #tpu.memory_space<vmem>>, vector<16xi32>,
    %swap3A_424 = vector.shape_cast %swap3A_423 : vector<16xi32> to vector<16xi32>
    %swap3A_425 = vector.shape_cast %and3A_421 : vector<16xi32> to vector<16xi32>
    tpu.vector_store %arg9[%swap3A_422], %swap3A_425 {strides = array<i32>} : memref<80xi32, #tpu.memory_space<vmem>>, vector<16xi32>,
    %get3A_426 = arith.constant 3 : i32
    %get3A_427 = arith.index_cast %get3A_426 : i32 to index
    %get3A_428 = arith.constant 48 : index
    %get3A_429 = tpu.vector_load %arg5[%get3A_427, %get3A_428] {strides = array<i32>} : memref<125x80xi32, #tpu.memory_space<vmem>>, vector<1x16xi32>,
    %get3A_430 = vector.shape_cast %get3A_429 : vector<1x16xi32> to vector<16xi32>
    %shift_right_logical3A_431 = arith.constant 14 : i32
    %shift_right_logical3A_432 = vector.broadcast %shift_right_logical3A_431 : i32 to vector<16xi32>
    %shift_right_logical3A_433 = arith.shrui %get3A_430, %shift_right_logical3A_432 : vector<16xi32>
    %swap3A_434 = arith.constant 48 : index
    %swap3A_435 = tpu.vector_load %arg6[%swap3A_434] {strides = array<i32>} : memref<80xi32, #tpu.memory_space<vmem>>, vector<16xi32>,
    %swap3A_436 = vector.shape_cast %swap3A_435 : vector<16xi32> to vector<16xi32>
    %swap3A_437 = vector.shape_cast %shift_right_logical3A_433 : vector<16xi32> to vector<16xi32>
    tpu.vector_store %arg6[%swap3A_434], %swap3A_437 {strides = array<i32>} : memref<80xi32, #tpu.memory_space<vmem>>, vector<16xi32>,
    %and3A_438 = arith.constant 16383 : i32
    %and3A_439 = vector.broadcast %and3A_438 : i32 to vector<16xi32>
    %and3A_440 = arith.andi %get3A_430, %and3A_439 : vector<16xi32>
    %swap3A_441 = arith.constant 48 : index
    %swap3A_442 = tpu.vector_load %arg9[%swap3A_441] {strides = array<i32>} : memref<80xi32, #tpu.memory_space<vmem>>, vector<16xi32>,
    %swap3A_443 = vector.shape_cast %swap3A_442 : vector<16xi32> to vector<16xi32>
    %swap3A_444 = vector.shape_cast %and3A_440 : vector<16xi32> to vector<16xi32>
    tpu.vector_store %arg9[%swap3A_441], %swap3A_444 {strides = array<i32>} : memref<80xi32, #tpu.memory_space<vmem>>, vector<16xi32>,
    %get3A_445 = arith.constant 3 : i32
    %get3A_446 = arith.index_cast %get3A_445 : i32 to index
    %get3A_447 = arith.constant 64 : index
    %get3A_448 = tpu.vector_load %arg5[%get3A_446, %get3A_447] {strides = array<i32>} : memref<125x80xi32, #tpu.memory_space<vmem>>, vector<1x16xi32>,
    %get3A_449 = vector.shape_cast %get3A_448 : vector<1x16xi32> to vector<16xi32>
    %shift_right_logical3A_450 = arith.constant 14 : i32
    %shift_right_logical3A_451 = vector.broadcast %shift_right_logical3A_450 : i32 to vector<16xi32>
    %shift_right_logical3A_452 = arith.shrui %get3A_449, %shift_right_logical3A_451 : vector<16xi32>
    %swap3A_453 = arith.constant 64 : index
    %swap3A_454 = tpu.vector_load %arg6[%swap3A_453] {strides = array<i32>} : memref<80xi32, #tpu.memory_space<vmem>>, vector<16xi32>,
    %swap3A_455 = vector.shape_cast %swap3A_454 : vector<16xi32> to vector<16xi32>
    %swap3A_456 = vector.shape_cast %shift_right_logical3A_452 : vector<16xi32> to vector<16xi32>
    tpu.vector_store %arg6[%swap3A_453], %swap3A_456 {strides = array<i32>} : memref<80xi32, #tpu.memory_space<vmem>>, vector<16xi32>,
    %and3A_457 = arith.constant 16383 : i32
    %and3A_458 = vector.broadcast %and3A_457 : i32 to vector<16xi32>
    %and3A_459 = arith.andi %get3A_449, %and3A_458 : vector<16xi32>
    %swap3A_460 = arith.constant 64 : index
    %swap3A_461 = tpu.vector_load %arg9[%swap3A_460] {strides = array<i32>} : memref<80xi32, #tpu.memory_space<vmem>>, vector<16xi32>,
    %swap3A_462 = vector.shape_cast %swap3A_461 : vector<16xi32> to vector<16xi32>
    %swap3A_463 = vector.shape_cast %and3A_459 : vector<16xi32> to vector<16xi32>
    tpu.vector_store %arg9[%swap3A_460], %swap3A_463 {strides = array<i32>} : memref<80xi32, #tpu.memory_space<vmem>>, vector<16xi32>,
    %dma_start3A_464 = arith.constant 0 : i32
    %dma_start3A_465 = arith.constant 0 : i32
    %dma_start3A_466 = tpu.memref_slice %arg2[%dma_start3A_464, %dma_start3A_465] : memref<10000x64xf32, #tpu.memory_space<hbm>> -> memref<10000x64xf32, #tpu.memory_space<hbm>>
    tpu.enqueue_indirect_dma source(%dma_start3A_466 : memref<10000x64xf32, #tpu.memory_space<hbm>>) target(%arg12 : memref<80x64xf32, #tpu.memory_space<vmem>>) offsets(%arg6 : memref<80xi32, #tpu.memory_space<vmem>>) semaphore(%arg19 : memref<!tpu.dma_semaphore, #tpu.memory_space<semaphore_mem>>)
    %dma_wait3A_467 = arith.constant 0 : i32
    %dma_wait3A_468 = arith.constant 0 : i32
    %dma_wait3A_469 = tpu.memref_slice %arg2[%dma_wait3A_467, %dma_wait3A_468] : memref<10000x64xf32, #tpu.memory_space<hbm>> -> memref<10000x64xf32, #tpu.memory_space<hbm>>
    tpu.wait_indirect_dma semaphore(%arg21 : memref<!tpu.dma_semaphore, #tpu.memory_space<semaphore_mem>>) src(%dma_wait3A_469 : memref<10000x64xf32, #tpu.memory_space<hbm>>) dst(%arg14 : memref<80x64xf32, #tpu.memory_space<vmem>>)
    %dma_start3A_470 = arith.constant 0 : i32
    %dma_start3A_471 = arith.constant 0 : i32
    %dma_start3A_472 = tpu.memref_slice %arg17[%dma_start3A_470, %dma_start3A_471] : memref<10240x64xf32, #tpu.memory_space<vmem_shared>> -> memref<10240x64xf32, #tpu.memory_space<vmem_shared>>
    tpu.enqueue_indirect_dma source(%arg14 : memref<80x64xf32, #tpu.memory_space<vmem>>) target(%dma_start3A_472 : memref<10240x64xf32, #tpu.memory_space<vmem_shared>>) offsets(%arg11 : memref<80xi32, #tpu.memory_space<vmem>>) semaphore(%arg24 : memref<!tpu.dma_semaphore, #tpu.memory_space<semaphore_mem>>) {add = true}
    %dma_wait3A_473 = arith.constant 0 : i32
    %dma_wait3A_474 = arith.constant 0 : i32
    %dma_wait3A_475 = tpu.memref_slice %arg17[%dma_wait3A_473, %dma_wait3A_474] : memref<10240x64xf32, #tpu.memory_space<vmem_shared>> -> memref<10240x64xf32, #tpu.memory_space<vmem_shared>>
    tpu.wait_indirect_dma semaphore(%arg23 : memref<!tpu.dma_semaphore, #tpu.memory_space<semaphore_mem>>) src(%arg13 : memref<80x64xf32, #tpu.memory_space<vmem>>) dst(%dma_wait3A_475 : memref<10240x64xf32, #tpu.memory_space<vmem_shared>>)
    %get3A_476 = arith.constant 4 : i32
    %get3A_477 = arith.index_cast %get3A_476 : i32 to index
    %get3A_478 = arith.constant 0 : index
    %get3A_479 = tpu.vector_load %arg5[%get3A_477, %get3A_478] {strides = array<i32>} : memref<125x80xi32, #tpu.memory_space<vmem>>, vector<1x16xi32>,
    %get3A_480 = vector.shape_cast %get3A_479 : vector<1x16xi32> to vector<16xi32>
    %shift_right_logical3A_481 = arith.constant 14 : i32
    %shift_right_logical3A_482 = vector.broadcast %shift_right_logical3A_481 : i32 to vector<16xi32>
    %shift_right_logical3A_483 = arith.shrui %get3A_480, %shift_right_logical3A_482 : vector<16xi32>
    %swap3A_484 = arith.constant 0 : index
    %swap3A_485 = tpu.vector_load %arg7[%swap3A_484] {strides = array<i32>} : memref<80xi32, #tpu.memory_space<vmem>>, vector<16xi32>,
    %swap3A_486 = vector.shape_cast %swap3A_485 : vector<16xi32> to vector<16xi32>
    %swap3A_487 = vector.shape_cast %shift_right_logical3A_483 : vector<16xi32> to vector<16xi32>
    tpu.vector_store %arg7[%swap3A_484], %swap3A_487 {strides = array<i32>} : memref<80xi32, #tpu.memory_space<vmem>>, vector<16xi32>,
    %and3A_488 = arith.constant 16383 : i32
    %and3A_489 = vector.broadcast %and3A_488 : i32 to vector<16xi32>
    %and3A_490 = arith.andi %get3A_480, %and3A_489 : vector<16xi32>
    %swap3A_491 = arith.constant 0 : index
    %swap3A_492 = tpu.vector_load %arg10[%swap3A_491] {strides = array<i32>} : memref<80xi32, #tpu.memory_space<vmem>>, vector<16xi32>,
    %swap3A_493 = vector.shape_cast %swap3A_492 : vector<16xi32> to vector<16xi32>
    %swap3A_494 = vector.shape_cast %and3A_490 : vector<16xi32> to vector<16xi32>
    tpu.vector_store %arg10[%swap3A_491], %swap3A_494 {strides = array<i32>} : memref<80xi32, #tpu.memory_space<vmem>>, vector<16xi32>,
    %get3A_495 = arith.constant 4 : i32
    %get3A_496 = arith.index_cast %get3A_495 : i32 to index
    %get3A_497 = arith.constant 16 : index
    %get3A_498 = tpu.vector_load %arg5[%get3A_496, %get3A_497] {strides = array<i32>} : memref<125x80xi32, #tpu.memory_space<vmem>>, vector<1x16xi32>,
    %get3A_499 = vector.shape_cast %get3A_498 : vector<1x16xi32> to vector<16xi32>
    %shift_right_logical3A_500 = arith.constant 14 : i32
    %shift_right_logical3A_501 = vector.broadcast %shift_right_logical3A_500 : i32 to vector<16xi32>
    %shift_right_logical3A_502 = arith.shrui %get3A_499, %shift_right_logical3A_501 : vector<16xi32>
    %swap3A_503 = arith.constant 16 : index
    %swap3A_504 = tpu.vector_load %arg7[%swap3A_503] {strides = array<i32>} : memref<80xi32, #tpu.memory_space<vmem>>, vector<16xi32>,
    %swap3A_505 = vector.shape_cast %swap3A_504 : vector<16xi32> to vector<16xi32>
    %swap3A_506 = vector.shape_cast %shift_right_logical3A_502 : vector<16xi32> to vector<16xi32>
    tpu.vector_store %arg7[%swap3A_503], %swap3A_506 {strides = array<i32>} : memref<80xi32, #tpu.memory_space<vmem>>, vector<16xi32>,
    %and3A_507 = arith.constant 16383 : i32
    %and3A_508 = vector.broadcast %and3A_507 : i32 to vector<16xi32>
    %and3A_509 = arith.andi %get3A_499, %and3A_508 : vector<16xi32>
    %swap3A_510 = arith.constant 16 : index
    %swap3A_511 = tpu.vector_load %arg10[%swap3A_510] {strides = array<i32>} : memref<80xi32, #tpu.memory_space<vmem>>, vector<16xi32>,
    %swap3A_512 = vector.shape_cast %swap3A_511 : vector<16xi32> to vector<16xi32>
    %swap3A_513 = vector.shape_cast %and3A_509 : vector<16xi32> to vector<16xi32>
    tpu.vector_store %arg10[%swap3A_510], %swap3A_513 {strides = array<i32>} : memref<80xi32, #tpu.memory_space<vmem>>, vector<16xi32>,
    %get3A_514 = arith.constant 4 : i32
    %get3A_515 = arith.index_cast %get3A_514 : i32 to index
    %get3A_516 = arith.constant 32 : index
    %get3A_517 = tpu.vector_load %arg5[%get3A_515, %get3A_516] {strides = array<i32>} : memref<125x80xi32, #tpu.memory_space<vmem>>, vector<1x16xi32>,
    %get3A_518 = vector.shape_cast %get3A_517 : vector<1x16xi32> to vector<16xi32>
    %shift_right_logical3A_519 = arith.constant 14 : i32
    %shift_right_logical3A_520 = vector.broadcast %shift_right_logical3A_519 : i32 to vector<16xi32>
    %shift_right_logical3A_521 = arith.shrui %get3A_518, %shift_right_logical3A_520 : vector<16xi32>
    %swap3A_522 = arith.constant 32 : index
    %swap3A_523 = tpu.vector_load %arg7[%swap3A_522] {strides = array<i32>} : memref<80xi32, #tpu.memory_space<vmem>>, vector<16xi32>,
    %swap3A_524 = vector.shape_cast %swap3A_523 : vector<16xi32> to vector<16xi32>
    %swap3A_525 = vector.shape_cast %shift_right_logical3A_521 : vector<16xi32> to vector<16xi32>
    tpu.vector_store %arg7[%swap3A_522], %swap3A_525 {strides = array<i32>} : memref<80xi32, #tpu.memory_space<vmem>>, vector<16xi32>,
    %and3A_526 = arith.constant 16383 : i32
    %and3A_527 = vector.broadcast %and3A_526 : i32 to vector<16xi32>
    %and3A_528 = arith.andi %get3A_518, %and3A_527 : vector<16xi32>
    %swap3A_529 = arith.constant 32 : index
    %swap3A_530 = tpu.vector_load %arg10[%swap3A_529] {strides = array<i32>} : memref<80xi32, #tpu.memory_space<vmem>>, vector<16xi32>,
    %swap3A_531 = vector.shape_cast %swap3A_530 : vector<16xi32> to vector<16xi32>
    %swap3A_532 = vector.shape_cast %and3A_528 : vector<16xi32> to vector<16xi32>
    tpu.vector_store %arg10[%swap3A_529], %swap3A_532 {strides = array<i32>} : memref<80xi32, #tpu.memory_space<vmem>>, vector<16xi32>,
    %get3A_533 = arith.constant 4 : i32
    %get3A_534 = arith.index_cast %get3A_533 : i32 to index
    %get3A_535 = arith.constant 48 : index
    %get3A_536 = tpu.vector_load %arg5[%get3A_534, %get3A_535] {strides = array<i32>} : memref<125x80xi32, #tpu.memory_space<vmem>>, vector<1x16xi32>,
    %get3A_537 = vector.shape_cast %get3A_536 : vector<1x16xi32> to vector<16xi32>
    %shift_right_logical3A_538 = arith.constant 14 : i32
    %shift_right_logical3A_539 = vector.broadcast %shift_right_logical3A_538 : i32 to vector<16xi32>
    %shift_right_logical3A_540 = arith.shrui %get3A_537, %shift_right_logical3A_539 : vector<16xi32>
    %swap3A_541 = arith.constant 48 : index
    %swap3A_542 = tpu.vector_load %arg7[%swap3A_541] {strides = array<i32>} : memref<80xi32, #tpu.memory_space<vmem>>, vector<16xi32>,
    %swap3A_543 = vector.shape_cast %swap3A_542 : vector<16xi32> to vector<16xi32>
    %swap3A_544 = vector.shape_cast %shift_right_logical3A_540 : vector<16xi32> to vector<16xi32>
    tpu.vector_store %arg7[%swap3A_541], %swap3A_544 {strides = array<i32>} : memref<80xi32, #tpu.memory_space<vmem>>, vector<16xi32>,
    %and3A_545 = arith.constant 16383 : i32
    %and3A_546 = vector.broadcast %and3A_545 : i32 to vector<16xi32>
    %and3A_547 = arith.andi %get3A_537, %and3A_546 : vector<16xi32>
    %swap3A_548 = arith.constant 48 : index
    %swap3A_549 = tpu.vector_load %arg10[%swap3A_548] {strides = array<i32>} : memref<80xi32, #tpu.memory_space<vmem>>, vector<16xi32>,
    %swap3A_550 = vector.shape_cast %swap3A_549 : vector<16xi32> to vector<16xi32>
    %swap3A_551 = vector.shape_cast %and3A_547 : vector<16xi32> to vector<16xi32>
    tpu.vector_store %arg10[%swap3A_548], %swap3A_551 {strides = array<i32>} : memref<80xi32, #tpu.memory_space<vmem>>, vector<16xi32>,
    %get3A_552 = arith.constant 4 : i32
    %get3A_553 = arith.index_cast %get3A_552 : i32 to index
    %get3A_554 = arith.constant 64 : index
    %get3A_555 = tpu.vector_load %arg5[%get3A_553, %get3A_554] {strides = array<i32>} : memref<125x80xi32, #tpu.memory_space<vmem>>, vector<1x16xi32>,
    %get3A_556 = vector.shape_cast %get3A_555 : vector<1x16xi32> to vector<16xi32>
    %shift_right_logical3A_557 = arith.constant 14 : i32
    %shift_right_logical3A_558 = vector.broadcast %shift_right_logical3A_557 : i32 to vector<16xi32>
    %shift_right_logical3A_559 = arith.shrui %get3A_556, %shift_right_logical3A_558 : vector<16xi32>
    %swap3A_560 = arith.constant 64 : index
    %swap3A_561 = tpu.vector_load %arg7[%swap3A_560] {strides = array<i32>} : memref<80xi32, #tpu.memory_space<vmem>>, vector<16xi32>,
    %swap3A_562 = vector.shape_cast %swap3A_561 : vector<16xi32> to vector<16xi32>
    %swap3A_563 = vector.shape_cast %shift_right_logical3A_559 : vector<16xi32> to vector<16xi32>
    tpu.vector_store %arg7[%swap3A_560], %swap3A_563 {strides = array<i32>} : memref<80xi32, #tpu.memory_space<vmem>>, vector<16xi32>,
    %and3A_564 = arith.constant 16383 : i32
    %and3A_565 = vector.broadcast %and3A_564 : i32 to vector<16xi32>
    %and3A_566 = arith.andi %get3A_556, %and3A_565 : vector<16xi32>
    %swap3A_567 = arith.constant 64 : index
    %swap3A_568 = tpu.vector_load %arg10[%swap3A_567] {strides = array<i32>} : memref<80xi32, #tpu.memory_space<vmem>>, vector<16xi32>,
    %swap3A_569 = vector.shape_cast %swap3A_568 : vector<16xi32> to vector<16xi32>
    %swap3A_570 = vector.shape_cast %and3A_566 : vector<16xi32> to vector<16xi32>
    tpu.vector_store %arg10[%swap3A_567], %swap3A_570 {strides = array<i32>} : memref<80xi32, #tpu.memory_space<vmem>>, vector<16xi32>,
    %dma_start3A_571 = arith.constant 0 : i32
    %dma_start3A_572 = arith.constant 0 : i32
    %dma_start3A_573 = tpu.memref_slice %arg2[%dma_start3A_571, %dma_start3A_572] : memref<10000x64xf32, #tpu.memory_space<hbm>> -> memref<10000x64xf32, #tpu.memory_space<hbm>>
    tpu.enqueue_indirect_dma source(%dma_start3A_573 : memref<10000x64xf32, #tpu.memory_space<hbm>>) target(%arg13 : memref<80x64xf32, #tpu.memory_space<vmem>>) offsets(%arg7 : memref<80xi32, #tpu.memory_space<vmem>>) semaphore(%arg20 : memref<!tpu.dma_semaphore, #tpu.memory_space<semaphore_mem>>)
    %scan3A_574 = arith.constant 0 : i32
    %scan3A_575 = arith.constant 40 : i32
    %scan3A_576 = arith.addi %scan3A_574, %scan3A_575 : i32
    %scan3A_577 = arith.constant 1 : i32
    scf.for %scan3A_601 = %scan3A_574 to %scan3A_576 step %scan3A_577  : i32 {
      %mul3A_602 = arith.constant 1 : i32
      %mul3A_603 = arith.muli %scan3A_601, %mul3A_602 : i32
      %add3A_604 = arith.constant 0 : i32
      %add3A_605 = arith.addi %add3A_604, %mul3A_603 : i32
      %mul3A_606 = arith.constant 3 : i32
      %mul3A_607 = arith.muli %mul3A_606, %add3A_605 : i32
      %add3A_608 = arith.constant 3 : i32
      %add3A_609 = arith.addi %mul3A_607, %add3A_608 : i32
      %dma_wait3A_610 = arith.constant 0 : i32
      %dma_wait3A_611 = arith.constant 0 : i32
      %dma_wait3A_612 = tpu.memref_slice %arg2[%dma_wait3A_610, %dma_wait3A_611] : memref<10000x64xf32, #tpu.memory_space<hbm>> -> memref<10000x64xf32, #tpu.memory_space<hbm>>
      tpu.wait_indirect_dma semaphore(%arg19 : memref<!tpu.dma_semaphore, #tpu.memory_space<semaphore_mem>>) src(%dma_wait3A_612 : memref<10000x64xf32, #tpu.memory_space<hbm>>) dst(%arg12 : memref<80x64xf32, #tpu.memory_space<vmem>>)
      %dma_start3A_613 = arith.constant 0 : i32
      %dma_start3A_614 = arith.constant 0 : i32
      %dma_start3A_615 = tpu.memref_slice %arg17[%dma_start3A_613, %dma_start3A_614] : memref<10240x64xf32, #tpu.memory_space<vmem_shared>> -> memref<10240x64xf32, #tpu.memory_space<vmem_shared>>
      tpu.enqueue_indirect_dma source(%arg12 : memref<80x64xf32, #tpu.memory_space<vmem>>) target(%dma_start3A_615 : memref<10240x64xf32, #tpu.memory_space<vmem_shared>>) offsets(%arg9 : memref<80xi32, #tpu.memory_space<vmem>>) semaphore(%arg22 : memref<!tpu.dma_semaphore, #tpu.memory_space<semaphore_mem>>) {add = true}
      %dma_wait3A_616 = arith.constant 0 : i32
      %dma_wait3A_617 = arith.constant 0 : i32
      %dma_wait3A_618 = tpu.memref_slice %arg17[%dma_wait3A_616, %dma_wait3A_617] : memref<10240x64xf32, #tpu.memory_space<vmem_shared>> -> memref<10240x64xf32, #tpu.memory_space<vmem_shared>>
      tpu.wait_indirect_dma semaphore(%arg24 : memref<!tpu.dma_semaphore, #tpu.memory_space<semaphore_mem>>) src(%arg14 : memref<80x64xf32, #tpu.memory_space<vmem>>) dst(%dma_wait3A_618 : memref<10240x64xf32, #tpu.memory_space<vmem_shared>>)
      %add3A_619 = arith.constant 2 : i32
      %add3A_620 = arith.addi %add3A_609, %add3A_619 : i32
      %get3A_621 = arith.index_cast %add3A_620 : i32 to index
      %get3A_622 = arith.constant 0 : index
      %get3A_623 = tpu.vector_load %arg5[%get3A_621, %get3A_622] {strides = array<i32>} : memref<125x80xi32, #tpu.memory_space<vmem>>, vector<1x16xi32>,
      %get3A_624 = vector.shape_cast %get3A_623 : vector<1x16xi32> to vector<16xi32>
      %shift_right_logical3A_625 = arith.constant 14 : i32
      %shift_right_logical3A_626 = vector.broadcast %shift_right_logical3A_625 : i32 to vector<16xi32>
      %shift_right_logical3A_627 = arith.shrui %get3A_624, %shift_right_logical3A_626 : vector<16xi32>
      %swap3A_628 = arith.constant 0 : index
      %swap3A_629 = tpu.vector_load %arg8[%swap3A_628] {strides = array<i32>} : memref<80xi32, #tpu.memory_space<vmem>>, vector<16xi32>,
      %swap3A_630 = vector.shape_cast %swap3A_629 : vector<16xi32> to vector<16xi32>
      %swap3A_631 = vector.shape_cast %shift_right_logical3A_627 : vector<16xi32> to vector<16xi32>
      tpu.vector_store %arg8[%swap3A_628], %swap3A_631 {strides = array<i32>} : memref<80xi32, #tpu.memory_space<vmem>>, vector<16xi32>,
      %and3A_632 = arith.constant 16383 : i32
      %and3A_633 = vector.broadcast %and3A_632 : i32 to vector<16xi32>
      %and3A_634 = arith.andi %get3A_624, %and3A_633 : vector<16xi32>
      %swap3A_635 = arith.constant 0 : index
      %swap3A_636 = tpu.vector_load %arg11[%swap3A_635] {strides = array<i32>} : memref<80xi32, #tpu.memory_space<vmem>>, vector<16xi32>,
      %swap3A_637 = vector.shape_cast %swap3A_636 : vector<16xi32> to vector<16xi32>
      %swap3A_638 = vector.shape_cast %and3A_634 : vector<16xi32> to vector<16xi32>
      tpu.vector_store %arg11[%swap3A_635], %swap3A_638 {strides = array<i32>} : memref<80xi32, #tpu.memory_space<vmem>>, vector<16xi32>,
      %get3A_639 = arith.index_cast %add3A_620 : i32 to index
      %get3A_640 = arith.constant 16 : index
      %get3A_641 = tpu.vector_load %arg5[%get3A_639, %get3A_640] {strides = array<i32>} : memref<125x80xi32, #tpu.memory_space<vmem>>, vector<1x16xi32>,
      %get3A_642 = vector.shape_cast %get3A_641 : vector<1x16xi32> to vector<16xi32>
      %shift_right_logical3A_643 = arith.constant 14 : i32
      %shift_right_logical3A_644 = vector.broadcast %shift_right_logical3A_643 : i32 to vector<16xi32>
      %shift_right_logical3A_645 = arith.shrui %get3A_642, %shift_right_logical3A_644 : vector<16xi32>
      %swap3A_646 = arith.constant 16 : index
      %swap3A_647 = tpu.vector_load %arg8[%swap3A_646] {strides = array<i32>} : memref<80xi32, #tpu.memory_space<vmem>>, vector<16xi32>,
      %swap3A_648 = vector.shape_cast %swap3A_647 : vector<16xi32> to vector<16xi32>
      %swap3A_649 = vector.shape_cast %shift_right_logical3A_645 : vector<16xi32> to vector<16xi32>
      tpu.vector_store %arg8[%swap3A_646], %swap3A_649 {strides = array<i32>} : memref<80xi32, #tpu.memory_space<vmem>>, vector<16xi32>,
      %and3A_650 = arith.constant 16383 : i32
      %and3A_651 = vector.broadcast %and3A_650 : i32 to vector<16xi32>
      %and3A_652 = arith.andi %get3A_642, %and3A_651 : vector<16xi32>
      %swap3A_653 = arith.constant 16 : index
      %swap3A_654 = tpu.vector_load %arg11[%swap3A_653] {strides = array<i32>} : memref<80xi32, #tpu.memory_space<vmem>>, vector<16xi32>,
      %swap3A_655 = vector.shape_cast %swap3A_654 : vector<16xi32> to vector<16xi32>
      %swap3A_656 = vector.shape_cast %and3A_652 : vector<16xi32> to vector<16xi32>
      tpu.vector_store %arg11[%swap3A_653], %swap3A_656 {strides = array<i32>} : memref<80xi32, #tpu.memory_space<vmem>>, vector<16xi32>,
      %get3A_657 = arith.index_cast %add3A_620 : i32 to index
      %get3A_658 = arith.constant 32 : index
      %get3A_659 = tpu.vector_load %arg5[%get3A_657, %get3A_658] {strides = array<i32>} : memref<125x80xi32, #tpu.memory_space<vmem>>, vector<1x16xi32>,
      %get3A_660 = vector.shape_cast %get3A_659 : vector<1x16xi32> to vector<16xi32>
      %shift_right_logical3A_661 = arith.constant 14 : i32
      %shift_right_logical3A_662 = vector.broadcast %shift_right_logical3A_661 : i32 to vector<16xi32>
      %shift_right_logical3A_663 = arith.shrui %get3A_660, %shift_right_logical3A_662 : vector<16xi32>
      %swap3A_664 = arith.constant 32 : index
      %swap3A_665 = tpu.vector_load %arg8[%swap3A_664] {strides = array<i32>} : memref<80xi32, #tpu.memory_space<vmem>>, vector<16xi32>,
      %swap3A_666 = vector.shape_cast %swap3A_665 : vector<16xi32> to vector<16xi32>
      %swap3A_667 = vector.shape_cast %shift_right_logical3A_663 : vector<16xi32> to vector<16xi32>
      tpu.vector_store %arg8[%swap3A_664], %swap3A_667 {strides = array<i32>} : memref<80xi32, #tpu.memory_space<vmem>>, vector<16xi32>,
      %and3A_668 = arith.constant 16383 : i32
      %and3A_669 = vector.broadcast %and3A_668 : i32 to vector<16xi32>
      %and3A_670 = arith.andi %get3A_660, %and3A_669 : vector<16xi32>
      %swap3A_671 = arith.constant 32 : index
      %swap3A_672 = tpu.vector_load %arg11[%swap3A_671] {strides = array<i32>} : memref<80xi32, #tpu.memory_space<vmem>>, vector<16xi32>,
      %swap3A_673 = vector.shape_cast %swap3A_672 : vector<16xi32> to vector<16xi32>
      %swap3A_674 = vector.shape_cast %and3A_670 : vector<16xi32> to vector<16xi32>
      tpu.vector_store %arg11[%swap3A_671], %swap3A_674 {strides = array<i32>} : memref<80xi32, #tpu.memory_space<vmem>>, vector<16xi32>,
      %get3A_675 = arith.index_cast %add3A_620 : i32 to index
      %get3A_676 = arith.constant 48 : index
      %get3A_677 = tpu.vector_load %arg5[%get3A_675, %get3A_676] {strides = array<i32>} : memref<125x80xi32, #tpu.memory_space<vmem>>, vector<1x16xi32>,
      %get3A_678 = vector.shape_cast %get3A_677 : vector<1x16xi32> to vector<16xi32>
      %shift_right_logical3A_679 = arith.constant 14 : i32
      %shift_right_logical3A_680 = vector.broadcast %shift_right_logical3A_679 : i32 to vector<16xi32>
      %shift_right_logical3A_681 = arith.shrui %get3A_678, %shift_right_logical3A_680 : vector<16xi32>
      %swap3A_682 = arith.constant 48 : index
      %swap3A_683 = tpu.vector_load %arg8[%swap3A_682] {strides = array<i32>} : memref<80xi32, #tpu.memory_space<vmem>>, vector<16xi32>,
      %swap3A_684 = vector.shape_cast %swap3A_683 : vector<16xi32> to vector<16xi32>
      %swap3A_685 = vector.shape_cast %shift_right_logical3A_681 : vector<16xi32> to vector<16xi32>
      tpu.vector_store %arg8[%swap3A_682], %swap3A_685 {strides = array<i32>} : memref<80xi32, #tpu.memory_space<vmem>>, vector<16xi32>,
      %and3A_686 = arith.constant 16383 : i32
      %and3A_687 = vector.broadcast %and3A_686 : i32 to vector<16xi32>
      %and3A_688 = arith.andi %get3A_678, %and3A_687 : vector<16xi32>
      %swap3A_689 = arith.constant 48 : index
      %swap3A_690 = tpu.vector_load %arg11[%swap3A_689] {strides = array<i32>} : memref<80xi32, #tpu.memory_space<vmem>>, vector<16xi32>,
      %swap3A_691 = vector.shape_cast %swap3A_690 : vector<16xi32> to vector<16xi32>
      %swap3A_692 = vector.shape_cast %and3A_688 : vector<16xi32> to vector<16xi32>
      tpu.vector_store %arg11[%swap3A_689], %swap3A_692 {strides = array<i32>} : memref<80xi32, #tpu.memory_space<vmem>>, vector<16xi32>,
      %get3A_693 = arith.index_cast %add3A_620 : i32 to index
      %get3A_694 = arith.constant 64 : index
      %get3A_695 = tpu.vector_load %arg5[%get3A_693, %get3A_694] {strides = array<i32>} : memref<125x80xi32, #tpu.memory_space<vmem>>, vector<1x16xi32>,
      %get3A_696 = vector.shape_cast %get3A_695 : vector<1x16xi32> to vector<16xi32>
      %shift_right_logical3A_697 = arith.constant 14 : i32
      %shift_right_logical3A_698 = vector.broadcast %shift_right_logical3A_697 : i32 to vector<16xi32>
      %shift_right_logical3A_699 = arith.shrui %get3A_696, %shift_right_logical3A_698 : vector<16xi32>
      %swap3A_700 = arith.constant 64 : index
      %swap3A_701 = tpu.vector_load %arg8[%swap3A_700] {strides = array<i32>} : memref<80xi32, #tpu.memory_space<vmem>>, vector<16xi32>,
      %swap3A_702 = vector.shape_cast %swap3A_701 : vector<16xi32> to vector<16xi32>
      %swap3A_703 = vector.shape_cast %shift_right_logical3A_699 : vector<16xi32> to vector<16xi32>
      tpu.vector_store %arg8[%swap3A_700], %swap3A_703 {strides = array<i32>} : memref<80xi32, #tpu.memory_space<vmem>>, vector<16xi32>,
      %and3A_704 = arith.constant 16383 : i32
      %and3A_705 = vector.broadcast %and3A_704 : i32 to vector<16xi32>
      %and3A_706 = arith.andi %get3A_696, %and3A_705 : vector<16xi32>
      %swap3A_707 = arith.constant 64 : index
      %swap3A_708 = tpu.vector_load %arg11[%swap3A_707] {strides = array<i32>} : memref<80xi32, #tpu.memory_space<vmem>>, vector<16xi32>,
      %swap3A_709 = vector.shape_cast %swap3A_708 : vector<16xi32> to vector<16xi32>
      %swap3A_710 = vector.shape_cast %and3A_706 : vector<16xi32> to vector<16xi32>
      tpu.vector_store %arg11[%swap3A_707], %swap3A_710 {strides = array<i32>} : memref<80xi32, #tpu.memory_space<vmem>>, vector<16xi32>,
      %dma_start3A_711 = arith.constant 0 : i32
      %dma_start3A_712 = arith.constant 0 : i32
      %dma_start3A_713 = tpu.memref_slice %arg2[%dma_start3A_711, %dma_start3A_712] : memref<10000x64xf32, #tpu.memory_space<hbm>> -> memref<10000x64xf32, #tpu.memory_space<hbm>>
      tpu.enqueue_indirect_dma source(%dma_start3A_713 : memref<10000x64xf32, #tpu.memory_space<hbm>>) target(%arg14 : memref<80x64xf32, #tpu.memory_space<vmem>>) offsets(%arg8 : memref<80xi32, #tpu.memory_space<vmem>>) semaphore(%arg21 : memref<!tpu.dma_semaphore, #tpu.memory_space<semaphore_mem>>)
      %add3A_714 = arith.constant 1 : i32
      %add3A_715 = arith.addi %add3A_609, %add3A_714 : i32
      %dma_wait3A_716 = arith.constant 0 : i32
      %dma_wait3A_717 = arith.constant 0 : i32
      %dma_wait3A_718 = tpu.memref_slice %arg2[%dma_wait3A_716, %dma_wait3A_717] : memref<10000x64xf32, #tpu.memory_space<hbm>> -> memref<10000x64xf32, #tpu.memory_space<hbm>>
      tpu.wait_indirect_dma semaphore(%arg20 : memref<!tpu.dma_semaphore, #tpu.memory_space<semaphore_mem>>) src(%dma_wait3A_718 : memref<10000x64xf32, #tpu.memory_space<hbm>>) dst(%arg13 : memref<80x64xf32, #tpu.memory_space<vmem>>)
      %dma_start3A_719 = arith.constant 0 : i32
      %dma_start3A_720 = arith.constant 0 : i32
      %dma_start3A_721 = tpu.memref_slice %arg17[%dma_start3A_719, %dma_start3A_720] : memref<10240x64xf32, #tpu.memory_space<vmem_shared>> -> memref<10240x64xf32, #tpu.memory_space<vmem_shared>>
      tpu.enqueue_indirect_dma source(%arg13 : memref<80x64xf32, #tpu.memory_space<vmem>>) target(%dma_start3A_721 : memref<10240x64xf32, #tpu.memory_space<vmem_shared>>) offsets(%arg10 : memref<80xi32, #tpu.memory_space<vmem>>) semaphore(%arg23 : memref<!tpu.dma_semaphore, #tpu.memory_space<semaphore_mem>>) {add = true}
      %dma_wait3A_722 = arith.constant 0 : i32
      %dma_wait3A_723 = arith.constant 0 : i32
      %dma_wait3A_724 = tpu.memref_slice %arg17[%dma_wait3A_722, %dma_wait3A_723] : memref<10240x64xf32, #tpu.memory_space<vmem_shared>> -> memref<10240x64xf32, #tpu.memory_space<vmem_shared>>
      tpu.wait_indirect_dma semaphore(%arg22 : memref<!tpu.dma_semaphore, #tpu.memory_space<semaphore_mem>>) src(%arg12 : memref<80x64xf32, #tpu.memory_space<vmem>>) dst(%dma_wait3A_724 : memref<10240x64xf32, #tpu.memory_space<vmem_shared>>)
      %add3A_725 = arith.constant 2 : i32
      %add3A_726 = arith.addi %add3A_715, %add3A_725 : i32
      %get3A_727 = arith.index_cast %add3A_726 : i32 to index
      %get3A_728 = arith.constant 0 : index
      %get3A_729 = tpu.vector_load %arg5[%get3A_727, %get3A_728] {strides = array<i32>} : memref<125x80xi32, #tpu.memory_space<vmem>>, vector<1x16xi32>,
      %get3A_730 = vector.shape_cast %get3A_729 : vector<1x16xi32> to vector<16xi32>
      %shift_right_logical3A_731 = arith.constant 14 : i32
      %shift_right_logical3A_732 = vector.broadcast %shift_right_logical3A_731 : i32 to vector<16xi32>
      %shift_right_logical3A_733 = arith.shrui %get3A_730, %shift_right_logical3A_732 : vector<16xi32>
      %swap3A_734 = arith.constant 0 : index
      %swap3A_735 = tpu.vector_load %arg6[%swap3A_734] {strides = array<i32>} : memref<80xi32, #tpu.memory_space<vmem>>, vector<16xi32>,
      %swap3A_736 = vector.shape_cast %swap3A_735 : vector<16xi32> to vector<16xi32>
      %swap3A_737 = vector.shape_cast %shift_right_logical3A_733 : vector<16xi32> to vector<16xi32>
      tpu.vector_store %arg6[%swap3A_734], %swap3A_737 {strides = array<i32>} : memref<80xi32, #tpu.memory_space<vmem>>, vector<16xi32>,
      %and3A_738 = arith.constant 16383 : i32
      %and3A_739 = vector.broadcast %and3A_738 : i32 to vector<16xi32>
      %and3A_740 = arith.andi %get3A_730, %and3A_739 : vector<16xi32>
      %swap3A_741 = arith.constant 0 : index
      %swap3A_742 = tpu.vector_load %arg9[%swap3A_741] {strides = array<i32>} : memref<80xi32, #tpu.memory_space<vmem>>, vector<16xi32>,
      %swap3A_743 = vector.shape_cast %swap3A_742 : vector<16xi32> to vector<16xi32>
      %swap3A_744 = vector.shape_cast %and3A_740 : vector<16xi32> to vector<16xi32>
      tpu.vector_store %arg9[%swap3A_741], %swap3A_744 {strides = array<i32>} : memref<80xi32, #tpu.memory_space<vmem>>, vector<16xi32>,
      %get3A_745 = arith.index_cast %add3A_726 : i32 to index
      %get3A_746 = arith.constant 16 : index
      %get3A_747 = tpu.vector_load %arg5[%get3A_745, %get3A_746] {strides = array<i32>} : memref<125x80xi32, #tpu.memory_space<vmem>>, vector<1x16xi32>,
      %get3A_748 = vector.shape_cast %get3A_747 : vector<1x16xi32> to vector<16xi32>
      %shift_right_logical3A_749 = arith.constant 14 : i32
      %shift_right_logical3A_750 = vector.broadcast %shift_right_logical3A_749 : i32 to vector<16xi32>
      %shift_right_logical3A_751 = arith.shrui %get3A_748, %shift_right_logical3A_750 : vector<16xi32>
      %swap3A_752 = arith.constant 16 : index
      %swap3A_753 = tpu.vector_load %arg6[%swap3A_752] {strides = array<i32>} : memref<80xi32, #tpu.memory_space<vmem>>, vector<16xi32>,
      %swap3A_754 = vector.shape_cast %swap3A_753 : vector<16xi32> to vector<16xi32>
      %swap3A_755 = vector.shape_cast %shift_right_logical3A_751 : vector<16xi32> to vector<16xi32>
      tpu.vector_store %arg6[%swap3A_752], %swap3A_755 {strides = array<i32>} : memref<80xi32, #tpu.memory_space<vmem>>, vector<16xi32>,
      %and3A_756 = arith.constant 16383 : i32
      %and3A_757 = vector.broadcast %and3A_756 : i32 to vector<16xi32>
      %and3A_758 = arith.andi %get3A_748, %and3A_757 : vector<16xi32>
      %swap3A_759 = arith.constant 16 : index
      %swap3A_760 = tpu.vector_load %arg9[%swap3A_759] {strides = array<i32>} : memref<80xi32, #tpu.memory_space<vmem>>, vector<16xi32>,
      %swap3A_761 = vector.shape_cast %swap3A_760 : vector<16xi32> to vector<16xi32>
      %swap3A_762 = vector.shape_cast %and3A_758 : vector<16xi32> to vector<16xi32>
      tpu.vector_store %arg9[%swap3A_759], %swap3A_762 {strides = array<i32>} : memref<80xi32, #tpu.memory_space<vmem>>, vector<16xi32>,
      %get3A_763 = arith.index_cast %add3A_726 : i32 to index
      %get3A_764 = arith.constant 32 : index
      %get3A_765 = tpu.vector_load %arg5[%get3A_763, %get3A_764] {strides = array<i32>} : memref<125x80xi32, #tpu.memory_space<vmem>>, vector<1x16xi32>,
      %get3A_766 = vector.shape_cast %get3A_765 : vector<1x16xi32> to vector<16xi32>
      %shift_right_logical3A_767 = arith.constant 14 : i32
      %shift_right_logical3A_768 = vector.broadcast %shift_right_logical3A_767 : i32 to vector<16xi32>
      %shift_right_logical3A_769 = arith.shrui %get3A_766, %shift_right_logical3A_768 : vector<16xi32>
      %swap3A_770 = arith.constant 32 : index
      %swap3A_771 = tpu.vector_load %arg6[%swap3A_770] {strides = array<i32>} : memref<80xi32, #tpu.memory_space<vmem>>, vector<16xi32>,
      %swap3A_772 = vector.shape_cast %swap3A_771 : vector<16xi32> to vector<16xi32>
      %swap3A_773 = vector.shape_cast %shift_right_logical3A_769 : vector<16xi32> to vector<16xi32>
      tpu.vector_store %arg6[%swap3A_770], %swap3A_773 {strides = array<i32>} : memref<80xi32, #tpu.memory_space<vmem>>, vector<16xi32>,
      %and3A_774 = arith.constant 16383 : i32
      %and3A_775 = vector.broadcast %and3A_774 : i32 to vector<16xi32>
      %and3A_776 = arith.andi %get3A_766, %and3A_775 : vector<16xi32>
      %swap3A_777 = arith.constant 32 : index
      %swap3A_778 = tpu.vector_load %arg9[%swap3A_777] {strides = array<i32>} : memref<80xi32, #tpu.memory_space<vmem>>, vector<16xi32>,
      %swap3A_779 = vector.shape_cast %swap3A_778 : vector<16xi32> to vector<16xi32>
      %swap3A_780 = vector.shape_cast %and3A_776 : vector<16xi32> to vector<16xi32>
      tpu.vector_store %arg9[%swap3A_777], %swap3A_780 {strides = array<i32>} : memref<80xi32, #tpu.memory_space<vmem>>, vector<16xi32>,
      %get3A_781 = arith.index_cast %add3A_726 : i32 to index
      %get3A_782 = arith.constant 48 : index
      %get3A_783 = tpu.vector_load %arg5[%get3A_781, %get3A_782] {strides = array<i32>} : memref<125x80xi32, #tpu.memory_space<vmem>>, vector<1x16xi32>,
      %get3A_784 = vector.shape_cast %get3A_783 : vector<1x16xi32> to vector<16xi32>
      %shift_right_logical3A_785 = arith.constant 14 : i32
      %shift_right_logical3A_786 = vector.broadcast %shift_right_logical3A_785 : i32 to vector<16xi32>
      %shift_right_logical3A_787 = arith.shrui %get3A_784, %shift_right_logical3A_786 : vector<16xi32>
      %swap3A_788 = arith.constant 48 : index
      %swap3A_789 = tpu.vector_load %arg6[%swap3A_788] {strides = array<i32>} : memref<80xi32, #tpu.memory_space<vmem>>, vector<16xi32>,
      %swap3A_790 = vector.shape_cast %swap3A_789 : vector<16xi32> to vector<16xi32>
      %swap3A_791 = vector.shape_cast %shift_right_logical3A_787 : vector<16xi32> to vector<16xi32>
      tpu.vector_store %arg6[%swap3A_788], %swap3A_791 {strides = array<i32>} : memref<80xi32, #tpu.memory_space<vmem>>, vector<16xi32>,
      %and3A_792 = arith.constant 16383 : i32
      %and3A_793 = vector.broadcast %and3A_792 : i32 to vector<16xi32>
      %and3A_794 = arith.andi %get3A_784, %and3A_793 : vector<16xi32>
      %swap3A_795 = arith.constant 48 : index
      %swap3A_796 = tpu.vector_load %arg9[%swap3A_795] {strides = array<i32>} : memref<80xi32, #tpu.memory_space<vmem>>, vector<16xi32>,
      %swap3A_797 = vector.shape_cast %swap3A_796 : vector<16xi32> to vector<16xi32>
      %swap3A_798 = vector.shape_cast %and3A_794 : vector<16xi32> to vector<16xi32>
      tpu.vector_store %arg9[%swap3A_795], %swap3A_798 {strides = array<i32>} : memref<80xi32, #tpu.memory_space<vmem>>, vector<16xi32>,
      %get3A_799 = arith.index_cast %add3A_726 : i32 to index
      %get3A_800 = arith.constant 64 : index
      %get3A_801 = tpu.vector_load %arg5[%get3A_799, %get3A_800] {strides = array<i32>} : memref<125x80xi32, #tpu.memory_space<vmem>>, vector<1x16xi32>,
      %get3A_802 = vector.shape_cast %get3A_801 : vector<1x16xi32> to vector<16xi32>
      %shift_right_logical3A_803 = arith.constant 14 : i32
      %shift_right_logical3A_804 = vector.broadcast %shift_right_logical3A_803 : i32 to vector<16xi32>
      %shift_right_logical3A_805 = arith.shrui %get3A_802, %shift_right_logical3A_804 : vector<16xi32>
      %swap3A_806 = arith.constant 64 : index
      %swap3A_807 = tpu.vector_load %arg6[%swap3A_806] {strides = array<i32>} : memref<80xi32, #tpu.memory_space<vmem>>, vector<16xi32>,
      %swap3A_808 = vector.shape_cast %swap3A_807 : vector<16xi32> to vector<16xi32>
      %swap3A_809 = vector.shape_cast %shift_right_logical3A_805 : vector<16xi32> to vector<16xi32>
      tpu.vector_store %arg6[%swap3A_806], %swap3A_809 {strides = array<i32>} : memref<80xi32, #tpu.memory_space<vmem>>, vector<16xi32>,
      %and3A_810 = arith.constant 16383 : i32
      %and3A_811 = vector.broadcast %and3A_810 : i32 to vector<16xi32>
      %and3A_812 = arith.andi %get3A_802, %and3A_811 : vector<16xi32>
      %swap3A_813 = arith.constant 64 : index
      %swap3A_814 = tpu.vector_load %arg9[%swap3A_813] {strides = array<i32>} : memref<80xi32, #tpu.memory_space<vmem>>, vector<16xi32>,
      %swap3A_815 = vector.shape_cast %swap3A_814 : vector<16xi32> to vector<16xi32>
      %swap3A_816 = vector.shape_cast %and3A_812 : vector<16xi32> to vector<16xi32>
      tpu.vector_store %arg9[%swap3A_813], %swap3A_816 {strides = array<i32>} : memref<80xi32, #tpu.memory_space<vmem>>, vector<16xi32>,
      %dma_start3A_817 = arith.constant 0 : i32
      %dma_start3A_818 = arith.constant 0 : i32
      %dma_start3A_819 = tpu.memref_slice %arg2[%dma_start3A_817, %dma_start3A_818] : memref<10000x64xf32, #tpu.memory_space<hbm>> -> memref<10000x64xf32, #tpu.memory_space<hbm>>
      tpu.enqueue_indirect_dma source(%dma_start3A_819 : memref<10000x64xf32, #tpu.memory_space<hbm>>) target(%arg12 : memref<80x64xf32, #tpu.memory_space<vmem>>) offsets(%arg6 : memref<80xi32, #tpu.memory_space<vmem>>) semaphore(%arg19 : memref<!tpu.dma_semaphore, #tpu.memory_space<semaphore_mem>>)
      %add3A_820 = arith.constant 2 : i32
      %add3A_821 = arith.addi %add3A_609, %add3A_820 : i32
      %dma_wait3A_822 = arith.constant 0 : i32
      %dma_wait3A_823 = arith.constant 0 : i32
      %dma_wait3A_824 = tpu.memref_slice %arg2[%dma_wait3A_822, %dma_wait3A_823] : memref<10000x64xf32, #tpu.memory_space<hbm>> -> memref<10000x64xf32, #tpu.memory_space<hbm>>
      tpu.wait_indirect_dma semaphore(%arg21 : memref<!tpu.dma_semaphore, #tpu.memory_space<semaphore_mem>>) src(%dma_wait3A_824 : memref<10000x64xf32, #tpu.memory_space<hbm>>) dst(%arg14 : memref<80x64xf32, #tpu.memory_space<vmem>>)
      %dma_start3A_825 = arith.constant 0 : i32
      %dma_start3A_826 = arith.constant 0 : i32
      %dma_start3A_827 = tpu.memref_slice %arg17[%dma_start3A_825, %dma_start3A_826] : memref<10240x64xf32, #tpu.memory_space<vmem_shared>> -> memref<10240x64xf32, #tpu.memory_space<vmem_shared>>
      tpu.enqueue_indirect_dma source(%arg14 : memref<80x64xf32, #tpu.memory_space<vmem>>) target(%dma_start3A_827 : memref<10240x64xf32, #tpu.memory_space<vmem_shared>>) offsets(%arg11 : memref<80xi32, #tpu.memory_space<vmem>>) semaphore(%arg24 : memref<!tpu.dma_semaphore, #tpu.memory_space<semaphore_mem>>) {add = true}
      %dma_wait3A_828 = arith.constant 0 : i32
      %dma_wait3A_829 = arith.constant 0 : i32
      %dma_wait3A_830 = tpu.memref_slice %arg17[%dma_wait3A_828, %dma_wait3A_829] : memref<10240x64xf32, #tpu.memory_space<vmem_shared>> -> memref<10240x64xf32, #tpu.memory_space<vmem_shared>>
      tpu.wait_indirect_dma semaphore(%arg23 : memref<!tpu.dma_semaphore, #tpu.memory_space<semaphore_mem>>) src(%arg13 : memref<80x64xf32, #tpu.memory_space<vmem>>) dst(%dma_wait3A_830 : memref<10240x64xf32, #tpu.memory_space<vmem_shared>>)
      %add3A_831 = arith.constant 2 : i32
      %add3A_832 = arith.addi %add3A_821, %add3A_831 : i32
      %get3A_833 = arith.index_cast %add3A_832 : i32 to index
      %get3A_834 = arith.constant 0 : index
      %get3A_835 = tpu.vector_load %arg5[%get3A_833, %get3A_834] {strides = array<i32>} : memref<125x80xi32, #tpu.memory_space<vmem>>, vector<1x16xi32>,
      %get3A_836 = vector.shape_cast %get3A_835 : vector<1x16xi32> to vector<16xi32>
      %shift_right_logical3A_837 = arith.constant 14 : i32
      %shift_right_logical3A_838 = vector.broadcast %shift_right_logical3A_837 : i32 to vector<16xi32>
      %shift_right_logical3A_839 = arith.shrui %get3A_836, %shift_right_logical3A_838 : vector<16xi32>
      %swap3A_840 = arith.constant 0 : index
      %swap3A_841 = tpu.vector_load %arg7[%swap3A_840] {strides = array<i32>} : memref<80xi32, #tpu.memory_space<vmem>>, vector<16xi32>,
      %swap3A_842 = vector.shape_cast %swap3A_841 : vector<16xi32> to vector<16xi32>
      %swap3A_843 = vector.shape_cast %shift_right_logical3A_839 : vector<16xi32> to vector<16xi32>
      tpu.vector_store %arg7[%swap3A_840], %swap3A_843 {strides = array<i32>} : memref<80xi32, #tpu.memory_space<vmem>>, vector<16xi32>,
      %and3A_844 = arith.constant 16383 : i32
      %and3A_845 = vector.broadcast %and3A_844 : i32 to vector<16xi32>
      %and3A_846 = arith.andi %get3A_836, %and3A_845 : vector<16xi32>
      %swap3A_847 = arith.constant 0 : index
      %swap3A_848 = tpu.vector_load %arg10[%swap3A_847] {strides = array<i32>} : memref<80xi32, #tpu.memory_space<vmem>>, vector<16xi32>,
      %swap3A_849 = vector.shape_cast %swap3A_848 : vector<16xi32> to vector<16xi32>
      %swap3A_850 = vector.shape_cast %and3A_846 : vector<16xi32> to vector<16xi32>
      tpu.vector_store %arg10[%swap3A_847], %swap3A_850 {strides = array<i32>} : memref<80xi32, #tpu.memory_space<vmem>>, vector<16xi32>,
      %get3A_851 = arith.index_cast %add3A_832 : i32 to index
      %get3A_852 = arith.constant 16 : index
      %get3A_853 = tpu.vector_load %arg5[%get3A_851, %get3A_852] {strides = array<i32>} : memref<125x80xi32, #tpu.memory_space<vmem>>, vector<1x16xi32>,
      %get3A_854 = vector.shape_cast %get3A_853 : vector<1x16xi32> to vector<16xi32>
      %shift_right_logical3A_855 = arith.constant 14 : i32
      %shift_right_logical3A_856 = vector.broadcast %shift_right_logical3A_855 : i32 to vector<16xi32>
      %shift_right_logical3A_857 = arith.shrui %get3A_854, %shift_right_logical3A_856 : vector<16xi32>
      %swap3A_858 = arith.constant 16 : index
      %swap3A_859 = tpu.vector_load %arg7[%swap3A_858] {strides = array<i32>} : memref<80xi32, #tpu.memory_space<vmem>>, vector<16xi32>,
      %swap3A_860 = vector.shape_cast %swap3A_859 : vector<16xi32> to vector<16xi32>
      %swap3A_861 = vector.shape_cast %shift_right_logical3A_857 : vector<16xi32> to vector<16xi32>
      tpu.vector_store %arg7[%swap3A_858], %swap3A_861 {strides = array<i32>} : memref<80xi32, #tpu.memory_space<vmem>>, vector<16xi32>,
      %and3A_862 = arith.constant 16383 : i32
      %and3A_863 = vector.broadcast %and3A_862 : i32 to vector<16xi32>
      %and3A_864 = arith.andi %get3A_854, %and3A_863 : vector<16xi32>
      %swap3A_865 = arith.constant 16 : index
      %swap3A_866 = tpu.vector_load %arg10[%swap3A_865] {strides = array<i32>} : memref<80xi32, #tpu.memory_space<vmem>>, vector<16xi32>,
      %swap3A_867 = vector.shape_cast %swap3A_866 : vector<16xi32> to vector<16xi32>
      %swap3A_868 = vector.shape_cast %and3A_864 : vector<16xi32> to vector<16xi32>
      tpu.vector_store %arg10[%swap3A_865], %swap3A_868 {strides = array<i32>} : memref<80xi32, #tpu.memory_space<vmem>>, vector<16xi32>,
      %get3A_869 = arith.index_cast %add3A_832 : i32 to index
      %get3A_870 = arith.constant 32 : index
      %get3A_871 = tpu.vector_load %arg5[%get3A_869, %get3A_870] {strides = array<i32>} : memref<125x80xi32, #tpu.memory_space<vmem>>, vector<1x16xi32>,
      %get3A_872 = vector.shape_cast %get3A_871 : vector<1x16xi32> to vector<16xi32>
      %shift_right_logical3A_873 = arith.constant 14 : i32
      %shift_right_logical3A_874 = vector.broadcast %shift_right_logical3A_873 : i32 to vector<16xi32>
      %shift_right_logical3A_875 = arith.shrui %get3A_872, %shift_right_logical3A_874 : vector<16xi32>
      %swap3A_876 = arith.constant 32 : index
      %swap3A_877 = tpu.vector_load %arg7[%swap3A_876] {strides = array<i32>} : memref<80xi32, #tpu.memory_space<vmem>>, vector<16xi32>,
      %swap3A_878 = vector.shape_cast %swap3A_877 : vector<16xi32> to vector<16xi32>
      %swap3A_879 = vector.shape_cast %shift_right_logical3A_875 : vector<16xi32> to vector<16xi32>
      tpu.vector_store %arg7[%swap3A_876], %swap3A_879 {strides = array<i32>} : memref<80xi32, #tpu.memory_space<vmem>>, vector<16xi32>,
      %and3A_880 = arith.constant 16383 : i32
      %and3A_881 = vector.broadcast %and3A_880 : i32 to vector<16xi32>
      %and3A_882 = arith.andi %get3A_872, %and3A_881 : vector<16xi32>
      %swap3A_883 = arith.constant 32 : index
      %swap3A_884 = tpu.vector_load %arg10[%swap3A_883] {strides = array<i32>} : memref<80xi32, #tpu.memory_space<vmem>>, vector<16xi32>,
      %swap3A_885 = vector.shape_cast %swap3A_884 : vector<16xi32> to vector<16xi32>
      %swap3A_886 = vector.shape_cast %and3A_882 : vector<16xi32> to vector<16xi32>
      tpu.vector_store %arg10[%swap3A_883], %swap3A_886 {strides = array<i32>} : memref<80xi32, #tpu.memory_space<vmem>>, vector<16xi32>,
      %get3A_887 = arith.index_cast %add3A_832 : i32 to index
      %get3A_888 = arith.constant 48 : index
      %get3A_889 = tpu.vector_load %arg5[%get3A_887, %get3A_888] {strides = array<i32>} : memref<125x80xi32, #tpu.memory_space<vmem>>, vector<1x16xi32>,
      %get3A_890 = vector.shape_cast %get3A_889 : vector<1x16xi32> to vector<16xi32>
      %shift_right_logical3A_891 = arith.constant 14 : i32
      %shift_right_logical3A_892 = vector.broadcast %shift_right_logical3A_891 : i32 to vector<16xi32>
      %shift_right_logical3A_893 = arith.shrui %get3A_890, %shift_right_logical3A_892 : vector<16xi32>
      %swap3A_894 = arith.constant 48 : index
      %swap3A_895 = tpu.vector_load %arg7[%swap3A_894] {strides = array<i32>} : memref<80xi32, #tpu.memory_space<vmem>>, vector<16xi32>,
      %swap3A_896 = vector.shape_cast %swap3A_895 : vector<16xi32> to vector<16xi32>
      %swap3A_897 = vector.shape_cast %shift_right_logical3A_893 : vector<16xi32> to vector<16xi32>
      tpu.vector_store %arg7[%swap3A_894], %swap3A_897 {strides = array<i32>} : memref<80xi32, #tpu.memory_space<vmem>>, vector<16xi32>,
      %and3A_898 = arith.constant 16383 : i32
      %and3A_899 = vector.broadcast %and3A_898 : i32 to vector<16xi32>
      %and3A_900 = arith.andi %get3A_890, %and3A_899 : vector<16xi32>
      %swap3A_901 = arith.constant 48 : index
      %swap3A_902 = tpu.vector_load %arg10[%swap3A_901] {strides = array<i32>} : memref<80xi32, #tpu.memory_space<vmem>>, vector<16xi32>,
      %swap3A_903 = vector.shape_cast %swap3A_902 : vector<16xi32> to vector<16xi32>
      %swap3A_904 = vector.shape_cast %and3A_900 : vector<16xi32> to vector<16xi32>
      tpu.vector_store %arg10[%swap3A_901], %swap3A_904 {strides = array<i32>} : memref<80xi32, #tpu.memory_space<vmem>>, vector<16xi32>,
      %get3A_905 = arith.index_cast %add3A_832 : i32 to index
      %get3A_906 = arith.constant 64 : index
      %get3A_907 = tpu.vector_load %arg5[%get3A_905, %get3A_906] {strides = array<i32>} : memref<125x80xi32, #tpu.memory_space<vmem>>, vector<1x16xi32>,
      %get3A_908 = vector.shape_cast %get3A_907 : vector<1x16xi32> to vector<16xi32>
      %shift_right_logical3A_909 = arith.constant 14 : i32
      %shift_right_logical3A_910 = vector.broadcast %shift_right_logical3A_909 : i32 to vector<16xi32>
      %shift_right_logical3A_911 = arith.shrui %get3A_908, %shift_right_logical3A_910 : vector<16xi32>
      %swap3A_912 = arith.constant 64 : index
      %swap3A_913 = tpu.vector_load %arg7[%swap3A_912] {strides = array<i32>} : memref<80xi32, #tpu.memory_space<vmem>>, vector<16xi32>,
      %swap3A_914 = vector.shape_cast %swap3A_913 : vector<16xi32> to vector<16xi32>
      %swap3A_915 = vector.shape_cast %shift_right_logical3A_911 : vector<16xi32> to vector<16xi32>
      tpu.vector_store %arg7[%swap3A_912], %swap3A_915 {strides = array<i32>} : memref<80xi32, #tpu.memory_space<vmem>>, vector<16xi32>,
      %and3A_916 = arith.constant 16383 : i32
      %and3A_917 = vector.broadcast %and3A_916 : i32 to vector<16xi32>
      %and3A_918 = arith.andi %get3A_908, %and3A_917 : vector<16xi32>
      %swap3A_919 = arith.constant 64 : index
      %swap3A_920 = tpu.vector_load %arg10[%swap3A_919] {strides = array<i32>} : memref<80xi32, #tpu.memory_space<vmem>>, vector<16xi32>,
      %swap3A_921 = vector.shape_cast %swap3A_920 : vector<16xi32> to vector<16xi32>
      %swap3A_922 = vector.shape_cast %and3A_918 : vector<16xi32> to vector<16xi32>
      tpu.vector_store %arg10[%swap3A_919], %swap3A_922 {strides = array<i32>} : memref<80xi32, #tpu.memory_space<vmem>>, vector<16xi32>,
      %dma_start3A_923 = arith.constant 0 : i32
      %dma_start3A_924 = arith.constant 0 : i32
      %dma_start3A_925 = tpu.memref_slice %arg2[%dma_start3A_923, %dma_start3A_924] : memref<10000x64xf32, #tpu.memory_space<hbm>> -> memref<10000x64xf32, #tpu.memory_space<hbm>>
      tpu.enqueue_indirect_dma source(%dma_start3A_925 : memref<10000x64xf32, #tpu.memory_space<hbm>>) target(%arg13 : memref<80x64xf32, #tpu.memory_space<vmem>>) offsets(%arg7 : memref<80xi32, #tpu.memory_space<vmem>>) semaphore(%arg20 : memref<!tpu.dma_semaphore, #tpu.memory_space<semaphore_mem>>)
    }
    %scan3A_578 = arith.constant 40 : i32
    %dma_wait3A_579 = arith.constant 0 : i32
    %dma_wait3A_580 = arith.constant 0 : i32
    %dma_wait3A_581 = tpu.memref_slice %arg2[%dma_wait3A_579, %dma_wait3A_580] : memref<10000x64xf32, #tpu.memory_space<hbm>> -> memref<10000x64xf32, #tpu.memory_space<hbm>>
    tpu.wait_indirect_dma semaphore(%arg19 : memref<!tpu.dma_semaphore, #tpu.memory_space<semaphore_mem>>) src(%dma_wait3A_581 : memref<10000x64xf32, #tpu.memory_space<hbm>>) dst(%arg12 : memref<80x64xf32, #tpu.memory_space<vmem>>)
    %dma_start3A_582 = arith.constant 0 : i32
    %dma_start3A_583 = arith.constant 0 : i32
    %dma_start3A_584 = tpu.memref_slice %arg17[%dma_start3A_582, %dma_start3A_583] : memref<10240x64xf32, #tpu.memory_space<vmem_shared>> -> memref<10240x64xf32, #tpu.memory_space<vmem_shared>>
    tpu.enqueue_indirect_dma source(%arg12 : memref<80x64xf32, #tpu.memory_space<vmem>>) target(%dma_start3A_584 : memref<10240x64xf32, #tpu.memory_space<vmem_shared>>) offsets(%arg9 : memref<80xi32, #tpu.memory_space<vmem>>) semaphore(%arg22 : memref<!tpu.dma_semaphore, #tpu.memory_space<semaphore_mem>>) {add = true}
    %dma_wait3A_585 = arith.constant 0 : i32
    %dma_wait3A_586 = arith.constant 0 : i32
    %dma_wait3A_587 = tpu.memref_slice %arg17[%dma_wait3A_585, %dma_wait3A_586] : memref<10240x64xf32, #tpu.memory_space<vmem_shared>> -> memref<10240x64xf32, #tpu.memory_space<vmem_shared>>
    tpu.wait_indirect_dma semaphore(%arg24 : memref<!tpu.dma_semaphore, #tpu.memory_space<semaphore_mem>>) src(%arg14 : memref<80x64xf32, #tpu.memory_space<vmem>>) dst(%dma_wait3A_587 : memref<10240x64xf32, #tpu.memory_space<vmem_shared>>)
    %dma_wait3A_588 = arith.constant 0 : i32
    %dma_wait3A_589 = arith.constant 0 : i32
    %dma_wait3A_590 = tpu.memref_slice %arg2[%dma_wait3A_588, %dma_wait3A_589] : memref<10000x64xf32, #tpu.memory_space<hbm>> -> memref<10000x64xf32, #tpu.memory_space<hbm>>
    tpu.wait_indirect_dma semaphore(%arg20 : memref<!tpu.dma_semaphore, #tpu.memory_space<semaphore_mem>>) src(%dma_wait3A_590 : memref<10000x64xf32, #tpu.memory_space<hbm>>) dst(%arg13 : memref<80x64xf32, #tpu.memory_space<vmem>>)
    %dma_start3A_591 = arith.constant 0 : i32
    %dma_start3A_592 = arith.constant 0 : i32
    %dma_start3A_593 = tpu.memref_slice %arg17[%dma_start3A_591, %dma_start3A_592] : memref<10240x64xf32, #tpu.memory_space<vmem_shared>> -> memref<10240x64xf32, #tpu.memory_space<vmem_shared>>
    tpu.enqueue_indirect_dma source(%arg13 : memref<80x64xf32, #tpu.memory_space<vmem>>) target(%dma_start3A_593 : memref<10240x64xf32, #tpu.memory_space<vmem_shared>>) offsets(%arg10 : memref<80xi32, #tpu.memory_space<vmem>>) semaphore(%arg23 : memref<!tpu.dma_semaphore, #tpu.memory_space<semaphore_mem>>) {add = true}
    %dma_wait3A_594 = arith.constant 0 : i32
    %dma_wait3A_595 = arith.constant 0 : i32
    %dma_wait3A_596 = tpu.memref_slice %arg17[%dma_wait3A_594, %dma_wait3A_595] : memref<10240x64xf32, #tpu.memory_space<vmem_shared>> -> memref<10240x64xf32, #tpu.memory_space<vmem_shared>>
    tpu.wait_indirect_dma semaphore(%arg22 : memref<!tpu.dma_semaphore, #tpu.memory_space<semaphore_mem>>) src(%arg12 : memref<80x64xf32, #tpu.memory_space<vmem>>) dst(%dma_wait3A_596 : memref<10240x64xf32, #tpu.memory_space<vmem_shared>>)
    %dma_wait3A_597 = arith.constant 0 : i32
    %dma_wait3A_598 = arith.constant 0 : i32
    %dma_wait3A_599 = tpu.memref_slice %arg17[%dma_wait3A_597, %dma_wait3A_598] : memref<10240x64xf32, #tpu.memory_space<vmem_shared>> -> memref<10240x64xf32, #tpu.memory_space<vmem_shared>>
    tpu.wait_indirect_dma semaphore(%arg23 : memref<!tpu.dma_semaphore, #tpu.memory_space<semaphore_mem>>) src(%arg13 : memref<80x64xf32, #tpu.memory_space<vmem>>) dst(%dma_wait3A_599 : memref<10240x64xf32, #tpu.memory_space<vmem_shared>>)
    %barrier3A_600 = arith.constant 0 : index
    tpu.barrier barrier_id(%barrier3A_600)
    "tpu.region"() ({
      %run_scoped3A = tpu.sem_alloc : memref<!tpu.dma_semaphore, #tpu.memory_space<semaphore_mem>>
      %dma_start3A_601 = arith.constant 0 : i32
      %dma_start3A_602 = tpu.memref_slice %arg4[%arg0, %mul3A_240, %dma_start3A_601] : memref<2x10240x64xf32, #tpu.memory_space<hbm>> -> memref<1x640x64xf32, #tpu.memory_space<hbm>>
      %dma_start3A_603 = tpu.memref_squeeze %dma_start3A_602 : memref<1x640x64xf32, #tpu.memory_space<hbm>> -> memref<640x64xf32, #tpu.memory_space<hbm>>
      %dma_start3A_604 = arith.constant 0 : i32
      %dma_start3A_605 = tpu.memref_slice %arg17[%mul3A_240, %dma_start3A_604] : memref<10240x64xf32, #tpu.memory_space<vmem_shared>> -> memref<640x64xf32, #tpu.memory_space<vmem_shared>>
      tpu.enqueue_dma source(%dma_start3A_605 : memref<640x64xf32, #tpu.memory_space<vmem_shared>>) target(%dma_start3A_603 : memref<640x64xf32, #tpu.memory_space<hbm>>) target_semaphore(%run_scoped3A : memref<!tpu.dma_semaphore, #tpu.memory_space<semaphore_mem>>)
      %dma_wait3A_606 = arith.constant 0 : i32
      %dma_wait3A_607 = tpu.memref_slice %arg4[%arg0, %mul3A_240, %dma_wait3A_606] : memref<2x10240x64xf32, #tpu.memory_space<hbm>> -> memref<1x640x64xf32, #tpu.memory_space<hbm>>
      %dma_wait3A_608 = tpu.memref_squeeze %dma_wait3A_607 : memref<1x640x64xf32, #tpu.memory_space<hbm>> -> memref<640x64xf32, #tpu.memory_space<hbm>>
      %dma_wait3A_609 = arith.constant 0 : i32
      %dma_wait3A_610 = tpu.memref_slice %arg17[%mul3A_240, %dma_wait3A_609] : memref<10240x64xf32, #tpu.memory_space<vmem_shared>> -> memref<640x64xf32, #tpu.memory_space<vmem_shared>>
      tpu.wait_dma2 semaphore(%run_scoped3A : memref<!tpu.dma_semaphore, #tpu.memory_space<semaphore_mem>>) src(%dma_wait3A_610 : memref<640x64xf32, #tpu.memory_space<vmem_shared>>) dst(%dma_wait3A_608 : memref<640x64xf32, #tpu.memory_space<hbm>>)
      tpu.yield
    }) : () -> ()
    return
  }
}

module attributes {stable_mosaic.version = 14 : i64} {
  func.func @_tc_layer0_body(%arg0: i32, %arg1: memref<2000x128xf32, #tpu.memory_space<vmem>>, %arg2: memref<2x2000x128xf32, #tpu.memory_space<vmem>>, %arg3: memref<2000x2xf32, #tpu.memory_space<vmem>>, %arg4: memref<128x128xf32, #tpu.memory_space<vmem>>, %arg5: memref<128x128xf32, #tpu.memory_space<vmem>>, %arg6: memref<1x128xf32, #tpu.memory_space<vmem>>, %arg7: memref<128x64xf32, #tpu.memory_space<vmem>>, %arg8: memref<128x64xf32, #tpu.memory_space<vmem>>, %arg9: memref<2000x64xf32, #tpu.memory_space<vmem>>, %arg10: memref<2000x64xf32, #tpu.memory_space<vmem>>, %arg11: memref<2000x1xf32, #tpu.memory_space<vmem>>) attributes {dimension_semantics = [#tpu.dimension_semantics<arbitrary>], iteration_bounds = array<i64: 5>, scalar_prefetch = 0 : i64, scratch_operands = 0 : i64, tpu.core_type = #tpu.core_type<tc>, window_params = [{transform_indices = @transform_0, window_bounds = array<i64: 2000, 128>}, {transform_indices = @transform_1, window_bounds = array<i64: 2, 2000, 128>}, {transform_indices = @transform_2, window_bounds = array<i64: 2000, 2>}, {pipeline_mode = #tpu.pipeline_mode<synchronous>, transform_indices = @transform_3, window_bounds = array<i64: 128, 128>}, {pipeline_mode = #tpu.pipeline_mode<synchronous>, transform_indices = @transform_4, window_bounds = array<i64: 128, 128>}, {pipeline_mode = #tpu.pipeline_mode<synchronous>, transform_indices = @transform_5, window_bounds = array<i64: 1, 128>}, {pipeline_mode = #tpu.pipeline_mode<synchronous>, transform_indices = @transform_6, window_bounds = array<i64: 128, 64>}, {pipeline_mode = #tpu.pipeline_mode<synchronous>, transform_indices = @transform_7, window_bounds = array<i64: 128, 64>}, {transform_indices = @transform_8, window_bounds = array<i64: 2000, 64>}, {transform_indices = @transform_9, window_bounds = array<i64: 2000, 64>}, {transform_indices = @transform_10, window_bounds = array<i64: 2000, 1>}]} {
    %get3A = arith.constant 0 : index
    %get3A_0 = arith.constant 0 : index
    %get3A_1 = vector.load %arg3[%get3A, %get3A_0] : memref<2000x2xf32, #tpu.memory_space<vmem>>, vector<2000x1xf32>
    %get3A_2 = arith.constant 0 : index
    %get3A_3 = arith.constant 1 : index
    %get3A_4 = vector.load %arg3[%get3A_2, %get3A_3] : memref<2000x2xf32, #tpu.memory_space<vmem>>, vector<2000x1xf32>
    %add3A = arith.addf %get3A_1, %get3A_4 : vector<2000x1xf32>
    %max3A = arith.constant 1.000000e+00 : f32
    %max3A_5 = vector.broadcast %max3A : f32 to vector<2000x1xf32>
    %max3A_6 = arith.maximumf %add3A, %max3A_5 : vector<2000x1xf32>
    %div3A = arith.constant 1.000000e+00 : f32
    %div3A_7 = vector.broadcast %div3A : f32 to vector<2000x1xf32>
    %div3A_8 = arith.divf %div3A_7, %max3A_6 : vector<2000x1xf32>
    %swap3A = arith.constant 0 : index
    %swap3A_9 = arith.constant 0 : index
    %swap3A_10 = vector.load %arg11[%swap3A, %swap3A_9] : memref<2000x1xf32, #tpu.memory_space<vmem>>, vector<2000x1xf32>
    tpu.vector_store %arg11[%swap3A, %swap3A_9], %div3A_8 {strides = array<i32>} : memref<2000x1xf32, #tpu.memory_space<vmem>>, vector<2000x1xf32>,
    %get3A_11 = arith.constant 0 : index
    %get3A_12 = arith.constant 0 : index
    %get3A_13 = arith.constant 0 : index
    %get3A_14 = vector.load %arg2[%get3A_11, %get3A_12, %get3A_13] : memref<2x2000x128xf32, #tpu.memory_space<vmem>>, vector<1x2000x128xf32>
    %get3A_15 = vector.shape_cast %get3A_14 : vector<1x2000x128xf32> to vector<2000x128xf32>
    %get3A_16 = arith.constant 1 : index
    %get3A_17 = arith.constant 0 : index
    %get3A_18 = arith.constant 0 : index
    %get3A_19 = vector.load %arg2[%get3A_16, %get3A_17, %get3A_18] : memref<2x2000x128xf32, #tpu.memory_space<vmem>>, vector<1x2000x128xf32>
    %get3A_20 = vector.shape_cast %get3A_19 : vector<1x2000x128xf32> to vector<2000x128xf32>
    %add3A_21 = arith.addf %get3A_15, %get3A_20 : vector<2000x128xf32>
    %mul3A = vector.broadcast %div3A_8 : vector<2000x1xf32> to vector<2000x128xf32>
    %mul3A_22 = arith.mulf %add3A_21, %mul3A : vector<2000x128xf32>
    %get3A_23 = arith.constant 0 : index
    %get3A_24 = arith.constant 0 : index
    %get3A_25 = vector.load %arg1[%get3A_23, %get3A_24] : memref<2000x128xf32, #tpu.memory_space<vmem>>, vector<2000x128xf32>
    %get3A_26 = arith.constant 0 : index
    %get3A_27 = arith.constant 0 : index
    %get3A_28 = vector.load %arg4[%get3A_26, %get3A_27] : memref<128x128xf32, #tpu.memory_space<vmem>>, vector<128x128xf32>
    %dot_general3A = arith.constant dense<0.000000e+00> : vector<2000x128xf32>
    %dot_general3A_29 = tpu.matmul %get3A_25, %get3A_28, %dot_general3A {dimension_numbers = #tpu.dot_dimension_numbers<[1], [0], [0], [1], [0, 0, 1, 1], [], []>, transpose_lhs_hint = false} : vector<2000x128xf32>, vector<128x128xf32>, vector<2000x128xf32> -> vector<2000x128xf32>
    %get3A_30 = arith.constant 0 : index
    %get3A_31 = arith.constant 0 : index
    %get3A_32 = vector.load %arg5[%get3A_30, %get3A_31] : memref<128x128xf32, #tpu.memory_space<vmem>>, vector<128x128xf32>
    %dot_general3A_33 = arith.constant dense<0.000000e+00> : vector<2000x128xf32>
    %dot_general3A_34 = tpu.matmul %mul3A_22, %get3A_32, %dot_general3A_33 {dimension_numbers = #tpu.dot_dimension_numbers<[1], [0], [0], [1], [0, 0, 1, 1], [], []>, transpose_lhs_hint = false} : vector<2000x128xf32>, vector<128x128xf32>, vector<2000x128xf32> -> vector<2000x128xf32>
    %add3A_35 = arith.addf %dot_general3A_29, %dot_general3A_34 : vector<2000x128xf32>
    %get3A_36 = arith.constant 0 : index
    %get3A_37 = arith.constant 0 : index
    %get3A_38 = vector.load %arg6[%get3A_36, %get3A_37] : memref<1x128xf32, #tpu.memory_space<vmem>>, vector<1x128xf32>
    %add3A_39 = vector.broadcast %get3A_38 : vector<1x128xf32> to vector<2000x128xf32>
    %add3A_40 = arith.addf %add3A_35, %add3A_39 : vector<2000x128xf32>
    %max3A_41 = arith.constant 0.000000e+00 : f32
    %max3A_42 = vector.broadcast %max3A_41 : f32 to vector<2000x128xf32>
    %max3A_43 = arith.maximumf %add3A_40, %max3A_42 : vector<2000x128xf32>
    %get3A_44 = arith.constant 0 : index
    %get3A_45 = arith.constant 0 : index
    %get3A_46 = vector.load %arg7[%get3A_44, %get3A_45] : memref<128x64xf32, #tpu.memory_space<vmem>>, vector<128x64xf32>
    %dot_general3A_47 = arith.constant dense<0.000000e+00> : vector<2000x64xf32>
    %dot_general3A_48 = tpu.matmul %max3A_43, %get3A_46, %dot_general3A_47 {dimension_numbers = #tpu.dot_dimension_numbers<[1], [0], [0], [1], [0, 0, 1, 1], [], []>, transpose_lhs_hint = false} : vector<2000x128xf32>, vector<128x64xf32>, vector<2000x64xf32> -> vector<2000x64xf32>
    %swap3A_49 = arith.constant 0 : index
    %swap3A_50 = arith.constant 0 : index
    %swap3A_51 = vector.load %arg9[%swap3A_49, %swap3A_50] : memref<2000x64xf32, #tpu.memory_space<vmem>>, vector<2000x64xf32>
    tpu.vector_store %arg9[%swap3A_49, %swap3A_50], %dot_general3A_48 {strides = array<i32>} : memref<2000x64xf32, #tpu.memory_space<vmem>>, vector<2000x64xf32>,
    %get3A_52 = arith.constant 0 : index
    %get3A_53 = arith.constant 0 : index
    %get3A_54 = vector.load %arg8[%get3A_52, %get3A_53] : memref<128x64xf32, #tpu.memory_space<vmem>>, vector<128x64xf32>
    %dot_general3A_55 = arith.constant dense<0.000000e+00> : vector<2000x64xf32>
    %dot_general3A_56 = tpu.matmul %max3A_43, %get3A_54, %dot_general3A_55 {dimension_numbers = #tpu.dot_dimension_numbers<[1], [0], [0], [1], [0, 0, 1, 1], [], []>, transpose_lhs_hint = false} : vector<2000x128xf32>, vector<128x64xf32>, vector<2000x64xf32> -> vector<2000x64xf32>
    %swap3A_57 = arith.constant 0 : index
    %swap3A_58 = arith.constant 0 : index
    %swap3A_59 = vector.load %arg10[%swap3A_57, %swap3A_58] : memref<2000x64xf32, #tpu.memory_space<vmem>>, vector<2000x64xf32>
    tpu.vector_store %arg10[%swap3A_57, %swap3A_58], %dot_general3A_56 {strides = array<i32>} : memref<2000x64xf32, #tpu.memory_space<vmem>>, vector<2000x64xf32>,
    return
  }
  func.func @transform_0(%arg0: i32) -> (i32, i32) {
    %c0_i32 = arith.constant 0 : i32
    %c0_i32_0 = arith.constant 0 : i32
    return %arg0, %c0_i32 : i32, i32
  }
  func.func @transform_1(%arg0: i32) -> (i32, i32, i32) {
    %c0_i32 = arith.constant 0 : i32
    %c0_i32_0 = arith.constant 0 : i32
    %c0_i32_1 = arith.constant 0 : i32
    return %c0_i32, %arg0, %c0_i32_0 : i32, i32, i32
  }
  func.func @transform_2(%arg0: i32) -> (i32, i32) {
    %c0_i32 = arith.constant 0 : i32
    %c0_i32_0 = arith.constant 0 : i32
    return %arg0, %c0_i32 : i32, i32
  }
  func.func @transform_3(%arg0: i32) -> (i32, i32) {
    %c0_i32 = arith.constant 0 : i32
    %c0_i32_0 = arith.constant 0 : i32
    %c0_i32_1 = arith.constant 0 : i32
    return %c0_i32, %c0_i32_0 : i32, i32
  }
  func.func @transform_4(%arg0: i32) -> (i32, i32) {
    %c0_i32 = arith.constant 0 : i32
    %c0_i32_0 = arith.constant 0 : i32
    %c0_i32_1 = arith.constant 0 : i32
    return %c0_i32, %c0_i32_0 : i32, i32
  }
  func.func @transform_5(%arg0: i32) -> (i32, i32) {
    %c0_i32 = arith.constant 0 : i32
    %c0_i32_0 = arith.constant 0 : i32
    %c0_i32_1 = arith.constant 0 : i32
    return %c0_i32, %c0_i32_0 : i32, i32
  }
  func.func @transform_6(%arg0: i32) -> (i32, i32) {
    %c0_i32 = arith.constant 0 : i32
    %c0_i32_0 = arith.constant 0 : i32
    %c0_i32_1 = arith.constant 0 : i32
    return %c0_i32, %c0_i32_0 : i32, i32
  }
  func.func @transform_7(%arg0: i32) -> (i32, i32) {
    %c0_i32 = arith.constant 0 : i32
    %c0_i32_0 = arith.constant 0 : i32
    %c0_i32_1 = arith.constant 0 : i32
    return %c0_i32, %c0_i32_0 : i32, i32
  }
  func.func @transform_8(%arg0: i32) -> (i32, i32) {
    %c0_i32 = arith.constant 0 : i32
    %c0_i32_0 = arith.constant 0 : i32
    return %arg0, %c0_i32 : i32, i32
  }
  func.func @transform_9(%arg0: i32) -> (i32, i32) {
    %c0_i32 = arith.constant 0 : i32
    %c0_i32_0 = arith.constant 0 : i32
    return %arg0, %c0_i32 : i32, i32
  }
  func.func @transform_10(%arg0: i32) -> (i32, i32) {
    %c0_i32 = arith.constant 0 : i32
    %c0_i32_0 = arith.constant 0 : i32
    return %arg0, %c0_i32 : i32, i32
  }
}

module attributes {stable_mosaic.version = 14 : i64} {
  func.func @_tc_final_body(%arg0: i32, %arg1: memref<2000x64xf32, #tpu.memory_space<vmem>>, %arg2: memref<2x2000x64xf32, #tpu.memory_space<vmem>>, %arg3: memref<2000x1xf32, #tpu.memory_space<vmem>>, %arg4: memref<1x64xf32, #tpu.memory_space<vmem>>, %arg5: memref<2000x64xf32, #tpu.memory_space<vmem>>) attributes {dimension_semantics = [#tpu.dimension_semantics<arbitrary>], iteration_bounds = array<i64: 5>, scalar_prefetch = 0 : i64, scratch_operands = 0 : i64, tpu.core_type = #tpu.core_type<tc>, window_params = [{transform_indices = @transform_0, window_bounds = array<i64: 2000, 64>}, {transform_indices = @transform_1, window_bounds = array<i64: 2, 2000, 64>}, {transform_indices = @transform_2, window_bounds = array<i64: 2000, 1>}, {pipeline_mode = #tpu.pipeline_mode<synchronous>, transform_indices = @transform_3, window_bounds = array<i64: 1, 64>}, {transform_indices = @transform_4, window_bounds = array<i64: 2000, 64>}]} {
    %get3A = arith.constant 0 : index
    %get3A_0 = arith.constant 0 : index
    %get3A_1 = vector.load %arg1[%get3A, %get3A_0] : memref<2000x64xf32, #tpu.memory_space<vmem>>, vector<2000x64xf32>
    %get3A_2 = arith.constant 0 : index
    %get3A_3 = arith.constant 0 : index
    %get3A_4 = arith.constant 0 : index
    %get3A_5 = vector.load %arg2[%get3A_2, %get3A_3, %get3A_4] : memref<2x2000x64xf32, #tpu.memory_space<vmem>>, vector<1x2000x64xf32>
    %get3A_6 = vector.shape_cast %get3A_5 : vector<1x2000x64xf32> to vector<2000x64xf32>
    %get3A_7 = arith.constant 1 : index
    %get3A_8 = arith.constant 0 : index
    %get3A_9 = arith.constant 0 : index
    %get3A_10 = vector.load %arg2[%get3A_7, %get3A_8, %get3A_9] : memref<2x2000x64xf32, #tpu.memory_space<vmem>>, vector<1x2000x64xf32>
    %get3A_11 = vector.shape_cast %get3A_10 : vector<1x2000x64xf32> to vector<2000x64xf32>
    %add3A = arith.addf %get3A_6, %get3A_11 : vector<2000x64xf32>
    %get3A_12 = arith.constant 0 : index
    %get3A_13 = arith.constant 0 : index
    %get3A_14 = vector.load %arg3[%get3A_12, %get3A_13] : memref<2000x1xf32, #tpu.memory_space<vmem>>, vector<2000x1xf32>
    %mul3A = vector.broadcast %get3A_14 : vector<2000x1xf32> to vector<2000x64xf32>
    %mul3A_15 = arith.mulf %add3A, %mul3A : vector<2000x64xf32>
    %add3A_16 = arith.addf %get3A_1, %mul3A_15 : vector<2000x64xf32>
    %get3A_17 = arith.constant 0 : index
    %get3A_18 = arith.constant 0 : index
    %get3A_19 = vector.load %arg4[%get3A_17, %get3A_18] : memref<1x64xf32, #tpu.memory_space<vmem>>, vector<1x64xf32>
    %add3A_20 = vector.broadcast %get3A_19 : vector<1x64xf32> to vector<2000x64xf32>
    %add3A_21 = arith.addf %add3A_16, %add3A_20 : vector<2000x64xf32>
    %swap3A = arith.constant 0 : index
    %swap3A_22 = arith.constant 0 : index
    %swap3A_23 = vector.load %arg5[%swap3A, %swap3A_22] : memref<2000x64xf32, #tpu.memory_space<vmem>>, vector<2000x64xf32>
    tpu.vector_store %arg5[%swap3A, %swap3A_22], %add3A_21 {strides = array<i32>} : memref<2000x64xf32, #tpu.memory_space<vmem>>, vector<2000x64xf32>,
    return
  }
  func.func @transform_0(%arg0: i32) -> (i32, i32) {
    %c0_i32 = arith.constant 0 : i32
    %c0_i32_0 = arith.constant 0 : i32
    return %arg0, %c0_i32 : i32, i32
  }
  func.func @transform_1(%arg0: i32) -> (i32, i32, i32) {
    %c0_i32 = arith.constant 0 : i32
    %c0_i32_0 = arith.constant 0 : i32
    %c0_i32_1 = arith.constant 0 : i32
    return %c0_i32, %arg0, %c0_i32_0 : i32, i32, i32
  }
  func.func @transform_2(%arg0: i32) -> (i32, i32) {
    %c0_i32 = arith.constant 0 : i32
    %c0_i32_0 = arith.constant 0 : i32
    return %arg0, %c0_i32 : i32, i32
  }
  func.func @transform_3(%arg0: i32) -> (i32, i32) {
    %c0_i32 = arith.constant 0 : i32
    %c0_i32_0 = arith.constant 0 : i32
    %c0_i32_1 = arith.constant 0 : i32
    return %c0_i32, %c0_i32_0 : i32, i32
  }
  func.func @transform_4(%arg0: i32) -> (i32, i32) {
    %c0_i32 = arith.constant 0 : i32
    %c0_i32_0 = arith.constant 0 : i32
    return %arg0, %c0_i32 : i32, i32
  }
}

</mosaic_0001>

<sc_bundles>
// kernel: kernel.6.cloned.1.call-start
scs
__scs_entry_jumppad:
0x0: {  	(pc) =	sbr.rel $0x88, $3  }
0x1: {  	(tag) =	ssettag $0x0;
	lr =	simm.s32 $0x1  }
0x2: {  	[smem:$0x3F99] =	sst lr;
	_ =	strace $0xD0000000  }
0x3: {  	_ = 	snop  }
0x4: {  	_ = 	snop  }
0x5: {  	_ = 	snop  }
0x6: {  	_ = 	snop  }
0x7: {  	_ = 	snop  }
__scs_overlays_trampoline_lowered:
0x8: {  	[smem:$0x3FA8] =	sst s0  }
0x9: {  	[smem:$0x3FA9] =	sst s1  }
0xa: {  	[smem:$0x3FAA] =	sst s2  }
0xb: {  	[smem:$0x3FAB] =	sst s3  }
0xc: {  	[smem:$0x3FAC] =	sst s4  }
0xd: {  	[smem:$0x3FAD] =	sst s5  }
0xe: {  	[smem:$0x3FAE] =	sst s6  }
0xf: {  	[smem:$0x3FAF] =	sst s7  }
0x10: {  	[smem:$0x3FB0] =	sst s8  }
0x11: {  	[smem:$0x3FB1] =	sst s9;
	s0 =	simm.s32 @!p0 $0x0  }
0x12: {  	s1 =	sld [smem:$0x3F97];
	s0 =	simm.s32 @p0 $0x1  }
0x13: {  	[smem:$0x3FB2] =	sst s0;
	s0 =	simm.s32 @!p1 $0x0  }
0x14: {  	s2 =	sld [smem:$0x3F96];
	s0 =	simm.s32 @p1 $0x1  }
0x15: {  	[smem:$0x3FB3] =	sst s0;
	s0 =	simm.s32 @!p2 $0x0  }
0x16: {  	s3 =	sld [smem:$0x3FDB];
	s0 =	simm.s32 @p2 $0x1  }
0x17: {  	s4 =	simm.s32 $0x1BF5;
	[smem:$0x3FB5] =	sst s0  }
0x18: {  	s0 =	sld [smem:$0x3F98];
	_ =	swait.ge [sflag:s4], $0x0  }
0x19: {  	s7 =	sld [smem:$0x3F99]  }
0x1a: {  	s8 =	sadd.s32 $0xFFFFE003, lr  }
0x1b: {  	s9 =	sadd.s32 $0xFFFFFEF7, lr;
	s5 =	simm.s32 $0xFFFFFFFF;
	p2 =	slt.u32 s8, $0xFFFFF086  }
0x1c: {  	p1 =	slt.u32 s9, $0xF7A;
	s5 =	simm.s32 @!p2 $0x0  }
0x1d: {  	s5 =	simm.s32 @p1 $0x1;
	p0 =	seq.s32 s7, s2  }
0x1e: {  	s7 =	smul.u32 @!p0 $0xF7A, s2;
	p2 =	seq.s32 @!p0 s5, $0x0  }
0x1f: {  	s9 =	smul.u32 $0xF7A, s1;
	s8 =	simm.s32 @!p0 $0x1BF5;
	p2 =	por !p2, p0  }
0x20: {  	[sflag:s8] =	ssyncset.s32 @!p0 $0xFFFFF086;
	s6 =	sadd.s32 @!p0 s3, s7;
	s7 =	simm.s32 @!p0 $0x108  }
0x21: {  	s3 =	sadd.s32 s3, s9;
	s6 =	sadd.s32 @!p0 $0x88, s6;
	s7 =	simm.s32 @p2 $0x1082  }
0x22: {  	[simem:s7], [sflag:s8] =	dma.local @!p0 [hbm:s6], $0xF7A  }
0x23: {  	s9 =	sor.u32 $0xD0000000, s2;
	s6 =	simm.s32 $0x108;
	_ =	swait.ge @!p0 [sflag:s8], $0x0  }
0x24: {  	s3 =	sadd.s32 $0x88, s3;
	s6 =	simm.s32 @!p1 $0x1082;
	[sflag:s4] =	ssyncset.s32 $0xFFFFF086  }
0x25: {  	[simem:s6], [sflag:s4] =	dma.local [hbm:s3], $0xF7A  }
0x26: {  	[smem:$0x3F99] =	sst s1;
	(tag) =	ssettag s2;
	_ =	strace s9  }
0x27: {  	s1 =	sld [smem:$0x3FA9]  }
0x28: {  	s2 =	sld [smem:$0x3FAA]  }
0x29: {  	s4 =	sld [smem:$0x3FAC]  }
0x2a: {  	p0 =	seq.s32 s5, $0x0;
	s5 =	sld [smem:$0x3FAD]  }
0x2b: {  	s6 =	sld [smem:$0x3FAE]  }
0x2c: {  	s7 =	sld [smem:$0x3FAF]  }
0x2d: {  	s3 =	simm.s32 $0x108;
	s8 =	sld [smem:$0x3FB0]  }
0x2e: {  	s3 =	simm.s32 @!p0 $0x1082;
	s9 =	sld [smem:$0x3FB1]  }
0x2f: {  	lr =	sadd.s32 s0, s3;
	s0 =	sld [smem:$0x3FA8]  }
0x30: {  	s3 =	sld [smem:$0x3FAB]  }
0x31: {  	[smem:$0x3FB4] =	sst s10  }
0x32: {  	s10 =	sld [smem:$0x3FB2];
	_ =	sdelay $0x3  }
0x33: {  	p0 =	seq.s32 s10, $0x1;
	s10 =	sld [smem:$0x3FB4];
	_ =	sdelay $0x3  }
0x34: {  	[smem:$0x3FB4] =	sst s10  }
0x35: {  	s10 =	sld [smem:$0x3FB3];
	_ =	sdelay $0x3  }
0x36: {  	p1 =	seq.s32 s10, $0x1;
	s10 =	sld [smem:$0x3FB4];
	_ =	sdelay $0x3  }
0x37: {  	[smem:$0x3FB4] =	sst s10  }
0x38: {  	s10 =	sld [smem:$0x3FB5]  }
0x39: {  	_ = 	snop;
	(pc) =	sbr.ind lr, $3  }
0x3a: {  	_ = 	snop  }
0x3b: {  	_ = 	snop  }
0x3c: {  	p2 =	seq.s32 s10, $0x1;
	s10 =	sld [smem:$0x3FB4]  }
0x3d: {  	_ =	shalt  }
0x3e: {  	_ =	shalt  }
0x3f: {  	_ =	shalt  }
0x40: {  	_ =	shalt  }
0x41: {  	_ =	shalt  }
0x42: {  	_ =	shalt  }
0x43: {  	_ =	shalt  }
0x44: {  	_ =	shalt  }
0x45: {  	_ =	shalt  }
0x46: {  	_ =	shalt  }
0x47: {  	_ =	shalt  }
0x48: {  	_ =	shalt  }
0x49: {  	_ =	shalt  }
0x4a: {  	_ =	shalt  }
0x4b: {  	_ =	shalt  }
0x4c: {  	_ =	shalt  }
0x4d: {  	_ =	shalt  }
0x4e: {  	_ =	shalt  }
0x4f: {  	_ =	shalt  }
0x50: {  	_ =	shalt  }
0x51: {  	_ =	shalt  }
0x52: {  	_ =	shalt  }
0x53: {  	_ =	shalt  }
0x54: {  	_ =	shalt  }
0x55: {  	_ =	shalt  }
0x56: {  	_ =	shalt  }
0x57: {  	_ =	shalt  }
0x58: {  	_ =	shalt  }
0x59: {  	_ =	shalt  }
0x5a: {  	_ =	shalt  }
0x5b: {  	_ =	shalt  }
0x5c: {  	_ =	shalt  }
0x5d: {  	_ =	shalt  }
0x5e: {  	_ =	shalt  }
0x5f: {  	_ =	shalt  }
0x60: {  	_ =	shalt  }
0x61: {  	_ =	shalt  }
0x62: {  	_ =	shalt  }
0x63: {  	_ =	shalt  }
0x64: {  	_ =	shalt  }
0x65: {  	_ =	shalt  }
0x66: {  	_ =	shalt  }
0x67: {  	_ =	shalt  }
0x68: {  	_ =	shalt  }
0x69: {  	_ =	shalt  }
0x6a: {  	_ =	shalt  }
0x6b: {  	_ =	shalt  }
0x6c: {  	_ =	shalt  }
0x6d: {  	_ =	shalt  }
0x6e: {  	_ =	shalt  }
0x6f: {  	_ =	shalt  }
0x70: {  	_ =	shalt  }
0x71: {  	_ =	shalt  }
0x72: {  	_ =	shalt  }
0x73: {  	_ =	shalt  }
0x74: {  	_ =	shalt  }
0x75: {  	_ =	shalt  }
0x76: {  	_ =	shalt  }
0x77: {  	_ =	shalt  }
0x78: {  	_ =	shalt  }
0x79: {  	_ =	shalt  }
0x7a: {  	_ =	shalt  }
0x7b: {  	_ =	shalt  }
0x7c: {  	_ =	shalt  }
0x7d: {  	_ =	shalt  }
0x7e: {  	_ =	shalt  }
0x7f: {  	_ =	shalt  }
0x80: {  	_ =	shalt  }
0x81: {  	_ =	shalt  }
0x82: {  	_ =	shalt  }
0x83: {  	_ =	shalt  }
0x84: {  	_ =	shalt  }
0x85: {  	_ =	shalt  }
0x86: {  	_ =	shalt  }
0x87: {  	_ =	shalt  }
.Lfunc_end0:
.L_simem_size_0:
called_computation_lowered:
.L_overlay_start_0:
0x88: {  	s2 =	sld [smem:$0x3FD9]  }
0x89: {  	s3 =	sld [smem:$0x3FFE];
	_ =	sdelay $0x1  }
0x8a: {  	s1 =	srdreg.scid  }
0x8b: {  	s0 =	sand.u32 $0x1, s1  }
0x8c: {  	s17 =	sshll.u32 s0, $0xA;
	s2 =	sadd.s32 s3, s2  }
0x8d: {  	s2 =	sadd.s32 s2, s17  }
0x8e: {  	[smem:$0x3FC0] =	sst s2  }
0x8f: {  	_ = 	snop  }
0x90: {  	s2 =	sld [smem:$0x3FC9]  }
0x91: {  	s18 =	sld [smem:$0x3FD0];
	(tm) =	ssettm $0x1  }
0x92: {  	s4 =	sld [smem:$0x3FFB];
	_ =	sdelay $0x3  }
0x93: {  	_ =	strace s4  }
0x94: {  	s4 =	sld [smem:$0x3FFC];
	_ =	sdelay $0x3  }
0x95: {  	_ =	strace s4  }
0x96: {  	s4 =	sld [smem:$0x3FFD];
	_ =	sdelay $0x3  }
0x97: {  	_ =	strace s4  }
0x98: {  	_ =	strace $0x8FFFFFFF  }
0x99: {  	s19 =	sld [smem:$0x3FDB];
	_ =	sdelay $0x1  }
0x9a: {  	s5 =	simm.s32 $_scs_section_size  }
0x9b: {  	s6 =	simm.s32 $_size__tile_overlayer_lowered;
	s7 =	simm.s32 $_tile_overlayer_lowered  }
0x9c: {  	s22 =	simm.s32 $0x1BFF;
	s21 =	sshll.u32 s7, $0x1;
	s4 =	sadd.s32 s5, s19  }
0x9d: {  	s8 =	simm.s32 $0x0;
	s20 =	sshll.u32 s6, $0x1;
	s6 =	sadd.s32 s21, s4  }
0x9e: {  	[timem:s8], [sflag:s22] =	dma.local [hbm:s6], s20  }
0x9f: {  	_ =	swait.ge [sflag:s22], s20  }
0xa0: {  	s5 =	ssub.s32 $0x0, s20;
	[sflag:s22] =	ssyncset.done $0x0  }
0xa1: {  	[sflag:s22] =	ssyncadd.s32 s5;
	_ =	sdelay $0x1  }
0xa2: {  	s23 =	simm.s32 $0x1B8B  }
0xa3: {  	_ =	swait.ge [sflag:s23], $0x1  }
0xa4: {  	[sflag:s23] =	ssyncset.done $0x0  }
0xa5: {  	s25 =	simm.s32 $0x1B8E;
	s24 =	sld [smem:$0x3FFE];
	[sflag:s23] =	ssyncadd.s32 $0xFFFFFFFF  }
0xa6: {  	s26 =	simm.s32 $execute0_lowered;
	[smem:$0x3FD2] =	sst s25  }
0xa7: {  	s6 =	sshll.u32 s26, $0x1;
	_ =	strace $0x80000046;
	[dreg:$0x1] =	wrdreg $0xFFFFFFFF  }
0xa8: {  	s28 =	simm.s32 $_size_execute0_lowered;
	s4 =	sadd.s32 s4, s6;
	[dreg:$0x0] =	wrdreg $0x0  }
0xa9: {  	s6 =	sshll.u32 s28, $0x1;
	[dreg:$0x2] =	wrdreg s4  }
0xaa: {  	[dreg:$0x3] =	wrdreg s6  }
0xab: {  	[dreg:$0x4] =	wrdreg $0xC0  }
0xac: {  	_ =	task [dreg:s8], $0x5FFFF  }
0xad: {  	[dreg:$0x1] =	wrdreg $0xFFFFFFFF  }
0xae: {  	[dreg:$0x0] =	wrdreg $0x60  }
0xaf: {  	[dreg:$0x2] =	wrdreg s2  }
0xb0: {  	[dreg:$0x3] =	wrdreg s18  }
0xb1: {  	[dreg:$0x4] =	wrdreg s24  }
0xb2: {  	[dreg:$0x5] =	wrdreg $0xBC000  }
0xb3: {  	[dreg:$0x6] =	wrdreg $0x1FC000  }
0xb4: {  	[dreg:$0x7] =	wrdreg $0x9  }
0xb5: {  	_ =	task.clear_ibuf [dreg:s8], $0x8FFFF;
	_ =	strace $0x90000046  }
0xb6: {  	s29 =	simm.s32 $0x9;
	_ =	strace $0x80000048  }
0xb7: {  	_ =	swait.ge [sflag:s29], $0x1  }
0xb8: {  	[sflag:s29] =	ssyncadd.s32 $0xFFFFFFFF  }
0xb9: {  	_ =	strace $0x90000048  }
0xba: {  	_ =	sfence  }
0xbb: {  	s30 =	sld [smem:$0x0];
	_ =	sdelay $0x2  }
0xbc: {  	s31 =	sshll.u32 s1, $0xD;
	s1 =	sshrl.u32 s1, $0x2  }
0xbd: {  	s3 =	sand.u32 $0x4000, s31;
	s1 =	sadd.s32 s1, s30  }
0xbe: {  	s0 =	sor.u32 s3, s0;
	s1 =	sshll.u32 s1, $0x11  }
0xbf: {  	s0 =	sor.u32 s1, s0  }
0xc0: {  	s0 =	sadd.s32 $0x8F2B, s0  }
0xc1: {  	[sflag:s0] =	ssyncadd.remote.s32 $0x1  }
0xc2: {  	_ =	sfence.sel $0xFFFF  }
0xc3: {  	[dreg:$0x0] =	wrdreg $0xFFFFFFFF;
	(pc) =	sbr.abs _section_cstart, $3  }
0xc4: {  	[dreg:$0x1] =	wrdreg $0xFFFFFFFF  }
0xc5: {  	_ =	task.clear_ibuf [dreg:s8], $0x2FFFF;
	_ =	strace $0x9FFFFFFF  }
0xc6: {  	(tm) =	ssettm $0x7FFFFFFF  }
0xc7: {  	_ =	shalt  }
tec
execute0_lowered:
.L_overlay_start_1:
0x0: {  	(tag) =	ssettag $0x1  }
0x1: {  	s0 =	rddreg [dreg:$0x0]  }
0x2: {  	s1 =	rddreg [dreg:$0x1]  }
0x3: {  	s2 =	rddreg [dreg:$0x2]  }
0x4: {  	s4 =	srdreg.scid;
	s10 =	stileid.u32  }
0x5: {  	s3 =	rddreg [dreg:$0x3];
	s9 =	simm.s32 $0x0;
	s7 =	smul.u32 $0x14000, s10  }
0x6: {  	s28 =	simm.s32 $0x50;
	s29 =	simm.s32 $0x4000;
	s8 =	smul.u32 $0x500, s10  }
0x7: {  	s30 =	simm.s32 $0x4300;
	[smem:$0x7FF] =	sst s9;
	s9 =	smul.u32 $0x280, s10  }
0x8: {  	s31 =	simm.s32 $0x4080;
	s5 =	sand.u32 $0x1, s4;
	s18 =	smul.u32 $0x50000, s10  }
0x9: {  	s4 =	rddreg [dreg:$0x4];
	s10 =	sshll.u32 s10, $0xC;
	s6 =	smul.u32 $0x140000, s5  }
0xa: {  	s15 =	sshll.u32 s5, $0x7;
	s16 =	ssub.s32 $0x2, s5;
	s5 =	sshll.u32 s5, $0xB  }
0xb: {  	_ =	strace $0x80000047;
	s17 =	sshrl.u32 s16, $0x1;
	s1 =	sadd.s32 s1, s5  }
0xc: {  	s5 =	sor.u32 $0x50, s9;
	s19 =	sshrl.u32 s18, $0x2;
	s22 =	sadd.s32 $0xA0, s9  }
0xd: {  	s11 =	sadd.s32 $0xF0, s9;
	s12 =	sadd.s32 $0x140, s9;
	s26 =	sadd.s32 $0x190, s9  }
0xe: {  	s14 =	sadd.s32 $0x1E0, s9;
	s6 =	sadd.s32 s7, s6;
	s7 =	sor.u32 s15, s8  }
0xf: {  	s8 =	ssub.s32 s16, s17;
	s1 =	sadd.s32 s10, s1;
	s20 =	sshll.u32 s5, $0x7  }
0x10: {  	s23 =	sshll.u32 s22, $0x7;
	s24 =	sshll.u32 s11, $0x7;
	s13 =	sshll.u32 s12, $0x7  }
0x11: {  	s15 =	sshll.u32 s26, $0x7;
	s16 =	sadd.s32 $0x230, s9;
	s17 =	sshll.u32 s14, $0x7  }
0x12: {  	s5 =	sadd.s32 s5, s4;
	s6 =	sshrl.u32 s6, $0x3;
	s7 =	sshrl.u32 s7, $0x3  }
0x13: {  	[dreg:$0x6] =	wrdreg s1;
	s21 =	sadd.s32 s20, s3;
	s10 =	sadd.s32 s23, s3  }
0x14: {  	s25 =	sadd.s32 s13, s3;
	s13 =	sadd.s32 s15, s3;
	[dreg:$0xe] =	wrdreg s5  }
0x15: {  	s15 =	sshll.u32 s16, $0x7;
	s1 =	sadd.s32 s22, s4;
	[dreg:$0x7] =	wrdreg s21  }
0x16: {  	s20 =	sadd.s32 s12, s4;
	s22 =	sadd.s32 s14, s4;
	[dreg:$0x8] =	wrdreg s10  }
0x17: {  	s23 =	sadd.s32 s16, s4;
	s5 =	simm.s32 $0x9300;
	[dreg:$0xa] =	wrdreg s25  }
0x18: {  	s12 =	simm.s32 $0x4200;
	s14 =	simm.s32 $0x7;
	[dreg:$0xb] =	wrdreg s13  }
0x19: {  	s16 =	simm.s32 $0x3;
	s6 =	sadd.s32 s6, s2;
	[dreg:$0xf] =	wrdreg s1  }
0x1a: {  	s2 =	sadd.s32 s7, s2;
	s7 =	sadd.s32 s19, s3;
	[dreg:$0x11] =	wrdreg s20  }
0x1b: {  	s10 =	sadd.s32 s24, s3;
	s13 =	sadd.s32 s17, s3;
	[dreg:$0x13] =	wrdreg s22  }
0x1c: {  	s18 =	sadd.s32 s15, s3;
	s15 =	sadd.s32 s9, s4;
	[dreg:$0x14] =	wrdreg s23  }
0x1d: {  	s19 =	sadd.s32 s11, s4;
	s21 =	sadd.s32 s26, s4;
	[dreg:$0x9] =	wrdreg s10  }
0x1e: {  	s26 =	smax.u32 s8, $0x1;
	s1 =	simm.s32 $0xBB80;
	[dreg:$0xc] =	wrdreg s13  }
0x1f: {  	s8 =	simm.s32 $0x4180;
	s9 =	simm.s32 $0xBB00;
	[dreg:$0xd] =	wrdreg s18  }
0x20: {  	s11 =	simm.s32 $0x2;
	s17 =	simm.s32 $0x4280;
	[dreg:$0x10] =	wrdreg s19  }
0x21: {  	s20 =	simm.s32 $0x0;
	[dreg:$0x12] =	wrdreg s21;
	s24 =	sadd.s32 $0xC800, s6  }
0x22: {  	s25 =	sadd.s32 $0xBE00, s2;
	[dreg:$0x17] =	wrdreg s26;
	s26 =	simm.s32 $0x8  }
0x23: {  	s2 =	simm.s32 $0x6B00;
	s6 =	simm.s32 $0x1;
	s10 =	simm.s32 $0x4100  }
0x24: {  	s13 =	simm.s32 $0x4;
	s18 =	simm.s32 $0x5;
	[dreg:$0x15] =	wrdreg s24  }
0x25: {  	v0 =	vimm.f32 $1.000000000e+00;
	v1 =	vimm.f32 $0.0e+00;
	s19 =	simm.s32 $0x6;
	[dreg:$0x16] =	wrdreg s25;
	s24 =	simm.s32 $0x10  }
.LBB2_1:
0x26: {  	s21 =	simm.s32 $0x0;
	s22 =	rddreg [dreg:$0x6]  }
0x27: {  	[tilespmem:s21], [sflag:$0x8] =	stream.linear.gather [hbm4b:s22+s21], $0x3E80, $0x38;
	[tilespmem:$0x1FE80] =	vst v63  }
0x28: {  	_ =	swait.ge [sflag:s26], $0x3E80  }
0x29: {  	[sflag:s26] =	ssyncset.done $0x0  }
0x2a: {  	[sflag:s26] =	ssyncadd.s32 $0xFFFFC180  }
0x2b: {  	v2 =	vld [tilespmem:$0x0];
	_ =	sdelay $0x1  }
0x2c: {  	v3 =	vld [tilespmem:$0x10];
	_ =	sdelay $0x1  }
0x2d: {  	v4 =	vld [tilespmem:$0x20]  }
0x2e: {  	v5 =	vshrl.u32 v2, $0xE  }
0x2f: {  	v60 =	vld [tilespmem:$0x30];
	v2 =	vand.u32 $0x3FFF, v2;
	[tilespmem:$0x4000] =	vst v5  }
0x30: {  	[tilespmem:$0x4180] =	vst v2;
	v2 =	vshrl.u32 v3, $0xE  }
0x31: {  	[tilespmem:$0x4010] =	vst v2;
	v2 =	vand.u32 $0x3FFF, v3;
	v3 =	vld [tilespmem:$0x40]  }
0x32: {  	[tilespmem:$0x4190] =	vst v2;
	v2 =	vshrl.u32 v4, $0xE  }
0x33: {  	[tilespmem:$0x4020] =	vst v2;
	v2 =	vand.u32 $0x3FFF, v4  }
0x34: {  	[tilespmem:$0x41A0] =	vst v2;
	v2 =	vshrl.u32 v60, $0xE  }
0x35: {  	[tilespmem:$0x4030] =	vst v2;
	v2 =	vand.u32 $0x3FFF, v60  }
0x36: {  	[tilespmem:$0x41B0] =	vst v2;
	v2 =	vshrl.u32 v3, $0xE  }
0x37: {  	[tilespmem:$0x4040] =	vst v2;
	v2 =	vand.u32 $0x3FFF, v3  }
0x38: {  	[tilespmem:$0x41C0] =	vst v2  }
0x39: {  	[tilespmem:s30], [sflag:$0x1] =	stream.indirect.gather [hbm4b:s0+s28], $0x80, s29, s28, $0xb8;
	[tilespmem:$0x1FE80] =	vst v63  }
0x3a: {  	v2 =	vld [tilespmem:$0x80];
	_ =	sdelay $0x1  }
0x3b: {  	v3 =	vld [tilespmem:$0x90];
	_ =	sdelay $0x1  }
0x3c: {  	v61 =	vld [tilespmem:$0xA0]  }
0x3d: {  	v62 =	vshrl.u32 v2, $0xE  }
0x3e: {  	v63 =	vld [tilespmem:$0xB0];
	v2 =	vand.u32 $0x3FFF, v2;
	[tilespmem:$0x4080] =	vst v62  }
0x3f: {  	[tilespmem:$0x4200] =	vst v2;
	v2 =	vshrl.u32 v3, $0xE  }
0x40: {  	[tilespmem:$0x4090] =	vst v2;
	v2 =	vand.u32 $0x3FFF, v3;
	v3 =	vld [tilespmem:$0xC0]  }
0x41: {  	[tilespmem:$0x4210] =	vst v2;
	v2 =	vshrl.u32 v61, $0xE  }
0x42: {  	[tilespmem:$0x40A0] =	vst v2;
	v2 =	vand.u32 $0x3FFF, v61  }
0x43: {  	[tilespmem:$0x4220] =	vst v2;
	v2 =	vshrl.u32 v63, $0xE  }
0x44: {  	[tilespmem:$0x40B0] =	vst v2;
	v2 =	vand.u32 $0x3FFF, v63  }
0x45: {  	[tilespmem:$0x4230] =	vst v2;
	v2 =	vshrl.u32 v3, $0xE  }
0x46: {  	[tilespmem:$0x40C0] =	vst v2;
	v2 =	vand.u32 $0x3FFF, v3  }
0x47: {  	[tilespmem:$0x4240] =	vst v2  }
0x48: {  	[tilespmem:s2], [sflag:$0x2] =	stream.indirect.gather [hbm4b:s0+s28], $0x80, s31, s28, $0xb8;
	[tilespmem:$0x1FE80] =	vst v63  }
0x49: {  	[tilespmem:$0xBB00] =	vst v0  }
0x4a: {  	[tilespmem:$0xBB10] =	vst v0  }
0x4b: {  	[tilespmem:$0xBB20] =	vst v0  }
0x4c: {  	[tilespmem:$0xBB30] =	vst v0  }
0x4d: {  	s21 =	simm.s32 $0x0;
	s22 =	simm.s32 $0x200;
	[tilespmem:$0xBB40] =	vst v0  }
.LBB2_2:
0x4e: {  	p0 =	sne.s32 s22, $0x9E00;
	[tilespmem:s21+$0x9370] =	vst v1  }
0x4f: {  	[tilespmem:s21+$0x9300] =	vst v1  }
0x50: {  	[tilespmem:s21+$0x9310] =	vst v1  }
.Ltmp0:
0x51: {  	[tilespmem:s21+$0x9320] =	vst v1;
	(pc) =	sbr.rel @p0 .LBB2_2-.Ltmp0, $4  }
0x52: {  	[tilespmem:s21+$0x9330] =	vst v1  }
0x53: {  	[tilespmem:s21+$0x9340] =	vst v1  }
0x54: {  	[tilespmem:s21+$0x9350] =	vst v1  }
0x55: {  	[tilespmem:s21+$0x9360] =	vst v1;
	s21 =	sshra.s32 s22, $0x2;
	s22 =	sadd.s32 $0x200, s22  }
0x56: {  	[tilespmem:s21+$0x9370] =	vst v1  }
0x57: {  	[tilespmem:s21+$0x9300] =	vst v1  }
0x58: {  	[tilespmem:s21+$0x9310] =	vst v1  }
0x59: {  	[tilespmem:s21+$0x9320] =	vst v1  }
0x5a: {  	[tilespmem:s21+$0x9330] =	vst v1  }
0x5b: {  	[tilespmem:s21+$0x9340] =	vst v1  }
0x5c: {  	[tilespmem:s21+$0x9350] =	vst v1  }
0x5d: {  	[tilespmem:s21+$0x9360] =	vst v1  }
0x5e: {  	[tilespmem:$0xBB80] =	vst v1  }
0x5f: {  	[tilespmem:$0xBB90] =	vst v1  }
0x60: {  	[tilespmem:$0xBBA0] =	vst v1  }
0x61: {  	[tilespmem:$0xBBB0] =	vst v1  }
0x62: {  	[tilespmem:$0xBBC0] =	vst v1  }
0x63: {  	[spmem:s7] =	stream.linear.scatter [tilespmem:s5], [sflag:$0x8], $0x2800, $0x38;
	[tilespmem:$0x1FE80] =	vst v63  }
0x64: {  	_ =	swait.ge [sflag:s26], $0x2800  }
0x65: {  	[sflag:s26] =	ssyncset.done $0x0  }
0x66: {  	s23 =	rddreg [dreg:$0x7];
	[sflag:s26] =	ssyncadd.s32 $0xFFFFD800  }
0x67: {  	[spmem:s23] =	stream.linear.scatter [tilespmem:s5], [sflag:$0x8], $0x2800, $0x38;
	[tilespmem:$0x1FE80] =	vst v63  }
0x68: {  	_ =	swait.ge [sflag:s26], $0x2800  }
0x69: {  	[sflag:s26] =	ssyncset.done $0x0  }
0x6a: {  	s25 =	rddreg [dreg:$0x8];
	[sflag:s26] =	ssyncadd.s32 $0xFFFFD800  }
0x6b: {  	[spmem:s25] =	stream.linear.scatter [tilespmem:s5], [sflag:$0x8], $0x2800, $0x38;
	[tilespmem:$0x1FE80] =	vst v63  }
0x6c: {  	_ =	swait.ge [sflag:s26], $0x2800  }
0x6d: {  	[sflag:s26] =	ssyncset.done $0x0  }
0x6e: {  	s22 =	rddreg [dreg:$0x9];
	[sflag:s26] =	ssyncadd.s32 $0xFFFFD800  }
0x6f: {  	[spmem:s22] =	stream.linear.scatter [tilespmem:s5], [sflag:$0x8], $0x2800, $0x38;
	[tilespmem:$0x1FE80] =	vst v63  }
0x70: {  	_ =	swait.ge [sflag:s26], $0x2800  }
0x71: {  	[sflag:s26] =	ssyncset.done $0x0  }
0x72: {  	s23 =	rddreg [dreg:$0xa];
	[sflag:s26] =	ssyncadd.s32 $0xFFFFD800  }
0x73: {  	[spmem:s23] =	stream.linear.scatter [tilespmem:s5], [sflag:$0x8], $0x2800, $0x38;
	[tilespmem:$0x1FE80] =	vst v63  }
0x74: {  	_ =	swait.ge [sflag:s26], $0x2800  }
0x75: {  	[sflag:s26] =	ssyncset.done $0x0  }
0x76: {  	s25 =	rddreg [dreg:$0xb];
	[sflag:s26] =	ssyncadd.s32 $0xFFFFD800  }
0x77: {  	[spmem:s25] =	stream.linear.scatter [tilespmem:s5], [sflag:$0x8], $0x2800, $0x38;
	[tilespmem:$0x1FE80] =	vst v63  }
0x78: {  	_ =	swait.ge [sflag:s26], $0x2800  }
0x79: {  	[sflag:s26] =	ssyncset.done $0x0  }
0x7a: {  	s22 =	rddreg [dreg:$0xc];
	[sflag:s26] =	ssyncadd.s32 $0xFFFFD800  }
0x7b: {  	[spmem:s22] =	stream.linear.scatter [tilespmem:s5], [sflag:$0x8], $0x2800, $0x38;
	[tilespmem:$0x1FE80] =	vst v63  }
0x7c: {  	_ =	swait.ge [sflag:s26], $0x2800  }
0x7d: {  	[sflag:s26] =	ssyncset.done $0x0  }
0x7e: {  	s23 =	rddreg [dreg:$0xd];
	[sflag:s26] =	ssyncadd.s32 $0xFFFFD800  }
0x7f: {  	[spmem:s23] =	stream.linear.scatter [tilespmem:s5], [sflag:$0x8], $0x2800, $0x38;
	[tilespmem:$0x1FE80] =	vst v63  }
0x80: {  	_ =	swait.ge [sflag:s26], $0x2800  }
0x81: {  	[sflag:s26] =	ssyncset.done $0x0  }
0x82: {  	[sflag:s26] =	ssyncadd.s32 $0xFFFFD800  }
0x83: {  	[spmem:s15] =	stream.linear.scatter [tilespmem:s1], [sflag:$0x8], $0x50, $0x38;
	[tilespmem:$0x1FE80] =	vst v63  }
0x84: {  	_ =	swait.ge [sflag:s26], $0x50  }
0x85: {  	[sflag:s26] =	ssyncset.done $0x0  }
0x86: {  	s25 =	rddreg [dreg:$0xe];
	[sflag:s26] =	ssyncadd.s32 $0xFFFFFFB0  }
0x87: {  	[spmem:s25] =	stream.linear.scatter [tilespmem:s1], [sflag:$0x8], $0x50, $0x38;
	[tilespmem:$0x1FE80] =	vst v63  }
0x88: {  	_ =	swait.ge [sflag:s26], $0x50  }
0x89: {  	[sflag:s26] =	ssyncset.done $0x0  }
0x8a: {  	s22 =	rddreg [dreg:$0xf];
	[sflag:s26] =	ssyncadd.s32 $0xFFFFFFB0  }
0x8b: {  	[spmem:s22] =	stream.linear.scatter [tilespmem:s1], [sflag:$0x8], $0x50, $0x38;
	[tilespmem:$0x1FE80] =	vst v63  }
0x8c: {  	_ =	swait.ge [sflag:s26], $0x50  }
0x8d: {  	[sflag:s26] =	ssyncset.done $0x0  }
0x8e: {  	s23 =	rddreg [dreg:$0x10];
	[sflag:s26] =	ssyncadd.s32 $0xFFFFFFB0  }
0x8f: {  	[spmem:s23] =	stream.linear.scatter [tilespmem:s1], [sflag:$0x8], $0x50, $0x38;
	[tilespmem:$0x1FE80] =	vst v63  }
0x90: {  	_ =	swait.ge [sflag:s26], $0x50  }
0x91: {  	[sflag:s26] =	ssyncset.done $0x0  }
0x92: {  	s25 =	rddreg [dreg:$0x11];
	[sflag:s26] =	ssyncadd.s32 $0xFFFFFFB0  }
0x93: {  	[spmem:s25] =	stream.linear.scatter [tilespmem:s1], [sflag:$0x8], $0x50, $0x38;
	[tilespmem:$0x1FE80] =	vst v63  }
0x94: {  	_ =	swait.ge [sflag:s26], $0x50  }
0x95: {  	[sflag:s26] =	ssyncset.done $0x0  }
0x96: {  	s22 =	rddreg [dreg:$0x12];
	[sflag:s26] =	ssyncadd.s32 $0xFFFFFFB0  }
0x97: {  	[spmem:s22] =	stream.linear.scatter [tilespmem:s1], [sflag:$0x8], $0x50, $0x38;
	[tilespmem:$0x1FE80] =	vst v63  }
0x98: {  	_ =	swait.ge [sflag:s26], $0x50  }
0x99: {  	[sflag:s26] =	ssyncset.done $0x0  }
0x9a: {  	s23 =	rddreg [dreg:$0x13];
	[sflag:s26] =	ssyncadd.s32 $0xFFFFFFB0  }
0x9b: {  	[spmem:s23] =	stream.linear.scatter [tilespmem:s1], [sflag:$0x8], $0x50, $0x38;
	[tilespmem:$0x1FE80] =	vst v63  }
0x9c: {  	_ =	swait.ge [sflag:s26], $0x50  }
0x9d: {  	[sflag:s26] =	ssyncset.done $0x0  }
0x9e: {  	s25 =	rddreg [dreg:$0x14];
	[sflag:s26] =	ssyncadd.s32 $0xFFFFFFB0  }
0x9f: {  	[spmem:s25] =	stream.linear.scatter [tilespmem:s1], [sflag:$0x8], $0x50, $0x38;
	[tilespmem:$0x1FE80] =	vst v63  }
0xa0: {  	_ =	swait.ge [sflag:s26], $0x50  }
0xa1: {  	[sflag:s26] =	ssyncset.done $0x0  }
0xa2: {  	[sflag:s26] =	ssyncadd.s32 $0xFFFFFFB0  }
0xa3: {  	[bflag:$0x0] =	sbarrier.arrive $0xFFFF  }
0xa4: {  	_ =	swait.ge [sflag:s6], $0x2800  }
0xa5: {  	[sflag:s6] =	ssyncset.done $0x0  }
0xa6: {  	[sflag:s6] =	ssyncadd.s32 $0xFFFFD800  }
0xa7: {  	[spmem:s3] =	stream.indirect.scatter.add.f32 [tilespmem:s30], [sflag:$0x4], $0x80, s8, s28, $0xb8;
	[tilespmem:$0x1FE80] =	vst v63  }
0xa8: {  	_ = 	snop  }
0xa9: {  	[spmem:s4] =	stream.indirect.scatter.add.f32 [tilespmem:s9], [sflag:$0x7], $0x1, s8, s28, $0xb8;
	[tilespmem:$0x1FE80] =	vst v63  }
0xaa: {  	v2 =	vld [tilespmem:$0x100];
	_ =	sdelay $0x1  }
0xab: {  	v3 =	vld [tilespmem:$0x110];
	_ =	sdelay $0x1  }
0xac: {  	v4 =	vld [tilespmem:$0x120]  }
0xad: {  	v5 =	vshrl.u32 v2, $0xE  }
0xae: {  	v57 =	vld [tilespmem:$0x130];
	v2 =	vand.u32 $0x3FFF, v2;
	[tilespmem:$0x4100] =	vst v5  }
0xaf: {  	[tilespmem:$0x4280] =	vst v2;
	v2 =	vshrl.u32 v3, $0xE  }
0xb0: {  	[tilespmem:$0x4110] =	vst v2;
	v2 =	vand.u32 $0x3FFF, v3;
	v3 =	vld [tilespmem:$0x140]  }
0xb1: {  	[tilespmem:$0x4290] =	vst v2;
	v2 =	vshrl.u32 v4, $0xE  }
0xb2: {  	[tilespmem:$0x4120] =	vst v2;
	v2 =	vand.u32 $0x3FFF, v4  }
0xb3: {  	[tilespmem:$0x42A0] =	vst v2;
	v2 =	vshrl.u32 v57, $0xE  }
0xb4: {  	[tilespmem:$0x4130] =	vst v2;
	v2 =	vand.u32 $0x3FFF, v57  }
0xb5: {  	[tilespmem:$0x42B0] =	vst v2;
	v2 =	vshrl.u32 v3, $0xE  }
0xb6: {  	[tilespmem:$0x4140] =	vst v2;
	v2 =	vand.u32 $0x3FFF, v3  }
0xb7: {  	[tilespmem:$0x42C0] =	vst v2  }
0xb8: {  	[tilespmem:s5], [sflag:$0x3] =	stream.indirect.gather [hbm4b:s0+s28], $0x80, s10, s28, $0xb8;
	[tilespmem:$0x1FE80] =	vst v63  }
0xb9: {  	_ =	swait.ge [sflag:s11], $0x2800  }
0xba: {  	[sflag:s11] =	ssyncset.done $0x0  }
0xbb: {  	[sflag:s11] =	ssyncadd.s32 $0xFFFFD800  }
0xbc: {  	[spmem:s3] =	stream.indirect.scatter.add.f32 [tilespmem:s2], [sflag:$0x5], $0x80, s12, s28, $0xb8;
	[tilespmem:$0x1FE80] =	vst v63  }
0xbd: {  	_ = 	snop  }
0xbe: {  	[spmem:s4] =	stream.indirect.scatter.add.f32 [tilespmem:s9], [sflag:$0x7], $0x1, s12, s28, $0xb8;
	[tilespmem:$0x1FE80] =	vst v63  }
0xbf: {  	_ =	swait.ge [sflag:s13], $0x2800  }
0xc0: {  	[sflag:s13] =	ssyncset.done $0x0  }
0xc1: {  	[sflag:s13] =	ssyncadd.s32 $0xFFFFD800  }
0xc2: {  	_ =	swait.ge [sflag:s14], $0x50  }
0xc3: {  	[sflag:s14] =	ssyncset.done $0x0  }
0xc4: {  	[sflag:s14] =	ssyncadd.s32 $0xFFFFFFB0  }
0xc5: {  	v2 =	vld [tilespmem:$0x180];
	_ =	sdelay $0x1  }
0xc6: {  	v3 =	vld [tilespmem:$0x190];
	_ =	sdelay $0x1  }
0xc7: {  	v58 =	vld [tilespmem:$0x1A0]  }
0xc8: {  	v59 =	vshrl.u32 v2, $0xE  }
0xc9: {  	v60 =	vld [tilespmem:$0x1B0];
	v2 =	vand.u32 $0x3FFF, v2;
	[tilespmem:$0x4000] =	vst v59  }
0xca: {  	[tilespmem:$0x4180] =	vst v2;
	v2 =	vshrl.u32 v3, $0xE  }
0xcb: {  	[tilespmem:$0x4010] =	vst v2;
	v2 =	vand.u32 $0x3FFF, v3;
	v3 =	vld [tilespmem:$0x1C0]  }
0xcc: {  	[tilespmem:$0x4190] =	vst v2;
	v2 =	vshrl.u32 v58, $0xE  }
0xcd: {  	[tilespmem:$0x4020] =	vst v2;
	v2 =	vand.u32 $0x3FFF, v58  }
0xce: {  	[tilespmem:$0x41A0] =	vst v2;
	v2 =	vshrl.u32 v60, $0xE  }
0xcf: {  	[tilespmem:$0x4030] =	vst v2;
	v2 =	vand.u32 $0x3FFF, v60  }
0xd0: {  	[tilespmem:$0x41B0] =	vst v2;
	v2 =	vshrl.u32 v3, $0xE  }
0xd1: {  	[tilespmem:$0x4040] =	vst v2;
	v2 =	vand.u32 $0x3FFF, v3  }
0xd2: {  	[tilespmem:$0x41C0] =	vst v2  }
0xd3: {  	[tilespmem:s30], [sflag:$0x1] =	stream.indirect.gather [hbm4b:s0+s28], $0x80, s29, s28, $0xb8;
	[tilespmem:$0x1FE80] =	vst v63  }
0xd4: {  	_ =	swait.ge [sflag:s16], $0x2800  }
0xd5: {  	[sflag:s16] =	ssyncset.done $0x0  }
0xd6: {  	[sflag:s16] =	ssyncadd.s32 $0xFFFFD800  }
0xd7: {  	[spmem:s3] =	stream.indirect.scatter.add.f32 [tilespmem:s5], [sflag:$0x6], $0x80, s17, s28, $0xb8;
	[tilespmem:$0x1FE80] =	vst v63  }
0xd8: {  	_ = 	snop  }
0xd9: {  	[spmem:s4] =	stream.indirect.scatter.add.f32 [tilespmem:s9], [sflag:$0x7], $0x1, s17, s28, $0xb8;
	[tilespmem:$0x1FE80] =	vst v63  }
0xda: {  	_ =	swait.ge [sflag:s18], $0x2800  }
0xdb: {  	[sflag:s18] =	ssyncset.done $0x0  }
0xdc: {  	[sflag:s18] =	ssyncadd.s32 $0xFFFFD800  }
0xdd: {  	_ =	swait.ge [sflag:s14], $0x50  }
0xde: {  	[sflag:s14] =	ssyncset.done $0x0  }
0xdf: {  	[sflag:s14] =	ssyncadd.s32 $0xFFFFFFB0  }
0xe0: {  	v2 =	vld [tilespmem:$0x200];
	_ =	sdelay $0x1  }
0xe1: {  	v3 =	vld [tilespmem:$0x210];
	_ =	sdelay $0x1  }
0xe2: {  	v61 =	vld [tilespmem:$0x220]  }
0xe3: {  	v62 =	vshrl.u32 v2, $0xE  }
0xe4: {  	v63 =	vld [tilespmem:$0x230];
	v2 =	vand.u32 $0x3FFF, v2;
	[tilespmem:$0x4080] =	vst v62  }
0xe5: {  	[tilespmem:$0x4200] =	vst v2;
	v2 =	vshrl.u32 v3, $0xE  }
0xe6: {  	[tilespmem:$0x4090] =	vst v2;
	v2 =	vand.u32 $0x3FFF, v3;
	v3 =	vld [tilespmem:$0x240]  }
0xe7: {  	[tilespmem:$0x4210] =	vst v2;
	v2 =	vshrl.u32 v61, $0xE  }
0xe8: {  	[tilespmem:$0x40A0] =	vst v2;
	v2 =	vand.u32 $0x3FFF, v61  }
0xe9: {  	[tilespmem:$0x4220] =	vst v2;
	v2 =	vshrl.u32 v63, $0xE  }
0xea: {  	[tilespmem:$0x40B0] =	vst v2;
	v2 =	vand.u32 $0x3FFF, v63  }
0xeb: {  	[tilespmem:$0x4230] =	vst v2;
	v2 =	vshrl.u32 v3, $0xE  }
0xec: {  	[tilespmem:$0x40C0] =	vst v2;
	v2 =	vand.u32 $0x3FFF, v3  }
0xed: {  	[tilespmem:$0x4240] =	vst v2  }
0xee: {  	[tilespmem:s2], [sflag:$0x2] =	stream.indirect.gather [hbm4b:s0+s28], $0x80, s31, s28, $0xb8;
	[tilespmem:$0x1FE80] =	vst v63  }
0xef: {  	_ =	swait.ge [sflag:s6], $0x2800  }
0xf0: {  	[sflag:s6] =	ssyncset.done $0x0  }
0xf1: {  	[sflag:s6] =	ssyncadd.s32 $0xFFFFD800  }
0xf2: {  	[spmem:s3] =	stream.indirect.scatter.add.f32 [tilespmem:s30], [sflag:$0x4], $0x80, s8, s28, $0xb8;
	[tilespmem:$0x1FE80] =	vst v63  }
0xf3: {  	_ = 	snop  }
0xf4: {  	[spmem:s4] =	stream.indirect.scatter.add.f32 [tilespmem:s9], [sflag:$0x7], $0x1, s8, s28, $0xb8;
	[tilespmem:$0x1FE80] =	vst v63  }
0xf5: {  	_ =	swait.ge [sflag:s19], $0x2800  }
0xf6: {  	[sflag:s19] =	ssyncset.done $0x0  }
0xf7: {  	[sflag:s19] =	ssyncadd.s32 $0xFFFFD800  }
0xf8: {  	_ =	swait.ge [sflag:s14], $0x50  }
0xf9: {  	[sflag:s14] =	ssyncset.done $0x0  }
0xfa: {  	s21 =	simm.s32 $0x3C0;
	[sflag:s14] =	ssyncadd.s32 $0xFFFFFFB0  }
0xfb: {  	v2 =	vld [tilespmem:s21+$0xFFFFFEC0];
	_ =	sdelay $0x4  }
0xfc: {  	v3 =	vshrl.u32 v2, $0xE  }
0xfd: {  	v2 =	vand.u32 $0x3FFF, v2;
	[tilespmem:$0x4100] =	vst v3  }
0xfe: {  	[tilespmem:$0x4280] =	vst v2  }
0xff: {  	v2 =	vld [tilespmem:s21+$0xFFFFFED0];
	_ =	sdelay $0x4  }
0x100: {  	v3 =	vshrl.u32 v2, $0xE  }
0x101: {  	v2 =	vand.u32 $0x3FFF, v2;
	[tilespmem:$0x4110] =	vst v3  }
0x102: {  	[tilespmem:$0x4290] =	vst v2  }
0x103: {  	v2 =	vld [tilespmem:s21+$0xFFFFFEE0];
	_ =	sdelay $0x4  }
0x104: {  	v3 =	vshrl.u32 v2, $0xE  }
0x105: {  	v2 =	vand.u32 $0x3FFF, v2;
	[tilespmem:$0x4120] =	vst v3  }
0x106: {  	[tilespmem:$0x42A0] =	vst v2  }
0x107: {  	v2 =	vld [tilespmem:s21+$0xFFFFFEF0];
	_ =	sdelay $0x4  }
0x108: {  	v3 =	vshrl.u32 v2, $0xE  }
0x109: {  	v2 =	vand.u32 $0x3FFF, v2;
	[tilespmem:$0x4130] =	vst v3  }
0x10a: {  	[tilespmem:$0x42B0] =	vst v2  }
0x10b: {  	v2 =	vld [tilespmem:s21+$0xFFFFFF00];
	_ =	sdelay $0x4  }
0x10c: {  	v3 =	vshrl.u32 v2, $0xE  }
0x10d: {  	v2 =	vand.u32 $0x3FFF, v2;
	[tilespmem:$0x4140] =	vst v3  }
0x10e: {  	[tilespmem:$0x42C0] =	vst v2  }
0x10f: {  	[tilespmem:s5], [sflag:$0x3] =	stream.indirect.gather [hbm4b:s0+s28], $0x80, s10, s28, $0xb8;
	[tilespmem:$0x1FE80] =	vst v63  }
0x110: {  	_ =	swait.ge [sflag:s11], $0x2800  }
0x111: {  	[sflag:s11] =	ssyncset.done $0x0  }
0x112: {  	[sflag:s11] =	ssyncadd.s32 $0xFFFFD800  }
0x113: {  	[spmem:s3] =	stream.indirect.scatter.add.f32 [tilespmem:s2], [sflag:$0x5], $0x80, s12, s28, $0xb8;
	[tilespmem:$0x1FE80] =	vst v63  }
0x114: {  	_ = 	snop  }
0x115: {  	[spmem:s4] =	stream.indirect.scatter.add.f32 [tilespmem:s9], [sflag:$0x7], $0x1, s12, s28, $0xb8;
	[tilespmem:$0x1FE80] =	vst v63  }
0x116: {  	_ =	swait.ge [sflag:s13], $0x2800  }
0x117: {  	[sflag:s13] =	ssyncset.done $0x0  }
0x118: {  	[sflag:s13] =	ssyncadd.s32 $0xFFFFD800  }
0x119: {  	_ =	swait.ge [sflag:s14], $0x50  }
0x11a: {  	[sflag:s14] =	ssyncset.done $0x0  }
0x11b: {  	[sflag:s14] =	ssyncadd.s32 $0xFFFFFFB0  }
0x11c: {  	v2 =	vld [tilespmem:s21+$0xFFFFFF40];
	_ =	sdelay $0x4  }
0x11d: {  	v3 =	vshrl.u32 v2, $0xE  }
0x11e: {  	v2 =	vand.u32 $0x3FFF, v2;
	[tilespmem:$0x4000] =	vst v3  }
0x11f: {  	[tilespmem:$0x4180] =	vst v2  }
0x120: {  	v2 =	vld [tilespmem:s21+$0xFFFFFF50];
	_ =	sdelay $0x4  }
0x121: {  	v3 =	vshrl.u32 v2, $0xE  }
0x122: {  	v2 =	vand.u32 $0x3FFF, v2;
	[tilespmem:$0x4010] =	vst v3  }
0x123: {  	[tilespmem:$0x4190] =	vst v2  }
0x124: {  	v2 =	vld [tilespmem:s21+$0xFFFFFF60];
	_ =	sdelay $0x4  }
0x125: {  	v3 =	vshrl.u32 v2, $0xE  }
0x126: {  	v2 =	vand.u32 $0x3FFF, v2;
	[tilespmem:$0x4020] =	vst v3  }
0x127: {  	[tilespmem:$0x41A0] =	vst v2  }
0x128: {  	v2 =	vld [tilespmem:s21+$0xFFFFFF70];
	_ =	sdelay $0x4  }
0x129: {  	v3 =	vshrl.u32 v2, $0xE  }
0x12a: {  	v2 =	vand.u32 $0x3FFF, v2;
	[tilespmem:$0x4030] =	vst v3  }
0x12b: {  	[tilespmem:$0x41B0] =	vst v2  }
0x12c: {  	v2 =	vld [tilespmem:s21+$0xFFFFFF80];
	_ =	sdelay $0x4  }
0x12d: {  	v3 =	vshrl.u32 v2, $0xE  }
0x12e: {  	v2 =	vand.u32 $0x3FFF, v2;
	[tilespmem:$0x4040] =	vst v3  }
0x12f: {  	[tilespmem:$0x41C0] =	vst v2  }
0x130: {  	[tilespmem:s30], [sflag:$0x1] =	stream.indirect.gather [hbm4b:s0+s28], $0x80, s29, s28, $0xb8;
	[tilespmem:$0x1FE80] =	vst v63  }
0x131: {  	_ =	swait.ge [sflag:s16], $0x2800  }
0x132: {  	[sflag:s16] =	ssyncset.done $0x0  }
0x133: {  	[sflag:s16] =	ssyncadd.s32 $0xFFFFD800  }
0x134: {  	[spmem:s3] =	stream.indirect.scatter.add.f32 [tilespmem:s5], [sflag:$0x6], $0x80, s17, s28, $0xb8;
	[tilespmem:$0x1FE80] =	vst v63  }
0x135: {  	_ = 	snop  }
0x136: {  	[spmem:s4] =	stream.indirect.scatter.add.f32 [tilespmem:s9], [sflag:$0x7], $0x1, s17, s28, $0xb8;
	[tilespmem:$0x1FE80] =	vst v63  }
0x137: {  	_ =	swait.ge [sflag:s18], $0x2800  }
0x138: {  	[sflag:s18] =	ssyncset.done $0x0  }
0x139: {  	[sflag:s18] =	ssyncadd.s32 $0xFFFFD800  }
0x13a: {  	_ =	swait.ge [sflag:s14], $0x50  }
0x13b: {  	[sflag:s14] =	ssyncset.done $0x0  }
0x13c: {  	[sflag:s14] =	ssyncadd.s32 $0xFFFFFFB0  }
0x13d: {  	v2 =	vld [tilespmem:s21+$0xFFFFFFC0];
	_ =	sdelay $0x4  }
0x13e: {  	v3 =	vshrl.u32 v2, $0xE  }
0x13f: {  	v2 =	vand.u32 $0x3FFF, v2;
	[tilespmem:$0x4080] =	vst v3  }
0x140: {  	[tilespmem:$0x4200] =	vst v2  }
0x141: {  	v2 =	vld [tilespmem:s21+$0xFFFFFFD0];
	_ =	sdelay $0x4  }
0x142: {  	v3 =	vshrl.u32 v2, $0xE  }
0x143: {  	v2 =	vand.u32 $0x3FFF, v2;
	[tilespmem:$0x4090] =	vst v3  }
0x144: {  	[tilespmem:$0x4210] =	vst v2  }
0x145: {  	v2 =	vld [tilespmem:s21+$0xFFFFFFE0];
	_ =	sdelay $0x4  }
0x146: {  	v3 =	vshrl.u32 v2, $0xE  }
0x147: {  	v2 =	vand.u32 $0x3FFF, v2;
	[tilespmem:$0x40A0] =	vst v3  }
0x148: {  	[tilespmem:$0x4220] =	vst v2  }
0x149: {  	s22 =	simm.s32 $0x1500;
	v2 =	vld [tilespmem:s21+$0xFFFFFFF0]  }
.LBB2_4:
0x14a: {  	p0 =	sne.s32 s22, $0xF900;
	s23 =	smov.u32 s22;
	s22 =	sadd.s32 $0x600, s22  }
0x14b: {  	_ =	sdelay $0x2  }
0x14c: {  	v3 =	vshrl.u32 v2, $0xE;
	v2 =	vand.u32 $0x3FFF, v2  }
0x14d: {  	[tilespmem:$0x40B0] =	vst v3  }
0x14e: {  	[tilespmem:$0x4230] =	vst v2  }
0x14f: {  	v2 =	vld [tilespmem:s21+$0x0];
	_ =	sdelay $0x4  }
0x150: {  	v3 =	vshrl.u32 v2, $0xE;
	v2 =	vand.u32 $0x3FFF, v2  }
0x151: {  	[tilespmem:$0x40C0] =	vst v3  }
0x152: {  	[tilespmem:$0x4240] =	vst v2  }
0x153: {  	[tilespmem:s2], [sflag:$0x2] =	stream.indirect.gather [hbm4b:s0+s28], $0x80, s31, s28, $0xb8;
	[tilespmem:$0x1FE80] =	vst v63  }
0x154: {  	_ =	swait.ge [sflag:s6], $0x2800  }
0x155: {  	[sflag:s6] =	ssyncset.done $0x0  }
0x156: {  	[sflag:s6] =	ssyncadd.s32 $0xFFFFD800  }
0x157: {  	[spmem:s3] =	stream.indirect.scatter.add.f32 [tilespmem:s30], [sflag:$0x4], $0x80, s8, s28, $0xb8;
	[tilespmem:$0x1FE80] =	vst v63  }
0x158: {  	_ = 	snop  }
0x159: {  	[spmem:s4] =	stream.indirect.scatter.add.f32 [tilespmem:s9], [sflag:$0x7], $0x1, s8, s28, $0xb8;
	[tilespmem:$0x1FE80] =	vst v63  }
0x15a: {  	_ =	swait.ge [sflag:s19], $0x2800  }
0x15b: {  	[sflag:s19] =	ssyncset.done $0x0  }
0x15c: {  	[sflag:s19] =	ssyncadd.s32 $0xFFFFD800  }
0x15d: {  	_ =	swait.ge [sflag:s14], $0x50  }
0x15e: {  	[sflag:s14] =	ssyncset.done $0x0  }
0x15f: {  	s21 =	sshra.s32 s23, $0x2;
	[sflag:s14] =	ssyncadd.s32 $0xFFFFFFB0  }
0x160: {  	v2 =	vld [tilespmem:s21+$0xFFFFFEC0];
	_ =	sdelay $0x4  }
0x161: {  	v3 =	vshrl.u32 v2, $0xE;
	v2 =	vand.u32 $0x3FFF, v2  }
0x162: {  	[tilespmem:$0x4100] =	vst v3  }
0x163: {  	[tilespmem:$0x4280] =	vst v2  }
0x164: {  	v2 =	vld [tilespmem:s21+$0xFFFFFED0];
	_ =	sdelay $0x4  }
0x165: {  	v3 =	vshrl.u32 v2, $0xE;
	v2 =	vand.u32 $0x3FFF, v2  }
0x166: {  	[tilespmem:$0x4110] =	vst v3  }
0x167: {  	[tilespmem:$0x4290] =	vst v2  }
0x168: {  	v2 =	vld [tilespmem:s21+$0xFFFFFEE0];
	_ =	sdelay $0x4  }
0x169: {  	v3 =	vshrl.u32 v2, $0xE;
	v2 =	vand.u32 $0x3FFF, v2  }
0x16a: {  	[tilespmem:$0x4120] =	vst v3  }
0x16b: {  	[tilespmem:$0x42A0] =	vst v2  }
0x16c: {  	v2 =	vld [tilespmem:s21+$0xFFFFFEF0];
	_ =	sdelay $0x4  }
0x16d: {  	v3 =	vshrl.u32 v2, $0xE;
	v2 =	vand.u32 $0x3FFF, v2  }
0x16e: {  	[tilespmem:$0x4130] =	vst v3  }
0x16f: {  	[tilespmem:$0x42B0] =	vst v2  }
0x170: {  	v2 =	vld [tilespmem:s21+$0xFFFFFF00];
	_ =	sdelay $0x4  }
0x171: {  	v3 =	vshrl.u32 v2, $0xE;
	v2 =	vand.u32 $0x3FFF, v2  }
0x172: {  	[tilespmem:$0x4140] =	vst v3  }
0x173: {  	[tilespmem:$0x42C0] =	vst v2  }
0x174: {  	[tilespmem:s5], [sflag:$0x3] =	stream.indirect.gather [hbm4b:s0+s28], $0x80, s10, s28, $0xb8;
	[tilespmem:$0x1FE80] =	vst v63  }
0x175: {  	_ =	swait.ge [sflag:s11], $0x2800  }
0x176: {  	[sflag:s11] =	ssyncset.done $0x0  }
0x177: {  	[sflag:s11] =	ssyncadd.s32 $0xFFFFD800  }
0x178: {  	[spmem:s3] =	stream.indirect.scatter.add.f32 [tilespmem:s2], [sflag:$0x5], $0x80, s12, s28, $0xb8;
	[tilespmem:$0x1FE80] =	vst v63  }
0x179: {  	_ = 	snop  }
0x17a: {  	[spmem:s4] =	stream.indirect.scatter.add.f32 [tilespmem:s9], [sflag:$0x7], $0x1, s12, s28, $0xb8;
	[tilespmem:$0x1FE80] =	vst v63  }
0x17b: {  	_ =	swait.ge [sflag:s13], $0x2800  }
0x17c: {  	[sflag:s13] =	ssyncset.done $0x0  }
0x17d: {  	[sflag:s13] =	ssyncadd.s32 $0xFFFFD800  }
0x17e: {  	_ =	swait.ge [sflag:s14], $0x50  }
0x17f: {  	[sflag:s14] =	ssyncset.done $0x0  }
0x180: {  	[sflag:s14] =	ssyncadd.s32 $0xFFFFFFB0  }
0x181: {  	v2 =	vld [tilespmem:s21+$0xFFFFFF40];
	_ =	sdelay $0x4  }
0x182: {  	v3 =	vshrl.u32 v2, $0xE;
	v2 =	vand.u32 $0x3FFF, v2  }
0x183: {  	[tilespmem:$0x4000] =	vst v3  }
0x184: {  	[tilespmem:$0x4180] =	vst v2  }
0x185: {  	v2 =	vld [tilespmem:s21+$0xFFFFFF50];
	_ =	sdelay $0x4  }
0x186: {  	v3 =	vshrl.u32 v2, $0xE;
	v2 =	vand.u32 $0x3FFF, v2  }
0x187: {  	[tilespmem:$0x4010] =	vst v3  }
0x188: {  	[tilespmem:$0x4190] =	vst v2  }
0x189: {  	v2 =	vld [tilespmem:s21+$0xFFFFFF60];
	_ =	sdelay $0x4  }
0x18a: {  	v3 =	vshrl.u32 v2, $0xE;
	v2 =	vand.u32 $0x3FFF, v2  }
0x18b: {  	[tilespmem:$0x4020] =	vst v3  }
0x18c: {  	[tilespmem:$0x41A0] =	vst v2  }
0x18d: {  	v2 =	vld [tilespmem:s21+$0xFFFFFF70];
	_ =	sdelay $0x4  }
0x18e: {  	v3 =	vshrl.u32 v2, $0xE;
	v2 =	vand.u32 $0x3FFF, v2  }
0x18f: {  	[tilespmem:$0x4030] =	vst v3  }
0x190: {  	[tilespmem:$0x41B0] =	vst v2  }
0x191: {  	v2 =	vld [tilespmem:s21+$0xFFFFFF80];
	_ =	sdelay $0x4  }
0x192: {  	v3 =	vshrl.u32 v2, $0xE;
	v2 =	vand.u32 $0x3FFF, v2  }
0x193: {  	[tilespmem:$0x4040] =	vst v3  }
0x194: {  	[tilespmem:$0x41C0] =	vst v2  }
0x195: {  	[tilespmem:s30], [sflag:$0x1] =	stream.indirect.gather [hbm4b:s0+s28], $0x80, s29, s28, $0xb8;
	[tilespmem:$0x1FE80] =	vst v63  }
0x196: {  	_ =	swait.ge [sflag:s16], $0x2800  }
0x197: {  	[sflag:s16] =	ssyncset.done $0x0  }
0x198: {  	[sflag:s16] =	ssyncadd.s32 $0xFFFFD800  }
0x199: {  	[spmem:s3] =	stream.indirect.scatter.add.f32 [tilespmem:s5], [sflag:$0x6], $0x80, s17, s28, $0xb8;
	[tilespmem:$0x1FE80] =	vst v63  }
0x19a: {  	_ = 	snop  }
0x19b: {  	[spmem:s4] =	stream.indirect.scatter.add.f32 [tilespmem:s9], [sflag:$0x7], $0x1, s17, s28, $0xb8;
	[tilespmem:$0x1FE80] =	vst v63  }
0x19c: {  	_ =	swait.ge [sflag:s18], $0x2800  }
0x19d: {  	[sflag:s18] =	ssyncset.done $0x0  }
0x19e: {  	[sflag:s18] =	ssyncadd.s32 $0xFFFFD800  }
0x19f: {  	_ =	swait.ge [sflag:s14], $0x50  }
0x1a0: {  	[sflag:s14] =	ssyncset.done $0x0  }
0x1a1: {  	[sflag:s14] =	ssyncadd.s32 $0xFFFFFFB0  }
0x1a2: {  	v2 =	vld [tilespmem:s21+$0xFFFFFFC0];
	_ =	sdelay $0x4  }
0x1a3: {  	v3 =	vshrl.u32 v2, $0xE;
	v2 =	vand.u32 $0x3FFF, v2  }
0x1a4: {  	[tilespmem:$0x4080] =	vst v3  }
0x1a5: {  	[tilespmem:$0x4200] =	vst v2  }
0x1a6: {  	v2 =	vld [tilespmem:s21+$0xFFFFFFD0];
	_ =	sdelay $0x4  }
0x1a7: {  	v3 =	vshrl.u32 v2, $0xE;
	v2 =	vand.u32 $0x3FFF, v2  }
0x1a8: {  	[tilespmem:$0x4090] =	vst v3  }
0x1a9: {  	[tilespmem:$0x4210] =	vst v2  }
0x1aa: {  	v2 =	vld [tilespmem:s21+$0xFFFFFFE0];
	_ =	sdelay $0x3  }
.Ltmp1:
0x1ab: {  	(pc) =	sbr.rel @p0 .LBB2_4-.Ltmp1, $4  }
0x1ac: {  	v3 =	vshrl.u32 v2, $0xE;
	v2 =	vand.u32 $0x3FFF, v2  }
0x1ad: {  	[tilespmem:$0x40A0] =	vst v3  }
0x1ae: {  	[tilespmem:$0x4220] =	vst v2  }
0x1af: {  	v2 =	vld [tilespmem:s21+$0xFFFFFFF0]  }
0x1b0: {  	_ =	sdelay $0x3  }
0x1b1: {  	v3 =	vshrl.u32 v2, $0xE  }
0x1b2: {  	v2 =	vand.u32 $0x3FFF, v2;
	[tilespmem:$0x40B0] =	vst v3  }
0x1b3: {  	[tilespmem:$0x4230] =	vst v2  }
0x1b4: {  	v2 =	vld [tilespmem:s21+$0x0];
	_ =	sdelay $0x4  }
0x1b5: {  	v3 =	vshrl.u32 v2, $0xE  }
0x1b6: {  	v2 =	vand.u32 $0x3FFF, v2;
	[tilespmem:$0x40C0] =	vst v3  }
0x1b7: {  	[tilespmem:$0x4240] =	vst v2  }
0x1b8: {  	[tilespmem:s2], [sflag:$0x2] =	stream.indirect.gather [hbm4b:s0+s28], $0x80, s31, s28, $0xb8;
	[tilespmem:$0x1FE80] =	vst v63  }
0x1b9: {  	_ =	swait.ge [sflag:s6], $0x2800  }
0x1ba: {  	[sflag:s6] =	ssyncset.done $0x0  }
0x1bb: {  	[sflag:s6] =	ssyncadd.s32 $0xFFFFD800  }
0x1bc: {  	[spmem:s3] =	stream.indirect.scatter.add.f32 [tilespmem:s30], [sflag:$0x4], $0x80, s8, s28, $0xb8;
	[tilespmem:$0x1FE80] =	vst v63  }
0x1bd: {  	_ = 	snop  }
0x1be: {  	[spmem:s4] =	stream.indirect.scatter.add.f32 [tilespmem:s9], [sflag:$0x7], $0x1, s8, s28, $0xb8;
	[tilespmem:$0x1FE80] =	vst v63  }
0x1bf: {  	_ =	swait.ge [sflag:s19], $0x2800  }
0x1c0: {  	[sflag:s19] =	ssyncset.done $0x0  }
0x1c1: {  	[sflag:s19] =	ssyncadd.s32 $0xFFFFD800  }
0x1c2: {  	_ =	swait.ge [sflag:s14], $0x50  }
0x1c3: {  	[sflag:s14] =	ssyncset.done $0x0  }
0x1c4: {  	[sflag:s14] =	ssyncadd.s32 $0xFFFFFFB0  }
0x1c5: {  	_ =	swait.ge [sflag:s11], $0x2800  }
0x1c6: {  	[sflag:s11] =	ssyncset.done $0x0  }
0x1c7: {  	[sflag:s11] =	ssyncadd.s32 $0xFFFFD800  }
0x1c8: {  	[spmem:s3] =	stream.indirect.scatter.add.f32 [tilespmem:s2], [sflag:$0x5], $0x80, s12, s28, $0xb8;
	[tilespmem:$0x1FE80] =	vst v63  }
0x1c9: {  	_ = 	snop  }
0x1ca: {  	[spmem:s4] =	stream.indirect.scatter.add.f32 [tilespmem:s9], [sflag:$0x7], $0x1, s12, s28, $0xb8;
	[tilespmem:$0x1FE80] =	vst v63  }
0x1cb: {  	_ =	swait.ge [sflag:s13], $0x2800  }
0x1cc: {  	[sflag:s13] =	ssyncset.done $0x0  }
0x1cd: {  	[sflag:s13] =	ssyncadd.s32 $0xFFFFD800  }
0x1ce: {  	_ =	swait.ge [sflag:s14], $0x50  }
0x1cf: {  	[sflag:s14] =	ssyncset.done $0x0  }
0x1d0: {  	[sflag:s14] =	ssyncadd.s32 $0xFFFFFFB0  }
0x1d1: {  	_ =	swait.ge [sflag:s18], $0x2800  }
0x1d2: {  	[sflag:s18] =	ssyncset.done $0x0  }
0x1d3: {  	[sflag:s18] =	ssyncadd.s32 $0xFFFFD800  }
0x1d4: {  	_ =	swait.ge [sflag:s14], $0x50  }
0x1d5: {  	[sflag:s14] =	ssyncset.done $0x0  }
0x1d6: {  	s23 =	stileid.u32;
	[sflag:s14] =	ssyncadd.s32 $0xFFFFFFB0  }
0x1d7: {  	s21 =	sshll.u32 s23, $0x6;
	[bflag:$0x0] =	sbarrier.arrive $0xFFFF  }
0x1d8: {  	s22 =	sshrl.u32 s7, $0x3;
	s21 =	sor.u32 $0x1C08, s21;
	s23 =	rddreg [dreg:$0x15]  }
0x1d9: {  	[hbm:s23], [sflag:s21] =	dma.local [spmem:s22], $0x2800  }
0x1da: {  	_ =	swait.ge [sflag:s26], $0x2800  }
0x1db: {  	s22 =	sshrl.u32 s15, $0x3;
	[sflag:s26] =	ssyncset.done $0x0  }
0x1dc: {  	s23 =	simm.s32 $0x20;
	s25 =	rddreg [dreg:$0x16];
	[sflag:s26] =	ssyncadd.s32 $0xFFFFD800  }
0x1dd: {  	[hbm:s25@s23], [sflag:s21] =	dma.strided [spmem:s22@s24], $0x50, s6, $0x10   }
0x1de: {  	_ =	swait.ge [sflag:s26], $0x50  }
0x1df: {  	s20 =	sadd.s32 $0x1, s20;
	s25 =	rddreg [dreg:$0x17]  }
0x1e0: {  	p0 =	sne.s32 s20, s25  }
.Ltmp2:
0x1e1: {  	_ = 	snop;
	(pc) =	sbr.rel @p0 .LBB2_1-.Ltmp2, $3  }
0x1e2: {  	_ =	sdelay $0x1  }
0x1e3: {  	[sflag:s26] =	ssyncset.done $0x0  }
0x1e4: {  	[sflag:s26] =	ssyncadd.s32 $0xFFFFFFB0  }
0x1e5: {  	_ =	sfence.sel $0x180000  }
0x1e6: {  	[bflag:$0x0] =	sbarrier.arrive $0xFFFF  }
0x1e7: {  	_ =	strace $0x90000047  }
0x1e8: {  	s0 =	stileid.u32;
	[bflag:$0x2] =	sbarrier.arrive $0xFFFF  }
0x1e9: {  	p0 =	sne.s32 s0, $0x0;
	s0 =	rddreg [dreg:$0x5]  }
0x1ea: {  	s0 =	sadd.s32 @!p0 $0x100000, s0  }
0x1eb: {  	[sflag:s0] =	ssyncadd.tile.s32 @!p0 $0x1;
	_ =	shalt  }
.Lfunc_end2:
_tile_overlayer_lowered:
.L_overlay_start_2:
0x1ec: {  	(tag) =	ssettag $0x2  }
0x1ed: {  	s0 =	rddreg [dreg:$0x0];
	s2 =	stileid.u32  }
0x1ee: {  	s1 =	rddreg [dreg:$0x1];
	p0 =	sne.s32 s2, $0x0  }
0x1ef: {  	s3 =	rddreg [dreg:$0x2];
	[bflag:$0x3] =	sbarrier.arrive $0xFFFF;
	s2 =	simm.s32 @!p0 $0x1C08  }
0x1f0: {  	[timem:s3], [sflag:s2] =	dma.local @!p0 [hbm:s0], s1  }
0x1f1: {  	s0 =	simm.s32 @!p0 $0x8  }
0x1f2: {  	_ =	swait.ge @!p0 [sflag:s0], s1  }
0x1f3: {  	s1 =	ssub.s32 @!p0 $0x0, s1;
	[sflag:s0] =	ssyncset.done @!p0 $0x0  }
0x1f4: {  	[sflag:s0] =	ssyncadd.s32 @!p0 s1  }
0x1f5: {  	[bflag:$0x3] =	sbarrier.arrive $0xFFFF  }
0x1f6: {  	_ =	shalt  }

// kernel: kernel.9.cloned.1.call-start
scs
__scs_entry_jumppad:
0x0: {  	(pc) =	sbr.rel $0x88, $3  }
0x1: {  	(tag) =	ssettag $0x0;
	lr =	simm.s32 $0x1  }
0x2: {  	[smem:$0x3F99] =	sst lr;
	_ =	strace $0xD0000000  }
0x3: {  	_ = 	snop  }
0x4: {  	_ = 	snop  }
0x5: {  	_ = 	snop  }
0x6: {  	_ = 	snop  }
0x7: {  	_ = 	snop  }
__scs_overlays_trampoline_lowered:
0x8: {  	[smem:$0x3FA8] =	sst s0  }
0x9: {  	[smem:$0x3FA9] =	sst s1  }
0xa: {  	[smem:$0x3FAA] =	sst s2  }
0xb: {  	[smem:$0x3FAB] =	sst s3  }
0xc: {  	[smem:$0x3FAC] =	sst s4  }
0xd: {  	[smem:$0x3FAD] =	sst s5  }
0xe: {  	[smem:$0x3FAE] =	sst s6  }
0xf: {  	[smem:$0x3FAF] =	sst s7  }
0x10: {  	[smem:$0x3FB0] =	sst s8  }
0x11: {  	[smem:$0x3FB1] =	sst s9;
	s0 =	simm.s32 @!p0 $0x0  }
0x12: {  	s1 =	sld [smem:$0x3F97];
	s0 =	simm.s32 @p0 $0x1  }
0x13: {  	[smem:$0x3FB2] =	sst s0;
	s0 =	simm.s32 @!p1 $0x0  }
0x14: {  	s2 =	sld [smem:$0x3F96];
	s0 =	simm.s32 @p1 $0x1  }
0x15: {  	[smem:$0x3FB3] =	sst s0;
	s0 =	simm.s32 @!p2 $0x0  }
0x16: {  	s3 =	sld [smem:$0x3FDB];
	s0 =	simm.s32 @p2 $0x1  }
0x17: {  	s4 =	simm.s32 $0x1BF5;
	[smem:$0x3FB5] =	sst s0  }
0x18: {  	s0 =	sld [smem:$0x3F98];
	_ =	swait.ge [sflag:s4], $0x0  }
0x19: {  	s7 =	sld [smem:$0x3F99]  }
0x1a: {  	s8 =	sadd.s32 $0xFFFFE003, lr  }
0x1b: {  	s9 =	sadd.s32 $0xFFFFFEF7, lr;
	s5 =	simm.s32 $0xFFFFFFFF;
	p2 =	slt.u32 s8, $0xFFFFF086  }
0x1c: {  	p1 =	slt.u32 s9, $0xF7A;
	s5 =	simm.s32 @!p2 $0x0  }
0x1d: {  	s5 =	simm.s32 @p1 $0x1;
	p0 =	seq.s32 s7, s2  }
0x1e: {  	s7 =	smul.u32 @!p0 $0xF7A, s2;
	p2 =	seq.s32 @!p0 s5, $0x0  }
0x1f: {  	s9 =	smul.u32 $0xF7A, s1;
	s8 =	simm.s32 @!p0 $0x1BF5;
	p2 =	por !p2, p0  }
0x20: {  	[sflag:s8] =	ssyncset.s32 @!p0 $0xFFFFF086;
	s6 =	sadd.s32 @!p0 s3, s7;
	s7 =	simm.s32 @!p0 $0x108  }
0x21: {  	s3 =	sadd.s32 s3, s9;
	s6 =	sadd.s32 @!p0 $0x88, s6;
	s7 =	simm.s32 @p2 $0x1082  }
0x22: {  	[simem:s7], [sflag:s8] =	dma.local @!p0 [hbm:s6], $0xF7A  }
0x23: {  	s9 =	sor.u32 $0xD0000000, s2;
	s6 =	simm.s32 $0x108;
	_ =	swait.ge @!p0 [sflag:s8], $0x0  }
0x24: {  	s3 =	sadd.s32 $0x88, s3;
	s6 =	simm.s32 @!p1 $0x1082;
	[sflag:s4] =	ssyncset.s32 $0xFFFFF086  }
0x25: {  	[simem:s6], [sflag:s4] =	dma.local [hbm:s3], $0xF7A  }
0x26: {  	[smem:$0x3F99] =	sst s1;
	(tag) =	ssettag s2;
	_ =	strace s9  }
0x27: {  	s1 =	sld [smem:$0x3FA9]  }
0x28: {  	s2 =	sld [smem:$0x3FAA]  }
0x29: {  	s4 =	sld [smem:$0x3FAC]  }
0x2a: {  	p0 =	seq.s32 s5, $0x0;
	s5 =	sld [smem:$0x3FAD]  }
0x2b: {  	s6 =	sld [smem:$0x3FAE]  }
0x2c: {  	s7 =	sld [smem:$0x3FAF]  }
0x2d: {  	s3 =	simm.s32 $0x108;
	s8 =	sld [smem:$0x3FB0]  }
0x2e: {  	s3 =	simm.s32 @!p0 $0x1082;
	s9 =	sld [smem:$0x3FB1]  }
0x2f: {  	lr =	sadd.s32 s0, s3;
	s0 =	sld [smem:$0x3FA8]  }
0x30: {  	s3 =	sld [smem:$0x3FAB]  }
0x31: {  	[smem:$0x3FB4] =	sst s10  }
0x32: {  	s10 =	sld [smem:$0x3FB2];
	_ =	sdelay $0x3  }
0x33: {  	p0 =	seq.s32 s10, $0x1;
	s10 =	sld [smem:$0x3FB4];
	_ =	sdelay $0x3  }
0x34: {  	[smem:$0x3FB4] =	sst s10  }
0x35: {  	s10 =	sld [smem:$0x3FB3];
	_ =	sdelay $0x3  }
0x36: {  	p1 =	seq.s32 s10, $0x1;
	s10 =	sld [smem:$0x3FB4];
	_ =	sdelay $0x3  }
0x37: {  	[smem:$0x3FB4] =	sst s10  }
0x38: {  	s10 =	sld [smem:$0x3FB5]  }
0x39: {  	_ = 	snop;
	(pc) =	sbr.ind lr, $3  }
0x3a: {  	_ = 	snop  }
0x3b: {  	_ = 	snop  }
0x3c: {  	p2 =	seq.s32 s10, $0x1;
	s10 =	sld [smem:$0x3FB4]  }
0x3d: {  	_ =	shalt  }
0x3e: {  	_ =	shalt  }
0x3f: {  	_ =	shalt  }
0x40: {  	_ =	shalt  }
0x41: {  	_ =	shalt  }
0x42: {  	_ =	shalt  }
0x43: {  	_ =	shalt  }
0x44: {  	_ =	shalt  }
0x45: {  	_ =	shalt  }
0x46: {  	_ =	shalt  }
0x47: {  	_ =	shalt  }
0x48: {  	_ =	shalt  }
0x49: {  	_ =	shalt  }
0x4a: {  	_ =	shalt  }
0x4b: {  	_ =	shalt  }
0x4c: {  	_ =	shalt  }
0x4d: {  	_ =	shalt  }
0x4e: {  	_ =	shalt  }
0x4f: {  	_ =	shalt  }
0x50: {  	_ =	shalt  }
0x51: {  	_ =	shalt  }
0x52: {  	_ =	shalt  }
0x53: {  	_ =	shalt  }
0x54: {  	_ =	shalt  }
0x55: {  	_ =	shalt  }
0x56: {  	_ =	shalt  }
0x57: {  	_ =	shalt  }
0x58: {  	_ =	shalt  }
0x59: {  	_ =	shalt  }
0x5a: {  	_ =	shalt  }
0x5b: {  	_ =	shalt  }
0x5c: {  	_ =	shalt  }
0x5d: {  	_ =	shalt  }
0x5e: {  	_ =	shalt  }
0x5f: {  	_ =	shalt  }
0x60: {  	_ =	shalt  }
0x61: {  	_ =	shalt  }
0x62: {  	_ =	shalt  }
0x63: {  	_ =	shalt  }
0x64: {  	_ =	shalt  }
0x65: {  	_ =	shalt  }
0x66: {  	_ =	shalt  }
0x67: {  	_ =	shalt  }
0x68: {  	_ =	shalt  }
0x69: {  	_ =	shalt  }
0x6a: {  	_ =	shalt  }
0x6b: {  	_ =	shalt  }
0x6c: {  	_ =	shalt  }
0x6d: {  	_ =	shalt  }
0x6e: {  	_ =	shalt  }
0x6f: {  	_ =	shalt  }
0x70: {  	_ =	shalt  }
0x71: {  	_ =	shalt  }
0x72: {  	_ =	shalt  }
0x73: {  	_ =	shalt  }
0x74: {  	_ =	shalt  }
0x75: {  	_ =	shalt  }
0x76: {  	_ =	shalt  }
0x77: {  	_ =	shalt  }
0x78: {  	_ =	shalt  }
0x79: {  	_ =	shalt  }
0x7a: {  	_ =	shalt  }
0x7b: {  	_ =	shalt  }
0x7c: {  	_ =	shalt  }
0x7d: {  	_ =	shalt  }
0x7e: {  	_ =	shalt  }
0x7f: {  	_ =	shalt  }
0x80: {  	_ =	shalt  }
0x81: {  	_ =	shalt  }
0x82: {  	_ =	shalt  }
0x83: {  	_ =	shalt  }
0x84: {  	_ =	shalt  }
0x85: {  	_ =	shalt  }
0x86: {  	_ =	shalt  }
0x87: {  	_ =	shalt  }
.Lfunc_end0:
.L_simem_size_0:
called_computation.1_lowered:
.L_overlay_start_0:
0x88: {  	s2 =	sld [smem:$0x3FD9]  }
0x89: {  	s3 =	sld [smem:$0x3FFE];
	_ =	sdelay $0x1  }
0x8a: {  	s1 =	srdreg.scid  }
0x8b: {  	s0 =	sand.u32 $0x1, s1  }
0x8c: {  	s17 =	sshll.u32 s0, $0xA;
	s2 =	sadd.s32 s3, s2  }
0x8d: {  	s2 =	sadd.s32 s2, s17  }
0x8e: {  	[smem:$0x3FC0] =	sst s2  }
0x8f: {  	_ = 	snop  }
0x90: {  	s2 =	sld [smem:$0x3FD0];
	(tm) =	ssettm $0x1  }
0x91: {  	s18 =	sld [smem:$0x3FFB];
	_ =	sdelay $0x3  }
0x92: {  	_ =	strace s18  }
0x93: {  	s3 =	sld [smem:$0x3FFC];
	_ =	sdelay $0x3  }
0x94: {  	_ =	strace s3  }
0x95: {  	s3 =	sld [smem:$0x3FFD];
	_ =	sdelay $0x3  }
0x96: {  	_ =	strace s3  }
0x97: {  	_ =	strace $0x8FFFFFFF  }
0x98: {  	s19 =	sld [smem:$0x3FDB];
	_ =	sdelay $0x1  }
0x99: {  	s4 =	simm.s32 $_scs_section_size  }
0x9a: {  	s5 =	simm.s32 $_size__tile_overlayer_lowered;
	s6 =	simm.s32 $_tile_overlayer_lowered  }
0x9b: {  	s22 =	simm.s32 $0x1BFF;
	s21 =	sshll.u32 s6, $0x1;
	s3 =	sadd.s32 s4, s19  }
0x9c: {  	s7 =	simm.s32 $0x0;
	s20 =	sshll.u32 s5, $0x1;
	s5 =	sadd.s32 s21, s3  }
0x9d: {  	[timem:s7], [sflag:s22] =	dma.local [hbm:s5], s20  }
0x9e: {  	_ =	swait.ge [sflag:s22], s20  }
0x9f: {  	s4 =	ssub.s32 $0x0, s20;
	[sflag:s22] =	ssyncset.done $0x0  }
0xa0: {  	[sflag:s22] =	ssyncadd.s32 s4;
	_ =	sdelay $0x1  }
0xa1: {  	s23 =	simm.s32 $0x1B8B  }
0xa2: {  	_ =	swait.ge [sflag:s23], $0x1  }
0xa3: {  	[sflag:s23] =	ssyncset.done $0x0  }
0xa4: {  	s25 =	simm.s32 $0x1B8E;
	s24 =	sld [smem:$0x3FFE];
	[sflag:s23] =	ssyncadd.s32 $0xFFFFFFFF  }
0xa5: {  	s26 =	simm.s32 $execute0_lowered;
	[smem:$0x3FD2] =	sst s25  }
0xa6: {  	s5 =	sshll.u32 s26, $0x1;
	_ =	strace $0x80000049;
	[dreg:$0x1] =	wrdreg $0xFFFFFFFF  }
0xa7: {  	s28 =	simm.s32 $_size_execute0_lowered;
	s3 =	sadd.s32 s3, s5;
	[dreg:$0x0] =	wrdreg $0x0  }
0xa8: {  	s5 =	sshll.u32 s28, $0x1;
	[dreg:$0x2] =	wrdreg s3  }
0xa9: {  	[dreg:$0x3] =	wrdreg s5  }
0xaa: {  	[dreg:$0x4] =	wrdreg $0xC0  }
0xab: {  	_ =	task [dreg:s7], $0x5FFFF  }
0xac: {  	[dreg:$0x1] =	wrdreg $0xFFFFFFFF  }
0xad: {  	[dreg:$0x0] =	wrdreg $0x60  }
0xae: {  	[dreg:$0x2] =	wrdreg s2  }
0xaf: {  	[dreg:$0x3] =	wrdreg s24  }
0xb0: {  	[dreg:$0x4] =	wrdreg $0x65900  }
0xb1: {  	[dreg:$0x5] =	wrdreg $0x9  }
0xb2: {  	_ =	task.clear_ibuf [dreg:s7], $0x6FFFF;
	_ =	strace $0x90000049  }
0xb3: {  	s29 =	simm.s32 $0x9;
	_ =	strace $0x8000004B  }
0xb4: {  	_ =	swait.ge [sflag:s29], $0x1  }
0xb5: {  	[sflag:s29] =	ssyncadd.s32 $0xFFFFFFFF  }
0xb6: {  	_ =	strace $0x9000004B  }
0xb7: {  	_ =	sfence  }
0xb8: {  	s30 =	sld [smem:$0x0];
	_ =	sdelay $0x2  }
0xb9: {  	s31 =	sshll.u32 s1, $0xD;
	s1 =	sshrl.u32 s1, $0x2  }
0xba: {  	s3 =	sand.u32 $0x4000, s31;
	s1 =	sadd.s32 s1, s30  }
0xbb: {  	s0 =	sor.u32 s3, s0;
	s1 =	sshll.u32 s1, $0x11  }
0xbc: {  	s0 =	sor.u32 s1, s0  }
0xbd: {  	s0 =	sadd.s32 $0x8F2B, s0  }
0xbe: {  	[sflag:s0] =	ssyncadd.remote.s32 $0x1  }
0xbf: {  	_ =	sfence.sel $0xFFFF  }
0xc0: {  	[dreg:$0x0] =	wrdreg $0xFFFFFFFF;
	(pc) =	sbr.abs _section_cstart, $3  }
0xc1: {  	[dreg:$0x1] =	wrdreg $0xFFFFFFFF  }
0xc2: {  	_ =	task.clear_ibuf [dreg:s7], $0x2FFFF;
	_ =	strace $0x9FFFFFFF  }
0xc3: {  	(tm) =	ssettm $0x7FFFFFFF  }
tec
execute0_lowered:
.L_overlay_start_1:
0x0: {  	(tag) =	ssettag $0x1  }
0x1: {  	s1 =	rddreg [dreg:$0x0]  }
0x2: {  	s0 =	rddreg [dreg:$0x1]  }
0x3: {  	s3 =	rddreg [dreg:$0x2];
	s6 =	simm.s32 $0x0;
	s2 =	srdreg.scid  }
0x4: {  	s7 =	stileid.u32;
	s16 =	simm.s32 $0x7;
	s17 =	simm.s32 $0x50  }
0x5: {  	s18 =	simm.s32 $0x2710;
	s19 =	simm.s32 $0x28F0;
	s20 =	simm.s32 $0x2760  }
0x6: {  	s21 =	simm.s32 $0x3CF0;
	s22 =	simm.s32 $0x50F0;
	s28 =	simm.s32 $0x2850  }
0x7: {  	s29 =	simm.s32 $0x4;
	s30 =	simm.s32 $0x3;
	s31 =	simm.s32 $0x28A0  }
0x8: {  	s2 =	sand.u32 $0x1, s2;
	s4 =	sshll.u32 s7, $0x1;
	s5 =	smul.u32 $0xA000, s7  }
0x9: {  	[smem:$0x7FF] =	sst s6;
	s7 =	smul.u32 $0x28000, s7;
	s4 =	sor.u32 s2, s4  }
0xa: {  	s23 =	smul.u32 $0xA0000, s2;
	_ =	strace $0x8000004A;
	s2 =	ssub.s32 $0x2, s2  }
0xb: {  	s4 =	smul.u32 $0x4E2, s4;
	s8 =	sshrl.u32 s2, $0x1;
	s7 =	sshrl.u32 s7, $0x2  }
0xc: {  	s6 =	sadd.s32 s5, s23;
	s2 =	ssub.s32 s2, s8;
	s24 =	sadd.s32 s7, s3  }
0xd: {  	s23 =	simm.s32 $0x1;
	s4 =	sadd.s32 s4, s0;
	s6 =	sshrl.u32 s6, $0x3  }
0xe: {  	s25 =	sadd.s32 $0x1400, s24;
	s26 =	sadd.s32 $0x2800, s24;
	s9 =	sadd.s32 $0x3C00, s24  }
0xf: {  	s10 =	sadd.s32 $0x5000, s24;
	s11 =	sadd.s32 $0x6400, s24;
	s12 =	sadd.s32 $0x7800, s24  }
0x10: {  	s13 =	sadd.s32 $0x8C00, s24;
	s15 =	smax.u32 s2, $0x1;
	s24 =	simm.s32 $0x2800  }
0x11: {  	s2 =	simm.s32 $0x0;
	s0 =	sadd.s32 s6, s0;
	[dreg:$0x5] =	wrdreg s25  }
0x12: {  	s4 =	sadd.s32 $0x2000, s4;
	s6 =	sadd.s32 s5, s3;
	[dreg:$0x6] =	wrdreg s26  }
0x13: {  	s25 =	simm.s32 $0x27B0;
	s26 =	simm.s32 $0x2;
	[dreg:$0x4] =	wrdreg s4  }
0x14: {  	v0 =	vimm.f32 $1.000000000e+00;
	v1 =	vimm.f32 $0.0e+00;
	s14 =	sadd.s32 $0xBE00, s0;
	s0 =	simm.s32 $0x5;
	s4 =	simm.s32 $0x6  }
.LBB2_1:
0x15: {  	s5 =	simm.s32 $0x0;
	s7 =	rddreg [dreg:$0x4]  }
0x16: {  	[tilespmem:s5], [sflag:$0x7] =	stream.linear.gather [hbm4b:s7+s5], $0x2710, $0x38;
	[tilespmem:$0x10590] =	vst v63  }
0x17: {  	_ =	swait.ge [sflag:s16], $0x2710  }
0x18: {  	[sflag:s16] =	ssyncset.done $0x0  }
0x19: {  	[sflag:s16] =	ssyncadd.s32 $0xFFFFD8F0  }
0x1a: {  	v2 =	vld [tilespmem:$0x0];
	_ =	sdelay $0x1  }
0x1b: {  	v3 =	vld [tilespmem:$0x10];
	_ =	sdelay $0x1  }
0x1c: {  	v4 =	vld [tilespmem:$0x20]  }
0x1d: {  	v5 =	vshrl.u32 v2, $0xE  }
0x1e: {  	v60 =	vld [tilespmem:$0x30];
	v2 =	vand.u32 $0x3FFF, v2;
	[tilespmem:$0x2710] =	vst v5  }
0x1f: {  	[tilespmem:$0x2800] =	vst v2;
	v2 =	vshrl.u32 v3, $0xE  }
0x20: {  	[tilespmem:$0x2720] =	vst v2;
	v2 =	vand.u32 $0x3FFF, v3;
	v3 =	vld [tilespmem:$0x40]  }
0x21: {  	[tilespmem:$0x2810] =	vst v2;
	v2 =	vshrl.u32 v4, $0xE  }
0x22: {  	[tilespmem:$0x2730] =	vst v2;
	v2 =	vand.u32 $0x3FFF, v4  }
0x23: {  	[tilespmem:$0x2820] =	vst v2;
	v2 =	vshrl.u32 v60, $0xE  }
0x24: {  	[tilespmem:$0x2740] =	vst v2;
	v2 =	vand.u32 $0x3FFF, v60  }
0x25: {  	[tilespmem:$0x2830] =	vst v2;
	v2 =	vshrl.u32 v3, $0xE  }
0x26: {  	[tilespmem:$0x2750] =	vst v2;
	v2 =	vand.u32 $0x3FFF, v3  }
0x27: {  	[tilespmem:$0x2840] =	vst v2  }
0x28: {  	[tilespmem:s19], [sflag:$0x1] =	stream.indirect.gather [hbm4b:s1+s17], $0x40, s18, s17, $0xb8;
	[tilespmem:$0x10590] =	vst v63  }
0x29: {  	v2 =	vld [tilespmem:$0x50];
	_ =	sdelay $0x1  }
0x2a: {  	v3 =	vld [tilespmem:$0x60];
	_ =	sdelay $0x1  }
0x2b: {  	v61 =	vld [tilespmem:$0x70]  }
0x2c: {  	v62 =	vshrl.u32 v2, $0xE  }
0x2d: {  	v63 =	vld [tilespmem:$0x80];
	v2 =	vand.u32 $0x3FFF, v2;
	[tilespmem:$0x2760] =	vst v62  }
0x2e: {  	[tilespmem:$0x2850] =	vst v2;
	v2 =	vshrl.u32 v3, $0xE  }
0x2f: {  	[tilespmem:$0x2770] =	vst v2;
	v2 =	vand.u32 $0x3FFF, v3;
	v3 =	vld [tilespmem:$0x90]  }
0x30: {  	[tilespmem:$0x2860] =	vst v2;
	v2 =	vshrl.u32 v61, $0xE  }
0x31: {  	[tilespmem:$0x2780] =	vst v2;
	v2 =	vand.u32 $0x3FFF, v61  }
0x32: {  	[tilespmem:$0x2870] =	vst v2;
	v2 =	vshrl.u32 v63, $0xE  }
0x33: {  	[tilespmem:$0x2790] =	vst v2;
	v2 =	vand.u32 $0x3FFF, v63  }
0x34: {  	[tilespmem:$0x2880] =	vst v2;
	v2 =	vshrl.u32 v3, $0xE  }
0x35: {  	[tilespmem:$0x27A0] =	vst v2;
	v2 =	vand.u32 $0x3FFF, v3  }
0x36: {  	[tilespmem:$0x2890] =	vst v2  }
0x37: {  	[tilespmem:s21], [sflag:$0x2] =	stream.indirect.gather [hbm4b:s1+s17], $0x40, s20, s17, $0xb8;
	[tilespmem:$0x10590] =	vst v63  }
0x38: {  	[tilespmem:$0x64F0] =	vst v0  }
0x39: {  	[tilespmem:$0x6500] =	vst v0  }
0x3a: {  	[tilespmem:$0x6510] =	vst v0  }
0x3b: {  	[tilespmem:$0x6520] =	vst v0  }
0x3c: {  	s7 =	simm.s32 $0x100;
	s5 =	simm.s32 $0x0;
	[tilespmem:$0x6530] =	vst v0  }
.LBB2_2:
0x3d: {  	p0 =	sne.s32 s7, $0x4F00;
	[tilespmem:s5+$0x5120] =	vst v1;
	s8 =	smov.u32 s7;
	s7 =	sadd.s32 $0x100, s7  }
.Ltmp0:
0x3e: {  	[tilespmem:s5+$0x5110] =	vst v1;
	(pc) =	sbr.rel @p0 .LBB2_2-.Ltmp0, $3  }
0x3f: {  	[tilespmem:s5+$0x50F0] =	vst v1  }
0x40: {  	[tilespmem:s5+$0x5100] =	vst v1;
	_ =	sdelay $0x1  }
0x41: {  	s5 =	sshra.s32 s8, $0x2  }
0x42: {  	[tilespmem:s5+$0x5120] =	vst v1  }
0x43: {  	[tilespmem:s5+$0x5110] =	vst v1  }
0x44: {  	[tilespmem:s5+$0x50F0] =	vst v1  }
0x45: {  	[tilespmem:s5+$0x5100] =	vst v1  }
0x46: {  	[tilespmem:$0x6540] =	vst v1  }
0x47: {  	[tilespmem:$0x6550] =	vst v1  }
0x48: {  	[tilespmem:$0x6560] =	vst v1  }
0x49: {  	[tilespmem:$0x6570] =	vst v1  }
0x4a: {  	[tilespmem:$0x6580] =	vst v1  }
0x4b: {  	[spmem:s6] =	stream.linear.scatter [tilespmem:s22], [sflag:$0x7], $0x1400, $0x38;
	[tilespmem:$0x10590] =	vst v63  }
0x4c: {  	_ =	swait.ge [sflag:s16], $0x1400  }
0x4d: {  	[sflag:s16] =	ssyncset.done $0x0  }
0x4e: {  	s7 =	rddreg [dreg:$0x5];
	[sflag:s16] =	ssyncadd.s32 $0xFFFFEC00  }
0x4f: {  	[spmem:s7] =	stream.linear.scatter [tilespmem:s22], [sflag:$0x7], $0x1400, $0x38;
	[tilespmem:$0x10590] =	vst v63  }
0x50: {  	_ =	swait.ge [sflag:s16], $0x1400  }
0x51: {  	[sflag:s16] =	ssyncset.done $0x0  }
0x52: {  	s8 =	rddreg [dreg:$0x6];
	[sflag:s16] =	ssyncadd.s32 $0xFFFFEC00  }
0x53: {  	[spmem:s8] =	stream.linear.scatter [tilespmem:s22], [sflag:$0x7], $0x1400, $0x38;
	[tilespmem:$0x10590] =	vst v63  }
0x54: {  	_ =	swait.ge [sflag:s16], $0x1400  }
0x55: {  	[sflag:s16] =	ssyncset.done $0x0  }
0x56: {  	[sflag:s16] =	ssyncadd.s32 $0xFFFFEC00  }
0x57: {  	[spmem:s9] =	stream.linear.scatter [tilespmem:s22], [sflag:$0x7], $0x1400, $0x38;
	[tilespmem:$0x10590] =	vst v63  }
0x58: {  	_ =	swait.ge [sflag:s16], $0x1400  }
0x59: {  	[sflag:s16] =	ssyncset.done $0x0  }
0x5a: {  	[sflag:s16] =	ssyncadd.s32 $0xFFFFEC00  }
0x5b: {  	[spmem:s10] =	stream.linear.scatter [tilespmem:s22], [sflag:$0x7], $0x1400, $0x38;
	[tilespmem:$0x10590] =	vst v63  }
0x5c: {  	_ =	swait.ge [sflag:s16], $0x1400  }
0x5d: {  	[sflag:s16] =	ssyncset.done $0x0  }
0x5e: {  	[sflag:s16] =	ssyncadd.s32 $0xFFFFEC00  }
0x5f: {  	[spmem:s11] =	stream.linear.scatter [tilespmem:s22], [sflag:$0x7], $0x1400, $0x38;
	[tilespmem:$0x10590] =	vst v63  }
0x60: {  	_ =	swait.ge [sflag:s16], $0x1400  }
0x61: {  	[sflag:s16] =	ssyncset.done $0x0  }
0x62: {  	[sflag:s16] =	ssyncadd.s32 $0xFFFFEC00  }
0x63: {  	[spmem:s12] =	stream.linear.scatter [tilespmem:s22], [sflag:$0x7], $0x1400, $0x38;
	[tilespmem:$0x10590] =	vst v63  }
0x64: {  	_ =	swait.ge [sflag:s16], $0x1400  }
0x65: {  	[sflag:s16] =	ssyncset.done $0x0  }
0x66: {  	[sflag:s16] =	ssyncadd.s32 $0xFFFFEC00  }
0x67: {  	[spmem:s13] =	stream.linear.scatter [tilespmem:s22], [sflag:$0x7], $0x1400, $0x38;
	[tilespmem:$0x10590] =	vst v63  }
0x68: {  	_ =	swait.ge [sflag:s16], $0x1400  }
0x69: {  	[sflag:s16] =	ssyncset.done $0x0  }
0x6a: {  	[sflag:s16] =	ssyncadd.s32 $0xFFFFEC00  }
0x6b: {  	[bflag:$0x0] =	sbarrier.arrive $0xFFFF  }
0x6c: {  	_ =	swait.ge [sflag:s23], $0x1400  }
0x6d: {  	[sflag:s23] =	ssyncset.done $0x0  }
0x6e: {  	[sflag:s23] =	ssyncadd.s32 $0xFFFFEC00  }
0x6f: {  	[spmem:s3] =	stream.indirect.scatter.add.f32 [tilespmem:s19], [sflag:$0x4], $0x40, s24, s17, $0xb8;
	[tilespmem:$0x10590] =	vst v63  }
0x70: {  	v2 =	vld [tilespmem:$0xA0];
	_ =	sdelay $0x1  }
0x71: {  	v3 =	vld [tilespmem:$0xB0];
	_ =	sdelay $0x1  }
0x72: {  	v4 =	vld [tilespmem:$0xC0]  }
0x73: {  	v5 =	vshrl.u32 v2, $0xE  }
0x74: {  	v57 =	vld [tilespmem:$0xD0];
	v2 =	vand.u32 $0x3FFF, v2;
	[tilespmem:$0x27B0] =	vst v5  }
0x75: {  	[tilespmem:$0x28A0] =	vst v2;
	v2 =	vshrl.u32 v3, $0xE  }
0x76: {  	[tilespmem:$0x27C0] =	vst v2;
	v2 =	vand.u32 $0x3FFF, v3;
	v3 =	vld [tilespmem:$0xE0]  }
0x77: {  	[tilespmem:$0x28B0] =	vst v2;
	v2 =	vshrl.u32 v4, $0xE  }
0x78: {  	[tilespmem:$0x27D0] =	vst v2;
	v2 =	vand.u32 $0x3FFF, v4  }
0x79: {  	[tilespmem:$0x28C0] =	vst v2;
	v2 =	vshrl.u32 v57, $0xE  }
0x7a: {  	[tilespmem:$0x27E0] =	vst v2;
	v2 =	vand.u32 $0x3FFF, v57  }
0x7b: {  	[tilespmem:$0x28D0] =	vst v2;
	v2 =	vshrl.u32 v3, $0xE  }
0x7c: {  	[tilespmem:$0x27F0] =	vst v2;
	v2 =	vand.u32 $0x3FFF, v3  }
0x7d: {  	[tilespmem:$0x28E0] =	vst v2  }
0x7e: {  	[tilespmem:s22], [sflag:$0x3] =	stream.indirect.gather [hbm4b:s1+s17], $0x40, s25, s17, $0xb8;
	[tilespmem:$0x10590] =	vst v63  }
0x7f: {  	_ =	swait.ge [sflag:s26], $0x1400  }
0x80: {  	[sflag:s26] =	ssyncset.done $0x0  }
0x81: {  	[sflag:s26] =	ssyncadd.s32 $0xFFFFEC00  }
0x82: {  	[spmem:s3] =	stream.indirect.scatter.add.f32 [tilespmem:s21], [sflag:$0x5], $0x40, s28, s17, $0xb8;
	[tilespmem:$0x10590] =	vst v63  }
0x83: {  	_ =	swait.ge [sflag:s29], $0x1400  }
0x84: {  	[sflag:s29] =	ssyncset.done $0x0  }
0x85: {  	[sflag:s29] =	ssyncadd.s32 $0xFFFFEC00  }
0x86: {  	v2 =	vld [tilespmem:$0xF0];
	_ =	sdelay $0x1  }
0x87: {  	v3 =	vld [tilespmem:$0x100];
	_ =	sdelay $0x1  }
0x88: {  	v58 =	vld [tilespmem:$0x110]  }
0x89: {  	v59 =	vshrl.u32 v2, $0xE  }
0x8a: {  	v60 =	vld [tilespmem:$0x120];
	v2 =	vand.u32 $0x3FFF, v2;
	[tilespmem:$0x2710] =	vst v59  }
0x8b: {  	[tilespmem:$0x2800] =	vst v2;
	v2 =	vshrl.u32 v3, $0xE  }
0x8c: {  	[tilespmem:$0x2720] =	vst v2;
	v2 =	vand.u32 $0x3FFF, v3;
	v3 =	vld [tilespmem:$0x130]  }
0x8d: {  	[tilespmem:$0x2810] =	vst v2;
	v2 =	vshrl.u32 v58, $0xE  }
0x8e: {  	[tilespmem:$0x2730] =	vst v2;
	v2 =	vand.u32 $0x3FFF, v58  }
0x8f: {  	[tilespmem:$0x2820] =	vst v2;
	v2 =	vshrl.u32 v60, $0xE  }
0x90: {  	[tilespmem:$0x2740] =	vst v2;
	v2 =	vand.u32 $0x3FFF, v60  }
0x91: {  	[tilespmem:$0x2830] =	vst v2;
	v2 =	vshrl.u32 v3, $0xE  }
0x92: {  	[tilespmem:$0x2750] =	vst v2;
	v2 =	vand.u32 $0x3FFF, v3  }
0x93: {  	[tilespmem:$0x2840] =	vst v2  }
0x94: {  	[tilespmem:s19], [sflag:$0x1] =	stream.indirect.gather [hbm4b:s1+s17], $0x40, s18, s17, $0xb8;
	[tilespmem:$0x10590] =	vst v63  }
0x95: {  	_ =	swait.ge [sflag:s30], $0x1400  }
0x96: {  	[sflag:s30] =	ssyncset.done $0x0  }
0x97: {  	[sflag:s30] =	ssyncadd.s32 $0xFFFFEC00  }
0x98: {  	[spmem:s3] =	stream.indirect.scatter.add.f32 [tilespmem:s22], [sflag:$0x6], $0x40, s31, s17, $0xb8;
	[tilespmem:$0x10590] =	vst v63  }
0x99: {  	_ =	swait.ge [sflag:s0], $0x1400  }
0x9a: {  	[sflag:s0] =	ssyncset.done $0x0  }
0x9b: {  	[sflag:s0] =	ssyncadd.s32 $0xFFFFEC00  }
0x9c: {  	v2 =	vld [tilespmem:$0x140];
	_ =	sdelay $0x1  }
0x9d: {  	v3 =	vld [tilespmem:$0x150];
	_ =	sdelay $0x1  }
0x9e: {  	v61 =	vld [tilespmem:$0x160]  }
0x9f: {  	v62 =	vshrl.u32 v2, $0xE  }
0xa0: {  	v63 =	vld [tilespmem:$0x170];
	v2 =	vand.u32 $0x3FFF, v2;
	[tilespmem:$0x2760] =	vst v62  }
0xa1: {  	[tilespmem:$0x2850] =	vst v2;
	v2 =	vshrl.u32 v3, $0xE  }
0xa2: {  	[tilespmem:$0x2770] =	vst v2;
	v2 =	vand.u32 $0x3FFF, v3;
	v3 =	vld [tilespmem:$0x180]  }
0xa3: {  	[tilespmem:$0x2860] =	vst v2;
	v2 =	vshrl.u32 v61, $0xE  }
0xa4: {  	[tilespmem:$0x2780] =	vst v2;
	v2 =	vand.u32 $0x3FFF, v61  }
0xa5: {  	[tilespmem:$0x2870] =	vst v2;
	v2 =	vshrl.u32 v63, $0xE  }
0xa6: {  	[tilespmem:$0x2790] =	vst v2;
	v2 =	vand.u32 $0x3FFF, v63  }
0xa7: {  	[tilespmem:$0x2880] =	vst v2;
	v2 =	vshrl.u32 v3, $0xE  }
0xa8: {  	[tilespmem:$0x27A0] =	vst v2;
	v2 =	vand.u32 $0x3FFF, v3  }
0xa9: {  	[tilespmem:$0x2890] =	vst v2  }
0xaa: {  	[tilespmem:s21], [sflag:$0x2] =	stream.indirect.gather [hbm4b:s1+s17], $0x40, s20, s17, $0xb8;
	[tilespmem:$0x10590] =	vst v63  }
0xab: {  	_ =	swait.ge [sflag:s23], $0x1400  }
0xac: {  	[sflag:s23] =	ssyncset.done $0x0  }
0xad: {  	[sflag:s23] =	ssyncadd.s32 $0xFFFFEC00  }
0xae: {  	[spmem:s3] =	stream.indirect.scatter.add.f32 [tilespmem:s19], [sflag:$0x4], $0x40, s24, s17, $0xb8;
	[tilespmem:$0x10590] =	vst v63  }
0xaf: {  	_ =	swait.ge [sflag:s4], $0x1400  }
0xb0: {  	[sflag:s4] =	ssyncset.done $0x0  }
0xb1: {  	s5 =	simm.s32 $0x270;
	[sflag:s4] =	ssyncadd.s32 $0xFFFFEC00  }
0xb2: {  	v2 =	vld [tilespmem:s5+$0xFFFFFF20];
	_ =	sdelay $0x4  }
0xb3: {  	v3 =	vshrl.u32 v2, $0xE  }
0xb4: {  	v2 =	vand.u32 $0x3FFF, v2;
	[tilespmem:$0x27B0] =	vst v3  }
0xb5: {  	[tilespmem:$0x28A0] =	vst v2  }
0xb6: {  	v2 =	vld [tilespmem:s5+$0xFFFFFF30];
	_ =	sdelay $0x4  }
0xb7: {  	v3 =	vshrl.u32 v2, $0xE  }
0xb8: {  	v2 =	vand.u32 $0x3FFF, v2;
	[tilespmem:$0x27C0] =	vst v3  }
0xb9: {  	[tilespmem:$0x28B0] =	vst v2  }
0xba: {  	v2 =	vld [tilespmem:s5+$0xFFFFFF40];
	_ =	sdelay $0x4  }
0xbb: {  	v3 =	vshrl.u32 v2, $0xE  }
0xbc: {  	v2 =	vand.u32 $0x3FFF, v2;
	[tilespmem:$0x27D0] =	vst v3  }
0xbd: {  	[tilespmem:$0x28C0] =	vst v2  }
0xbe: {  	v2 =	vld [tilespmem:s5+$0xFFFFFF50];
	_ =	sdelay $0x4  }
0xbf: {  	v3 =	vshrl.u32 v2, $0xE  }
0xc0: {  	v2 =	vand.u32 $0x3FFF, v2;
	[tilespmem:$0x27E0] =	vst v3  }
0xc1: {  	[tilespmem:$0x28D0] =	vst v2  }
0xc2: {  	v2 =	vld [tilespmem:s5+$0xFFFFFF60];
	_ =	sdelay $0x4  }
0xc3: {  	v3 =	vshrl.u32 v2, $0xE  }
0xc4: {  	v2 =	vand.u32 $0x3FFF, v2;
	[tilespmem:$0x27F0] =	vst v3  }
0xc5: {  	[tilespmem:$0x28E0] =	vst v2  }
0xc6: {  	[tilespmem:s22], [sflag:$0x3] =	stream.indirect.gather [hbm4b:s1+s17], $0x40, s25, s17, $0xb8;
	[tilespmem:$0x10590] =	vst v63  }
0xc7: {  	_ =	swait.ge [sflag:s26], $0x1400  }
0xc8: {  	[sflag:s26] =	ssyncset.done $0x0  }
0xc9: {  	[sflag:s26] =	ssyncadd.s32 $0xFFFFEC00  }
0xca: {  	[spmem:s3] =	stream.indirect.scatter.add.f32 [tilespmem:s21], [sflag:$0x5], $0x40, s28, s17, $0xb8;
	[tilespmem:$0x10590] =	vst v63  }
0xcb: {  	_ =	swait.ge [sflag:s29], $0x1400  }
0xcc: {  	[sflag:s29] =	ssyncset.done $0x0  }
0xcd: {  	[sflag:s29] =	ssyncadd.s32 $0xFFFFEC00  }
0xce: {  	v2 =	vld [tilespmem:s5+$0xFFFFFF70];
	_ =	sdelay $0x4  }
0xcf: {  	v3 =	vshrl.u32 v2, $0xE  }
0xd0: {  	v2 =	vand.u32 $0x3FFF, v2;
	[tilespmem:$0x2710] =	vst v3  }
0xd1: {  	[tilespmem:$0x2800] =	vst v2  }
0xd2: {  	v2 =	vld [tilespmem:s5+$0xFFFFFF80];
	_ =	sdelay $0x4  }
0xd3: {  	v3 =	vshrl.u32 v2, $0xE  }
0xd4: {  	v2 =	vand.u32 $0x3FFF, v2;
	[tilespmem:$0x2720] =	vst v3  }
0xd5: {  	[tilespmem:$0x2810] =	vst v2  }
0xd6: {  	v2 =	vld [tilespmem:s5+$0xFFFFFF90];
	_ =	sdelay $0x4  }
0xd7: {  	v3 =	vshrl.u32 v2, $0xE  }
0xd8: {  	v2 =	vand.u32 $0x3FFF, v2;
	[tilespmem:$0x2730] =	vst v3  }
0xd9: {  	[tilespmem:$0x2820] =	vst v2  }
0xda: {  	v2 =	vld [tilespmem:s5+$0xFFFFFFA0];
	_ =	sdelay $0x4  }
0xdb: {  	v3 =	vshrl.u32 v2, $0xE  }
0xdc: {  	v2 =	vand.u32 $0x3FFF, v2;
	[tilespmem:$0x2740] =	vst v3  }
0xdd: {  	[tilespmem:$0x2830] =	vst v2  }
0xde: {  	v2 =	vld [tilespmem:s5+$0xFFFFFFB0];
	_ =	sdelay $0x4  }
0xdf: {  	v3 =	vshrl.u32 v2, $0xE  }
0xe0: {  	v2 =	vand.u32 $0x3FFF, v2;
	[tilespmem:$0x2750] =	vst v3  }
0xe1: {  	[tilespmem:$0x2840] =	vst v2  }
0xe2: {  	[tilespmem:s19], [sflag:$0x1] =	stream.indirect.gather [hbm4b:s1+s17], $0x40, s18, s17, $0xb8;
	[tilespmem:$0x10590] =	vst v63  }
0xe3: {  	_ =	swait.ge [sflag:s30], $0x1400  }
0xe4: {  	[sflag:s30] =	ssyncset.done $0x0  }
0xe5: {  	[sflag:s30] =	ssyncadd.s32 $0xFFFFEC00  }
0xe6: {  	[spmem:s3] =	stream.indirect.scatter.add.f32 [tilespmem:s22], [sflag:$0x6], $0x40, s31, s17, $0xb8;
	[tilespmem:$0x10590] =	vst v63  }
0xe7: {  	_ =	swait.ge [sflag:s0], $0x1400  }
0xe8: {  	[sflag:s0] =	ssyncset.done $0x0  }
0xe9: {  	[sflag:s0] =	ssyncadd.s32 $0xFFFFEC00  }
0xea: {  	v2 =	vld [tilespmem:s5+$0xFFFFFFC0];
	_ =	sdelay $0x4  }
0xeb: {  	v3 =	vshrl.u32 v2, $0xE  }
0xec: {  	v2 =	vand.u32 $0x3FFF, v2;
	[tilespmem:$0x2760] =	vst v3  }
0xed: {  	[tilespmem:$0x2850] =	vst v2  }
0xee: {  	v2 =	vld [tilespmem:s5+$0xFFFFFFD0];
	_ =	sdelay $0x4  }
0xef: {  	v3 =	vshrl.u32 v2, $0xE  }
0xf0: {  	v2 =	vand.u32 $0x3FFF, v2;
	[tilespmem:$0x2770] =	vst v3  }
0xf1: {  	[tilespmem:$0x2860] =	vst v2  }
0xf2: {  	v2 =	vld [tilespmem:s5+$0xFFFFFFE0];
	_ =	sdelay $0x4  }
0xf3: {  	v3 =	vshrl.u32 v2, $0xE  }
0xf4: {  	v2 =	vand.u32 $0x3FFF, v2;
	[tilespmem:$0x2780] =	vst v3  }
0xf5: {  	[tilespmem:$0x2870] =	vst v2  }
0xf6: {  	s7 =	simm.s32 $0xD80;
	v2 =	vld [tilespmem:s5+$0xFFFFFFF0]  }
.LBB2_4:
0xf7: {  	p0 =	sne.s32 s7, $0x9C00;
	s8 =	smov.u32 s7;
	s7 =	sadd.s32 $0x3C0, s7  }
0xf8: {  	_ =	sdelay $0x2  }
0xf9: {  	v3 =	vshrl.u32 v2, $0xE;
	v2 =	vand.u32 $0x3FFF, v2  }
0xfa: {  	[tilespmem:$0x2790] =	vst v3  }
0xfb: {  	[tilespmem:$0x2880] =	vst v2  }
0xfc: {  	v2 =	vld [tilespmem:s5+$0x0];
	_ =	sdelay $0x4  }
0xfd: {  	v3 =	vshrl.u32 v2, $0xE;
	v2 =	vand.u32 $0x3FFF, v2  }
0xfe: {  	[tilespmem:$0x27A0] =	vst v3  }
0xff: {  	[tilespmem:$0x2890] =	vst v2  }
0x100: {  	[tilespmem:s21], [sflag:$0x2] =	stream.indirect.gather [hbm4b:s1+s17], $0x40, s20, s17, $0xb8;
	[tilespmem:$0x10590] =	vst v63  }
0x101: {  	_ =	swait.ge [sflag:s23], $0x1400  }
0x102: {  	[sflag:s23] =	ssyncset.done $0x0  }
0x103: {  	[sflag:s23] =	ssyncadd.s32 $0xFFFFEC00  }
0x104: {  	[spmem:s3] =	stream.indirect.scatter.add.f32 [tilespmem:s19], [sflag:$0x4], $0x40, s24, s17, $0xb8;
	[tilespmem:$0x10590] =	vst v63  }
0x105: {  	_ =	swait.ge [sflag:s4], $0x1400  }
0x106: {  	[sflag:s4] =	ssyncset.done $0x0  }
0x107: {  	s5 =	sshra.s32 s8, $0x2;
	[sflag:s4] =	ssyncadd.s32 $0xFFFFEC00  }
0x108: {  	v2 =	vld [tilespmem:s5+$0xFFFFFF20];
	_ =	sdelay $0x4  }
0x109: {  	v3 =	vshrl.u32 v2, $0xE;
	v2 =	vand.u32 $0x3FFF, v2  }
0x10a: {  	[tilespmem:$0x27B0] =	vst v3  }
0x10b: {  	[tilespmem:$0x28A0] =	vst v2  }
0x10c: {  	v2 =	vld [tilespmem:s5+$0xFFFFFF30];
	_ =	sdelay $0x4  }
0x10d: {  	v3 =	vshrl.u32 v2, $0xE;
	v2 =	vand.u32 $0x3FFF, v2  }
0x10e: {  	[tilespmem:$0x27C0] =	vst v3  }
0x10f: {  	[tilespmem:$0x28B0] =	vst v2  }
0x110: {  	v2 =	vld [tilespmem:s5+$0xFFFFFF40];
	_ =	sdelay $0x4  }
0x111: {  	v3 =	vshrl.u32 v2, $0xE;
	v2 =	vand.u32 $0x3FFF, v2  }
0x112: {  	[tilespmem:$0x27D0] =	vst v3  }
0x113: {  	[tilespmem:$0x28C0] =	vst v2  }
0x114: {  	v2 =	vld [tilespmem:s5+$0xFFFFFF50];
	_ =	sdelay $0x4  }
0x115: {  	v3 =	vshrl.u32 v2, $0xE;
	v2 =	vand.u32 $0x3FFF, v2  }
0x116: {  	[tilespmem:$0x27E0] =	vst v3  }
0x117: {  	[tilespmem:$0x28D0] =	vst v2  }
0x118: {  	v2 =	vld [tilespmem:s5+$0xFFFFFF60];
	_ =	sdelay $0x4  }
0x119: {  	v3 =	vshrl.u32 v2, $0xE;
	v2 =	vand.u32 $0x3FFF, v2  }
0x11a: {  	[tilespmem:$0x27F0] =	vst v3  }
0x11b: {  	[tilespmem:$0x28E0] =	vst v2  }
0x11c: {  	[tilespmem:s22], [sflag:$0x3] =	stream.indirect.gather [hbm4b:s1+s17], $0x40, s25, s17, $0xb8;
	[tilespmem:$0x10590] =	vst v63  }
0x11d: {  	_ =	swait.ge [sflag:s26], $0x1400  }
0x11e: {  	[sflag:s26] =	ssyncset.done $0x0  }
0x11f: {  	[sflag:s26] =	ssyncadd.s32 $0xFFFFEC00  }
0x120: {  	[spmem:s3] =	stream.indirect.scatter.add.f32 [tilespmem:s21], [sflag:$0x5], $0x40, s28, s17, $0xb8;
	[tilespmem:$0x10590] =	vst v63  }
0x121: {  	_ =	swait.ge [sflag:s29], $0x1400  }
0x122: {  	[sflag:s29] =	ssyncset.done $0x0  }
0x123: {  	[sflag:s29] =	ssyncadd.s32 $0xFFFFEC00  }
0x124: {  	v2 =	vld [tilespmem:s5+$0xFFFFFF70];
	_ =	sdelay $0x4  }
0x125: {  	v3 =	vshrl.u32 v2, $0xE;
	v2 =	vand.u32 $0x3FFF, v2  }
0x126: {  	[tilespmem:$0x2710] =	vst v3  }
0x127: {  	[tilespmem:$0x2800] =	vst v2  }
0x128: {  	v2 =	vld [tilespmem:s5+$0xFFFFFF80];
	_ =	sdelay $0x4  }
0x129: {  	v3 =	vshrl.u32 v2, $0xE;
	v2 =	vand.u32 $0x3FFF, v2  }
0x12a: {  	[tilespmem:$0x2720] =	vst v3  }
0x12b: {  	[tilespmem:$0x2810] =	vst v2  }
0x12c: {  	v2 =	vld [tilespmem:s5+$0xFFFFFF90];
	_ =	sdelay $0x4  }
0x12d: {  	v3 =	vshrl.u32 v2, $0xE;
	v2 =	vand.u32 $0x3FFF, v2  }
0x12e: {  	[tilespmem:$0x2730] =	vst v3  }
0x12f: {  	[tilespmem:$0x2820] =	vst v2  }
0x130: {  	v2 =	vld [tilespmem:s5+$0xFFFFFFA0];
	_ =	sdelay $0x4  }
0x131: {  	v3 =	vshrl.u32 v2, $0xE;
	v2 =	vand.u32 $0x3FFF, v2  }
0x132: {  	[tilespmem:$0x2740] =	vst v3  }
0x133: {  	[tilespmem:$0x2830] =	vst v2  }
0x134: {  	v2 =	vld [tilespmem:s5+$0xFFFFFFB0];
	_ =	sdelay $0x4  }
0x135: {  	v3 =	vshrl.u32 v2, $0xE;
	v2 =	vand.u32 $0x3FFF, v2  }
0x136: {  	[tilespmem:$0x2750] =	vst v3  }
0x137: {  	[tilespmem:$0x2840] =	vst v2  }
0x138: {  	[tilespmem:s19], [sflag:$0x1] =	stream.indirect.gather [hbm4b:s1+s17], $0x40, s18, s17, $0xb8;
	[tilespmem:$0x10590] =	vst v63  }
0x139: {  	_ =	swait.ge [sflag:s30], $0x1400  }
0x13a: {  	[sflag:s30] =	ssyncset.done $0x0  }
0x13b: {  	[sflag:s30] =	ssyncadd.s32 $0xFFFFEC00  }
0x13c: {  	[spmem:s3] =	stream.indirect.scatter.add.f32 [tilespmem:s22], [sflag:$0x6], $0x40, s31, s17, $0xb8;
	[tilespmem:$0x10590] =	vst v63  }
0x13d: {  	_ =	swait.ge [sflag:s0], $0x1400  }
0x13e: {  	[sflag:s0] =	ssyncset.done $0x0  }
0x13f: {  	[sflag:s0] =	ssyncadd.s32 $0xFFFFEC00  }
0x140: {  	v2 =	vld [tilespmem:s5+$0xFFFFFFC0];
	_ =	sdelay $0x4  }
0x141: {  	v3 =	vshrl.u32 v2, $0xE;
	v2 =	vand.u32 $0x3FFF, v2  }
0x142: {  	[tilespmem:$0x2760] =	vst v3  }
0x143: {  	[tilespmem:$0x2850] =	vst v2  }
0x144: {  	v2 =	vld [tilespmem:s5+$0xFFFFFFD0];
	_ =	sdelay $0x4  }
0x145: {  	v3 =	vshrl.u32 v2, $0xE;
	v2 =	vand.u32 $0x3FFF, v2  }
0x146: {  	[tilespmem:$0x2770] =	vst v3  }
0x147: {  	[tilespmem:$0x2860] =	vst v2  }
0x148: {  	v2 =	vld [tilespmem:s5+$0xFFFFFFE0];
	_ =	sdelay $0x3  }
.Ltmp1:
0x149: {  	(pc) =	sbr.rel @p0 .LBB2_4-.Ltmp1, $4  }
0x14a: {  	v3 =	vshrl.u32 v2, $0xE;
	v2 =	vand.u32 $0x3FFF, v2  }
0x14b: {  	[tilespmem:$0x2780] =	vst v3  }
0x14c: {  	[tilespmem:$0x2870] =	vst v2  }
0x14d: {  	v2 =	vld [tilespmem:s5+$0xFFFFFFF0]  }
0x14e: {  	_ =	sdelay $0x3  }
0x14f: {  	v3 =	vshrl.u32 v2, $0xE  }
0x150: {  	v2 =	vand.u32 $0x3FFF, v2;
	[tilespmem:$0x2790] =	vst v3  }
0x151: {  	[tilespmem:$0x2880] =	vst v2  }
0x152: {  	v2 =	vld [tilespmem:s5+$0x0];
	_ =	sdelay $0x4  }
0x153: {  	v3 =	vshrl.u32 v2, $0xE  }
0x154: {  	v2 =	vand.u32 $0x3FFF, v2;
	[tilespmem:$0x27A0] =	vst v3  }
0x155: {  	[tilespmem:$0x2890] =	vst v2  }
0x156: {  	[tilespmem:s21], [sflag:$0x2] =	stream.indirect.gather [hbm4b:s1+s17], $0x40, s20, s17, $0xb8;
	[tilespmem:$0x10590] =	vst v63  }
0x157: {  	_ =	swait.ge [sflag:s23], $0x1400  }
0x158: {  	[sflag:s23] =	ssyncset.done $0x0  }
0x159: {  	[sflag:s23] =	ssyncadd.s32 $0xFFFFEC00  }
0x15a: {  	[spmem:s3] =	stream.indirect.scatter.add.f32 [tilespmem:s19], [sflag:$0x4], $0x40, s24, s17, $0xb8;
	[tilespmem:$0x10590] =	vst v63  }
0x15b: {  	_ =	swait.ge [sflag:s4], $0x1400  }
0x15c: {  	[sflag:s4] =	ssyncset.done $0x0  }
0x15d: {  	[sflag:s4] =	ssyncadd.s32 $0xFFFFEC00  }
0x15e: {  	_ =	swait.ge [sflag:s26], $0x1400  }
0x15f: {  	[sflag:s26] =	ssyncset.done $0x0  }
0x160: {  	[sflag:s26] =	ssyncadd.s32 $0xFFFFEC00  }
0x161: {  	[spmem:s3] =	stream.indirect.scatter.add.f32 [tilespmem:s21], [sflag:$0x5], $0x40, s28, s17, $0xb8;
	[tilespmem:$0x10590] =	vst v63  }
0x162: {  	_ =	swait.ge [sflag:s29], $0x1400  }
0x163: {  	[sflag:s29] =	ssyncset.done $0x0  }
0x164: {  	[sflag:s29] =	ssyncadd.s32 $0xFFFFEC00  }
0x165: {  	s8 =	stileid.u32;
	_ =	swait.ge [sflag:s0], $0x1400  }
0x166: {  	s7 =	sshrl.u32 s6, $0x3;
	s2 =	sadd.s32 $0x1, s2;
	[sflag:s0] =	ssyncset.done $0x0  }
0x167: {  	p0 =	sne.s32 s2, s15;
	s5 =	sshll.u32 s8, $0x6;
	[sflag:s0] =	ssyncadd.s32 $0xFFFFEC00  }
.Ltmp2:
0x168: {  	s5 =	sor.u32 $0x1C07, s5;
	[bflag:$0x0] =	sbarrier.arrive $0xFFFF;
	(pc) =	sbr.rel @p0 .LBB2_1-.Ltmp2, $4  }
0x169: {  	[hbm:s14], [sflag:s5] =	dma.local [spmem:s7], $0x1400  }
0x16a: {  	_ =	swait.ge [sflag:s16], $0x1400  }
0x16b: {  	[sflag:s16] =	ssyncset.done $0x0  }
0x16c: {  	[sflag:s16] =	ssyncadd.s32 $0xFFFFEC00  }
0x16d: {  	_ =	sfence.sel $0x180000  }
0x16e: {  	[bflag:$0x0] =	sbarrier.arrive $0xFFFF  }
0x16f: {  	_ =	strace $0x9000004A  }
0x170: {  	s0 =	stileid.u32;
	[bflag:$0x2] =	sbarrier.arrive $0xFFFF  }
0x171: {  	p0 =	sne.s32 s0, $0x0;
	s0 =	rddreg [dreg:$0x3]  }
0x172: {  	s0 =	sadd.s32 @!p0 $0x100000, s0  }
0x173: {  	[sflag:s0] =	ssyncadd.tile.s32 @!p0 $0x1;
	_ =	shalt  }
.Lfunc_end2:
_tile_overlayer_lowered:
.L_overlay_start_2:
0x174: {  	(tag) =	ssettag $0x2  }
0x175: {  	s0 =	rddreg [dreg:$0x0];
	s2 =	stileid.u32  }
0x176: {  	s1 =	rddreg [dreg:$0x1];
	p0 =	sne.s32 s2, $0x0  }
0x177: {  	s3 =	rddreg [dreg:$0x2];
	[bflag:$0x3] =	sbarrier.arrive $0xFFFF;
	s2 =	simm.s32 @!p0 $0x1C07  }
0x178: {  	[timem:s3], [sflag:s2] =	dma.local @!p0 [hbm:s0], s1  }
0x179: {  	s0 =	simm.s32 @!p0 $0x7  }
0x17a: {  	_ =	swait.ge @!p0 [sflag:s0], s1  }
0x17b: {  	s1 =	ssub.s32 @!p0 $0x0, s1;
	[sflag:s0] =	ssyncset.done @!p0 $0x0  }
0x17c: {  	[sflag:s0] =	ssyncadd.s32 @!p0 s1  }
0x17d: {  	[bflag:$0x3] =	sbarrier.arrive $0xFFFF  }
0x17e: {  	_ =	shalt  }

</sc_bundles>
